<compile_context>
chip_gen: v7x
topology: tpu7x:2x2x1
jax: 0.10.2.dev20260603
libtpu: 0.0.44.dev20260713+nightly
codegen_flags: <defaults>
</compile_context>

<pallas_src>
import functools

import jax
import jax.numpy as jnp
import numpy as np
from jax import lax
from jax.experimental import pallas as pl
from jax.experimental.pallas import tpu as pltpu
from jax.experimental.pallas import tpu_sc as plsc

NC = 2
NS = 16
NW = NC * NS
LANES = 16
CHUNK = 128
PKBITS = 14


def _pre_body(x_ref, w_ref, al_ref, ar_ref, z_ref, sl_ref, sr_ref, cv_ref):
    x = x_ref[...]
    z = lax.dot_general(x, w_ref[...], (((1,), (1,)), ((), ())),
                        preferred_element_type=jnp.float32)
    z_ref[...] = z
    sl = jnp.sum(z * al_ref[...][None, :], axis=1)
    sr = jnp.sum(z * ar_ref[...][None, :], axis=1)
    sl_ref[...] = sl
    sr_ref[...] = sr
    c_sh = jnp.maximum(jnp.max(sl) + jnp.max(sr), 0.0)
    cv_ref[...] = jnp.full((LANES,), c_sh, jnp.float32)


def _post_body(n, hp_ref, dp_ref, o_ref):
    den = dp_ref[0, :n] + dp_ref[1, :n]
    den = jnp.where(den == 0.0, 1.0, den)
    h = hp_ref[0, :n, :] + hp_ref[1, :n, :]
    o_ref[...] = h / den[:, None]


def _make_sc_kernel(n, d, n_pad, ch0, ch1):
    rows_per_tile = n_pad // NS
    zcopies = rows_per_tile // CHUNK
    chmax = max(ch0, ch1)

    mesh = plsc.VectorSubcoreMesh(core_axis_name="c", subcore_axis_name="s")

    @functools.partial(
        pl.kernel,
        out_type=[
            jax.ShapeDtypeStruct((NC, n_pad, d), jnp.float32),
            jax.ShapeDtypeStruct((NC, n_pad), jnp.float32),
        ],
        mesh=mesh,
        scratch_types=[
            pltpu.VMEM((chmax, CHUNK), jnp.int32),
            pltpu.VMEM((chmax, CHUNK), jnp.float32),
            pltpu.VMEM((CHUNK,), jnp.int32),
            pltpu.VMEM((CHUNK,), jnp.int32),
            pltpu.VMEM((CHUNK,), jnp.float32),
            pltpu.VMEM((CHUNK,), jnp.float32),
            pltpu.VMEM((CHUNK,), jnp.float32),
            pltpu.VMEM((CHUNK, d), jnp.float32),
            pltpu.VMEM((LANES,), jnp.float32),
            pltpu.VMEM_SHARED((n_pad, d), jnp.float32),
            pltpu.VMEM_SHARED((n_pad,), jnp.float32),
            pltpu.SemaphoreType.DMA,
            pltpu.SemaphoreType.DMA,
        ],
    )
    def sc_kernel(z_hbm, sl_hbm, sr_hbm, pk_hbm, w_hbm, cv_hbm,
                  h_out, den_out,
                  pk_v, w_v, src_c, dst_c, slg, srg, ex_c, rows, cv_v,
                  h_sh, den_sh, sem_s, sem_z):
        c = lax.axis_index("c")
        s = lax.axis_index("s")
        w_id = c * NS + s
        base = s * rows_per_tile

        pltpu.sync_copy(cv_hbm, cv_v)
        c_sh = cv_v[...]
        pltpu.sync_copy(pk_hbm.at[w_id], pk_v)
        pltpu.sync_copy(w_hbm.at[w_id], w_v)

        def zrow(r, _):
            for f in range(d // LANES):
                rows[r, pl.ds(f * LANES, LANES)] = jnp.zeros(
                    (LANES,), jnp.float32)
            return 0
        lax.fori_loop(0, CHUNK, zrow, 0)
        for q in range(zcopies):
            pltpu.sync_copy(rows, h_sh.at[pl.ds(base + q * CHUNK, CHUNK)])
            pltpu.sync_copy(rows.at[0],
                            den_sh.at[pl.ds(base + q * CHUNK, CHUNK)])

        plsc.subcore_barrier()

        def cbody(j, _):
            for k in range(CHUNK // LANES):
                v = pk_v[j, pl.ds(k * LANES, LANES)]
                src_c[pl.ds(k * LANES, LANES)] = lax.shift_right_logical(
                    v, PKBITS)
                dst_c[pl.ds(k * LANES, LANES)] = lax.bitwise_and(
                    v, (1 << PKBITS) - 1)
            zcp = pltpu.async_copy(z_hbm.at[src_c], rows, sem_z)
            ga = pltpu.async_copy(sl_hbm.at[src_c], slg, sem_s)
            gb = pltpu.async_copy(sr_hbm.at[dst_c], srg, sem_s)
            ga.wait()
            gb.wait()
            for k in range(CHUNK // LANES):
                wk = w_v[j, pl.ds(k * LANES, LANES)]
                raw = (slg[pl.ds(k * LANES, LANES)]
                       + srg[pl.ds(k * LANES, LANES)])
                e = wk * jnp.maximum(raw, 0.01 * raw)
                ex = jnp.where(wk >= 0.0, jnp.exp(e - c_sh), 0.0)
                ex_c[pl.ds(k * LANES, LANES)] = ex
            pltpu.sync_copy(ex_c, den_sh.at[dst_c], add=True)
            zcp.wait()
            def rblk(k, _):
                exk = ex_c[pl.ds(k * LANES, LANES)]
                for r in range(LANES):
                    a = exk[r]
                    row = k * LANES + r
                    for f in range(d // LANES):
                        v = rows[row, pl.ds(f * LANES, LANES)]
                        rows[row, pl.ds(f * LANES, LANES)] = v * a
                return 0
            lax.fori_loop(0, CHUNK // LANES, rblk, 0)
            pltpu.sync_copy(rows, h_sh.at[dst_c], add=True)
            return 0
        nch = jnp.where(c == 0, ch0, ch1)
        lax.fori_loop(0, nch, cbody, 0)

        plsc.subcore_barrier()

        pltpu.sync_copy(h_sh.at[pl.ds(base, rows_per_tile)],
                        h_out.at[c, pl.ds(base, rows_per_tile)])
        pltpu.sync_copy(den_sh.at[pl.ds(base, rows_per_tile)],
                        den_out.at[c, pl.ds(base, rows_per_tile)])

    return sc_kernel


def kernel(x, edge_index, edge_weight, W_fc, W_attn):
    n, d_in = x.shape
    d = W_fc.shape[0]
    e_cnt = edge_index.shape[1]
    assert n % LANES == 0 and d % LANES == 0

    a_l = W_attn[0, :d]
    a_r = W_attn[0, d:]

    z, sl, sr, cvec = pl.pallas_call(
        _pre_body,
        out_shape=[
            jax.ShapeDtypeStruct((n, d), jnp.float32),
            jax.ShapeDtypeStruct((n,), jnp.float32),
            jax.ShapeDtypeStruct((n,), jnp.float32),
            jax.ShapeDtypeStruct((LANES,), jnp.float32),
        ],
    )(x, W_fc, a_l, a_r)

    ch_tot = -(-e_cnt // (NS * CHUNK))
    ch0 = max(1, round(ch_tot * 0.54))
    ch1 = ch_tot - ch0
    chmax = max(ch0, ch1)
    cut = NS * ch0 * CHUNK

    def part(arr, pad_value):
        a0 = arr[:cut].reshape(NS, ch0, CHUNK)
        a0 = jnp.pad(a0, ((0, 0), (0, chmax - ch0), (0, 0)),
                     constant_values=pad_value)
        tail = NS * ch1 * CHUNK - (e_cnt - cut)
        a1 = jnp.pad(arr[cut:], (0, tail),
                     constant_values=pad_value).reshape(NS, ch1, CHUNK)
        a1 = jnp.pad(a1, ((0, 0), (0, chmax - ch1), (0, 0)),
                     constant_values=pad_value)
        return jnp.concatenate([a0, a1], axis=0)

    pk_full = (edge_index[0] << PKBITS) | edge_index[1]
    pk = part(pk_full, 0)
    wgt = part(edge_weight, -1.0)

    n_pad = -(-n // (NS * CHUNK)) * NS * CHUNK
    assert n_pad < (1 << PKBITS)
    hp, dp = _make_sc_kernel(n, d, n_pad, ch0, ch1)(z, sl, sr, pk, wgt, cvec)

    out = pl.pallas_call(
        functools.partial(_post_body, n),
        out_shape=jax.ShapeDtypeStruct((n, d), jnp.float32),
    )(hp, dp)
    return out

# --- scband reference (transcript-rebuilt; emitter-appended) ---
"""Pipeline reference for scband-gatlayer-83992380440763 (READ-ONLY COPY).

The authoritative reference and input builder live on the scoring server;
editing this copy changes nothing except your own understanding.
"""

import jax, jax.numpy as jnp
import numpy as np

N = 10000
E = 320000
D_IN = 128
D_OUT = 128


def setup_inputs(seed: int = 0) -> dict:
    key = jax.random.key(seed)
    k1, k2, k3, k4, k5 = jax.random.split(key, 5)
    x = jax.random.normal(k1, (N, D_IN), dtype=jnp.float32)
    edge_index = jax.random.randint(k2, (2, E), 0, N, dtype=jnp.int32)
    edge_weight = jax.random.uniform(k3, (E,), dtype=jnp.float32)
    gain = np.sqrt(2.0)  # calculate_gain('relu')
    std_fc = gain * np.sqrt(2.0 / (D_IN + D_OUT))
    std_attn = gain * np.sqrt(2.0 / (2 * D_OUT + 1))
    W_fc = jax.random.normal(k4, (D_OUT, D_IN), dtype=jnp.float32) * std_fc
    W_attn = jax.random.normal(k5, (1, 2 * D_OUT), dtype=jnp.float32) * std_attn
    return {"x": x, "edge_index": edge_index, "edge_weight": edge_weight, "W_fc": W_fc, "W_attn": W_attn}


def reference(x, edge_index, edge_weight, W_fc, W_attn):
    n = x.shape[0]
    # z = fc(h)
    z = x @ W_fc.T  # [N, D_OUT]
    src = edge_index[0]
    dst = edge_index[1]
    # edge_attention: wa = leaky_relu(attn_fc(cat(z_src, z_dst))) * tfidf_weight
    z2 = jnp.concatenate([z[src], z[dst]], axis=1)  # [E, 2*D_OUT]
    wa = jax.nn.leaky_relu(z2 @ W_attn.T, negative_slope=0.01)  # [E, 1]
    e = (edge_weight[:, None] * wa)[:, 0]  # [E]
    # reduce: softmax over incoming edges per dst node (mailbox softmax)
    m = jax.ops.segment_max(e, dst, num_segments=n)
    m = jnp.where(jnp.isneginf(m), 0.0, m)  # guard empty segments
    ex = jnp.exp(e - m[dst])
    den = jax.ops.segment_sum(ex, dst, num_segments=n)
    den_safe = jnp.where(den == 0.0, 1.0, den)
    alpha = ex / den_safe[dst]
    # h = sum(alpha * z_src) per dst
    h = jax.ops.segment_sum(alpha[:, None] * z[src], dst, num_segments=n)
    return h

if __name__ == "__main__":
    import jax
    _d = setup_inputs()
    print(jax.jit(kernel)(*tuple(_d.values())))

</pallas_src>

<mosaic_0001>
#map = affine_map<(d0, d1) -> (0, 0)>
#map1 = affine_map<(d0, d1) -> (0)>
#map2 = affine_map<(d0, d1) -> (0, 0, 0)>
module attributes {stable_mosaic.version = 14 : i64} {
  func.func @sc_kernel(%arg0: i32, %arg1: i32, %arg2: memref<10000x128xf32, #tpu.memory_space<hbm>>, %arg3: memref<10000xf32, #tpu.memory_space<hbm>>, %arg4: memref<10000xf32, #tpu.memory_space<hbm>>, %arg5: memref<32x85x128xi32, #tpu.memory_space<hbm>>, %arg6: memref<32x85x128xf32, #tpu.memory_space<hbm>>, %arg7: memref<16xf32, #tpu.memory_space<hbm>>, %arg8: memref<2x10240x128xf32, #tpu.memory_space<hbm>>, %arg9: memref<2x10240xf32, #tpu.memory_space<hbm>>, %arg10: memref<85x128xi32, #tpu.memory_space<vmem>>, %arg11: memref<85x128xf32, #tpu.memory_space<vmem>>, %arg12: memref<128xi32, #tpu.memory_space<vmem>>, %arg13: memref<128xi32, #tpu.memory_space<vmem>>, %arg14: memref<128xf32, #tpu.memory_space<vmem>>, %arg15: memref<128xf32, #tpu.memory_space<vmem>>, %arg16: memref<128xf32, #tpu.memory_space<vmem>>, %arg17: memref<128x128xf32, #tpu.memory_space<vmem>>, %arg18: memref<16xf32, #tpu.memory_space<vmem>>, %arg19: memref<10240x128xf32, #tpu.memory_space<vmem_shared>>, %arg20: memref<10240xf32, #tpu.memory_space<vmem_shared>>, %arg21: memref<!tpu.dma_semaphore, #tpu.memory_space<semaphore_mem>>, %arg22: memref<!tpu.dma_semaphore, #tpu.memory_space<semaphore_mem>>) attributes {dimension_semantics = [#tpu.dimension_semantics<core_parallel>, #tpu.dimension_semantics<subcore_parallel>], iteration_bounds = array<i64: 2, 16>, scalar_prefetch = 0 : i64, scratch_operands = 13 : i64, tpu.core_type = #tpu.core_type<sc_vector_subcore>, window_params = [{transform_indices = #map}, {transform_indices = #map1}, {transform_indices = #map1}, {transform_indices = #map2}, {transform_indices = #map2}, {transform_indices = #map1}, {transform_indices = #map2}, {transform_indices = #map}]} {
    %mul3A = arith.constant 16 : i32
    %mul3A_0 = arith.muli %arg0, %mul3A : i32
    %add3A = arith.addi %mul3A_0, %arg1 : i32
    %mul3A_1 = arith.constant 640 : i32
    %mul3A_2 = arith.muli %arg1, %mul3A_1 : i32
    "tpu.region"() ({
      %run_scoped3A_49 = tpu.sem_alloc : memref<!tpu.dma_semaphore, #tpu.memory_space<semaphore_mem>>
      tpu.enqueue_dma source(%arg7 : memref<16xf32, #tpu.memory_space<hbm>>) target(%arg18 : memref<16xf32, #tpu.memory_space<vmem>>) target_semaphore(%run_scoped3A_49 : memref<!tpu.dma_semaphore, #tpu.memory_space<semaphore_mem>>)
      tpu.wait_dma2 semaphore(%run_scoped3A_49 : memref<!tpu.dma_semaphore, #tpu.memory_space<semaphore_mem>>) src(%arg7 : memref<16xf32, #tpu.memory_space<hbm>>) dst(%arg18 : memref<16xf32, #tpu.memory_space<vmem>>)
      tpu.yield
    }) : () -> ()
    %get3A = arith.constant 0 : index
    %get3A_3 = tpu.vector_load %arg18[%get3A] {strides = array<i32>} : memref<16xf32, #tpu.memory_space<vmem>>, vector<16xf32>,
    %get3A_4 = vector.shape_cast %get3A_3 : vector<16xf32> to vector<16xf32>
    "tpu.region"() ({
      %run_scoped3A_49 = tpu.sem_alloc : memref<!tpu.dma_semaphore, #tpu.memory_space<semaphore_mem>>
      %dma_start3A = arith.constant 0 : i32
      %dma_start3A_50 = arith.constant 0 : i32
      %dma_start3A_51 = tpu.memref_slice %arg5[%add3A, %dma_start3A, %dma_start3A_50] : memref<32x85x128xi32, #tpu.memory_space<hbm>> -> memref<1x85x128xi32, #tpu.memory_space<hbm>>
      %dma_start3A_52 = tpu.memref_squeeze %dma_start3A_51 : memref<1x85x128xi32, #tpu.memory_space<hbm>> -> memref<85x128xi32, #tpu.memory_space<hbm>>
      %dma_start3A_53 = arith.constant 0 : i32
      %dma_start3A_54 = arith.constant 0 : i32
      %dma_start3A_55 = tpu.memref_slice %arg5[%add3A, %dma_start3A_53, %dma_start3A_54] : memref<32x85x128xi32, #tpu.memory_space<hbm>> -> memref<1x85x128xi32, #tpu.memory_space<hbm>>
      %dma_start3A_56 = tpu.memref_squeeze %dma_start3A_55 : memref<1x85x128xi32, #tpu.memory_space<hbm>> -> memref<85x128xi32, #tpu.memory_space<hbm>>
      tpu.enqueue_dma source(%dma_start3A_56 : memref<85x128xi32, #tpu.memory_space<hbm>>) target(%arg10 : memref<85x128xi32, #tpu.memory_space<vmem>>) target_semaphore(%run_scoped3A_49 : memref<!tpu.dma_semaphore, #tpu.memory_space<semaphore_mem>>)
      %dma_wait3A = arith.constant 0 : i32
      %dma_wait3A_57 = arith.constant 0 : i32
      %dma_wait3A_58 = tpu.memref_slice %arg5[%add3A, %dma_wait3A, %dma_wait3A_57] : memref<32x85x128xi32, #tpu.memory_space<hbm>> -> memref<1x85x128xi32, #tpu.memory_space<hbm>>
      %dma_wait3A_59 = tpu.memref_squeeze %dma_wait3A_58 : memref<1x85x128xi32, #tpu.memory_space<hbm>> -> memref<85x128xi32, #tpu.memory_space<hbm>>
      %dma_wait3A_60 = arith.constant 0 : i32
      %dma_wait3A_61 = arith.constant 0 : i32
      %dma_wait3A_62 = tpu.memref_slice %arg5[%add3A, %dma_wait3A_60, %dma_wait3A_61] : memref<32x85x128xi32, #tpu.memory_space<hbm>> -> memref<1x85x128xi32, #tpu.memory_space<hbm>>
      %dma_wait3A_63 = tpu.memref_squeeze %dma_wait3A_62 : memref<1x85x128xi32, #tpu.memory_space<hbm>> -> memref<85x128xi32, #tpu.memory_space<hbm>>
      tpu.wait_dma2 semaphore(%run_scoped3A_49 : memref<!tpu.dma_semaphore, #tpu.memory_space<semaphore_mem>>) src(%dma_wait3A_63 : memref<85x128xi32, #tpu.memory_space<hbm>>) dst(%arg10 : memref<85x128xi32, #tpu.memory_space<vmem>>)
      tpu.yield
    }) : () -> ()
    "tpu.region"() ({
      %run_scoped3A_49 = tpu.sem_alloc : memref<!tpu.dma_semaphore, #tpu.memory_space<semaphore_mem>>
      %dma_start3A = arith.constant 0 : i32
      %dma_start3A_50 = arith.constant 0 : i32
      %dma_start3A_51 = tpu.memref_slice %arg6[%add3A, %dma_start3A, %dma_start3A_50] : memref<32x85x128xf32, #tpu.memory_space<hbm>> -> memref<1x85x128xf32, #tpu.memory_space<hbm>>
      %dma_start3A_52 = tpu.memref_squeeze %dma_start3A_51 : memref<1x85x128xf32, #tpu.memory_space<hbm>> -> memref<85x128xf32, #tpu.memory_space<hbm>>
      %dma_start3A_53 = arith.constant 0 : i32
      %dma_start3A_54 = arith.constant 0 : i32
      %dma_start3A_55 = tpu.memref_slice %arg6[%add3A, %dma_start3A_53, %dma_start3A_54] : memref<32x85x128xf32, #tpu.memory_space<hbm>> -> memref<1x85x128xf32, #tpu.memory_space<hbm>>
      %dma_start3A_56 = tpu.memref_squeeze %dma_start3A_55 : memref<1x85x128xf32, #tpu.memory_space<hbm>> -> memref<85x128xf32, #tpu.memory_space<hbm>>
      tpu.enqueue_dma source(%dma_start3A_56 : memref<85x128xf32, #tpu.memory_space<hbm>>) target(%arg11 : memref<85x128xf32, #tpu.memory_space<vmem>>) target_semaphore(%run_scoped3A_49 : memref<!tpu.dma_semaphore, #tpu.memory_space<semaphore_mem>>)
      %dma_wait3A = arith.constant 0 : i32
      %dma_wait3A_57 = arith.constant 0 : i32
      %dma_wait3A_58 = tpu.memref_slice %arg6[%add3A, %dma_wait3A, %dma_wait3A_57] : memref<32x85x128xf32, #tpu.memory_space<hbm>> -> memref<1x85x128xf32, #tpu.memory_space<hbm>>
      %dma_wait3A_59 = tpu.memref_squeeze %dma_wait3A_58 : memref<1x85x128xf32, #tpu.memory_space<hbm>> -> memref<85x128xf32, #tpu.memory_space<hbm>>
      %dma_wait3A_60 = arith.constant 0 : i32
      %dma_wait3A_61 = arith.constant 0 : i32
      %dma_wait3A_62 = tpu.memref_slice %arg6[%add3A, %dma_wait3A_60, %dma_wait3A_61] : memref<32x85x128xf32, #tpu.memory_space<hbm>> -> memref<1x85x128xf32, #tpu.memory_space<hbm>>
      %dma_wait3A_63 = tpu.memref_squeeze %dma_wait3A_62 : memref<1x85x128xf32, #tpu.memory_space<hbm>> -> memref<85x128xf32, #tpu.memory_space<hbm>>
      tpu.wait_dma2 semaphore(%run_scoped3A_49 : memref<!tpu.dma_semaphore, #tpu.memory_space<semaphore_mem>>) src(%dma_wait3A_63 : memref<85x128xf32, #tpu.memory_space<hbm>>) dst(%arg11 : memref<85x128xf32, #tpu.memory_space<vmem>>)
      tpu.yield
    }) : () -> ()
    %scan3A = arith.constant 0 : i32
    %scan3A_5 = arith.constant 0 : i32
    %scan3A_6 = arith.constant 128 : i32
    %scan3A_7 = arith.addi %scan3A_5, %scan3A_6 : i32
    %scan3A_8 = arith.constant 1 : i32
    %scan3A_9 = scf.for %scan3A_49 = %scan3A_5 to %scan3A_7 step %scan3A_8 iter_args(%scan3A_50 = %scan3A) -> (i32)  : i32 {
      %broadcast_in_dim3A = arith.constant 0.000000e+00 : f32
      %broadcast_in_dim3A_51 = vector.broadcast %broadcast_in_dim3A : f32 to vector<16xf32>
      %swap3A = arith.index_cast %scan3A_49 : i32 to index
      %swap3A_52 = arith.constant 0 : index
      %swap3A_53 = tpu.vector_load %arg17[%swap3A, %swap3A_52] {strides = array<i32>} : memref<128x128xf32, #tpu.memory_space<vmem>>, vector<1x16xf32>,
      %swap3A_54 = vector.shape_cast %swap3A_53 : vector<1x16xf32> to vector<16xf32>
      %swap3A_55 = vector.shape_cast %broadcast_in_dim3A_51 : vector<16xf32> to vector<1x16xf32>
      tpu.vector_store %arg17[%swap3A, %swap3A_52], %swap3A_55 {strides = array<i32>} : memref<128x128xf32, #tpu.memory_space<vmem>>, vector<1x16xf32>,
      %broadcast_in_dim3A_56 = arith.constant 0.000000e+00 : f32
      %broadcast_in_dim3A_57 = vector.broadcast %broadcast_in_dim3A_56 : f32 to vector<16xf32>
      %swap3A_58 = arith.index_cast %scan3A_49 : i32 to index
      %swap3A_59 = arith.constant 16 : index
      %swap3A_60 = tpu.vector_load %arg17[%swap3A_58, %swap3A_59] {strides = array<i32>} : memref<128x128xf32, #tpu.memory_space<vmem>>, vector<1x16xf32>,
      %swap3A_61 = vector.shape_cast %swap3A_60 : vector<1x16xf32> to vector<16xf32>
      %swap3A_62 = vector.shape_cast %broadcast_in_dim3A_57 : vector<16xf32> to vector<1x16xf32>
      tpu.vector_store %arg17[%swap3A_58, %swap3A_59], %swap3A_62 {strides = array<i32>} : memref<128x128xf32, #tpu.memory_space<vmem>>, vector<1x16xf32>,
      %broadcast_in_dim3A_63 = arith.constant 0.000000e+00 : f32
      %broadcast_in_dim3A_64 = vector.broadcast %broadcast_in_dim3A_63 : f32 to vector<16xf32>
      %swap3A_65 = arith.index_cast %scan3A_49 : i32 to index
      %swap3A_66 = arith.constant 32 : index
      %swap3A_67 = tpu.vector_load %arg17[%swap3A_65, %swap3A_66] {strides = array<i32>} : memref<128x128xf32, #tpu.memory_space<vmem>>, vector<1x16xf32>,
      %swap3A_68 = vector.shape_cast %swap3A_67 : vector<1x16xf32> to vector<16xf32>
      %swap3A_69 = vector.shape_cast %broadcast_in_dim3A_64 : vector<16xf32> to vector<1x16xf32>
      tpu.vector_store %arg17[%swap3A_65, %swap3A_66], %swap3A_69 {strides = array<i32>} : memref<128x128xf32, #tpu.memory_space<vmem>>, vector<1x16xf32>,
      %broadcast_in_dim3A_70 = arith.constant 0.000000e+00 : f32
      %broadcast_in_dim3A_71 = vector.broadcast %broadcast_in_dim3A_70 : f32 to vector<16xf32>
      %swap3A_72 = arith.index_cast %scan3A_49 : i32 to index
      %swap3A_73 = arith.constant 48 : index
      %swap3A_74 = tpu.vector_load %arg17[%swap3A_72, %swap3A_73] {strides = array<i32>} : memref<128x128xf32, #tpu.memory_space<vmem>>, vector<1x16xf32>,
      %swap3A_75 = vector.shape_cast %swap3A_74 : vector<1x16xf32> to vector<16xf32>
      %swap3A_76 = vector.shape_cast %broadcast_in_dim3A_71 : vector<16xf32> to vector<1x16xf32>
      tpu.vector_store %arg17[%swap3A_72, %swap3A_73], %swap3A_76 {strides = array<i32>} : memref<128x128xf32, #tpu.memory_space<vmem>>, vector<1x16xf32>,
      %broadcast_in_dim3A_77 = arith.constant 0.000000e+00 : f32
      %broadcast_in_dim3A_78 = vector.broadcast %broadcast_in_dim3A_77 : f32 to vector<16xf32>
      %swap3A_79 = arith.index_cast %scan3A_49 : i32 to index
      %swap3A_80 = arith.constant 64 : index
      %swap3A_81 = tpu.vector_load %arg17[%swap3A_79, %swap3A_80] {strides = array<i32>} : memref<128x128xf32, #tpu.memory_space<vmem>>, vector<1x16xf32>,
      %swap3A_82 = vector.shape_cast %swap3A_81 : vector<1x16xf32> to vector<16xf32>
      %swap3A_83 = vector.shape_cast %broadcast_in_dim3A_78 : vector<16xf32> to vector<1x16xf32>
      tpu.vector_store %arg17[%swap3A_79, %swap3A_80], %swap3A_83 {strides = array<i32>} : memref<128x128xf32, #tpu.memory_space<vmem>>, vector<1x16xf32>,
      %broadcast_in_dim3A_84 = arith.constant 0.000000e+00 : f32
      %broadcast_in_dim3A_85 = vector.broadcast %broadcast_in_dim3A_84 : f32 to vector<16xf32>
      %swap3A_86 = arith.index_cast %scan3A_49 : i32 to index
      %swap3A_87 = arith.constant 80 : index
      %swap3A_88 = tpu.vector_load %arg17[%swap3A_86, %swap3A_87] {strides = array<i32>} : memref<128x128xf32, #tpu.memory_space<vmem>>, vector<1x16xf32>,
      %swap3A_89 = vector.shape_cast %swap3A_88 : vector<1x16xf32> to vector<16xf32>
      %swap3A_90 = vector.shape_cast %broadcast_in_dim3A_85 : vector<16xf32> to vector<1x16xf32>
      tpu.vector_store %arg17[%swap3A_86, %swap3A_87], %swap3A_90 {strides = array<i32>} : memref<128x128xf32, #tpu.memory_space<vmem>>, vector<1x16xf32>,
      %broadcast_in_dim3A_91 = arith.constant 0.000000e+00 : f32
      %broadcast_in_dim3A_92 = vector.broadcast %broadcast_in_dim3A_91 : f32 to vector<16xf32>
      %swap3A_93 = arith.index_cast %scan3A_49 : i32 to index
      %swap3A_94 = arith.constant 96 : index
      %swap3A_95 = tpu.vector_load %arg17[%swap3A_93, %swap3A_94] {strides = array<i32>} : memref<128x128xf32, #tpu.memory_space<vmem>>, vector<1x16xf32>,
      %swap3A_96 = vector.shape_cast %swap3A_95 : vector<1x16xf32> to vector<16xf32>
      %swap3A_97 = vector.shape_cast %broadcast_in_dim3A_92 : vector<16xf32> to vector<1x16xf32>
      tpu.vector_store %arg17[%swap3A_93, %swap3A_94], %swap3A_97 {strides = array<i32>} : memref<128x128xf32, #tpu.memory_space<vmem>>, vector<1x16xf32>,
      %broadcast_in_dim3A_98 = arith.constant 0.000000e+00 : f32
      %broadcast_in_dim3A_99 = vector.broadcast %broadcast_in_dim3A_98 : f32 to vector<16xf32>
      %swap3A_100 = arith.index_cast %scan3A_49 : i32 to index
      %swap3A_101 = arith.constant 112 : index
      %swap3A_102 = tpu.vector_load %arg17[%swap3A_100, %swap3A_101] {strides = array<i32>} : memref<128x128xf32, #tpu.memory_space<vmem>>, vector<1x16xf32>,
      %swap3A_103 = vector.shape_cast %swap3A_102 : vector<1x16xf32> to vector<16xf32>
      %swap3A_104 = vector.shape_cast %broadcast_in_dim3A_99 : vector<16xf32> to vector<1x16xf32>
      tpu.vector_store %arg17[%swap3A_100, %swap3A_101], %swap3A_104 {strides = array<i32>} : memref<128x128xf32, #tpu.memory_space<vmem>>, vector<1x16xf32>,
      %scan3A_105 = arith.constant 0 : i32
      scf.yield %scan3A_105 : i32
    }
    %scan3A_10 = arith.constant 128 : i32
    %add3A_11 = arith.constant 0 : i32
    %add3A_12 = arith.addi %mul3A_2, %add3A_11 : i32
    "tpu.region"() ({
      %run_scoped3A_49 = tpu.sem_alloc : memref<!tpu.dma_semaphore, #tpu.memory_space<semaphore_mem>>
      %dma_start3A = arith.constant 0 : i32
      %dma_start3A_50 = tpu.memref_slice %arg19[%add3A_12, %dma_start3A] : memref<10240x128xf32, #tpu.memory_space<vmem_shared>> -> memref<128x128xf32, #tpu.memory_space<vmem_shared>>
      %dma_start3A_51 = arith.constant 0 : i32
      %dma_start3A_52 = tpu.memref_slice %arg19[%add3A_12, %dma_start3A_51] : memref<10240x128xf32, #tpu.memory_space<vmem_shared>> -> memref<128x128xf32, #tpu.memory_space<vmem_shared>>
      tpu.enqueue_dma source(%arg17 : memref<128x128xf32, #tpu.memory_space<vmem>>) target(%dma_start3A_52 : memref<128x128xf32, #tpu.memory_space<vmem_shared>>) target_semaphore(%run_scoped3A_49 : memref<!tpu.dma_semaphore, #tpu.memory_space<semaphore_mem>>)
      %dma_wait3A = arith.constant 0 : i32
      %dma_wait3A_53 = tpu.memref_slice %arg19[%add3A_12, %dma_wait3A] : memref<10240x128xf32, #tpu.memory_space<vmem_shared>> -> memref<128x128xf32, #tpu.memory_space<vmem_shared>>
      %dma_wait3A_54 = arith.constant 0 : i32
      %dma_wait3A_55 = tpu.memref_slice %arg19[%add3A_12, %dma_wait3A_54] : memref<10240x128xf32, #tpu.memory_space<vmem_shared>> -> memref<128x128xf32, #tpu.memory_space<vmem_shared>>
      tpu.wait_dma2 semaphore(%run_scoped3A_49 : memref<!tpu.dma_semaphore, #tpu.memory_space<semaphore_mem>>) src(%arg17 : memref<128x128xf32, #tpu.memory_space<vmem>>) dst(%dma_wait3A_55 : memref<128x128xf32, #tpu.memory_space<vmem_shared>>)
      tpu.yield
    }) : () -> ()
    %add3A_13 = arith.constant 0 : i32
    %add3A_14 = arith.addi %mul3A_2, %add3A_13 : i32
    %run_scoped3A = arith.constant 0 : i32
    "tpu.region"() ({
      %run_scoped3A_49 = tpu.sem_alloc : memref<!tpu.dma_semaphore, #tpu.memory_space<semaphore_mem>>
      %dma_start3A = arith.constant 0 : i32
      %dma_start3A_50 = tpu.memref_slice %arg17[%run_scoped3A, %dma_start3A] : memref<128x128xf32, #tpu.memory_space<vmem>> -> memref<1x128xf32, #tpu.memory_space<vmem>>
      %dma_start3A_51 = tpu.memref_squeeze %dma_start3A_50 : memref<1x128xf32, #tpu.memory_space<vmem>> -> memref<128xf32, #tpu.memory_space<vmem>>
      %dma_start3A_52 = tpu.memref_slice %arg20[%add3A_14] : memref<10240xf32, #tpu.memory_space<vmem_shared>> -> memref<128xf32, #tpu.memory_space<vmem_shared>>
      %dma_start3A_53 = tpu.memref_slice %arg20[%add3A_14] : memref<10240xf32, #tpu.memory_space<vmem_shared>> -> memref<128xf32, #tpu.memory_space<vmem_shared>>
      %dma_start3A_54 = arith.constant 0 : i32
      %dma_start3A_55 = tpu.memref_slice %arg17[%run_scoped3A, %dma_start3A_54] : memref<128x128xf32, #tpu.memory_space<vmem>> -> memref<1x128xf32, #tpu.memory_space<vmem>>
      %dma_start3A_56 = tpu.memref_squeeze %dma_start3A_55 : memref<1x128xf32, #tpu.memory_space<vmem>> -> memref<128xf32, #tpu.memory_space<vmem>>
      tpu.enqueue_dma source(%dma_start3A_56 : memref<128xf32, #tpu.memory_space<vmem>>) target(%dma_start3A_53 : memref<128xf32, #tpu.memory_space<vmem_shared>>) target_semaphore(%run_scoped3A_49 : memref<!tpu.dma_semaphore, #tpu.memory_space<semaphore_mem>>)
      %dma_wait3A = arith.constant 0 : i32
      %dma_wait3A_57 = tpu.memref_slice %arg17[%run_scoped3A, %dma_wait3A] : memref<128x128xf32, #tpu.memory_space<vmem>> -> memref<1x128xf32, #tpu.memory_space<vmem>>
      %dma_wait3A_58 = tpu.memref_squeeze %dma_wait3A_57 : memref<1x128xf32, #tpu.memory_space<vmem>> -> memref<128xf32, #tpu.memory_space<vmem>>
      %dma_wait3A_59 = tpu.memref_slice %arg20[%add3A_14] : memref<10240xf32, #tpu.memory_space<vmem_shared>> -> memref<128xf32, #tpu.memory_space<vmem_shared>>
      %dma_wait3A_60 = tpu.memref_slice %arg20[%add3A_14] : memref<10240xf32, #tpu.memory_space<vmem_shared>> -> memref<128xf32, #tpu.memory_space<vmem_shared>>
      %dma_wait3A_61 = arith.constant 0 : i32
      %dma_wait3A_62 = tpu.memref_slice %arg17[%run_scoped3A, %dma_wait3A_61] : memref<128x128xf32, #tpu.memory_space<vmem>> -> memref<1x128xf32, #tpu.memory_space<vmem>>
      %dma_wait3A_63 = tpu.memref_squeeze %dma_wait3A_62 : memref<1x128xf32, #tpu.memory_space<vmem>> -> memref<128xf32, #tpu.memory_space<vmem>>
      tpu.wait_dma2 semaphore(%run_scoped3A_49 : memref<!tpu.dma_semaphore, #tpu.memory_space<semaphore_mem>>) src(%dma_wait3A_63 : memref<128xf32, #tpu.memory_space<vmem>>) dst(%dma_wait3A_60 : memref<128xf32, #tpu.memory_space<vmem_shared>>)
      tpu.yield
    }) : () -> ()
    %add3A_15 = arith.constant 128 : i32
    %add3A_16 = arith.addi %mul3A_2, %add3A_15 : i32
    "tpu.region"() ({
      %run_scoped3A_49 = tpu.sem_alloc : memref<!tpu.dma_semaphore, #tpu.memory_space<semaphore_mem>>
      %dma_start3A = arith.constant 0 : i32
      %dma_start3A_50 = tpu.memref_slice %arg19[%add3A_16, %dma_start3A] : memref<10240x128xf32, #tpu.memory_space<vmem_shared>> -> memref<128x128xf32, #tpu.memory_space<vmem_shared>>
      %dma_start3A_51 = arith.constant 0 : i32
      %dma_start3A_52 = tpu.memref_slice %arg19[%add3A_16, %dma_start3A_51] : memref<10240x128xf32, #tpu.memory_space<vmem_shared>> -> memref<128x128xf32, #tpu.memory_space<vmem_shared>>
      tpu.enqueue_dma source(%arg17 : memref<128x128xf32, #tpu.memory_space<vmem>>) target(%dma_start3A_52 : memref<128x128xf32, #tpu.memory_space<vmem_shared>>) target_semaphore(%run_scoped3A_49 : memref<!tpu.dma_semaphore, #tpu.memory_space<semaphore_mem>>)
      %dma_wait3A = arith.constant 0 : i32
      %dma_wait3A_53 = tpu.memref_slice %arg19[%add3A_16, %dma_wait3A] : memref<10240x128xf32, #tpu.memory_space<vmem_shared>> -> memref<128x128xf32, #tpu.memory_space<vmem_shared>>
      %dma_wait3A_54 = arith.constant 0 : i32
      %dma_wait3A_55 = tpu.memref_slice %arg19[%add3A_16, %dma_wait3A_54] : memref<10240x128xf32, #tpu.memory_space<vmem_shared>> -> memref<128x128xf32, #tpu.memory_space<vmem_shared>>
      tpu.wait_dma2 semaphore(%run_scoped3A_49 : memref<!tpu.dma_semaphore, #tpu.memory_space<semaphore_mem>>) src(%arg17 : memref<128x128xf32, #tpu.memory_space<vmem>>) dst(%dma_wait3A_55 : memref<128x128xf32, #tpu.memory_space<vmem_shared>>)
      tpu.yield
    }) : () -> ()
    %add3A_17 = arith.constant 128 : i32
    %add3A_18 = arith.addi %mul3A_2, %add3A_17 : i32
    %run_scoped3A_19 = arith.constant 0 : i32
    "tpu.region"() ({
      %run_scoped3A_49 = tpu.sem_alloc : memref<!tpu.dma_semaphore, #tpu.memory_space<semaphore_mem>>
      %dma_start3A = arith.constant 0 : i32
      %dma_start3A_50 = tpu.memref_slice %arg17[%run_scoped3A_19, %dma_start3A] : memref<128x128xf32, #tpu.memory_space<vmem>> -> memref<1x128xf32, #tpu.memory_space<vmem>>
      %dma_start3A_51 = tpu.memref_squeeze %dma_start3A_50 : memref<1x128xf32, #tpu.memory_space<vmem>> -> memref<128xf32, #tpu.memory_space<vmem>>
      %dma_start3A_52 = tpu.memref_slice %arg20[%add3A_18] : memref<10240xf32, #tpu.memory_space<vmem_shared>> -> memref<128xf32, #tpu.memory_space<vmem_shared>>
      %dma_start3A_53 = tpu.memref_slice %arg20[%add3A_18] : memref<10240xf32, #tpu.memory_space<vmem_shared>> -> memref<128xf32, #tpu.memory_space<vmem_shared>>
      %dma_start3A_54 = arith.constant 0 : i32
      %dma_start3A_55 = tpu.memref_slice %arg17[%run_scoped3A_19, %dma_start3A_54] : memref<128x128xf32, #tpu.memory_space<vmem>> -> memref<1x128xf32, #tpu.memory_space<vmem>>
      %dma_start3A_56 = tpu.memref_squeeze %dma_start3A_55 : memref<1x128xf32, #tpu.memory_space<vmem>> -> memref<128xf32, #tpu.memory_space<vmem>>
      tpu.enqueue_dma source(%dma_start3A_56 : memref<128xf32, #tpu.memory_space<vmem>>) target(%dma_start3A_53 : memref<128xf32, #tpu.memory_space<vmem_shared>>) target_semaphore(%run_scoped3A_49 : memref<!tpu.dma_semaphore, #tpu.memory_space<semaphore_mem>>)
      %dma_wait3A = arith.constant 0 : i32
      %dma_wait3A_57 = tpu.memref_slice %arg17[%run_scoped3A_19, %dma_wait3A] : memref<128x128xf32, #tpu.memory_space<vmem>> -> memref<1x128xf32, #tpu.memory_space<vmem>>
      %dma_wait3A_58 = tpu.memref_squeeze %dma_wait3A_57 : memref<1x128xf32, #tpu.memory_space<vmem>> -> memref<128xf32, #tpu.memory_space<vmem>>
      %dma_wait3A_59 = tpu.memref_slice %arg20[%add3A_18] : memref<10240xf32, #tpu.memory_space<vmem_shared>> -> memref<128xf32, #tpu.memory_space<vmem_shared>>
      %dma_wait3A_60 = tpu.memref_slice %arg20[%add3A_18] : memref<10240xf32, #tpu.memory_space<vmem_shared>> -> memref<128xf32, #tpu.memory_space<vmem_shared>>
      %dma_wait3A_61 = arith.constant 0 : i32
      %dma_wait3A_62 = tpu.memref_slice %arg17[%run_scoped3A_19, %dma_wait3A_61] : memref<128x128xf32, #tpu.memory_space<vmem>> -> memref<1x128xf32, #tpu.memory_space<vmem>>
      %dma_wait3A_63 = tpu.memref_squeeze %dma_wait3A_62 : memref<1x128xf32, #tpu.memory_space<vmem>> -> memref<128xf32, #tpu.memory_space<vmem>>
      tpu.wait_dma2 semaphore(%run_scoped3A_49 : memref<!tpu.dma_semaphore, #tpu.memory_space<semaphore_mem>>) src(%dma_wait3A_63 : memref<128xf32, #tpu.memory_space<vmem>>) dst(%dma_wait3A_60 : memref<128xf32, #tpu.memory_space<vmem_shared>>)
      tpu.yield
    }) : () -> ()
    %add3A_20 = arith.constant 256 : i32
    %add3A_21 = arith.addi %mul3A_2, %add3A_20 : i32
    "tpu.region"() ({
      %run_scoped3A_49 = tpu.sem_alloc : memref<!tpu.dma_semaphore, #tpu.memory_space<semaphore_mem>>
      %dma_start3A = arith.constant 0 : i32
      %dma_start3A_50 = tpu.memref_slice %arg19[%add3A_21, %dma_start3A] : memref<10240x128xf32, #tpu.memory_space<vmem_shared>> -> memref<128x128xf32, #tpu.memory_space<vmem_shared>>
      %dma_start3A_51 = arith.constant 0 : i32
      %dma_start3A_52 = tpu.memref_slice %arg19[%add3A_21, %dma_start3A_51] : memref<10240x128xf32, #tpu.memory_space<vmem_shared>> -> memref<128x128xf32, #tpu.memory_space<vmem_shared>>
      tpu.enqueue_dma source(%arg17 : memref<128x128xf32, #tpu.memory_space<vmem>>) target(%dma_start3A_52 : memref<128x128xf32, #tpu.memory_space<vmem_shared>>) target_semaphore(%run_scoped3A_49 : memref<!tpu.dma_semaphore, #tpu.memory_space<semaphore_mem>>)
      %dma_wait3A = arith.constant 0 : i32
      %dma_wait3A_53 = tpu.memref_slice %arg19[%add3A_21, %dma_wait3A] : memref<10240x128xf32, #tpu.memory_space<vmem_shared>> -> memref<128x128xf32, #tpu.memory_space<vmem_shared>>
      %dma_wait3A_54 = arith.constant 0 : i32
      %dma_wait3A_55 = tpu.memref_slice %arg19[%add3A_21, %dma_wait3A_54] : memref<10240x128xf32, #tpu.memory_space<vmem_shared>> -> memref<128x128xf32, #tpu.memory_space<vmem_shared>>
      tpu.wait_dma2 semaphore(%run_scoped3A_49 : memref<!tpu.dma_semaphore, #tpu.memory_space<semaphore_mem>>) src(%arg17 : memref<128x128xf32, #tpu.memory_space<vmem>>) dst(%dma_wait3A_55 : memref<128x128xf32, #tpu.memory_space<vmem_shared>>)
      tpu.yield
    }) : () -> ()
    %add3A_22 = arith.constant 256 : i32
    %add3A_23 = arith.addi %mul3A_2, %add3A_22 : i32
    %run_scoped3A_24 = arith.constant 0 : i32
    "tpu.region"() ({
      %run_scoped3A_49 = tpu.sem_alloc : memref<!tpu.dma_semaphore, #tpu.memory_space<semaphore_mem>>
      %dma_start3A = arith.constant 0 : i32
      %dma_start3A_50 = tpu.memref_slice %arg17[%run_scoped3A_24, %dma_start3A] : memref<128x128xf32, #tpu.memory_space<vmem>> -> memref<1x128xf32, #tpu.memory_space<vmem>>
      %dma_start3A_51 = tpu.memref_squeeze %dma_start3A_50 : memref<1x128xf32, #tpu.memory_space<vmem>> -> memref<128xf32, #tpu.memory_space<vmem>>
      %dma_start3A_52 = tpu.memref_slice %arg20[%add3A_23] : memref<10240xf32, #tpu.memory_space<vmem_shared>> -> memref<128xf32, #tpu.memory_space<vmem_shared>>
      %dma_start3A_53 = tpu.memref_slice %arg20[%add3A_23] : memref<10240xf32, #tpu.memory_space<vmem_shared>> -> memref<128xf32, #tpu.memory_space<vmem_shared>>
      %dma_start3A_54 = arith.constant 0 : i32
      %dma_start3A_55 = tpu.memref_slice %arg17[%run_scoped3A_24, %dma_start3A_54] : memref<128x128xf32, #tpu.memory_space<vmem>> -> memref<1x128xf32, #tpu.memory_space<vmem>>
      %dma_start3A_56 = tpu.memref_squeeze %dma_start3A_55 : memref<1x128xf32, #tpu.memory_space<vmem>> -> memref<128xf32, #tpu.memory_space<vmem>>
      tpu.enqueue_dma source(%dma_start3A_56 : memref<128xf32, #tpu.memory_space<vmem>>) target(%dma_start3A_53 : memref<128xf32, #tpu.memory_space<vmem_shared>>) target_semaphore(%run_scoped3A_49 : memref<!tpu.dma_semaphore, #tpu.memory_space<semaphore_mem>>)
      %dma_wait3A = arith.constant 0 : i32
      %dma_wait3A_57 = tpu.memref_slice %arg17[%run_scoped3A_24, %dma_wait3A] : memref<128x128xf32, #tpu.memory_space<vmem>> -> memref<1x128xf32, #tpu.memory_space<vmem>>
      %dma_wait3A_58 = tpu.memref_squeeze %dma_wait3A_57 : memref<1x128xf32, #tpu.memory_space<vmem>> -> memref<128xf32, #tpu.memory_space<vmem>>
      %dma_wait3A_59 = tpu.memref_slice %arg20[%add3A_23] : memref<10240xf32, #tpu.memory_space<vmem_shared>> -> memref<128xf32, #tpu.memory_space<vmem_shared>>
      %dma_wait3A_60 = tpu.memref_slice %arg20[%add3A_23] : memref<10240xf32, #tpu.memory_space<vmem_shared>> -> memref<128xf32, #tpu.memory_space<vmem_shared>>
      %dma_wait3A_61 = arith.constant 0 : i32
      %dma_wait3A_62 = tpu.memref_slice %arg17[%run_scoped3A_24, %dma_wait3A_61] : memref<128x128xf32, #tpu.memory_space<vmem>> -> memref<1x128xf32, #tpu.memory_space<vmem>>
      %dma_wait3A_63 = tpu.memref_squeeze %dma_wait3A_62 : memref<1x128xf32, #tpu.memory_space<vmem>> -> memref<128xf32, #tpu.memory_space<vmem>>
      tpu.wait_dma2 semaphore(%run_scoped3A_49 : memref<!tpu.dma_semaphore, #tpu.memory_space<semaphore_mem>>) src(%dma_wait3A_63 : memref<128xf32, #tpu.memory_space<vmem>>) dst(%dma_wait3A_60 : memref<128xf32, #tpu.memory_space<vmem_shared>>)
      tpu.yield
    }) : () -> ()
    %add3A_25 = arith.constant 384 : i32
    %add3A_26 = arith.addi %mul3A_2, %add3A_25 : i32
    "tpu.region"() ({
      %run_scoped3A_49 = tpu.sem_alloc : memref<!tpu.dma_semaphore, #tpu.memory_space<semaphore_mem>>
      %dma_start3A = arith.constant 0 : i32
      %dma_start3A_50 = tpu.memref_slice %arg19[%add3A_26, %dma_start3A] : memref<10240x128xf32, #tpu.memory_space<vmem_shared>> -> memref<128x128xf32, #tpu.memory_space<vmem_shared>>
      %dma_start3A_51 = arith.constant 0 : i32
      %dma_start3A_52 = tpu.memref_slice %arg19[%add3A_26, %dma_start3A_51] : memref<10240x128xf32, #tpu.memory_space<vmem_shared>> -> memref<128x128xf32, #tpu.memory_space<vmem_shared>>
      tpu.enqueue_dma source(%arg17 : memref<128x128xf32, #tpu.memory_space<vmem>>) target(%dma_start3A_52 : memref<128x128xf32, #tpu.memory_space<vmem_shared>>) target_semaphore(%run_scoped3A_49 : memref<!tpu.dma_semaphore, #tpu.memory_space<semaphore_mem>>)
      %dma_wait3A = arith.constant 0 : i32
      %dma_wait3A_53 = tpu.memref_slice %arg19[%add3A_26, %dma_wait3A] : memref<10240x128xf32, #tpu.memory_space<vmem_shared>> -> memref<128x128xf32, #tpu.memory_space<vmem_shared>>
      %dma_wait3A_54 = arith.constant 0 : i32
      %dma_wait3A_55 = tpu.memref_slice %arg19[%add3A_26, %dma_wait3A_54] : memref<10240x128xf32, #tpu.memory_space<vmem_shared>> -> memref<128x128xf32, #tpu.memory_space<vmem_shared>>
      tpu.wait_dma2 semaphore(%run_scoped3A_49 : memref<!tpu.dma_semaphore, #tpu.memory_space<semaphore_mem>>) src(%arg17 : memref<128x128xf32, #tpu.memory_space<vmem>>) dst(%dma_wait3A_55 : memref<128x128xf32, #tpu.memory_space<vmem_shared>>)
      tpu.yield
    }) : () -> ()
    %add3A_27 = arith.constant 384 : i32
    %add3A_28 = arith.addi %mul3A_2, %add3A_27 : i32
    %run_scoped3A_29 = arith.constant 0 : i32
    "tpu.region"() ({
      %run_scoped3A_49 = tpu.sem_alloc : memref<!tpu.dma_semaphore, #tpu.memory_space<semaphore_mem>>
      %dma_start3A = arith.constant 0 : i32
      %dma_start3A_50 = tpu.memref_slice %arg17[%run_scoped3A_29, %dma_start3A] : memref<128x128xf32, #tpu.memory_space<vmem>> -> memref<1x128xf32, #tpu.memory_space<vmem>>
      %dma_start3A_51 = tpu.memref_squeeze %dma_start3A_50 : memref<1x128xf32, #tpu.memory_space<vmem>> -> memref<128xf32, #tpu.memory_space<vmem>>
      %dma_start3A_52 = tpu.memref_slice %arg20[%add3A_28] : memref<10240xf32, #tpu.memory_space<vmem_shared>> -> memref<128xf32, #tpu.memory_space<vmem_shared>>
      %dma_start3A_53 = tpu.memref_slice %arg20[%add3A_28] : memref<10240xf32, #tpu.memory_space<vmem_shared>> -> memref<128xf32, #tpu.memory_space<vmem_shared>>
      %dma_start3A_54 = arith.constant 0 : i32
      %dma_start3A_55 = tpu.memref_slice %arg17[%run_scoped3A_29, %dma_start3A_54] : memref<128x128xf32, #tpu.memory_space<vmem>> -> memref<1x128xf32, #tpu.memory_space<vmem>>
      %dma_start3A_56 = tpu.memref_squeeze %dma_start3A_55 : memref<1x128xf32, #tpu.memory_space<vmem>> -> memref<128xf32, #tpu.memory_space<vmem>>
      tpu.enqueue_dma source(%dma_start3A_56 : memref<128xf32, #tpu.memory_space<vmem>>) target(%dma_start3A_53 : memref<128xf32, #tpu.memory_space<vmem_shared>>) target_semaphore(%run_scoped3A_49 : memref<!tpu.dma_semaphore, #tpu.memory_space<semaphore_mem>>)
      %dma_wait3A = arith.constant 0 : i32
      %dma_wait3A_57 = tpu.memref_slice %arg17[%run_scoped3A_29, %dma_wait3A] : memref<128x128xf32, #tpu.memory_space<vmem>> -> memref<1x128xf32, #tpu.memory_space<vmem>>
      %dma_wait3A_58 = tpu.memref_squeeze %dma_wait3A_57 : memref<1x128xf32, #tpu.memory_space<vmem>> -> memref<128xf32, #tpu.memory_space<vmem>>
      %dma_wait3A_59 = tpu.memref_slice %arg20[%add3A_28] : memref<10240xf32, #tpu.memory_space<vmem_shared>> -> memref<128xf32, #tpu.memory_space<vmem_shared>>
      %dma_wait3A_60 = tpu.memref_slice %arg20[%add3A_28] : memref<10240xf32, #tpu.memory_space<vmem_shared>> -> memref<128xf32, #tpu.memory_space<vmem_shared>>
      %dma_wait3A_61 = arith.constant 0 : i32
      %dma_wait3A_62 = tpu.memref_slice %arg17[%run_scoped3A_29, %dma_wait3A_61] : memref<128x128xf32, #tpu.memory_space<vmem>> -> memref<1x128xf32, #tpu.memory_space<vmem>>
      %dma_wait3A_63 = tpu.memref_squeeze %dma_wait3A_62 : memref<1x128xf32, #tpu.memory_space<vmem>> -> memref<128xf32, #tpu.memory_space<vmem>>
      tpu.wait_dma2 semaphore(%run_scoped3A_49 : memref<!tpu.dma_semaphore, #tpu.memory_space<semaphore_mem>>) src(%dma_wait3A_63 : memref<128xf32, #tpu.memory_space<vmem>>) dst(%dma_wait3A_60 : memref<128xf32, #tpu.memory_space<vmem_shared>>)
      tpu.yield
    }) : () -> ()
    %add3A_30 = arith.constant 512 : i32
    %add3A_31 = arith.addi %mul3A_2, %add3A_30 : i32
    "tpu.region"() ({
      %run_scoped3A_49 = tpu.sem_alloc : memref<!tpu.dma_semaphore, #tpu.memory_space<semaphore_mem>>
      %dma_start3A = arith.constant 0 : i32
      %dma_start3A_50 = tpu.memref_slice %arg19[%add3A_31, %dma_start3A] : memref<10240x128xf32, #tpu.memory_space<vmem_shared>> -> memref<128x128xf32, #tpu.memory_space<vmem_shared>>
      %dma_start3A_51 = arith.constant 0 : i32
      %dma_start3A_52 = tpu.memref_slice %arg19[%add3A_31, %dma_start3A_51] : memref<10240x128xf32, #tpu.memory_space<vmem_shared>> -> memref<128x128xf32, #tpu.memory_space<vmem_shared>>
      tpu.enqueue_dma source(%arg17 : memref<128x128xf32, #tpu.memory_space<vmem>>) target(%dma_start3A_52 : memref<128x128xf32, #tpu.memory_space<vmem_shared>>) target_semaphore(%run_scoped3A_49 : memref<!tpu.dma_semaphore, #tpu.memory_space<semaphore_mem>>)
      %dma_wait3A = arith.constant 0 : i32
      %dma_wait3A_53 = tpu.memref_slice %arg19[%add3A_31, %dma_wait3A] : memref<10240x128xf32, #tpu.memory_space<vmem_shared>> -> memref<128x128xf32, #tpu.memory_space<vmem_shared>>
      %dma_wait3A_54 = arith.constant 0 : i32
      %dma_wait3A_55 = tpu.memref_slice %arg19[%add3A_31, %dma_wait3A_54] : memref<10240x128xf32, #tpu.memory_space<vmem_shared>> -> memref<128x128xf32, #tpu.memory_space<vmem_shared>>
      tpu.wait_dma2 semaphore(%run_scoped3A_49 : memref<!tpu.dma_semaphore, #tpu.memory_space<semaphore_mem>>) src(%arg17 : memref<128x128xf32, #tpu.memory_space<vmem>>) dst(%dma_wait3A_55 : memref<128x128xf32, #tpu.memory_space<vmem_shared>>)
      tpu.yield
    }) : () -> ()
    %add3A_32 = arith.constant 512 : i32
    %add3A_33 = arith.addi %mul3A_2, %add3A_32 : i32
    %run_scoped3A_34 = arith.constant 0 : i32
    "tpu.region"() ({
      %run_scoped3A_49 = tpu.sem_alloc : memref<!tpu.dma_semaphore, #tpu.memory_space<semaphore_mem>>
      %dma_start3A = arith.constant 0 : i32
      %dma_start3A_50 = tpu.memref_slice %arg17[%run_scoped3A_34, %dma_start3A] : memref<128x128xf32, #tpu.memory_space<vmem>> -> memref<1x128xf32, #tpu.memory_space<vmem>>
      %dma_start3A_51 = tpu.memref_squeeze %dma_start3A_50 : memref<1x128xf32, #tpu.memory_space<vmem>> -> memref<128xf32, #tpu.memory_space<vmem>>
      %dma_start3A_52 = tpu.memref_slice %arg20[%add3A_33] : memref<10240xf32, #tpu.memory_space<vmem_shared>> -> memref<128xf32, #tpu.memory_space<vmem_shared>>
      %dma_start3A_53 = tpu.memref_slice %arg20[%add3A_33] : memref<10240xf32, #tpu.memory_space<vmem_shared>> -> memref<128xf32, #tpu.memory_space<vmem_shared>>
      %dma_start3A_54 = arith.constant 0 : i32
      %dma_start3A_55 = tpu.memref_slice %arg17[%run_scoped3A_34, %dma_start3A_54] : memref<128x128xf32, #tpu.memory_space<vmem>> -> memref<1x128xf32, #tpu.memory_space<vmem>>
      %dma_start3A_56 = tpu.memref_squeeze %dma_start3A_55 : memref<1x128xf32, #tpu.memory_space<vmem>> -> memref<128xf32, #tpu.memory_space<vmem>>
      tpu.enqueue_dma source(%dma_start3A_56 : memref<128xf32, #tpu.memory_space<vmem>>) target(%dma_start3A_53 : memref<128xf32, #tpu.memory_space<vmem_shared>>) target_semaphore(%run_scoped3A_49 : memref<!tpu.dma_semaphore, #tpu.memory_space<semaphore_mem>>)
      %dma_wait3A = arith.constant 0 : i32
      %dma_wait3A_57 = tpu.memref_slice %arg17[%run_scoped3A_34, %dma_wait3A] : memref<128x128xf32, #tpu.memory_space<vmem>> -> memref<1x128xf32, #tpu.memory_space<vmem>>
      %dma_wait3A_58 = tpu.memref_squeeze %dma_wait3A_57 : memref<1x128xf32, #tpu.memory_space<vmem>> -> memref<128xf32, #tpu.memory_space<vmem>>
      %dma_wait3A_59 = tpu.memref_slice %arg20[%add3A_33] : memref<10240xf32, #tpu.memory_space<vmem_shared>> -> memref<128xf32, #tpu.memory_space<vmem_shared>>
      %dma_wait3A_60 = tpu.memref_slice %arg20[%add3A_33] : memref<10240xf32, #tpu.memory_space<vmem_shared>> -> memref<128xf32, #tpu.memory_space<vmem_shared>>
      %dma_wait3A_61 = arith.constant 0 : i32
      %dma_wait3A_62 = tpu.memref_slice %arg17[%run_scoped3A_34, %dma_wait3A_61] : memref<128x128xf32, #tpu.memory_space<vmem>> -> memref<1x128xf32, #tpu.memory_space<vmem>>
      %dma_wait3A_63 = tpu.memref_squeeze %dma_wait3A_62 : memref<1x128xf32, #tpu.memory_space<vmem>> -> memref<128xf32, #tpu.memory_space<vmem>>
      tpu.wait_dma2 semaphore(%run_scoped3A_49 : memref<!tpu.dma_semaphore, #tpu.memory_space<semaphore_mem>>) src(%dma_wait3A_63 : memref<128xf32, #tpu.memory_space<vmem>>) dst(%dma_wait3A_60 : memref<128xf32, #tpu.memory_space<vmem_shared>>)
      tpu.yield
    }) : () -> ()
    %barrier3A = arith.constant 0 : index
    tpu.barrier barrier_id(%barrier3A)
    %eq3A = arith.constant 0 : i32
    %eq3A_35 = arith.cmpi eq, %arg0, %eq3A : i32
    %jit3A = arith.constant 85 : i32
    %jit3A_36 = arith.constant 72 : i32
    %select_n3A = arith.select %eq3A_35, %jit3A, %jit3A_36 : i32
    %while3A = arith.constant 0 : i32
    %while3A_37 = arith.constant 0 : i32
    %while3A_38 = arith.subi %select_n3A, %while3A : i32
    %while3A_39 = arith.addi %while3A, %while3A_38 : i32
    %while3A_40 = arith.constant 1 : i32
    %while3A_41 = arith.divsi %while3A_38, %while3A_40 : i32
    %while3A_42 = arith.muli %while3A_41, %while3A_40 : i32
    %while3A_43 = arith.addi %while3A, %while3A_42 : i32
    %while3A_44 = arith.constant 1 : i32
    %while3A_45 = scf.for %while3A_49 = %while3A to %while3A_43 step %while3A_44 iter_args(%while3A_50 = %while3A_37) -> (i32)  : i32 {
      %get3A_51 = arith.index_cast %while3A_49 : i32 to index
      %get3A_52 = arith.constant 0 : index
      %get3A_53 = tpu.vector_load %arg10[%get3A_51, %get3A_52] {strides = array<i32>} : memref<85x128xi32, #tpu.memory_space<vmem>>, vector<1x16xi32>,
      %get3A_54 = vector.shape_cast %get3A_53 : vector<1x16xi32> to vector<16xi32>
      %shift_right_logical3A = arith.constant 14 : i32
      %shift_right_logical3A_55 = vector.broadcast %shift_right_logical3A : i32 to vector<16xi32>
      %shift_right_logical3A_56 = arith.shrui %get3A_54, %shift_right_logical3A_55 : vector<16xi32>
      %swap3A = arith.constant 0 : index
      %swap3A_57 = tpu.vector_load %arg12[%swap3A] {strides = array<i32>} : memref<128xi32, #tpu.memory_space<vmem>>, vector<16xi32>,
      %swap3A_58 = vector.shape_cast %swap3A_57 : vector<16xi32> to vector<16xi32>
      %swap3A_59 = vector.shape_cast %shift_right_logical3A_56 : vector<16xi32> to vector<16xi32>
      tpu.vector_store %arg12[%swap3A], %swap3A_59 {strides = array<i32>} : memref<128xi32, #tpu.memory_space<vmem>>, vector<16xi32>,
      %and3A = arith.constant 16383 : i32
      %and3A_60 = vector.broadcast %and3A : i32 to vector<16xi32>
      %and3A_61 = arith.andi %get3A_54, %and3A_60 : vector<16xi32>
      %swap3A_62 = arith.constant 0 : index
      %swap3A_63 = tpu.vector_load %arg13[%swap3A_62] {strides = array<i32>} : memref<128xi32, #tpu.memory_space<vmem>>, vector<16xi32>,
      %swap3A_64 = vector.shape_cast %swap3A_63 : vector<16xi32> to vector<16xi32>
      %swap3A_65 = vector.shape_cast %and3A_61 : vector<16xi32> to vector<16xi32>
      tpu.vector_store %arg13[%swap3A_62], %swap3A_65 {strides = array<i32>} : memref<128xi32, #tpu.memory_space<vmem>>, vector<16xi32>,
      %get3A_66 = arith.index_cast %while3A_49 : i32 to index
      %get3A_67 = arith.constant 16 : index
      %get3A_68 = tpu.vector_load %arg10[%get3A_66, %get3A_67] {strides = array<i32>} : memref<85x128xi32, #tpu.memory_space<vmem>>, vector<1x16xi32>,
      %get3A_69 = vector.shape_cast %get3A_68 : vector<1x16xi32> to vector<16xi32>
      %shift_right_logical3A_70 = arith.constant 14 : i32
      %shift_right_logical3A_71 = vector.broadcast %shift_right_logical3A_70 : i32 to vector<16xi32>
      %shift_right_logical3A_72 = arith.shrui %get3A_69, %shift_right_logical3A_71 : vector<16xi32>
      %swap3A_73 = arith.constant 16 : index
      %swap3A_74 = tpu.vector_load %arg12[%swap3A_73] {strides = array<i32>} : memref<128xi32, #tpu.memory_space<vmem>>, vector<16xi32>,
      %swap3A_75 = vector.shape_cast %swap3A_74 : vector<16xi32> to vector<16xi32>
      %swap3A_76 = vector.shape_cast %shift_right_logical3A_72 : vector<16xi32> to vector<16xi32>
      tpu.vector_store %arg12[%swap3A_73], %swap3A_76 {strides = array<i32>} : memref<128xi32, #tpu.memory_space<vmem>>, vector<16xi32>,
      %and3A_77 = arith.constant 16383 : i32
      %and3A_78 = vector.broadcast %and3A_77 : i32 to vector<16xi32>
      %and3A_79 = arith.andi %get3A_69, %and3A_78 : vector<16xi32>
      %swap3A_80 = arith.constant 16 : index
      %swap3A_81 = tpu.vector_load %arg13[%swap3A_80] {strides = array<i32>} : memref<128xi32, #tpu.memory_space<vmem>>, vector<16xi32>,
      %swap3A_82 = vector.shape_cast %swap3A_81 : vector<16xi32> to vector<16xi32>
      %swap3A_83 = vector.shape_cast %and3A_79 : vector<16xi32> to vector<16xi32>
      tpu.vector_store %arg13[%swap3A_80], %swap3A_83 {strides = array<i32>} : memref<128xi32, #tpu.memory_space<vmem>>, vector<16xi32>,
      %get3A_84 = arith.index_cast %while3A_49 : i32 to index
      %get3A_85 = arith.constant 32 : index
      %get3A_86 = tpu.vector_load %arg10[%get3A_84, %get3A_85] {strides = array<i32>} : memref<85x128xi32, #tpu.memory_space<vmem>>, vector<1x16xi32>,
      %get3A_87 = vector.shape_cast %get3A_86 : vector<1x16xi32> to vector<16xi32>
      %shift_right_logical3A_88 = arith.constant 14 : i32
      %shift_right_logical3A_89 = vector.broadcast %shift_right_logical3A_88 : i32 to vector<16xi32>
      %shift_right_logical3A_90 = arith.shrui %get3A_87, %shift_right_logical3A_89 : vector<16xi32>
      %swap3A_91 = arith.constant 32 : index
      %swap3A_92 = tpu.vector_load %arg12[%swap3A_91] {strides = array<i32>} : memref<128xi32, #tpu.memory_space<vmem>>, vector<16xi32>,
      %swap3A_93 = vector.shape_cast %swap3A_92 : vector<16xi32> to vector<16xi32>
      %swap3A_94 = vector.shape_cast %shift_right_logical3A_90 : vector<16xi32> to vector<16xi32>
      tpu.vector_store %arg12[%swap3A_91], %swap3A_94 {strides = array<i32>} : memref<128xi32, #tpu.memory_space<vmem>>, vector<16xi32>,
      %and3A_95 = arith.constant 16383 : i32
      %and3A_96 = vector.broadcast %and3A_95 : i32 to vector<16xi32>
      %and3A_97 = arith.andi %get3A_87, %and3A_96 : vector<16xi32>
      %swap3A_98 = arith.constant 32 : index
      %swap3A_99 = tpu.vector_load %arg13[%swap3A_98] {strides = array<i32>} : memref<128xi32, #tpu.memory_space<vmem>>, vector<16xi32>,
      %swap3A_100 = vector.shape_cast %swap3A_99 : vector<16xi32> to vector<16xi32>
      %swap3A_101 = vector.shape_cast %and3A_97 : vector<16xi32> to vector<16xi32>
      tpu.vector_store %arg13[%swap3A_98], %swap3A_101 {strides = array<i32>} : memref<128xi32, #tpu.memory_space<vmem>>, vector<16xi32>,
      %get3A_102 = arith.index_cast %while3A_49 : i32 to index
      %get3A_103 = arith.constant 48 : index
      %get3A_104 = tpu.vector_load %arg10[%get3A_102, %get3A_103] {strides = array<i32>} : memref<85x128xi32, #tpu.memory_space<vmem>>, vector<1x16xi32>,
      %get3A_105 = vector.shape_cast %get3A_104 : vector<1x16xi32> to vector<16xi32>
      %shift_right_logical3A_106 = arith.constant 14 : i32
      %shift_right_logical3A_107 = vector.broadcast %shift_right_logical3A_106 : i32 to vector<16xi32>
      %shift_right_logical3A_108 = arith.shrui %get3A_105, %shift_right_logical3A_107 : vector<16xi32>
      %swap3A_109 = arith.constant 48 : index
      %swap3A_110 = tpu.vector_load %arg12[%swap3A_109] {strides = array<i32>} : memref<128xi32, #tpu.memory_space<vmem>>, vector<16xi32>,
      %swap3A_111 = vector.shape_cast %swap3A_110 : vector<16xi32> to vector<16xi32>
      %swap3A_112 = vector.shape_cast %shift_right_logical3A_108 : vector<16xi32> to vector<16xi32>
      tpu.vector_store %arg12[%swap3A_109], %swap3A_112 {strides = array<i32>} : memref<128xi32, #tpu.memory_space<vmem>>, vector<16xi32>,
      %and3A_113 = arith.constant 16383 : i32
      %and3A_114 = vector.broadcast %and3A_113 : i32 to vector<16xi32>
      %and3A_115 = arith.andi %get3A_105, %and3A_114 : vector<16xi32>
      %swap3A_116 = arith.constant 48 : index
      %swap3A_117 = tpu.vector_load %arg13[%swap3A_116] {strides = array<i32>} : memref<128xi32, #tpu.memory_space<vmem>>, vector<16xi32>,
      %swap3A_118 = vector.shape_cast %swap3A_117 : vector<16xi32> to vector<16xi32>
      %swap3A_119 = vector.shape_cast %and3A_115 : vector<16xi32> to vector<16xi32>
      tpu.vector_store %arg13[%swap3A_116], %swap3A_119 {strides = array<i32>} : memref<128xi32, #tpu.memory_space<vmem>>, vector<16xi32>,
      %get3A_120 = arith.index_cast %while3A_49 : i32 to index
      %get3A_121 = arith.constant 64 : index
      %get3A_122 = tpu.vector_load %arg10[%get3A_120, %get3A_121] {strides = array<i32>} : memref<85x128xi32, #tpu.memory_space<vmem>>, vector<1x16xi32>,
      %get3A_123 = vector.shape_cast %get3A_122 : vector<1x16xi32> to vector<16xi32>
      %shift_right_logical3A_124 = arith.constant 14 : i32
      %shift_right_logical3A_125 = vector.broadcast %shift_right_logical3A_124 : i32 to vector<16xi32>
      %shift_right_logical3A_126 = arith.shrui %get3A_123, %shift_right_logical3A_125 : vector<16xi32>
      %swap3A_127 = arith.constant 64 : index
      %swap3A_128 = tpu.vector_load %arg12[%swap3A_127] {strides = array<i32>} : memref<128xi32, #tpu.memory_space<vmem>>, vector<16xi32>,
      %swap3A_129 = vector.shape_cast %swap3A_128 : vector<16xi32> to vector<16xi32>
      %swap3A_130 = vector.shape_cast %shift_right_logical3A_126 : vector<16xi32> to vector<16xi32>
      tpu.vector_store %arg12[%swap3A_127], %swap3A_130 {strides = array<i32>} : memref<128xi32, #tpu.memory_space<vmem>>, vector<16xi32>,
      %and3A_131 = arith.constant 16383 : i32
      %and3A_132 = vector.broadcast %and3A_131 : i32 to vector<16xi32>
      %and3A_133 = arith.andi %get3A_123, %and3A_132 : vector<16xi32>
      %swap3A_134 = arith.constant 64 : index
      %swap3A_135 = tpu.vector_load %arg13[%swap3A_134] {strides = array<i32>} : memref<128xi32, #tpu.memory_space<vmem>>, vector<16xi32>,
      %swap3A_136 = vector.shape_cast %swap3A_135 : vector<16xi32> to vector<16xi32>
      %swap3A_137 = vector.shape_cast %and3A_133 : vector<16xi32> to vector<16xi32>
      tpu.vector_store %arg13[%swap3A_134], %swap3A_137 {strides = array<i32>} : memref<128xi32, #tpu.memory_space<vmem>>, vector<16xi32>,
      %get3A_138 = arith.index_cast %while3A_49 : i32 to index
      %get3A_139 = arith.constant 80 : index
      %get3A_140 = tpu.vector_load %arg10[%get3A_138, %get3A_139] {strides = array<i32>} : memref<85x128xi32, #tpu.memory_space<vmem>>, vector<1x16xi32>,
      %get3A_141 = vector.shape_cast %get3A_140 : vector<1x16xi32> to vector<16xi32>
      %shift_right_logical3A_142 = arith.constant 14 : i32
      %shift_right_logical3A_143 = vector.broadcast %shift_right_logical3A_142 : i32 to vector<16xi32>
      %shift_right_logical3A_144 = arith.shrui %get3A_141, %shift_right_logical3A_143 : vector<16xi32>
      %swap3A_145 = arith.constant 80 : index
      %swap3A_146 = tpu.vector_load %arg12[%swap3A_145] {strides = array<i32>} : memref<128xi32, #tpu.memory_space<vmem>>, vector<16xi32>,
      %swap3A_147 = vector.shape_cast %swap3A_146 : vector<16xi32> to vector<16xi32>
      %swap3A_148 = vector.shape_cast %shift_right_logical3A_144 : vector<16xi32> to vector<16xi32>
      tpu.vector_store %arg12[%swap3A_145], %swap3A_148 {strides = array<i32>} : memref<128xi32, #tpu.memory_space<vmem>>, vector<16xi32>,
      %and3A_149 = arith.constant 16383 : i32
      %and3A_150 = vector.broadcast %and3A_149 : i32 to vector<16xi32>
      %and3A_151 = arith.andi %get3A_141, %and3A_150 : vector<16xi32>
      %swap3A_152 = arith.constant 80 : index
      %swap3A_153 = tpu.vector_load %arg13[%swap3A_152] {strides = array<i32>} : memref<128xi32, #tpu.memory_space<vmem>>, vector<16xi32>,
      %swap3A_154 = vector.shape_cast %swap3A_153 : vector<16xi32> to vector<16xi32>
      %swap3A_155 = vector.shape_cast %and3A_151 : vector<16xi32> to vector<16xi32>
      tpu.vector_store %arg13[%swap3A_152], %swap3A_155 {strides = array<i32>} : memref<128xi32, #tpu.memory_space<vmem>>, vector<16xi32>,
      %get3A_156 = arith.index_cast %while3A_49 : i32 to index
      %get3A_157 = arith.constant 96 : index
      %get3A_158 = tpu.vector_load %arg10[%get3A_156, %get3A_157] {strides = array<i32>} : memref<85x128xi32, #tpu.memory_space<vmem>>, vector<1x16xi32>,
      %get3A_159 = vector.shape_cast %get3A_158 : vector<1x16xi32> to vector<16xi32>
      %shift_right_logical3A_160 = arith.constant 14 : i32
      %shift_right_logical3A_161 = vector.broadcast %shift_right_logical3A_160 : i32 to vector<16xi32>
      %shift_right_logical3A_162 = arith.shrui %get3A_159, %shift_right_logical3A_161 : vector<16xi32>
      %swap3A_163 = arith.constant 96 : index
      %swap3A_164 = tpu.vector_load %arg12[%swap3A_163] {strides = array<i32>} : memref<128xi32, #tpu.memory_space<vmem>>, vector<16xi32>,
      %swap3A_165 = vector.shape_cast %swap3A_164 : vector<16xi32> to vector<16xi32>
      %swap3A_166 = vector.shape_cast %shift_right_logical3A_162 : vector<16xi32> to vector<16xi32>
      tpu.vector_store %arg12[%swap3A_163], %swap3A_166 {strides = array<i32>} : memref<128xi32, #tpu.memory_space<vmem>>, vector<16xi32>,
      %and3A_167 = arith.constant 16383 : i32
      %and3A_168 = vector.broadcast %and3A_167 : i32 to vector<16xi32>
      %and3A_169 = arith.andi %get3A_159, %and3A_168 : vector<16xi32>
      %swap3A_170 = arith.constant 96 : index
      %swap3A_171 = tpu.vector_load %arg13[%swap3A_170] {strides = array<i32>} : memref<128xi32, #tpu.memory_space<vmem>>, vector<16xi32>,
      %swap3A_172 = vector.shape_cast %swap3A_171 : vector<16xi32> to vector<16xi32>
      %swap3A_173 = vector.shape_cast %and3A_169 : vector<16xi32> to vector<16xi32>
      tpu.vector_store %arg13[%swap3A_170], %swap3A_173 {strides = array<i32>} : memref<128xi32, #tpu.memory_space<vmem>>, vector<16xi32>,
      %get3A_174 = arith.index_cast %while3A_49 : i32 to index
      %get3A_175 = arith.constant 112 : index
      %get3A_176 = tpu.vector_load %arg10[%get3A_174, %get3A_175] {strides = array<i32>} : memref<85x128xi32, #tpu.memory_space<vmem>>, vector<1x16xi32>,
      %get3A_177 = vector.shape_cast %get3A_176 : vector<1x16xi32> to vector<16xi32>
      %shift_right_logical3A_178 = arith.constant 14 : i32
      %shift_right_logical3A_179 = vector.broadcast %shift_right_logical3A_178 : i32 to vector<16xi32>
      %shift_right_logical3A_180 = arith.shrui %get3A_177, %shift_right_logical3A_179 : vector<16xi32>
      %swap3A_181 = arith.constant 112 : index
      %swap3A_182 = tpu.vector_load %arg12[%swap3A_181] {strides = array<i32>} : memref<128xi32, #tpu.memory_space<vmem>>, vector<16xi32>,
      %swap3A_183 = vector.shape_cast %swap3A_182 : vector<16xi32> to vector<16xi32>
      %swap3A_184 = vector.shape_cast %shift_right_logical3A_180 : vector<16xi32> to vector<16xi32>
      tpu.vector_store %arg12[%swap3A_181], %swap3A_184 {strides = array<i32>} : memref<128xi32, #tpu.memory_space<vmem>>, vector<16xi32>,
      %and3A_185 = arith.constant 16383 : i32
      %and3A_186 = vector.broadcast %and3A_185 : i32 to vector<16xi32>
      %and3A_187 = arith.andi %get3A_177, %and3A_186 : vector<16xi32>
      %swap3A_188 = arith.constant 112 : index
      %swap3A_189 = tpu.vector_load %arg13[%swap3A_188] {strides = array<i32>} : memref<128xi32, #tpu.memory_space<vmem>>, vector<16xi32>,
      %swap3A_190 = vector.shape_cast %swap3A_189 : vector<16xi32> to vector<16xi32>
      %swap3A_191 = vector.shape_cast %and3A_187 : vector<16xi32> to vector<16xi32>
      tpu.vector_store %arg13[%swap3A_188], %swap3A_191 {strides = array<i32>} : memref<128xi32, #tpu.memory_space<vmem>>, vector<16xi32>,
      %dma_start3A = arith.constant 0 : i32
      %dma_start3A_192 = arith.constant 0 : i32
      %dma_start3A_193 = tpu.memref_slice %arg2[%dma_start3A, %dma_start3A_192] : memref<10000x128xf32, #tpu.memory_space<hbm>> -> memref<10000x128xf32, #tpu.memory_space<hbm>>
      tpu.enqueue_indirect_dma source(%dma_start3A_193 : memref<10000x128xf32, #tpu.memory_space<hbm>>) target(%arg17 : memref<128x128xf32, #tpu.memory_space<vmem>>) offsets(%arg12 : memref<128xi32, #tpu.memory_space<vmem>>) semaphore(%arg22 : memref<!tpu.dma_semaphore, #tpu.memory_space<semaphore_mem>>)
      %dma_start3A_194 = arith.constant 0 : i32
      %dma_start3A_195 = tpu.memref_slice %arg3[%dma_start3A_194] : memref<10000xf32, #tpu.memory_space<hbm>> -> memref<10000xf32, #tpu.memory_space<hbm>>
      tpu.enqueue_indirect_dma source(%dma_start3A_195 : memref<10000xf32, #tpu.memory_space<hbm>>) target(%arg14 : memref<128xf32, #tpu.memory_space<vmem>>) offsets(%arg12 : memref<128xi32, #tpu.memory_space<vmem>>) semaphore(%arg21 : memref<!tpu.dma_semaphore, #tpu.memory_space<semaphore_mem>>)
      %dma_start3A_196 = arith.constant 0 : i32
      %dma_start3A_197 = tpu.memref_slice %arg4[%dma_start3A_196] : memref<10000xf32, #tpu.memory_space<hbm>> -> memref<10000xf32, #tpu.memory_space<hbm>>
      tpu.enqueue_indirect_dma source(%dma_start3A_197 : memref<10000xf32, #tpu.memory_space<hbm>>) target(%arg15 : memref<128xf32, #tpu.memory_space<vmem>>) offsets(%arg13 : memref<128xi32, #tpu.memory_space<vmem>>) semaphore(%arg21 : memref<!tpu.dma_semaphore, #tpu.memory_space<semaphore_mem>>)
      %dma_wait3A = arith.constant 0 : i32
      %dma_wait3A_198 = tpu.memref_slice %arg3[%dma_wait3A] : memref<10000xf32, #tpu.memory_space<hbm>> -> memref<10000xf32, #tpu.memory_space<hbm>>
      tpu.wait_indirect_dma semaphore(%arg21 : memref<!tpu.dma_semaphore, #tpu.memory_space<semaphore_mem>>) src(%dma_wait3A_198 : memref<10000xf32, #tpu.memory_space<hbm>>) dst(%arg14 : memref<128xf32, #tpu.memory_space<vmem>>)
      %dma_wait3A_199 = arith.constant 0 : i32
      %dma_wait3A_200 = tpu.memref_slice %arg4[%dma_wait3A_199] : memref<10000xf32, #tpu.memory_space<hbm>> -> memref<10000xf32, #tpu.memory_space<hbm>>
      tpu.wait_indirect_dma semaphore(%arg21 : memref<!tpu.dma_semaphore, #tpu.memory_space<semaphore_mem>>) src(%dma_wait3A_200 : memref<10000xf32, #tpu.memory_space<hbm>>) dst(%arg15 : memref<128xf32, #tpu.memory_space<vmem>>)
      %get3A_201 = arith.index_cast %while3A_49 : i32 to index
      %get3A_202 = arith.constant 0 : index
      %get3A_203 = tpu.vector_load %arg11[%get3A_201, %get3A_202] {strides = array<i32>} : memref<85x128xf32, #tpu.memory_space<vmem>>, vector<1x16xf32>,
      %get3A_204 = vector.shape_cast %get3A_203 : vector<1x16xf32> to vector<16xf32>
      %get3A_205 = arith.constant 0 : index
      %get3A_206 = tpu.vector_load %arg14[%get3A_205] {strides = array<i32>} : memref<128xf32, #tpu.memory_space<vmem>>, vector<16xf32>,
      %get3A_207 = vector.shape_cast %get3A_206 : vector<16xf32> to vector<16xf32>
      %get3A_208 = arith.constant 0 : index
      %get3A_209 = tpu.vector_load %arg15[%get3A_208] {strides = array<i32>} : memref<128xf32, #tpu.memory_space<vmem>>, vector<16xf32>,
      %get3A_210 = vector.shape_cast %get3A_209 : vector<16xf32> to vector<16xf32>
      %add3A_211 = arith.addf %get3A_207, %get3A_210 : vector<16xf32>
      %mul3A_212 = arith.constant 0.00999999977 : f32
      %mul3A_213 = vector.broadcast %mul3A_212 : f32 to vector<16xf32>
      %mul3A_214 = arith.mulf %mul3A_213, %add3A_211 : vector<16xf32>
      %max3A = arith.maximumf %add3A_211, %mul3A_214 : vector<16xf32>
      %mul3A_215 = arith.mulf %get3A_204, %max3A : vector<16xf32>
      %ge3A = arith.constant 0.000000e+00 : f32
      %ge3A_216 = vector.broadcast %ge3A : f32 to vector<16xf32>
      %ge3A_217 = arith.cmpf oge, %get3A_204, %ge3A_216 : vector<16xf32>
      %sub3A = arith.subf %mul3A_215, %get3A_4 : vector<16xf32>
      %exp3A = math.exp %sub3A : vector<16xf32>
      %jit3A_218 = arith.constant 0.000000e+00 : f32
      %broadcast_in_dim3A = vector.broadcast %jit3A_218 : f32 to vector<16xf32>
      %select_n3A_219 = arith.select %ge3A_217, %exp3A, %broadcast_in_dim3A : vector<16xi1>, vector<16xf32>
      %swap3A_220 = arith.constant 0 : index
      %swap3A_221 = tpu.vector_load %arg16[%swap3A_220] {strides = array<i32>} : memref<128xf32, #tpu.memory_space<vmem>>, vector<16xf32>,
      %swap3A_222 = vector.shape_cast %swap3A_221 : vector<16xf32> to vector<16xf32>
      %swap3A_223 = vector.shape_cast %select_n3A_219 : vector<16xf32> to vector<16xf32>
      tpu.vector_store %arg16[%swap3A_220], %swap3A_223 {strides = array<i32>} : memref<128xf32, #tpu.memory_space<vmem>>, vector<16xf32>,
      %get3A_224 = arith.index_cast %while3A_49 : i32 to index
      %get3A_225 = arith.constant 16 : index
      %get3A_226 = tpu.vector_load %arg11[%get3A_224, %get3A_225] {strides = array<i32>} : memref<85x128xf32, #tpu.memory_space<vmem>>, vector<1x16xf32>,
      %get3A_227 = vector.shape_cast %get3A_226 : vector<1x16xf32> to vector<16xf32>
      %get3A_228 = arith.constant 16 : index
      %get3A_229 = tpu.vector_load %arg14[%get3A_228] {strides = array<i32>} : memref<128xf32, #tpu.memory_space<vmem>>, vector<16xf32>,
      %get3A_230 = vector.shape_cast %get3A_229 : vector<16xf32> to vector<16xf32>
      %get3A_231 = arith.constant 16 : index
      %get3A_232 = tpu.vector_load %arg15[%get3A_231] {strides = array<i32>} : memref<128xf32, #tpu.memory_space<vmem>>, vector<16xf32>,
      %get3A_233 = vector.shape_cast %get3A_232 : vector<16xf32> to vector<16xf32>
      %add3A_234 = arith.addf %get3A_230, %get3A_233 : vector<16xf32>
      %mul3A_235 = arith.constant 0.00999999977 : f32
      %mul3A_236 = vector.broadcast %mul3A_235 : f32 to vector<16xf32>
      %mul3A_237 = arith.mulf %mul3A_236, %add3A_234 : vector<16xf32>
      %max3A_238 = arith.maximumf %add3A_234, %mul3A_237 : vector<16xf32>
      %mul3A_239 = arith.mulf %get3A_227, %max3A_238 : vector<16xf32>
      %ge3A_240 = arith.constant 0.000000e+00 : f32
      %ge3A_241 = vector.broadcast %ge3A_240 : f32 to vector<16xf32>
      %ge3A_242 = arith.cmpf oge, %get3A_227, %ge3A_241 : vector<16xf32>
      %sub3A_243 = arith.subf %mul3A_239, %get3A_4 : vector<16xf32>
      %exp3A_244 = math.exp %sub3A_243 : vector<16xf32>
      %jit3A_245 = arith.constant 0.000000e+00 : f32
      %broadcast_in_dim3A_246 = vector.broadcast %jit3A_245 : f32 to vector<16xf32>
      %select_n3A_247 = arith.select %ge3A_242, %exp3A_244, %broadcast_in_dim3A_246 : vector<16xi1>, vector<16xf32>
      %swap3A_248 = arith.constant 16 : index
      %swap3A_249 = tpu.vector_load %arg16[%swap3A_248] {strides = array<i32>} : memref<128xf32, #tpu.memory_space<vmem>>, vector<16xf32>,
      %swap3A_250 = vector.shape_cast %swap3A_249 : vector<16xf32> to vector<16xf32>
      %swap3A_251 = vector.shape_cast %select_n3A_247 : vector<16xf32> to vector<16xf32>
      tpu.vector_store %arg16[%swap3A_248], %swap3A_251 {strides = array<i32>} : memref<128xf32, #tpu.memory_space<vmem>>, vector<16xf32>,
      %get3A_252 = arith.index_cast %while3A_49 : i32 to index
      %get3A_253 = arith.constant 32 : index
      %get3A_254 = tpu.vector_load %arg11[%get3A_252, %get3A_253] {strides = array<i32>} : memref<85x128xf32, #tpu.memory_space<vmem>>, vector<1x16xf32>,
      %get3A_255 = vector.shape_cast %get3A_254 : vector<1x16xf32> to vector<16xf32>
      %get3A_256 = arith.constant 32 : index
      %get3A_257 = tpu.vector_load %arg14[%get3A_256] {strides = array<i32>} : memref<128xf32, #tpu.memory_space<vmem>>, vector<16xf32>,
      %get3A_258 = vector.shape_cast %get3A_257 : vector<16xf32> to vector<16xf32>
      %get3A_259 = arith.constant 32 : index
      %get3A_260 = tpu.vector_load %arg15[%get3A_259] {strides = array<i32>} : memref<128xf32, #tpu.memory_space<vmem>>, vector<16xf32>,
      %get3A_261 = vector.shape_cast %get3A_260 : vector<16xf32> to vector<16xf32>
      %add3A_262 = arith.addf %get3A_258, %get3A_261 : vector<16xf32>
      %mul3A_263 = arith.constant 0.00999999977 : f32
      %mul3A_264 = vector.broadcast %mul3A_263 : f32 to vector<16xf32>
      %mul3A_265 = arith.mulf %mul3A_264, %add3A_262 : vector<16xf32>
      %max3A_266 = arith.maximumf %add3A_262, %mul3A_265 : vector<16xf32>
      %mul3A_267 = arith.mulf %get3A_255, %max3A_266 : vector<16xf32>
      %ge3A_268 = arith.constant 0.000000e+00 : f32
      %ge3A_269 = vector.broadcast %ge3A_268 : f32 to vector<16xf32>
      %ge3A_270 = arith.cmpf oge, %get3A_255, %ge3A_269 : vector<16xf32>
      %sub3A_271 = arith.subf %mul3A_267, %get3A_4 : vector<16xf32>
      %exp3A_272 = math.exp %sub3A_271 : vector<16xf32>
      %jit3A_273 = arith.constant 0.000000e+00 : f32
      %broadcast_in_dim3A_274 = vector.broadcast %jit3A_273 : f32 to vector<16xf32>
      %select_n3A_275 = arith.select %ge3A_270, %exp3A_272, %broadcast_in_dim3A_274 : vector<16xi1>, vector<16xf32>
      %swap3A_276 = arith.constant 32 : index
      %swap3A_277 = tpu.vector_load %arg16[%swap3A_276] {strides = array<i32>} : memref<128xf32, #tpu.memory_space<vmem>>, vector<16xf32>,
      %swap3A_278 = vector.shape_cast %swap3A_277 : vector<16xf32> to vector<16xf32>
      %swap3A_279 = vector.shape_cast %select_n3A_275 : vector<16xf32> to vector<16xf32>
      tpu.vector_store %arg16[%swap3A_276], %swap3A_279 {strides = array<i32>} : memref<128xf32, #tpu.memory_space<vmem>>, vector<16xf32>,
      %get3A_280 = arith.index_cast %while3A_49 : i32 to index
      %get3A_281 = arith.constant 48 : index
      %get3A_282 = tpu.vector_load %arg11[%get3A_280, %get3A_281] {strides = array<i32>} : memref<85x128xf32, #tpu.memory_space<vmem>>, vector<1x16xf32>,
      %get3A_283 = vector.shape_cast %get3A_282 : vector<1x16xf32> to vector<16xf32>
      %get3A_284 = arith.constant 48 : index
      %get3A_285 = tpu.vector_load %arg14[%get3A_284] {strides = array<i32>} : memref<128xf32, #tpu.memory_space<vmem>>, vector<16xf32>,
      %get3A_286 = vector.shape_cast %get3A_285 : vector<16xf32> to vector<16xf32>
      %get3A_287 = arith.constant 48 : index
      %get3A_288 = tpu.vector_load %arg15[%get3A_287] {strides = array<i32>} : memref<128xf32, #tpu.memory_space<vmem>>, vector<16xf32>,
      %get3A_289 = vector.shape_cast %get3A_288 : vector<16xf32> to vector<16xf32>
      %add3A_290 = arith.addf %get3A_286, %get3A_289 : vector<16xf32>
      %mul3A_291 = arith.constant 0.00999999977 : f32
      %mul3A_292 = vector.broadcast %mul3A_291 : f32 to vector<16xf32>
      %mul3A_293 = arith.mulf %mul3A_292, %add3A_290 : vector<16xf32>
      %max3A_294 = arith.maximumf %add3A_290, %mul3A_293 : vector<16xf32>
      %mul3A_295 = arith.mulf %get3A_283, %max3A_294 : vector<16xf32>
      %ge3A_296 = arith.constant 0.000000e+00 : f32
      %ge3A_297 = vector.broadcast %ge3A_296 : f32 to vector<16xf32>
      %ge3A_298 = arith.cmpf oge, %get3A_283, %ge3A_297 : vector<16xf32>
      %sub3A_299 = arith.subf %mul3A_295, %get3A_4 : vector<16xf32>
      %exp3A_300 = math.exp %sub3A_299 : vector<16xf32>
      %jit3A_301 = arith.constant 0.000000e+00 : f32
      %broadcast_in_dim3A_302 = vector.broadcast %jit3A_301 : f32 to vector<16xf32>
      %select_n3A_303 = arith.select %ge3A_298, %exp3A_300, %broadcast_in_dim3A_302 : vector<16xi1>, vector<16xf32>
      %swap3A_304 = arith.constant 48 : index
      %swap3A_305 = tpu.vector_load %arg16[%swap3A_304] {strides = array<i32>} : memref<128xf32, #tpu.memory_space<vmem>>, vector<16xf32>,
      %swap3A_306 = vector.shape_cast %swap3A_305 : vector<16xf32> to vector<16xf32>
      %swap3A_307 = vector.shape_cast %select_n3A_303 : vector<16xf32> to vector<16xf32>
      tpu.vector_store %arg16[%swap3A_304], %swap3A_307 {strides = array<i32>} : memref<128xf32, #tpu.memory_space<vmem>>, vector<16xf32>,
      %get3A_308 = arith.index_cast %while3A_49 : i32 to index
      %get3A_309 = arith.constant 64 : index
      %get3A_310 = tpu.vector_load %arg11[%get3A_308, %get3A_309] {strides = array<i32>} : memref<85x128xf32, #tpu.memory_space<vmem>>, vector<1x16xf32>,
      %get3A_311 = vector.shape_cast %get3A_310 : vector<1x16xf32> to vector<16xf32>
      %get3A_312 = arith.constant 64 : index
      %get3A_313 = tpu.vector_load %arg14[%get3A_312] {strides = array<i32>} : memref<128xf32, #tpu.memory_space<vmem>>, vector<16xf32>,
      %get3A_314 = vector.shape_cast %get3A_313 : vector<16xf32> to vector<16xf32>
      %get3A_315 = arith.constant 64 : index
      %get3A_316 = tpu.vector_load %arg15[%get3A_315] {strides = array<i32>} : memref<128xf32, #tpu.memory_space<vmem>>, vector<16xf32>,
      %get3A_317 = vector.shape_cast %get3A_316 : vector<16xf32> to vector<16xf32>
      %add3A_318 = arith.addf %get3A_314, %get3A_317 : vector<16xf32>
      %mul3A_319 = arith.constant 0.00999999977 : f32
      %mul3A_320 = vector.broadcast %mul3A_319 : f32 to vector<16xf32>
      %mul3A_321 = arith.mulf %mul3A_320, %add3A_318 : vector<16xf32>
      %max3A_322 = arith.maximumf %add3A_318, %mul3A_321 : vector<16xf32>
      %mul3A_323 = arith.mulf %get3A_311, %max3A_322 : vector<16xf32>
      %ge3A_324 = arith.constant 0.000000e+00 : f32
      %ge3A_325 = vector.broadcast %ge3A_324 : f32 to vector<16xf32>
      %ge3A_326 = arith.cmpf oge, %get3A_311, %ge3A_325 : vector<16xf32>
      %sub3A_327 = arith.subf %mul3A_323, %get3A_4 : vector<16xf32>
      %exp3A_328 = math.exp %sub3A_327 : vector<16xf32>
      %jit3A_329 = arith.constant 0.000000e+00 : f32
      %broadcast_in_dim3A_330 = vector.broadcast %jit3A_329 : f32 to vector<16xf32>
      %select_n3A_331 = arith.select %ge3A_326, %exp3A_328, %broadcast_in_dim3A_330 : vector<16xi1>, vector<16xf32>
      %swap3A_332 = arith.constant 64 : index
      %swap3A_333 = tpu.vector_load %arg16[%swap3A_332] {strides = array<i32>} : memref<128xf32, #tpu.memory_space<vmem>>, vector<16xf32>,
      %swap3A_334 = vector.shape_cast %swap3A_333 : vector<16xf32> to vector<16xf32>
      %swap3A_335 = vector.shape_cast %select_n3A_331 : vector<16xf32> to vector<16xf32>
      tpu.vector_store %arg16[%swap3A_332], %swap3A_335 {strides = array<i32>} : memref<128xf32, #tpu.memory_space<vmem>>, vector<16xf32>,
      %get3A_336 = arith.index_cast %while3A_49 : i32 to index
      %get3A_337 = arith.constant 80 : index
      %get3A_338 = tpu.vector_load %arg11[%get3A_336, %get3A_337] {strides = array<i32>} : memref<85x128xf32, #tpu.memory_space<vmem>>, vector<1x16xf32>,
      %get3A_339 = vector.shape_cast %get3A_338 : vector<1x16xf32> to vector<16xf32>
      %get3A_340 = arith.constant 80 : index
      %get3A_341 = tpu.vector_load %arg14[%get3A_340] {strides = array<i32>} : memref<128xf32, #tpu.memory_space<vmem>>, vector<16xf32>,
      %get3A_342 = vector.shape_cast %get3A_341 : vector<16xf32> to vector<16xf32>
      %get3A_343 = arith.constant 80 : index
      %get3A_344 = tpu.vector_load %arg15[%get3A_343] {strides = array<i32>} : memref<128xf32, #tpu.memory_space<vmem>>, vector<16xf32>,
      %get3A_345 = vector.shape_cast %get3A_344 : vector<16xf32> to vector<16xf32>
      %add3A_346 = arith.addf %get3A_342, %get3A_345 : vector<16xf32>
      %mul3A_347 = arith.constant 0.00999999977 : f32
      %mul3A_348 = vector.broadcast %mul3A_347 : f32 to vector<16xf32>
      %mul3A_349 = arith.mulf %mul3A_348, %add3A_346 : vector<16xf32>
      %max3A_350 = arith.maximumf %add3A_346, %mul3A_349 : vector<16xf32>
      %mul3A_351 = arith.mulf %get3A_339, %max3A_350 : vector<16xf32>
      %ge3A_352 = arith.constant 0.000000e+00 : f32
      %ge3A_353 = vector.broadcast %ge3A_352 : f32 to vector<16xf32>
      %ge3A_354 = arith.cmpf oge, %get3A_339, %ge3A_353 : vector<16xf32>
      %sub3A_355 = arith.subf %mul3A_351, %get3A_4 : vector<16xf32>
      %exp3A_356 = math.exp %sub3A_355 : vector<16xf32>
      %jit3A_357 = arith.constant 0.000000e+00 : f32
      %broadcast_in_dim3A_358 = vector.broadcast %jit3A_357 : f32 to vector<16xf32>
      %select_n3A_359 = arith.select %ge3A_354, %exp3A_356, %broadcast_in_dim3A_358 : vector<16xi1>, vector<16xf32>
      %swap3A_360 = arith.constant 80 : index
      %swap3A_361 = tpu.vector_load %arg16[%swap3A_360] {strides = array<i32>} : memref<128xf32, #tpu.memory_space<vmem>>, vector<16xf32>,
      %swap3A_362 = vector.shape_cast %swap3A_361 : vector<16xf32> to vector<16xf32>
      %swap3A_363 = vector.shape_cast %select_n3A_359 : vector<16xf32> to vector<16xf32>
      tpu.vector_store %arg16[%swap3A_360], %swap3A_363 {strides = array<i32>} : memref<128xf32, #tpu.memory_space<vmem>>, vector<16xf32>,
      %get3A_364 = arith.index_cast %while3A_49 : i32 to index
      %get3A_365 = arith.constant 96 : index
      %get3A_366 = tpu.vector_load %arg11[%get3A_364, %get3A_365] {strides = array<i32>} : memref<85x128xf32, #tpu.memory_space<vmem>>, vector<1x16xf32>,
      %get3A_367 = vector.shape_cast %get3A_366 : vector<1x16xf32> to vector<16xf32>
      %get3A_368 = arith.constant 96 : index
      %get3A_369 = tpu.vector_load %arg14[%get3A_368] {strides = array<i32>} : memref<128xf32, #tpu.memory_space<vmem>>, vector<16xf32>,
      %get3A_370 = vector.shape_cast %get3A_369 : vector<16xf32> to vector<16xf32>
      %get3A_371 = arith.constant 96 : index
      %get3A_372 = tpu.vector_load %arg15[%get3A_371] {strides = array<i32>} : memref<128xf32, #tpu.memory_space<vmem>>, vector<16xf32>,
      %get3A_373 = vector.shape_cast %get3A_372 : vector<16xf32> to vector<16xf32>
      %add3A_374 = arith.addf %get3A_370, %get3A_373 : vector<16xf32>
      %mul3A_375 = arith.constant 0.00999999977 : f32
      %mul3A_376 = vector.broadcast %mul3A_375 : f32 to vector<16xf32>
      %mul3A_377 = arith.mulf %mul3A_376, %add3A_374 : vector<16xf32>
      %max3A_378 = arith.maximumf %add3A_374, %mul3A_377 : vector<16xf32>
      %mul3A_379 = arith.mulf %get3A_367, %max3A_378 : vector<16xf32>
      %ge3A_380 = arith.constant 0.000000e+00 : f32
      %ge3A_381 = vector.broadcast %ge3A_380 : f32 to vector<16xf32>
      %ge3A_382 = arith.cmpf oge, %get3A_367, %ge3A_381 : vector<16xf32>
      %sub3A_383 = arith.subf %mul3A_379, %get3A_4 : vector<16xf32>
      %exp3A_384 = math.exp %sub3A_383 : vector<16xf32>
      %jit3A_385 = arith.constant 0.000000e+00 : f32
      %broadcast_in_dim3A_386 = vector.broadcast %jit3A_385 : f32 to vector<16xf32>
      %select_n3A_387 = arith.select %ge3A_382, %exp3A_384, %broadcast_in_dim3A_386 : vector<16xi1>, vector<16xf32>
      %swap3A_388 = arith.constant 96 : index
      %swap3A_389 = tpu.vector_load %arg16[%swap3A_388] {strides = array<i32>} : memref<128xf32, #tpu.memory_space<vmem>>, vector<16xf32>,
      %swap3A_390 = vector.shape_cast %swap3A_389 : vector<16xf32> to vector<16xf32>
      %swap3A_391 = vector.shape_cast %select_n3A_387 : vector<16xf32> to vector<16xf32>
      tpu.vector_store %arg16[%swap3A_388], %swap3A_391 {strides = array<i32>} : memref<128xf32, #tpu.memory_space<vmem>>, vector<16xf32>,
      %get3A_392 = arith.index_cast %while3A_49 : i32 to index
      %get3A_393 = arith.constant 112 : index
      %get3A_394 = tpu.vector_load %arg11[%get3A_392, %get3A_393] {strides = array<i32>} : memref<85x128xf32, #tpu.memory_space<vmem>>, vector<1x16xf32>,
      %get3A_395 = vector.shape_cast %get3A_394 : vector<1x16xf32> to vector<16xf32>
      %get3A_396 = arith.constant 112 : index
      %get3A_397 = tpu.vector_load %arg14[%get3A_396] {strides = array<i32>} : memref<128xf32, #tpu.memory_space<vmem>>, vector<16xf32>,
      %get3A_398 = vector.shape_cast %get3A_397 : vector<16xf32> to vector<16xf32>
      %get3A_399 = arith.constant 112 : index
      %get3A_400 = tpu.vector_load %arg15[%get3A_399] {strides = array<i32>} : memref<128xf32, #tpu.memory_space<vmem>>, vector<16xf32>,
      %get3A_401 = vector.shape_cast %get3A_400 : vector<16xf32> to vector<16xf32>
      %add3A_402 = arith.addf %get3A_398, %get3A_401 : vector<16xf32>
      %mul3A_403 = arith.constant 0.00999999977 : f32
      %mul3A_404 = vector.broadcast %mul3A_403 : f32 to vector<16xf32>
      %mul3A_405 = arith.mulf %mul3A_404, %add3A_402 : vector<16xf32>
      %max3A_406 = arith.maximumf %add3A_402, %mul3A_405 : vector<16xf32>
      %mul3A_407 = arith.mulf %get3A_395, %max3A_406 : vector<16xf32>
      %ge3A_408 = arith.constant 0.000000e+00 : f32
      %ge3A_409 = vector.broadcast %ge3A_408 : f32 to vector<16xf32>
      %ge3A_410 = arith.cmpf oge, %get3A_395, %ge3A_409 : vector<16xf32>
      %sub3A_411 = arith.subf %mul3A_407, %get3A_4 : vector<16xf32>
      %exp3A_412 = math.exp %sub3A_411 : vector<16xf32>
      %jit3A_413 = arith.constant 0.000000e+00 : f32
      %broadcast_in_dim3A_414 = vector.broadcast %jit3A_413 : f32 to vector<16xf32>
      %select_n3A_415 = arith.select %ge3A_410, %exp3A_412, %broadcast_in_dim3A_414 : vector<16xi1>, vector<16xf32>
      %swap3A_416 = arith.constant 112 : index
      %swap3A_417 = tpu.vector_load %arg16[%swap3A_416] {strides = array<i32>} : memref<128xf32, #tpu.memory_space<vmem>>, vector<16xf32>,
      %swap3A_418 = vector.shape_cast %swap3A_417 : vector<16xf32> to vector<16xf32>
      %swap3A_419 = vector.shape_cast %select_n3A_415 : vector<16xf32> to vector<16xf32>
      tpu.vector_store %arg16[%swap3A_416], %swap3A_419 {strides = array<i32>} : memref<128xf32, #tpu.memory_space<vmem>>, vector<16xf32>,
      "tpu.region"() ({
        %run_scoped3A_431 = tpu.sem_alloc : memref<!tpu.dma_semaphore, #tpu.memory_space<semaphore_mem>>
        %dma_start3A_432 = arith.constant 0 : i32
        %dma_start3A_433 = tpu.memref_slice %arg20[%dma_start3A_432] : memref<10240xf32, #tpu.memory_space<vmem_shared>> -> memref<10240xf32, #tpu.memory_space<vmem_shared>>
        tpu.enqueue_indirect_dma source(%arg16 : memref<128xf32, #tpu.memory_space<vmem>>) target(%dma_start3A_433 : memref<10240xf32, #tpu.memory_space<vmem_shared>>) offsets(%arg13 : memref<128xi32, #tpu.memory_space<vmem>>) semaphore(%run_scoped3A_431 : memref<!tpu.dma_semaphore, #tpu.memory_space<semaphore_mem>>) {add = true}
        %dma_wait3A_434 = arith.constant 0 : i32
        %dma_wait3A_435 = tpu.memref_slice %arg20[%dma_wait3A_434] : memref<10240xf32, #tpu.memory_space<vmem_shared>> -> memref<10240xf32, #tpu.memory_space<vmem_shared>>
        tpu.wait_indirect_dma semaphore(%run_scoped3A_431 : memref<!tpu.dma_semaphore, #tpu.memory_space<semaphore_mem>>) src(%arg16 : memref<128xf32, #tpu.memory_space<vmem>>) dst(%dma_wait3A_435 : memref<10240xf32, #tpu.memory_space<vmem_shared>>)
        tpu.yield
      }) : () -> ()
      %dma_wait3A_420 = arith.constant 0 : i32
      %dma_wait3A_421 = arith.constant 0 : i32
      %dma_wait3A_422 = tpu.memref_slice %arg2[%dma_wait3A_420, %dma_wait3A_421] : memref<10000x128xf32, #tpu.memory_space<hbm>> -> memref<10000x128xf32, #tpu.memory_space<hbm>>
      tpu.wait_indirect_dma semaphore(%arg22 : memref<!tpu.dma_semaphore, #tpu.memory_space<semaphore_mem>>) src(%dma_wait3A_422 : memref<10000x128xf32, #tpu.memory_space<hbm>>) dst(%arg17 : memref<128x128xf32, #tpu.memory_space<vmem>>)
      %scan3A_423 = arith.constant 0 : i32
      %scan3A_424 = arith.constant 0 : i32
      %scan3A_425 = arith.constant 8 : i32
      %scan3A_426 = arith.addi %scan3A_424, %scan3A_425 : i32
      %scan3A_427 = arith.constant 1 : i32
      %scan3A_428 = scf.for %scan3A_431 = %scan3A_424 to %scan3A_426 step %scan3A_427 iter_args(%scan3A_432 = %scan3A_423) -> (i32)  : i32 {
        %mul3A_433 = arith.constant 16 : i32
        %mul3A_434 = arith.muli %scan3A_431, %mul3A_433 : i32
        %get3A_435 = arith.index_cast %mul3A_434 : i32 to index
        %get3A_436 = tpu.vector_load %arg16[%get3A_435] {strides = array<i32>} : memref<128xf32, #tpu.memory_space<vmem>>, vector<16xf32>,
        %get3A_437 = vector.shape_cast %get3A_436 : vector<16xf32> to vector<16xf32>
        %slice3A = vector.extract_strided_slice %get3A_437 {offsets = [0], sizes = [1], strides = [1]} : vector<16xf32> to vector<1xf32>
        %squeeze3A = vector.extract %slice3A[0] : f32 from vector<1xf32>
        %mul3A_438 = arith.constant 16 : i32
        %mul3A_439 = arith.muli %scan3A_431, %mul3A_438 : i32
        %add3A_440 = arith.constant 0 : i32
        %add3A_441 = arith.addi %mul3A_439, %add3A_440 : i32
        %get3A_442 = arith.index_cast %add3A_441 : i32 to index
        %get3A_443 = arith.constant 0 : index
        %get3A_444 = tpu.vector_load %arg17[%get3A_442, %get3A_443] {strides = array<i32>} : memref<128x128xf32, #tpu.memory_space<vmem>>, vector<1x16xf32>,
        %get3A_445 = vector.shape_cast %get3A_444 : vector<1x16xf32> to vector<16xf32>
        %mul3A_446 = vector.broadcast %squeeze3A : f32 to vector<16xf32>
        %mul3A_447 = arith.mulf %get3A_445, %mul3A_446 : vector<16xf32>
        %swap3A_448 = arith.index_cast %add3A_441 : i32 to index
        %swap3A_449 = arith.constant 0 : index
        %swap3A_450 = tpu.vector_load %arg17[%swap3A_448, %swap3A_449] {strides = array<i32>} : memref<128x128xf32, #tpu.memory_space<vmem>>, vector<1x16xf32>,
        %swap3A_451 = vector.shape_cast %swap3A_450 : vector<1x16xf32> to vector<16xf32>
        %swap3A_452 = vector.shape_cast %mul3A_447 : vector<16xf32> to vector<1x16xf32>
        tpu.vector_store %arg17[%swap3A_448, %swap3A_449], %swap3A_452 {strides = array<i32>} : memref<128x128xf32, #tpu.memory_space<vmem>>, vector<1x16xf32>,
        %get3A_453 = arith.index_cast %add3A_441 : i32 to index
        %get3A_454 = arith.constant 16 : index
        %get3A_455 = tpu.vector_load %arg17[%get3A_453, %get3A_454] {strides = array<i32>} : memref<128x128xf32, #tpu.memory_space<vmem>>, vector<1x16xf32>,
        %get3A_456 = vector.shape_cast %get3A_455 : vector<1x16xf32> to vector<16xf32>
        %mul3A_457 = vector.broadcast %squeeze3A : f32 to vector<16xf32>
        %mul3A_458 = arith.mulf %get3A_456, %mul3A_457 : vector<16xf32>
        %swap3A_459 = arith.index_cast %add3A_441 : i32 to index
        %swap3A_460 = arith.constant 16 : index
        %swap3A_461 = tpu.vector_load %arg17[%swap3A_459, %swap3A_460] {strides = array<i32>} : memref<128x128xf32, #tpu.memory_space<vmem>>, vector<1x16xf32>,
        %swap3A_462 = vector.shape_cast %swap3A_461 : vector<1x16xf32> to vector<16xf32>
        %swap3A_463 = vector.shape_cast %mul3A_458 : vector<16xf32> to vector<1x16xf32>
        tpu.vector_store %arg17[%swap3A_459, %swap3A_460], %swap3A_463 {strides = array<i32>} : memref<128x128xf32, #tpu.memory_space<vmem>>, vector<1x16xf32>,
        %get3A_464 = arith.index_cast %add3A_441 : i32 to index
        %get3A_465 = arith.constant 32 : index
        %get3A_466 = tpu.vector_load %arg17[%get3A_464, %get3A_465] {strides = array<i32>} : memref<128x128xf32, #tpu.memory_space<vmem>>, vector<1x16xf32>,
        %get3A_467 = vector.shape_cast %get3A_466 : vector<1x16xf32> to vector<16xf32>
        %mul3A_468 = vector.broadcast %squeeze3A : f32 to vector<16xf32>
        %mul3A_469 = arith.mulf %get3A_467, %mul3A_468 : vector<16xf32>
        %swap3A_470 = arith.index_cast %add3A_441 : i32 to index
        %swap3A_471 = arith.constant 32 : index
        %swap3A_472 = tpu.vector_load %arg17[%swap3A_470, %swap3A_471] {strides = array<i32>} : memref<128x128xf32, #tpu.memory_space<vmem>>, vector<1x16xf32>,
        %swap3A_473 = vector.shape_cast %swap3A_472 : vector<1x16xf32> to vector<16xf32>
        %swap3A_474 = vector.shape_cast %mul3A_469 : vector<16xf32> to vector<1x16xf32>
        tpu.vector_store %arg17[%swap3A_470, %swap3A_471], %swap3A_474 {strides = array<i32>} : memref<128x128xf32, #tpu.memory_space<vmem>>, vector<1x16xf32>,
        %get3A_475 = arith.index_cast %add3A_441 : i32 to index
        %get3A_476 = arith.constant 48 : index
        %get3A_477 = tpu.vector_load %arg17[%get3A_475, %get3A_476] {strides = array<i32>} : memref<128x128xf32, #tpu.memory_space<vmem>>, vector<1x16xf32>,
        %get3A_478 = vector.shape_cast %get3A_477 : vector<1x16xf32> to vector<16xf32>
        %mul3A_479 = vector.broadcast %squeeze3A : f32 to vector<16xf32>
        %mul3A_480 = arith.mulf %get3A_478, %mul3A_479 : vector<16xf32>
        %swap3A_481 = arith.index_cast %add3A_441 : i32 to index
        %swap3A_482 = arith.constant 48 : index
        %swap3A_483 = tpu.vector_load %arg17[%swap3A_481, %swap3A_482] {strides = array<i32>} : memref<128x128xf32, #tpu.memory_space<vmem>>, vector<1x16xf32>,
        %swap3A_484 = vector.shape_cast %swap3A_483 : vector<1x16xf32> to vector<16xf32>
        %swap3A_485 = vector.shape_cast %mul3A_480 : vector<16xf32> to vector<1x16xf32>
        tpu.vector_store %arg17[%swap3A_481, %swap3A_482], %swap3A_485 {strides = array<i32>} : memref<128x128xf32, #tpu.memory_space<vmem>>, vector<1x16xf32>,
        %get3A_486 = arith.index_cast %add3A_441 : i32 to index
        %get3A_487 = arith.constant 64 : index
        %get3A_488 = tpu.vector_load %arg17[%get3A_486, %get3A_487] {strides = array<i32>} : memref<128x128xf32, #tpu.memory_space<vmem>>, vector<1x16xf32>,
        %get3A_489 = vector.shape_cast %get3A_488 : vector<1x16xf32> to vector<16xf32>
        %mul3A_490 = vector.broadcast %squeeze3A : f32 to vector<16xf32>
        %mul3A_491 = arith.mulf %get3A_489, %mul3A_490 : vector<16xf32>
        %swap3A_492 = arith.index_cast %add3A_441 : i32 to index
        %swap3A_493 = arith.constant 64 : index
        %swap3A_494 = tpu.vector_load %arg17[%swap3A_492, %swap3A_493] {strides = array<i32>} : memref<128x128xf32, #tpu.memory_space<vmem>>, vector<1x16xf32>,
        %swap3A_495 = vector.shape_cast %swap3A_494 : vector<1x16xf32> to vector<16xf32>
        %swap3A_496 = vector.shape_cast %mul3A_491 : vector<16xf32> to vector<1x16xf32>
        tpu.vector_store %arg17[%swap3A_492, %swap3A_493], %swap3A_496 {strides = array<i32>} : memref<128x128xf32, #tpu.memory_space<vmem>>, vector<1x16xf32>,
        %get3A_497 = arith.index_cast %add3A_441 : i32 to index
        %get3A_498 = arith.constant 80 : index
        %get3A_499 = tpu.vector_load %arg17[%get3A_497, %get3A_498] {strides = array<i32>} : memref<128x128xf32, #tpu.memory_space<vmem>>, vector<1x16xf32>,
        %get3A_500 = vector.shape_cast %get3A_499 : vector<1x16xf32> to vector<16xf32>
        %mul3A_501 = vector.broadcast %squeeze3A : f32 to vector<16xf32>
        %mul3A_502 = arith.mulf %get3A_500, %mul3A_501 : vector<16xf32>
        %swap3A_503 = arith.index_cast %add3A_441 : i32 to index
        %swap3A_504 = arith.constant 80 : index
        %swap3A_505 = tpu.vector_load %arg17[%swap3A_503, %swap3A_504] {strides = array<i32>} : memref<128x128xf32, #tpu.memory_space<vmem>>, vector<1x16xf32>,
        %swap3A_506 = vector.shape_cast %swap3A_505 : vector<1x16xf32> to vector<16xf32>
        %swap3A_507 = vector.shape_cast %mul3A_502 : vector<16xf32> to vector<1x16xf32>
        tpu.vector_store %arg17[%swap3A_503, %swap3A_504], %swap3A_507 {strides = array<i32>} : memref<128x128xf32, #tpu.memory_space<vmem>>, vector<1x16xf32>,
        %get3A_508 = arith.index_cast %add3A_441 : i32 to index
        %get3A_509 = arith.constant 96 : index
        %get3A_510 = tpu.vector_load %arg17[%get3A_508, %get3A_509] {strides = array<i32>} : memref<128x128xf32, #tpu.memory_space<vmem>>, vector<1x16xf32>,
        %get3A_511 = vector.shape_cast %get3A_510 : vector<1x16xf32> to vector<16xf32>
        %mul3A_512 = vector.broadcast %squeeze3A : f32 to vector<16xf32>
        %mul3A_513 = arith.mulf %get3A_511, %mul3A_512 : vector<16xf32>
        %swap3A_514 = arith.index_cast %add3A_441 : i32 to index
        %swap3A_515 = arith.constant 96 : index
        %swap3A_516 = tpu.vector_load %arg17[%swap3A_514, %swap3A_515] {strides = array<i32>} : memref<128x128xf32, #tpu.memory_space<vmem>>, vector<1x16xf32>,
        %swap3A_517 = vector.shape_cast %swap3A_516 : vector<1x16xf32> to vector<16xf32>
        %swap3A_518 = vector.shape_cast %mul3A_513 : vector<16xf32> to vector<1x16xf32>
        tpu.vector_store %arg17[%swap3A_514, %swap3A_515], %swap3A_518 {strides = array<i32>} : memref<128x128xf32, #tpu.memory_space<vmem>>, vector<1x16xf32>,
        %get3A_519 = arith.index_cast %add3A_441 : i32 to index
        %get3A_520 = arith.constant 112 : index
        %get3A_521 = tpu.vector_load %arg17[%get3A_519, %get3A_520] {strides = array<i32>} : memref<128x128xf32, #tpu.memory_space<vmem>>, vector<1x16xf32>,
        %get3A_522 = vector.shape_cast %get3A_521 : vector<1x16xf32> to vector<16xf32>
        %mul3A_523 = vector.broadcast %squeeze3A : f32 to vector<16xf32>
        %mul3A_524 = arith.mulf %get3A_522, %mul3A_523 : vector<16xf32>
        %swap3A_525 = arith.index_cast %add3A_441 : i32 to index
        %swap3A_526 = arith.constant 112 : index
        %swap3A_527 = tpu.vector_load %arg17[%swap3A_525, %swap3A_526] {strides = array<i32>} : memref<128x128xf32, #tpu.memory_space<vmem>>, vector<1x16xf32>,
        %swap3A_528 = vector.shape_cast %swap3A_527 : vector<1x16xf32> to vector<16xf32>
        %swap3A_529 = vector.shape_cast %mul3A_524 : vector<16xf32> to vector<1x16xf32>
        tpu.vector_store %arg17[%swap3A_525, %swap3A_526], %swap3A_529 {strides = array<i32>} : memref<128x128xf32, #tpu.memory_space<vmem>>, vector<1x16xf32>,
        %slice3A_530 = vector.extract_strided_slice %get3A_437 {offsets = [1], sizes = [1], strides = [1]} : vector<16xf32> to vector<1xf32>
        %squeeze3A_531 = vector.extract %slice3A_530[0] : f32 from vector<1xf32>
        %mul3A_532 = arith.constant 16 : i32
        %mul3A_533 = arith.muli %scan3A_431, %mul3A_532 : i32
        %add3A_534 = arith.constant 1 : i32
        %add3A_535 = arith.addi %mul3A_533, %add3A_534 : i32
        %get3A_536 = arith.index_cast %add3A_535 : i32 to index
        %get3A_537 = arith.constant 0 : index
        %get3A_538 = tpu.vector_load %arg17[%get3A_536, %get3A_537] {strides = array<i32>} : memref<128x128xf32, #tpu.memory_space<vmem>>, vector<1x16xf32>,
        %get3A_539 = vector.shape_cast %get3A_538 : vector<1x16xf32> to vector<16xf32>
        %mul3A_540 = vector.broadcast %squeeze3A_531 : f32 to vector<16xf32>
        %mul3A_541 = arith.mulf %get3A_539, %mul3A_540 : vector<16xf32>
        %swap3A_542 = arith.index_cast %add3A_535 : i32 to index
        %swap3A_543 = arith.constant 0 : index
        %swap3A_544 = tpu.vector_load %arg17[%swap3A_542, %swap3A_543] {strides = array<i32>} : memref<128x128xf32, #tpu.memory_space<vmem>>, vector<1x16xf32>,
        %swap3A_545 = vector.shape_cast %swap3A_544 : vector<1x16xf32> to vector<16xf32>
        %swap3A_546 = vector.shape_cast %mul3A_541 : vector<16xf32> to vector<1x16xf32>
        tpu.vector_store %arg17[%swap3A_542, %swap3A_543], %swap3A_546 {strides = array<i32>} : memref<128x128xf32, #tpu.memory_space<vmem>>, vector<1x16xf32>,
        %get3A_547 = arith.index_cast %add3A_535 : i32 to index
        %get3A_548 = arith.constant 16 : index
        %get3A_549 = tpu.vector_load %arg17[%get3A_547, %get3A_548] {strides = array<i32>} : memref<128x128xf32, #tpu.memory_space<vmem>>, vector<1x16xf32>,
        %get3A_550 = vector.shape_cast %get3A_549 : vector<1x16xf32> to vector<16xf32>
        %mul3A_551 = vector.broadcast %squeeze3A_531 : f32 to vector<16xf32>
        %mul3A_552 = arith.mulf %get3A_550, %mul3A_551 : vector<16xf32>
        %swap3A_553 = arith.index_cast %add3A_535 : i32 to index
        %swap3A_554 = arith.constant 16 : index
        %swap3A_555 = tpu.vector_load %arg17[%swap3A_553, %swap3A_554] {strides = array<i32>} : memref<128x128xf32, #tpu.memory_space<vmem>>, vector<1x16xf32>,
        %swap3A_556 = vector.shape_cast %swap3A_555 : vector<1x16xf32> to vector<16xf32>
        %swap3A_557 = vector.shape_cast %mul3A_552 : vector<16xf32> to vector<1x16xf32>
        tpu.vector_store %arg17[%swap3A_553, %swap3A_554], %swap3A_557 {strides = array<i32>} : memref<128x128xf32, #tpu.memory_space<vmem>>, vector<1x16xf32>,
        %get3A_558 = arith.index_cast %add3A_535 : i32 to index
        %get3A_559 = arith.constant 32 : index
        %get3A_560 = tpu.vector_load %arg17[%get3A_558, %get3A_559] {strides = array<i32>} : memref<128x128xf32, #tpu.memory_space<vmem>>, vector<1x16xf32>,
        %get3A_561 = vector.shape_cast %get3A_560 : vector<1x16xf32> to vector<16xf32>
        %mul3A_562 = vector.broadcast %squeeze3A_531 : f32 to vector<16xf32>
        %mul3A_563 = arith.mulf %get3A_561, %mul3A_562 : vector<16xf32>
        %swap3A_564 = arith.index_cast %add3A_535 : i32 to index
        %swap3A_565 = arith.constant 32 : index
        %swap3A_566 = tpu.vector_load %arg17[%swap3A_564, %swap3A_565] {strides = array<i32>} : memref<128x128xf32, #tpu.memory_space<vmem>>, vector<1x16xf32>,
        %swap3A_567 = vector.shape_cast %swap3A_566 : vector<1x16xf32> to vector<16xf32>
        %swap3A_568 = vector.shape_cast %mul3A_563 : vector<16xf32> to vector<1x16xf32>
        tpu.vector_store %arg17[%swap3A_564, %swap3A_565], %swap3A_568 {strides = array<i32>} : memref<128x128xf32, #tpu.memory_space<vmem>>, vector<1x16xf32>,
        %get3A_569 = arith.index_cast %add3A_535 : i32 to index
        %get3A_570 = arith.constant 48 : index
        %get3A_571 = tpu.vector_load %arg17[%get3A_569, %get3A_570] {strides = array<i32>} : memref<128x128xf32, #tpu.memory_space<vmem>>, vector<1x16xf32>,
        %get3A_572 = vector.shape_cast %get3A_571 : vector<1x16xf32> to vector<16xf32>
        %mul3A_573 = vector.broadcast %squeeze3A_531 : f32 to vector<16xf32>
        %mul3A_574 = arith.mulf %get3A_572, %mul3A_573 : vector<16xf32>
        %swap3A_575 = arith.index_cast %add3A_535 : i32 to index
        %swap3A_576 = arith.constant 48 : index
        %swap3A_577 = tpu.vector_load %arg17[%swap3A_575, %swap3A_576] {strides = array<i32>} : memref<128x128xf32, #tpu.memory_space<vmem>>, vector<1x16xf32>,
        %swap3A_578 = vector.shape_cast %swap3A_577 : vector<1x16xf32> to vector<16xf32>
        %swap3A_579 = vector.shape_cast %mul3A_574 : vector<16xf32> to vector<1x16xf32>
        tpu.vector_store %arg17[%swap3A_575, %swap3A_576], %swap3A_579 {strides = array<i32>} : memref<128x128xf32, #tpu.memory_space<vmem>>, vector<1x16xf32>,
        %get3A_580 = arith.index_cast %add3A_535 : i32 to index
        %get3A_581 = arith.constant 64 : index
        %get3A_582 = tpu.vector_load %arg17[%get3A_580, %get3A_581] {strides = array<i32>} : memref<128x128xf32, #tpu.memory_space<vmem>>, vector<1x16xf32>,
        %get3A_583 = vector.shape_cast %get3A_582 : vector<1x16xf32> to vector<16xf32>
        %mul3A_584 = vector.broadcast %squeeze3A_531 : f32 to vector<16xf32>
        %mul3A_585 = arith.mulf %get3A_583, %mul3A_584 : vector<16xf32>
        %swap3A_586 = arith.index_cast %add3A_535 : i32 to index
        %swap3A_587 = arith.constant 64 : index
        %swap3A_588 = tpu.vector_load %arg17[%swap3A_586, %swap3A_587] {strides = array<i32>} : memref<128x128xf32, #tpu.memory_space<vmem>>, vector<1x16xf32>,
        %swap3A_589 = vector.shape_cast %swap3A_588 : vector<1x16xf32> to vector<16xf32>
        %swap3A_590 = vector.shape_cast %mul3A_585 : vector<16xf32> to vector<1x16xf32>
        tpu.vector_store %arg17[%swap3A_586, %swap3A_587], %swap3A_590 {strides = array<i32>} : memref<128x128xf32, #tpu.memory_space<vmem>>, vector<1x16xf32>,
        %get3A_591 = arith.index_cast %add3A_535 : i32 to index
        %get3A_592 = arith.constant 80 : index
        %get3A_593 = tpu.vector_load %arg17[%get3A_591, %get3A_592] {strides = array<i32>} : memref<128x128xf32, #tpu.memory_space<vmem>>, vector<1x16xf32>,
        %get3A_594 = vector.shape_cast %get3A_593 : vector<1x16xf32> to vector<16xf32>
        %mul3A_595 = vector.broadcast %squeeze3A_531 : f32 to vector<16xf32>
        %mul3A_596 = arith.mulf %get3A_594, %mul3A_595 : vector<16xf32>
        %swap3A_597 = arith.index_cast %add3A_535 : i32 to index
        %swap3A_598 = arith.constant 80 : index
        %swap3A_599 = tpu.vector_load %arg17[%swap3A_597, %swap3A_598] {strides = array<i32>} : memref<128x128xf32, #tpu.memory_space<vmem>>, vector<1x16xf32>,
        %swap3A_600 = vector.shape_cast %swap3A_599 : vector<1x16xf32> to vector<16xf32>
        %swap3A_601 = vector.shape_cast %mul3A_596 : vector<16xf32> to vector<1x16xf32>
        tpu.vector_store %arg17[%swap3A_597, %swap3A_598], %swap3A_601 {strides = array<i32>} : memref<128x128xf32, #tpu.memory_space<vmem>>, vector<1x16xf32>,
        %get3A_602 = arith.index_cast %add3A_535 : i32 to index
        %get3A_603 = arith.constant 96 : index
        %get3A_604 = tpu.vector_load %arg17[%get3A_602, %get3A_603] {strides = array<i32>} : memref<128x128xf32, #tpu.memory_space<vmem>>, vector<1x16xf32>,
        %get3A_605 = vector.shape_cast %get3A_604 : vector<1x16xf32> to vector<16xf32>
        %mul3A_606 = vector.broadcast %squeeze3A_531 : f32 to vector<16xf32>
        %mul3A_607 = arith.mulf %get3A_605, %mul3A_606 : vector<16xf32>
        %swap3A_608 = arith.index_cast %add3A_535 : i32 to index
        %swap3A_609 = arith.constant 96 : index
        %swap3A_610 = tpu.vector_load %arg17[%swap3A_608, %swap3A_609] {strides = array<i32>} : memref<128x128xf32, #tpu.memory_space<vmem>>, vector<1x16xf32>,
        %swap3A_611 = vector.shape_cast %swap3A_610 : vector<1x16xf32> to vector<16xf32>
        %swap3A_612 = vector.shape_cast %mul3A_607 : vector<16xf32> to vector<1x16xf32>
        tpu.vector_store %arg17[%swap3A_608, %swap3A_609], %swap3A_612 {strides = array<i32>} : memref<128x128xf32, #tpu.memory_space<vmem>>, vector<1x16xf32>,
        %get3A_613 = arith.index_cast %add3A_535 : i32 to index
        %get3A_614 = arith.constant 112 : index
        %get3A_615 = tpu.vector_load %arg17[%get3A_613, %get3A_614] {strides = array<i32>} : memref<128x128xf32, #tpu.memory_space<vmem>>, vector<1x16xf32>,
        %get3A_616 = vector.shape_cast %get3A_615 : vector<1x16xf32> to vector<16xf32>
        %mul3A_617 = vector.broadcast %squeeze3A_531 : f32 to vector<16xf32>
        %mul3A_618 = arith.mulf %get3A_616, %mul3A_617 : vector<16xf32>
        %swap3A_619 = arith.index_cast %add3A_535 : i32 to index
        %swap3A_620 = arith.constant 112 : index
        %swap3A_621 = tpu.vector_load %arg17[%swap3A_619, %swap3A_620] {strides = array<i32>} : memref<128x128xf32, #tpu.memory_space<vmem>>, vector<1x16xf32>,
        %swap3A_622 = vector.shape_cast %swap3A_621 : vector<1x16xf32> to vector<16xf32>
        %swap3A_623 = vector.shape_cast %mul3A_618 : vector<16xf32> to vector<1x16xf32>
        tpu.vector_store %arg17[%swap3A_619, %swap3A_620], %swap3A_623 {strides = array<i32>} : memref<128x128xf32, #tpu.memory_space<vmem>>, vector<1x16xf32>,
        %slice3A_624 = vector.extract_strided_slice %get3A_437 {offsets = [2], sizes = [1], strides = [1]} : vector<16xf32> to vector<1xf32>
        %squeeze3A_625 = vector.extract %slice3A_624[0] : f32 from vector<1xf32>
        %mul3A_626 = arith.constant 16 : i32
        %mul3A_627 = arith.muli %scan3A_431, %mul3A_626 : i32
        %add3A_628 = arith.constant 2 : i32
        %add3A_629 = arith.addi %mul3A_627, %add3A_628 : i32
        %get3A_630 = arith.index_cast %add3A_629 : i32 to index
        %get3A_631 = arith.constant 0 : index
        %get3A_632 = tpu.vector_load %arg17[%get3A_630, %get3A_631] {strides = array<i32>} : memref<128x128xf32, #tpu.memory_space<vmem>>, vector<1x16xf32>,
        %get3A_633 = vector.shape_cast %get3A_632 : vector<1x16xf32> to vector<16xf32>
        %mul3A_634 = vector.broadcast %squeeze3A_625 : f32 to vector<16xf32>
        %mul3A_635 = arith.mulf %get3A_633, %mul3A_634 : vector<16xf32>
        %swap3A_636 = arith.index_cast %add3A_629 : i32 to index
        %swap3A_637 = arith.constant 0 : index
        %swap3A_638 = tpu.vector_load %arg17[%swap3A_636, %swap3A_637] {strides = array<i32>} : memref<128x128xf32, #tpu.memory_space<vmem>>, vector<1x16xf32>,
        %swap3A_639 = vector.shape_cast %swap3A_638 : vector<1x16xf32> to vector<16xf32>
        %swap3A_640 = vector.shape_cast %mul3A_635 : vector<16xf32> to vector<1x16xf32>
        tpu.vector_store %arg17[%swap3A_636, %swap3A_637], %swap3A_640 {strides = array<i32>} : memref<128x128xf32, #tpu.memory_space<vmem>>, vector<1x16xf32>,
        %get3A_641 = arith.index_cast %add3A_629 : i32 to index
        %get3A_642 = arith.constant 16 : index
        %get3A_643 = tpu.vector_load %arg17[%get3A_641, %get3A_642] {strides = array<i32>} : memref<128x128xf32, #tpu.memory_space<vmem>>, vector<1x16xf32>,
        %get3A_644 = vector.shape_cast %get3A_643 : vector<1x16xf32> to vector<16xf32>
        %mul3A_645 = vector.broadcast %squeeze3A_625 : f32 to vector<16xf32>
        %mul3A_646 = arith.mulf %get3A_644, %mul3A_645 : vector<16xf32>
        %swap3A_647 = arith.index_cast %add3A_629 : i32 to index
        %swap3A_648 = arith.constant 16 : index
        %swap3A_649 = tpu.vector_load %arg17[%swap3A_647, %swap3A_648] {strides = array<i32>} : memref<128x128xf32, #tpu.memory_space<vmem>>, vector<1x16xf32>,
        %swap3A_650 = vector.shape_cast %swap3A_649 : vector<1x16xf32> to vector<16xf32>
        %swap3A_651 = vector.shape_cast %mul3A_646 : vector<16xf32> to vector<1x16xf32>
        tpu.vector_store %arg17[%swap3A_647, %swap3A_648], %swap3A_651 {strides = array<i32>} : memref<128x128xf32, #tpu.memory_space<vmem>>, vector<1x16xf32>,
        %get3A_652 = arith.index_cast %add3A_629 : i32 to index
        %get3A_653 = arith.constant 32 : index
        %get3A_654 = tpu.vector_load %arg17[%get3A_652, %get3A_653] {strides = array<i32>} : memref<128x128xf32, #tpu.memory_space<vmem>>, vector<1x16xf32>,
        %get3A_655 = vector.shape_cast %get3A_654 : vector<1x16xf32> to vector<16xf32>
        %mul3A_656 = vector.broadcast %squeeze3A_625 : f32 to vector<16xf32>
        %mul3A_657 = arith.mulf %get3A_655, %mul3A_656 : vector<16xf32>
        %swap3A_658 = arith.index_cast %add3A_629 : i32 to index
        %swap3A_659 = arith.constant 32 : index
        %swap3A_660 = tpu.vector_load %arg17[%swap3A_658, %swap3A_659] {strides = array<i32>} : memref<128x128xf32, #tpu.memory_space<vmem>>, vector<1x16xf32>,
        %swap3A_661 = vector.shape_cast %swap3A_660 : vector<1x16xf32> to vector<16xf32>
        %swap3A_662 = vector.shape_cast %mul3A_657 : vector<16xf32> to vector<1x16xf32>
        tpu.vector_store %arg17[%swap3A_658, %swap3A_659], %swap3A_662 {strides = array<i32>} : memref<128x128xf32, #tpu.memory_space<vmem>>, vector<1x16xf32>,
        %get3A_663 = arith.index_cast %add3A_629 : i32 to index
        %get3A_664 = arith.constant 48 : index
        %get3A_665 = tpu.vector_load %arg17[%get3A_663, %get3A_664] {strides = array<i32>} : memref<128x128xf32, #tpu.memory_space<vmem>>, vector<1x16xf32>,
        %get3A_666 = vector.shape_cast %get3A_665 : vector<1x16xf32> to vector<16xf32>
        %mul3A_667 = vector.broadcast %squeeze3A_625 : f32 to vector<16xf32>
        %mul3A_668 = arith.mulf %get3A_666, %mul3A_667 : vector<16xf32>
        %swap3A_669 = arith.index_cast %add3A_629 : i32 to index
        %swap3A_670 = arith.constant 48 : index
        %swap3A_671 = tpu.vector_load %arg17[%swap3A_669, %swap3A_670] {strides = array<i32>} : memref<128x128xf32, #tpu.memory_space<vmem>>, vector<1x16xf32>,
        %swap3A_672 = vector.shape_cast %swap3A_671 : vector<1x16xf32> to vector<16xf32>
        %swap3A_673 = vector.shape_cast %mul3A_668 : vector<16xf32> to vector<1x16xf32>
        tpu.vector_store %arg17[%swap3A_669, %swap3A_670], %swap3A_673 {strides = array<i32>} : memref<128x128xf32, #tpu.memory_space<vmem>>, vector<1x16xf32>,
        %get3A_674 = arith.index_cast %add3A_629 : i32 to index
        %get3A_675 = arith.constant 64 : index
        %get3A_676 = tpu.vector_load %arg17[%get3A_674, %get3A_675] {strides = array<i32>} : memref<128x128xf32, #tpu.memory_space<vmem>>, vector<1x16xf32>,
        %get3A_677 = vector.shape_cast %get3A_676 : vector<1x16xf32> to vector<16xf32>
        %mul3A_678 = vector.broadcast %squeeze3A_625 : f32 to vector<16xf32>
        %mul3A_679 = arith.mulf %get3A_677, %mul3A_678 : vector<16xf32>
        %swap3A_680 = arith.index_cast %add3A_629 : i32 to index
        %swap3A_681 = arith.constant 64 : index
        %swap3A_682 = tpu.vector_load %arg17[%swap3A_680, %swap3A_681] {strides = array<i32>} : memref<128x128xf32, #tpu.memory_space<vmem>>, vector<1x16xf32>,
        %swap3A_683 = vector.shape_cast %swap3A_682 : vector<1x16xf32> to vector<16xf32>
        %swap3A_684 = vector.shape_cast %mul3A_679 : vector<16xf32> to vector<1x16xf32>
        tpu.vector_store %arg17[%swap3A_680, %swap3A_681], %swap3A_684 {strides = array<i32>} : memref<128x128xf32, #tpu.memory_space<vmem>>, vector<1x16xf32>,
        %get3A_685 = arith.index_cast %add3A_629 : i32 to index
        %get3A_686 = arith.constant 80 : index
        %get3A_687 = tpu.vector_load %arg17[%get3A_685, %get3A_686] {strides = array<i32>} : memref<128x128xf32, #tpu.memory_space<vmem>>, vector<1x16xf32>,
        %get3A_688 = vector.shape_cast %get3A_687 : vector<1x16xf32> to vector<16xf32>
        %mul3A_689 = vector.broadcast %squeeze3A_625 : f32 to vector<16xf32>
        %mul3A_690 = arith.mulf %get3A_688, %mul3A_689 : vector<16xf32>
        %swap3A_691 = arith.index_cast %add3A_629 : i32 to index
        %swap3A_692 = arith.constant 80 : index
        %swap3A_693 = tpu.vector_load %arg17[%swap3A_691, %swap3A_692] {strides = array<i32>} : memref<128x128xf32, #tpu.memory_space<vmem>>, vector<1x16xf32>,
        %swap3A_694 = vector.shape_cast %swap3A_693 : vector<1x16xf32> to vector<16xf32>
        %swap3A_695 = vector.shape_cast %mul3A_690 : vector<16xf32> to vector<1x16xf32>
        tpu.vector_store %arg17[%swap3A_691, %swap3A_692], %swap3A_695 {strides = array<i32>} : memref<128x128xf32, #tpu.memory_space<vmem>>, vector<1x16xf32>,
        %get3A_696 = arith.index_cast %add3A_629 : i32 to index
        %get3A_697 = arith.constant 96 : index
        %get3A_698 = tpu.vector_load %arg17[%get3A_696, %get3A_697] {strides = array<i32>} : memref<128x128xf32, #tpu.memory_space<vmem>>, vector<1x16xf32>,
        %get3A_699 = vector.shape_cast %get3A_698 : vector<1x16xf32> to vector<16xf32>
        %mul3A_700 = vector.broadcast %squeeze3A_625 : f32 to vector<16xf32>
        %mul3A_701 = arith.mulf %get3A_699, %mul3A_700 : vector<16xf32>
        %swap3A_702 = arith.index_cast %add3A_629 : i32 to index
        %swap3A_703 = arith.constant 96 : index
        %swap3A_704 = tpu.vector_load %arg17[%swap3A_702, %swap3A_703] {strides = array<i32>} : memref<128x128xf32, #tpu.memory_space<vmem>>, vector<1x16xf32>,
        %swap3A_705 = vector.shape_cast %swap3A_704 : vector<1x16xf32> to vector<16xf32>
        %swap3A_706 = vector.shape_cast %mul3A_701 : vector<16xf32> to vector<1x16xf32>
        tpu.vector_store %arg17[%swap3A_702, %swap3A_703], %swap3A_706 {strides = array<i32>} : memref<128x128xf32, #tpu.memory_space<vmem>>, vector<1x16xf32>,
        %get3A_707 = arith.index_cast %add3A_629 : i32 to index
        %get3A_708 = arith.constant 112 : index
        %get3A_709 = tpu.vector_load %arg17[%get3A_707, %get3A_708] {strides = array<i32>} : memref<128x128xf32, #tpu.memory_space<vmem>>, vector<1x16xf32>,
        %get3A_710 = vector.shape_cast %get3A_709 : vector<1x16xf32> to vector<16xf32>
        %mul3A_711 = vector.broadcast %squeeze3A_625 : f32 to vector<16xf32>
        %mul3A_712 = arith.mulf %get3A_710, %mul3A_711 : vector<16xf32>
        %swap3A_713 = arith.index_cast %add3A_629 : i32 to index
        %swap3A_714 = arith.constant 112 : index
        %swap3A_715 = tpu.vector_load %arg17[%swap3A_713, %swap3A_714] {strides = array<i32>} : memref<128x128xf32, #tpu.memory_space<vmem>>, vector<1x16xf32>,
        %swap3A_716 = vector.shape_cast %swap3A_715 : vector<1x16xf32> to vector<16xf32>
        %swap3A_717 = vector.shape_cast %mul3A_712 : vector<16xf32> to vector<1x16xf32>
        tpu.vector_store %arg17[%swap3A_713, %swap3A_714], %swap3A_717 {strides = array<i32>} : memref<128x128xf32, #tpu.memory_space<vmem>>, vector<1x16xf32>,
        %slice3A_718 = vector.extract_strided_slice %get3A_437 {offsets = [3], sizes = [1], strides = [1]} : vector<16xf32> to vector<1xf32>
        %squeeze3A_719 = vector.extract %slice3A_718[0] : f32 from vector<1xf32>
        %mul3A_720 = arith.constant 16 : i32
        %mul3A_721 = arith.muli %scan3A_431, %mul3A_720 : i32
        %add3A_722 = arith.constant 3 : i32
        %add3A_723 = arith.addi %mul3A_721, %add3A_722 : i32
        %get3A_724 = arith.index_cast %add3A_723 : i32 to index
        %get3A_725 = arith.constant 0 : index
        %get3A_726 = tpu.vector_load %arg17[%get3A_724, %get3A_725] {strides = array<i32>} : memref<128x128xf32, #tpu.memory_space<vmem>>, vector<1x16xf32>,
        %get3A_727 = vector.shape_cast %get3A_726 : vector<1x16xf32> to vector<16xf32>
        %mul3A_728 = vector.broadcast %squeeze3A_719 : f32 to vector<16xf32>
        %mul3A_729 = arith.mulf %get3A_727, %mul3A_728 : vector<16xf32>
        %swap3A_730 = arith.index_cast %add3A_723 : i32 to index
        %swap3A_731 = arith.constant 0 : index
        %swap3A_732 = tpu.vector_load %arg17[%swap3A_730, %swap3A_731] {strides = array<i32>} : memref<128x128xf32, #tpu.memory_space<vmem>>, vector<1x16xf32>,
        %swap3A_733 = vector.shape_cast %swap3A_732 : vector<1x16xf32> to vector<16xf32>
        %swap3A_734 = vector.shape_cast %mul3A_729 : vector<16xf32> to vector<1x16xf32>
        tpu.vector_store %arg17[%swap3A_730, %swap3A_731], %swap3A_734 {strides = array<i32>} : memref<128x128xf32, #tpu.memory_space<vmem>>, vector<1x16xf32>,
        %get3A_735 = arith.index_cast %add3A_723 : i32 to index
        %get3A_736 = arith.constant 16 : index
        %get3A_737 = tpu.vector_load %arg17[%get3A_735, %get3A_736] {strides = array<i32>} : memref<128x128xf32, #tpu.memory_space<vmem>>, vector<1x16xf32>,
        %get3A_738 = vector.shape_cast %get3A_737 : vector<1x16xf32> to vector<16xf32>
        %mul3A_739 = vector.broadcast %squeeze3A_719 : f32 to vector<16xf32>
        %mul3A_740 = arith.mulf %get3A_738, %mul3A_739 : vector<16xf32>
        %swap3A_741 = arith.index_cast %add3A_723 : i32 to index
        %swap3A_742 = arith.constant 16 : index
        %swap3A_743 = tpu.vector_load %arg17[%swap3A_741, %swap3A_742] {strides = array<i32>} : memref<128x128xf32, #tpu.memory_space<vmem>>, vector<1x16xf32>,
        %swap3A_744 = vector.shape_cast %swap3A_743 : vector<1x16xf32> to vector<16xf32>
        %swap3A_745 = vector.shape_cast %mul3A_740 : vector<16xf32> to vector<1x16xf32>
        tpu.vector_store %arg17[%swap3A_741, %swap3A_742], %swap3A_745 {strides = array<i32>} : memref<128x128xf32, #tpu.memory_space<vmem>>, vector<1x16xf32>,
        %get3A_746 = arith.index_cast %add3A_723 : i32 to index
        %get3A_747 = arith.constant 32 : index
        %get3A_748 = tpu.vector_load %arg17[%get3A_746, %get3A_747] {strides = array<i32>} : memref<128x128xf32, #tpu.memory_space<vmem>>, vector<1x16xf32>,
        %get3A_749 = vector.shape_cast %get3A_748 : vector<1x16xf32> to vector<16xf32>
        %mul3A_750 = vector.broadcast %squeeze3A_719 : f32 to vector<16xf32>
        %mul3A_751 = arith.mulf %get3A_749, %mul3A_750 : vector<16xf32>
        %swap3A_752 = arith.index_cast %add3A_723 : i32 to index
        %swap3A_753 = arith.constant 32 : index
        %swap3A_754 = tpu.vector_load %arg17[%swap3A_752, %swap3A_753] {strides = array<i32>} : memref<128x128xf32, #tpu.memory_space<vmem>>, vector<1x16xf32>,
        %swap3A_755 = vector.shape_cast %swap3A_754 : vector<1x16xf32> to vector<16xf32>
        %swap3A_756 = vector.shape_cast %mul3A_751 : vector<16xf32> to vector<1x16xf32>
        tpu.vector_store %arg17[%swap3A_752, %swap3A_753], %swap3A_756 {strides = array<i32>} : memref<128x128xf32, #tpu.memory_space<vmem>>, vector<1x16xf32>,
        %get3A_757 = arith.index_cast %add3A_723 : i32 to index
        %get3A_758 = arith.constant 48 : index
        %get3A_759 = tpu.vector_load %arg17[%get3A_757, %get3A_758] {strides = array<i32>} : memref<128x128xf32, #tpu.memory_space<vmem>>, vector<1x16xf32>,
        %get3A_760 = vector.shape_cast %get3A_759 : vector<1x16xf32> to vector<16xf32>
        %mul3A_761 = vector.broadcast %squeeze3A_719 : f32 to vector<16xf32>
        %mul3A_762 = arith.mulf %get3A_760, %mul3A_761 : vector<16xf32>
        %swap3A_763 = arith.index_cast %add3A_723 : i32 to index
        %swap3A_764 = arith.constant 48 : index
        %swap3A_765 = tpu.vector_load %arg17[%swap3A_763, %swap3A_764] {strides = array<i32>} : memref<128x128xf32, #tpu.memory_space<vmem>>, vector<1x16xf32>,
        %swap3A_766 = vector.shape_cast %swap3A_765 : vector<1x16xf32> to vector<16xf32>
        %swap3A_767 = vector.shape_cast %mul3A_762 : vector<16xf32> to vector<1x16xf32>
        tpu.vector_store %arg17[%swap3A_763, %swap3A_764], %swap3A_767 {strides = array<i32>} : memref<128x128xf32, #tpu.memory_space<vmem>>, vector<1x16xf32>,
        %get3A_768 = arith.index_cast %add3A_723 : i32 to index
        %get3A_769 = arith.constant 64 : index
        %get3A_770 = tpu.vector_load %arg17[%get3A_768, %get3A_769] {strides = array<i32>} : memref<128x128xf32, #tpu.memory_space<vmem>>, vector<1x16xf32>,
        %get3A_771 = vector.shape_cast %get3A_770 : vector<1x16xf32> to vector<16xf32>
        %mul3A_772 = vector.broadcast %squeeze3A_719 : f32 to vector<16xf32>
        %mul3A_773 = arith.mulf %get3A_771, %mul3A_772 : vector<16xf32>
        %swap3A_774 = arith.index_cast %add3A_723 : i32 to index
        %swap3A_775 = arith.constant 64 : index
        %swap3A_776 = tpu.vector_load %arg17[%swap3A_774, %swap3A_775] {strides = array<i32>} : memref<128x128xf32, #tpu.memory_space<vmem>>, vector<1x16xf32>,
        %swap3A_777 = vector.shape_cast %swap3A_776 : vector<1x16xf32> to vector<16xf32>
        %swap3A_778 = vector.shape_cast %mul3A_773 : vector<16xf32> to vector<1x16xf32>
        tpu.vector_store %arg17[%swap3A_774, %swap3A_775], %swap3A_778 {strides = array<i32>} : memref<128x128xf32, #tpu.memory_space<vmem>>, vector<1x16xf32>,
        %get3A_779 = arith.index_cast %add3A_723 : i32 to index
        %get3A_780 = arith.constant 80 : index
        %get3A_781 = tpu.vector_load %arg17[%get3A_779, %get3A_780] {strides = array<i32>} : memref<128x128xf32, #tpu.memory_space<vmem>>, vector<1x16xf32>,
        %get3A_782 = vector.shape_cast %get3A_781 : vector<1x16xf32> to vector<16xf32>
        %mul3A_783 = vector.broadcast %squeeze3A_719 : f32 to vector<16xf32>
        %mul3A_784 = arith.mulf %get3A_782, %mul3A_783 : vector<16xf32>
        %swap3A_785 = arith.index_cast %add3A_723 : i32 to index
        %swap3A_786 = arith.constant 80 : index
        %swap3A_787 = tpu.vector_load %arg17[%swap3A_785, %swap3A_786] {strides = array<i32>} : memref<128x128xf32, #tpu.memory_space<vmem>>, vector<1x16xf32>,
        %swap3A_788 = vector.shape_cast %swap3A_787 : vector<1x16xf32> to vector<16xf32>
        %swap3A_789 = vector.shape_cast %mul3A_784 : vector<16xf32> to vector<1x16xf32>
        tpu.vector_store %arg17[%swap3A_785, %swap3A_786], %swap3A_789 {strides = array<i32>} : memref<128x128xf32, #tpu.memory_space<vmem>>, vector<1x16xf32>,
        %get3A_790 = arith.index_cast %add3A_723 : i32 to index
        %get3A_791 = arith.constant 96 : index
        %get3A_792 = tpu.vector_load %arg17[%get3A_790, %get3A_791] {strides = array<i32>} : memref<128x128xf32, #tpu.memory_space<vmem>>, vector<1x16xf32>,
        %get3A_793 = vector.shape_cast %get3A_792 : vector<1x16xf32> to vector<16xf32>
        %mul3A_794 = vector.broadcast %squeeze3A_719 : f32 to vector<16xf32>
        %mul3A_795 = arith.mulf %get3A_793, %mul3A_794 : vector<16xf32>
        %swap3A_796 = arith.index_cast %add3A_723 : i32 to index
        %swap3A_797 = arith.constant 96 : index
        %swap3A_798 = tpu.vector_load %arg17[%swap3A_796, %swap3A_797] {strides = array<i32>} : memref<128x128xf32, #tpu.memory_space<vmem>>, vector<1x16xf32>,
        %swap3A_799 = vector.shape_cast %swap3A_798 : vector<1x16xf32> to vector<16xf32>
        %swap3A_800 = vector.shape_cast %mul3A_795 : vector<16xf32> to vector<1x16xf32>
        tpu.vector_store %arg17[%swap3A_796, %swap3A_797], %swap3A_800 {strides = array<i32>} : memref<128x128xf32, #tpu.memory_space<vmem>>, vector<1x16xf32>,
        %get3A_801 = arith.index_cast %add3A_723 : i32 to index
        %get3A_802 = arith.constant 112 : index
        %get3A_803 = tpu.vector_load %arg17[%get3A_801, %get3A_802] {strides = array<i32>} : memref<128x128xf32, #tpu.memory_space<vmem>>, vector<1x16xf32>,
        %get3A_804 = vector.shape_cast %get3A_803 : vector<1x16xf32> to vector<16xf32>
        %mul3A_805 = vector.broadcast %squeeze3A_719 : f32 to vector<16xf32>
        %mul3A_806 = arith.mulf %get3A_804, %mul3A_805 : vector<16xf32>
        %swap3A_807 = arith.index_cast %add3A_723 : i32 to index
        %swap3A_808 = arith.constant 112 : index
        %swap3A_809 = tpu.vector_load %arg17[%swap3A_807, %swap3A_808] {strides = array<i32>} : memref<128x128xf32, #tpu.memory_space<vmem>>, vector<1x16xf32>,
        %swap3A_810 = vector.shape_cast %swap3A_809 : vector<1x16xf32> to vector<16xf32>
        %swap3A_811 = vector.shape_cast %mul3A_806 : vector<16xf32> to vector<1x16xf32>
        tpu.vector_store %arg17[%swap3A_807, %swap3A_808], %swap3A_811 {strides = array<i32>} : memref<128x128xf32, #tpu.memory_space<vmem>>, vector<1x16xf32>,
        %slice3A_812 = vector.extract_strided_slice %get3A_437 {offsets = [4], sizes = [1], strides = [1]} : vector<16xf32> to vector<1xf32>
        %squeeze3A_813 = vector.extract %slice3A_812[0] : f32 from vector<1xf32>
        %mul3A_814 = arith.constant 16 : i32
        %mul3A_815 = arith.muli %scan3A_431, %mul3A_814 : i32
        %add3A_816 = arith.constant 4 : i32
        %add3A_817 = arith.addi %mul3A_815, %add3A_816 : i32
        %get3A_818 = arith.index_cast %add3A_817 : i32 to index
        %get3A_819 = arith.constant 0 : index
        %get3A_820 = tpu.vector_load %arg17[%get3A_818, %get3A_819] {strides = array<i32>} : memref<128x128xf32, #tpu.memory_space<vmem>>, vector<1x16xf32>,
        %get3A_821 = vector.shape_cast %get3A_820 : vector<1x16xf32> to vector<16xf32>
        %mul3A_822 = vector.broadcast %squeeze3A_813 : f32 to vector<16xf32>
        %mul3A_823 = arith.mulf %get3A_821, %mul3A_822 : vector<16xf32>
        %swap3A_824 = arith.index_cast %add3A_817 : i32 to index
        %swap3A_825 = arith.constant 0 : index
        %swap3A_826 = tpu.vector_load %arg17[%swap3A_824, %swap3A_825] {strides = array<i32>} : memref<128x128xf32, #tpu.memory_space<vmem>>, vector<1x16xf32>,
        %swap3A_827 = vector.shape_cast %swap3A_826 : vector<1x16xf32> to vector<16xf32>
        %swap3A_828 = vector.shape_cast %mul3A_823 : vector<16xf32> to vector<1x16xf32>
        tpu.vector_store %arg17[%swap3A_824, %swap3A_825], %swap3A_828 {strides = array<i32>} : memref<128x128xf32, #tpu.memory_space<vmem>>, vector<1x16xf32>,
        %get3A_829 = arith.index_cast %add3A_817 : i32 to index
        %get3A_830 = arith.constant 16 : index
        %get3A_831 = tpu.vector_load %arg17[%get3A_829, %get3A_830] {strides = array<i32>} : memref<128x128xf32, #tpu.memory_space<vmem>>, vector<1x16xf32>,
        %get3A_832 = vector.shape_cast %get3A_831 : vector<1x16xf32> to vector<16xf32>
        %mul3A_833 = vector.broadcast %squeeze3A_813 : f32 to vector<16xf32>
        %mul3A_834 = arith.mulf %get3A_832, %mul3A_833 : vector<16xf32>
        %swap3A_835 = arith.index_cast %add3A_817 : i32 to index
        %swap3A_836 = arith.constant 16 : index
        %swap3A_837 = tpu.vector_load %arg17[%swap3A_835, %swap3A_836] {strides = array<i32>} : memref<128x128xf32, #tpu.memory_space<vmem>>, vector<1x16xf32>,
        %swap3A_838 = vector.shape_cast %swap3A_837 : vector<1x16xf32> to vector<16xf32>
        %swap3A_839 = vector.shape_cast %mul3A_834 : vector<16xf32> to vector<1x16xf32>
        tpu.vector_store %arg17[%swap3A_835, %swap3A_836], %swap3A_839 {strides = array<i32>} : memref<128x128xf32, #tpu.memory_space<vmem>>, vector<1x16xf32>,
        %get3A_840 = arith.index_cast %add3A_817 : i32 to index
        %get3A_841 = arith.constant 32 : index
        %get3A_842 = tpu.vector_load %arg17[%get3A_840, %get3A_841] {strides = array<i32>} : memref<128x128xf32, #tpu.memory_space<vmem>>, vector<1x16xf32>,
        %get3A_843 = vector.shape_cast %get3A_842 : vector<1x16xf32> to vector<16xf32>
        %mul3A_844 = vector.broadcast %squeeze3A_813 : f32 to vector<16xf32>
        %mul3A_845 = arith.mulf %get3A_843, %mul3A_844 : vector<16xf32>
        %swap3A_846 = arith.index_cast %add3A_817 : i32 to index
        %swap3A_847 = arith.constant 32 : index
        %swap3A_848 = tpu.vector_load %arg17[%swap3A_846, %swap3A_847] {strides = array<i32>} : memref<128x128xf32, #tpu.memory_space<vmem>>, vector<1x16xf32>,
        %swap3A_849 = vector.shape_cast %swap3A_848 : vector<1x16xf32> to vector<16xf32>
        %swap3A_850 = vector.shape_cast %mul3A_845 : vector<16xf32> to vector<1x16xf32>
        tpu.vector_store %arg17[%swap3A_846, %swap3A_847], %swap3A_850 {strides = array<i32>} : memref<128x128xf32, #tpu.memory_space<vmem>>, vector<1x16xf32>,
        %get3A_851 = arith.index_cast %add3A_817 : i32 to index
        %get3A_852 = arith.constant 48 : index
        %get3A_853 = tpu.vector_load %arg17[%get3A_851, %get3A_852] {strides = array<i32>} : memref<128x128xf32, #tpu.memory_space<vmem>>, vector<1x16xf32>,
        %get3A_854 = vector.shape_cast %get3A_853 : vector<1x16xf32> to vector<16xf32>
        %mul3A_855 = vector.broadcast %squeeze3A_813 : f32 to vector<16xf32>
        %mul3A_856 = arith.mulf %get3A_854, %mul3A_855 : vector<16xf32>
        %swap3A_857 = arith.index_cast %add3A_817 : i32 to index
        %swap3A_858 = arith.constant 48 : index
        %swap3A_859 = tpu.vector_load %arg17[%swap3A_857, %swap3A_858] {strides = array<i32>} : memref<128x128xf32, #tpu.memory_space<vmem>>, vector<1x16xf32>,
        %swap3A_860 = vector.shape_cast %swap3A_859 : vector<1x16xf32> to vector<16xf32>
        %swap3A_861 = vector.shape_cast %mul3A_856 : vector<16xf32> to vector<1x16xf32>
        tpu.vector_store %arg17[%swap3A_857, %swap3A_858], %swap3A_861 {strides = array<i32>} : memref<128x128xf32, #tpu.memory_space<vmem>>, vector<1x16xf32>,
        %get3A_862 = arith.index_cast %add3A_817 : i32 to index
        %get3A_863 = arith.constant 64 : index
        %get3A_864 = tpu.vector_load %arg17[%get3A_862, %get3A_863] {strides = array<i32>} : memref<128x128xf32, #tpu.memory_space<vmem>>, vector<1x16xf32>,
        %get3A_865 = vector.shape_cast %get3A_864 : vector<1x16xf32> to vector<16xf32>
        %mul3A_866 = vector.broadcast %squeeze3A_813 : f32 to vector<16xf32>
        %mul3A_867 = arith.mulf %get3A_865, %mul3A_866 : vector<16xf32>
        %swap3A_868 = arith.index_cast %add3A_817 : i32 to index
        %swap3A_869 = arith.constant 64 : index
        %swap3A_870 = tpu.vector_load %arg17[%swap3A_868, %swap3A_869] {strides = array<i32>} : memref<128x128xf32, #tpu.memory_space<vmem>>, vector<1x16xf32>,
        %swap3A_871 = vector.shape_cast %swap3A_870 : vector<1x16xf32> to vector<16xf32>
        %swap3A_872 = vector.shape_cast %mul3A_867 : vector<16xf32> to vector<1x16xf32>
        tpu.vector_store %arg17[%swap3A_868, %swap3A_869], %swap3A_872 {strides = array<i32>} : memref<128x128xf32, #tpu.memory_space<vmem>>, vector<1x16xf32>,
        %get3A_873 = arith.index_cast %add3A_817 : i32 to index
        %get3A_874 = arith.constant 80 : index
        %get3A_875 = tpu.vector_load %arg17[%get3A_873, %get3A_874] {strides = array<i32>} : memref<128x128xf32, #tpu.memory_space<vmem>>, vector<1x16xf32>,
        %get3A_876 = vector.shape_cast %get3A_875 : vector<1x16xf32> to vector<16xf32>
        %mul3A_877 = vector.broadcast %squeeze3A_813 : f32 to vector<16xf32>
        %mul3A_878 = arith.mulf %get3A_876, %mul3A_877 : vector<16xf32>
        %swap3A_879 = arith.index_cast %add3A_817 : i32 to index
        %swap3A_880 = arith.constant 80 : index
        %swap3A_881 = tpu.vector_load %arg17[%swap3A_879, %swap3A_880] {strides = array<i32>} : memref<128x128xf32, #tpu.memory_space<vmem>>, vector<1x16xf32>,
        %swap3A_882 = vector.shape_cast %swap3A_881 : vector<1x16xf32> to vector<16xf32>
        %swap3A_883 = vector.shape_cast %mul3A_878 : vector<16xf32> to vector<1x16xf32>
        tpu.vector_store %arg17[%swap3A_879, %swap3A_880], %swap3A_883 {strides = array<i32>} : memref<128x128xf32, #tpu.memory_space<vmem>>, vector<1x16xf32>,
        %get3A_884 = arith.index_cast %add3A_817 : i32 to index
        %get3A_885 = arith.constant 96 : index
        %get3A_886 = tpu.vector_load %arg17[%get3A_884, %get3A_885] {strides = array<i32>} : memref<128x128xf32, #tpu.memory_space<vmem>>, vector<1x16xf32>,
        %get3A_887 = vector.shape_cast %get3A_886 : vector<1x16xf32> to vector<16xf32>
        %mul3A_888 = vector.broadcast %squeeze3A_813 : f32 to vector<16xf32>
        %mul3A_889 = arith.mulf %get3A_887, %mul3A_888 : vector<16xf32>
        %swap3A_890 = arith.index_cast %add3A_817 : i32 to index
        %swap3A_891 = arith.constant 96 : index
        %swap3A_892 = tpu.vector_load %arg17[%swap3A_890, %swap3A_891] {strides = array<i32>} : memref<128x128xf32, #tpu.memory_space<vmem>>, vector<1x16xf32>,
        %swap3A_893 = vector.shape_cast %swap3A_892 : vector<1x16xf32> to vector<16xf32>
        %swap3A_894 = vector.shape_cast %mul3A_889 : vector<16xf32> to vector<1x16xf32>
        tpu.vector_store %arg17[%swap3A_890, %swap3A_891], %swap3A_894 {strides = array<i32>} : memref<128x128xf32, #tpu.memory_space<vmem>>, vector<1x16xf32>,
        %get3A_895 = arith.index_cast %add3A_817 : i32 to index
        %get3A_896 = arith.constant 112 : index
        %get3A_897 = tpu.vector_load %arg17[%get3A_895, %get3A_896] {strides = array<i32>} : memref<128x128xf32, #tpu.memory_space<vmem>>, vector<1x16xf32>,
        %get3A_898 = vector.shape_cast %get3A_897 : vector<1x16xf32> to vector<16xf32>
        %mul3A_899 = vector.broadcast %squeeze3A_813 : f32 to vector<16xf32>
        %mul3A_900 = arith.mulf %get3A_898, %mul3A_899 : vector<16xf32>
        %swap3A_901 = arith.index_cast %add3A_817 : i32 to index
        %swap3A_902 = arith.constant 112 : index
        %swap3A_903 = tpu.vector_load %arg17[%swap3A_901, %swap3A_902] {strides = array<i32>} : memref<128x128xf32, #tpu.memory_space<vmem>>, vector<1x16xf32>,
        %swap3A_904 = vector.shape_cast %swap3A_903 : vector<1x16xf32> to vector<16xf32>
        %swap3A_905 = vector.shape_cast %mul3A_900 : vector<16xf32> to vector<1x16xf32>
        tpu.vector_store %arg17[%swap3A_901, %swap3A_902], %swap3A_905 {strides = array<i32>} : memref<128x128xf32, #tpu.memory_space<vmem>>, vector<1x16xf32>,
        %slice3A_906 = vector.extract_strided_slice %get3A_437 {offsets = [5], sizes = [1], strides = [1]} : vector<16xf32> to vector<1xf32>
        %squeeze3A_907 = vector.extract %slice3A_906[0] : f32 from vector<1xf32>
        %mul3A_908 = arith.constant 16 : i32
        %mul3A_909 = arith.muli %scan3A_431, %mul3A_908 : i32
        %add3A_910 = arith.constant 5 : i32
        %add3A_911 = arith.addi %mul3A_909, %add3A_910 : i32
        %get3A_912 = arith.index_cast %add3A_911 : i32 to index
        %get3A_913 = arith.constant 0 : index
        %get3A_914 = tpu.vector_load %arg17[%get3A_912, %get3A_913] {strides = array<i32>} : memref<128x128xf32, #tpu.memory_space<vmem>>, vector<1x16xf32>,
        %get3A_915 = vector.shape_cast %get3A_914 : vector<1x16xf32> to vector<16xf32>
        %mul3A_916 = vector.broadcast %squeeze3A_907 : f32 to vector<16xf32>
        %mul3A_917 = arith.mulf %get3A_915, %mul3A_916 : vector<16xf32>
        %swap3A_918 = arith.index_cast %add3A_911 : i32 to index
        %swap3A_919 = arith.constant 0 : index
        %swap3A_920 = tpu.vector_load %arg17[%swap3A_918, %swap3A_919] {strides = array<i32>} : memref<128x128xf32, #tpu.memory_space<vmem>>, vector<1x16xf32>,
        %swap3A_921 = vector.shape_cast %swap3A_920 : vector<1x16xf32> to vector<16xf32>
        %swap3A_922 = vector.shape_cast %mul3A_917 : vector<16xf32> to vector<1x16xf32>
        tpu.vector_store %arg17[%swap3A_918, %swap3A_919], %swap3A_922 {strides = array<i32>} : memref<128x128xf32, #tpu.memory_space<vmem>>, vector<1x16xf32>,
        %get3A_923 = arith.index_cast %add3A_911 : i32 to index
        %get3A_924 = arith.constant 16 : index
        %get3A_925 = tpu.vector_load %arg17[%get3A_923, %get3A_924] {strides = array<i32>} : memref<128x128xf32, #tpu.memory_space<vmem>>, vector<1x16xf32>,
        %get3A_926 = vector.shape_cast %get3A_925 : vector<1x16xf32> to vector<16xf32>
        %mul3A_927 = vector.broadcast %squeeze3A_907 : f32 to vector<16xf32>
        %mul3A_928 = arith.mulf %get3A_926, %mul3A_927 : vector<16xf32>
        %swap3A_929 = arith.index_cast %add3A_911 : i32 to index
        %swap3A_930 = arith.constant 16 : index
        %swap3A_931 = tpu.vector_load %arg17[%swap3A_929, %swap3A_930] {strides = array<i32>} : memref<128x128xf32, #tpu.memory_space<vmem>>, vector<1x16xf32>,
        %swap3A_932 = vector.shape_cast %swap3A_931 : vector<1x16xf32> to vector<16xf32>
        %swap3A_933 = vector.shape_cast %mul3A_928 : vector<16xf32> to vector<1x16xf32>
        tpu.vector_store %arg17[%swap3A_929, %swap3A_930], %swap3A_933 {strides = array<i32>} : memref<128x128xf32, #tpu.memory_space<vmem>>, vector<1x16xf32>,
        %get3A_934 = arith.index_cast %add3A_911 : i32 to index
        %get3A_935 = arith.constant 32 : index
        %get3A_936 = tpu.vector_load %arg17[%get3A_934, %get3A_935] {strides = array<i32>} : memref<128x128xf32, #tpu.memory_space<vmem>>, vector<1x16xf32>,
        %get3A_937 = vector.shape_cast %get3A_936 : vector<1x16xf32> to vector<16xf32>
        %mul3A_938 = vector.broadcast %squeeze3A_907 : f32 to vector<16xf32>
        %mul3A_939 = arith.mulf %get3A_937, %mul3A_938 : vector<16xf32>
        %swap3A_940 = arith.index_cast %add3A_911 : i32 to index
        %swap3A_941 = arith.constant 32 : index
        %swap3A_942 = tpu.vector_load %arg17[%swap3A_940, %swap3A_941] {strides = array<i32>} : memref<128x128xf32, #tpu.memory_space<vmem>>, vector<1x16xf32>,
        %swap3A_943 = vector.shape_cast %swap3A_942 : vector<1x16xf32> to vector<16xf32>
        %swap3A_944 = vector.shape_cast %mul3A_939 : vector<16xf32> to vector<1x16xf32>
        tpu.vector_store %arg17[%swap3A_940, %swap3A_941], %swap3A_944 {strides = array<i32>} : memref<128x128xf32, #tpu.memory_space<vmem>>, vector<1x16xf32>,
        %get3A_945 = arith.index_cast %add3A_911 : i32 to index
        %get3A_946 = arith.constant 48 : index
        %get3A_947 = tpu.vector_load %arg17[%get3A_945, %get3A_946] {strides = array<i32>} : memref<128x128xf32, #tpu.memory_space<vmem>>, vector<1x16xf32>,
        %get3A_948 = vector.shape_cast %get3A_947 : vector<1x16xf32> to vector<16xf32>
        %mul3A_949 = vector.broadcast %squeeze3A_907 : f32 to vector<16xf32>
        %mul3A_950 = arith.mulf %get3A_948, %mul3A_949 : vector<16xf32>
        %swap3A_951 = arith.index_cast %add3A_911 : i32 to index
        %swap3A_952 = arith.constant 48 : index
        %swap3A_953 = tpu.vector_load %arg17[%swap3A_951, %swap3A_952] {strides = array<i32>} : memref<128x128xf32, #tpu.memory_space<vmem>>, vector<1x16xf32>,
        %swap3A_954 = vector.shape_cast %swap3A_953 : vector<1x16xf32> to vector<16xf32>
        %swap3A_955 = vector.shape_cast %mul3A_950 : vector<16xf32> to vector<1x16xf32>
        tpu.vector_store %arg17[%swap3A_951, %swap3A_952], %swap3A_955 {strides = array<i32>} : memref<128x128xf32, #tpu.memory_space<vmem>>, vector<1x16xf32>,
        %get3A_956 = arith.index_cast %add3A_911 : i32 to index
        %get3A_957 = arith.constant 64 : index
        %get3A_958 = tpu.vector_load %arg17[%get3A_956, %get3A_957] {strides = array<i32>} : memref<128x128xf32, #tpu.memory_space<vmem>>, vector<1x16xf32>,
        %get3A_959 = vector.shape_cast %get3A_958 : vector<1x16xf32> to vector<16xf32>
        %mul3A_960 = vector.broadcast %squeeze3A_907 : f32 to vector<16xf32>
        %mul3A_961 = arith.mulf %get3A_959, %mul3A_960 : vector<16xf32>
        %swap3A_962 = arith.index_cast %add3A_911 : i32 to index
        %swap3A_963 = arith.constant 64 : index
        %swap3A_964 = tpu.vector_load %arg17[%swap3A_962, %swap3A_963] {strides = array<i32>} : memref<128x128xf32, #tpu.memory_space<vmem>>, vector<1x16xf32>,
        %swap3A_965 = vector.shape_cast %swap3A_964 : vector<1x16xf32> to vector<16xf32>
        %swap3A_966 = vector.shape_cast %mul3A_961 : vector<16xf32> to vector<1x16xf32>
        tpu.vector_store %arg17[%swap3A_962, %swap3A_963], %swap3A_966 {strides = array<i32>} : memref<128x128xf32, #tpu.memory_space<vmem>>, vector<1x16xf32>,
        %get3A_967 = arith.index_cast %add3A_911 : i32 to index
        %get3A_968 = arith.constant 80 : index
        %get3A_969 = tpu.vector_load %arg17[%get3A_967, %get3A_968] {strides = array<i32>} : memref<128x128xf32, #tpu.memory_space<vmem>>, vector<1x16xf32>,
        %get3A_970 = vector.shape_cast %get3A_969 : vector<1x16xf32> to vector<16xf32>
        %mul3A_971 = vector.broadcast %squeeze3A_907 : f32 to vector<16xf32>
        %mul3A_972 = arith.mulf %get3A_970, %mul3A_971 : vector<16xf32>
        %swap3A_973 = arith.index_cast %add3A_911 : i32 to index
        %swap3A_974 = arith.constant 80 : index
        %swap3A_975 = tpu.vector_load %arg17[%swap3A_973, %swap3A_974] {strides = array<i32>} : memref<128x128xf32, #tpu.memory_space<vmem>>, vector<1x16xf32>,
        %swap3A_976 = vector.shape_cast %swap3A_975 : vector<1x16xf32> to vector<16xf32>
        %swap3A_977 = vector.shape_cast %mul3A_972 : vector<16xf32> to vector<1x16xf32>
        tpu.vector_store %arg17[%swap3A_973, %swap3A_974], %swap3A_977 {strides = array<i32>} : memref<128x128xf32, #tpu.memory_space<vmem>>, vector<1x16xf32>,
        %get3A_978 = arith.index_cast %add3A_911 : i32 to index
        %get3A_979 = arith.constant 96 : index
        %get3A_980 = tpu.vector_load %arg17[%get3A_978, %get3A_979] {strides = array<i32>} : memref<128x128xf32, #tpu.memory_space<vmem>>, vector<1x16xf32>,
        %get3A_981 = vector.shape_cast %get3A_980 : vector<1x16xf32> to vector<16xf32>
        %mul3A_982 = vector.broadcast %squeeze3A_907 : f32 to vector<16xf32>
        %mul3A_983 = arith.mulf %get3A_981, %mul3A_982 : vector<16xf32>
        %swap3A_984 = arith.index_cast %add3A_911 : i32 to index
        %swap3A_985 = arith.constant 96 : index
        %swap3A_986 = tpu.vector_load %arg17[%swap3A_984, %swap3A_985] {strides = array<i32>} : memref<128x128xf32, #tpu.memory_space<vmem>>, vector<1x16xf32>,
        %swap3A_987 = vector.shape_cast %swap3A_986 : vector<1x16xf32> to vector<16xf32>
        %swap3A_988 = vector.shape_cast %mul3A_983 : vector<16xf32> to vector<1x16xf32>
        tpu.vector_store %arg17[%swap3A_984, %swap3A_985], %swap3A_988 {strides = array<i32>} : memref<128x128xf32, #tpu.memory_space<vmem>>, vector<1x16xf32>,
        %get3A_989 = arith.index_cast %add3A_911 : i32 to index
        %get3A_990 = arith.constant 112 : index
        %get3A_991 = tpu.vector_load %arg17[%get3A_989, %get3A_990] {strides = array<i32>} : memref<128x128xf32, #tpu.memory_space<vmem>>, vector<1x16xf32>,
        %get3A_992 = vector.shape_cast %get3A_991 : vector<1x16xf32> to vector<16xf32>
        %mul3A_993 = vector.broadcast %squeeze3A_907 : f32 to vector<16xf32>
        %mul3A_994 = arith.mulf %get3A_992, %mul3A_993 : vector<16xf32>
        %swap3A_995 = arith.index_cast %add3A_911 : i32 to index
        %swap3A_996 = arith.constant 112 : index
        %swap3A_997 = tpu.vector_load %arg17[%swap3A_995, %swap3A_996] {strides = array<i32>} : memref<128x128xf32, #tpu.memory_space<vmem>>, vector<1x16xf32>,
        %swap3A_998 = vector.shape_cast %swap3A_997 : vector<1x16xf32> to vector<16xf32>
        %swap3A_999 = vector.shape_cast %mul3A_994 : vector<16xf32> to vector<1x16xf32>
        tpu.vector_store %arg17[%swap3A_995, %swap3A_996], %swap3A_999 {strides = array<i32>} : memref<128x128xf32, #tpu.memory_space<vmem>>, vector<1x16xf32>,
        %slice3A_1000 = vector.extract_strided_slice %get3A_437 {offsets = [6], sizes = [1], strides = [1]} : vector<16xf32> to vector<1xf32>
        %squeeze3A_1001 = vector.extract %slice3A_1000[0] : f32 from vector<1xf32>
        %mul3A_1002 = arith.constant 16 : i32
        %mul3A_1003 = arith.muli %scan3A_431, %mul3A_1002 : i32
        %add3A_1004 = arith.constant 6 : i32
        %add3A_1005 = arith.addi %mul3A_1003, %add3A_1004 : i32
        %get3A_1006 = arith.index_cast %add3A_1005 : i32 to index
        %get3A_1007 = arith.constant 0 : index
        %get3A_1008 = tpu.vector_load %arg17[%get3A_1006, %get3A_1007] {strides = array<i32>} : memref<128x128xf32, #tpu.memory_space<vmem>>, vector<1x16xf32>,
        %get3A_1009 = vector.shape_cast %get3A_1008 : vector<1x16xf32> to vector<16xf32>
        %mul3A_1010 = vector.broadcast %squeeze3A_1001 : f32 to vector<16xf32>
        %mul3A_1011 = arith.mulf %get3A_1009, %mul3A_1010 : vector<16xf32>
        %swap3A_1012 = arith.index_cast %add3A_1005 : i32 to index
        %swap3A_1013 = arith.constant 0 : index
        %swap3A_1014 = tpu.vector_load %arg17[%swap3A_1012, %swap3A_1013] {strides = array<i32>} : memref<128x128xf32, #tpu.memory_space<vmem>>, vector<1x16xf32>,
        %swap3A_1015 = vector.shape_cast %swap3A_1014 : vector<1x16xf32> to vector<16xf32>
        %swap3A_1016 = vector.shape_cast %mul3A_1011 : vector<16xf32> to vector<1x16xf32>
        tpu.vector_store %arg17[%swap3A_1012, %swap3A_1013], %swap3A_1016 {strides = array<i32>} : memref<128x128xf32, #tpu.memory_space<vmem>>, vector<1x16xf32>,
        %get3A_1017 = arith.index_cast %add3A_1005 : i32 to index
        %get3A_1018 = arith.constant 16 : index
        %get3A_1019 = tpu.vector_load %arg17[%get3A_1017, %get3A_1018] {strides = array<i32>} : memref<128x128xf32, #tpu.memory_space<vmem>>, vector<1x16xf32>,
        %get3A_1020 = vector.shape_cast %get3A_1019 : vector<1x16xf32> to vector<16xf32>
        %mul3A_1021 = vector.broadcast %squeeze3A_1001 : f32 to vector<16xf32>
        %mul3A_1022 = arith.mulf %get3A_1020, %mul3A_1021 : vector<16xf32>
        %swap3A_1023 = arith.index_cast %add3A_1005 : i32 to index
        %swap3A_1024 = arith.constant 16 : index
        %swap3A_1025 = tpu.vector_load %arg17[%swap3A_1023, %swap3A_1024] {strides = array<i32>} : memref<128x128xf32, #tpu.memory_space<vmem>>, vector<1x16xf32>,
        %swap3A_1026 = vector.shape_cast %swap3A_1025 : vector<1x16xf32> to vector<16xf32>
        %swap3A_1027 = vector.shape_cast %mul3A_1022 : vector<16xf32> to vector<1x16xf32>
        tpu.vector_store %arg17[%swap3A_1023, %swap3A_1024], %swap3A_1027 {strides = array<i32>} : memref<128x128xf32, #tpu.memory_space<vmem>>, vector<1x16xf32>,
        %get3A_1028 = arith.index_cast %add3A_1005 : i32 to index
        %get3A_1029 = arith.constant 32 : index
        %get3A_1030 = tpu.vector_load %arg17[%get3A_1028, %get3A_1029] {strides = array<i32>} : memref<128x128xf32, #tpu.memory_space<vmem>>, vector<1x16xf32>,
        %get3A_1031 = vector.shape_cast %get3A_1030 : vector<1x16xf32> to vector<16xf32>
        %mul3A_1032 = vector.broadcast %squeeze3A_1001 : f32 to vector<16xf32>
        %mul3A_1033 = arith.mulf %get3A_1031, %mul3A_1032 : vector<16xf32>
        %swap3A_1034 = arith.index_cast %add3A_1005 : i32 to index
        %swap3A_1035 = arith.constant 32 : index
        %swap3A_1036 = tpu.vector_load %arg17[%swap3A_1034, %swap3A_1035] {strides = array<i32>} : memref<128x128xf32, #tpu.memory_space<vmem>>, vector<1x16xf32>,
        %swap3A_1037 = vector.shape_cast %swap3A_1036 : vector<1x16xf32> to vector<16xf32>
        %swap3A_1038 = vector.shape_cast %mul3A_1033 : vector<16xf32> to vector<1x16xf32>
        tpu.vector_store %arg17[%swap3A_1034, %swap3A_1035], %swap3A_1038 {strides = array<i32>} : memref<128x128xf32, #tpu.memory_space<vmem>>, vector<1x16xf32>,
        %get3A_1039 = arith.index_cast %add3A_1005 : i32 to index
        %get3A_1040 = arith.constant 48 : index
        %get3A_1041 = tpu.vector_load %arg17[%get3A_1039, %get3A_1040] {strides = array<i32>} : memref<128x128xf32, #tpu.memory_space<vmem>>, vector<1x16xf32>,
        %get3A_1042 = vector.shape_cast %get3A_1041 : vector<1x16xf32> to vector<16xf32>
        %mul3A_1043 = vector.broadcast %squeeze3A_1001 : f32 to vector<16xf32>
        %mul3A_1044 = arith.mulf %get3A_1042, %mul3A_1043 : vector<16xf32>
        %swap3A_1045 = arith.index_cast %add3A_1005 : i32 to index
        %swap3A_1046 = arith.constant 48 : index
        %swap3A_1047 = tpu.vector_load %arg17[%swap3A_1045, %swap3A_1046] {strides = array<i32>} : memref<128x128xf32, #tpu.memory_space<vmem>>, vector<1x16xf32>,
        %swap3A_1048 = vector.shape_cast %swap3A_1047 : vector<1x16xf32> to vector<16xf32>
        %swap3A_1049 = vector.shape_cast %mul3A_1044 : vector<16xf32> to vector<1x16xf32>
        tpu.vector_store %arg17[%swap3A_1045, %swap3A_1046], %swap3A_1049 {strides = array<i32>} : memref<128x128xf32, #tpu.memory_space<vmem>>, vector<1x16xf32>,
        %get3A_1050 = arith.index_cast %add3A_1005 : i32 to index
        %get3A_1051 = arith.constant 64 : index
        %get3A_1052 = tpu.vector_load %arg17[%get3A_1050, %get3A_1051] {strides = array<i32>} : memref<128x128xf32, #tpu.memory_space<vmem>>, vector<1x16xf32>,
        %get3A_1053 = vector.shape_cast %get3A_1052 : vector<1x16xf32> to vector<16xf32>
        %mul3A_1054 = vector.broadcast %squeeze3A_1001 : f32 to vector<16xf32>
        %mul3A_1055 = arith.mulf %get3A_1053, %mul3A_1054 : vector<16xf32>
        %swap3A_1056 = arith.index_cast %add3A_1005 : i32 to index
        %swap3A_1057 = arith.constant 64 : index
        %swap3A_1058 = tpu.vector_load %arg17[%swap3A_1056, %swap3A_1057] {strides = array<i32>} : memref<128x128xf32, #tpu.memory_space<vmem>>, vector<1x16xf32>,
        %swap3A_1059 = vector.shape_cast %swap3A_1058 : vector<1x16xf32> to vector<16xf32>
        %swap3A_1060 = vector.shape_cast %mul3A_1055 : vector<16xf32> to vector<1x16xf32>
        tpu.vector_store %arg17[%swap3A_1056, %swap3A_1057], %swap3A_1060 {strides = array<i32>} : memref<128x128xf32, #tpu.memory_space<vmem>>, vector<1x16xf32>,
        %get3A_1061 = arith.index_cast %add3A_1005 : i32 to index
        %get3A_1062 = arith.constant 80 : index
        %get3A_1063 = tpu.vector_load %arg17[%get3A_1061, %get3A_1062] {strides = array<i32>} : memref<128x128xf32, #tpu.memory_space<vmem>>, vector<1x16xf32>,
        %get3A_1064 = vector.shape_cast %get3A_1063 : vector<1x16xf32> to vector<16xf32>
        %mul3A_1065 = vector.broadcast %squeeze3A_1001 : f32 to vector<16xf32>
        %mul3A_1066 = arith.mulf %get3A_1064, %mul3A_1065 : vector<16xf32>
        %swap3A_1067 = arith.index_cast %add3A_1005 : i32 to index
        %swap3A_1068 = arith.constant 80 : index
        %swap3A_1069 = tpu.vector_load %arg17[%swap3A_1067, %swap3A_1068] {strides = array<i32>} : memref<128x128xf32, #tpu.memory_space<vmem>>, vector<1x16xf32>,
        %swap3A_1070 = vector.shape_cast %swap3A_1069 : vector<1x16xf32> to vector<16xf32>
        %swap3A_1071 = vector.shape_cast %mul3A_1066 : vector<16xf32> to vector<1x16xf32>
        tpu.vector_store %arg17[%swap3A_1067, %swap3A_1068], %swap3A_1071 {strides = array<i32>} : memref<128x128xf32, #tpu.memory_space<vmem>>, vector<1x16xf32>,
        %get3A_1072 = arith.index_cast %add3A_1005 : i32 to index
        %get3A_1073 = arith.constant 96 : index
        %get3A_1074 = tpu.vector_load %arg17[%get3A_1072, %get3A_1073] {strides = array<i32>} : memref<128x128xf32, #tpu.memory_space<vmem>>, vector<1x16xf32>,
        %get3A_1075 = vector.shape_cast %get3A_1074 : vector<1x16xf32> to vector<16xf32>
        %mul3A_1076 = vector.broadcast %squeeze3A_1001 : f32 to vector<16xf32>
        %mul3A_1077 = arith.mulf %get3A_1075, %mul3A_1076 : vector<16xf32>
        %swap3A_1078 = arith.index_cast %add3A_1005 : i32 to index
        %swap3A_1079 = arith.constant 96 : index
        %swap3A_1080 = tpu.vector_load %arg17[%swap3A_1078, %swap3A_1079] {strides = array<i32>} : memref<128x128xf32, #tpu.memory_space<vmem>>, vector<1x16xf32>,
        %swap3A_1081 = vector.shape_cast %swap3A_1080 : vector<1x16xf32> to vector<16xf32>
        %swap3A_1082 = vector.shape_cast %mul3A_1077 : vector<16xf32> to vector<1x16xf32>
        tpu.vector_store %arg17[%swap3A_1078, %swap3A_1079], %swap3A_1082 {strides = array<i32>} : memref<128x128xf32, #tpu.memory_space<vmem>>, vector<1x16xf32>,
        %get3A_1083 = arith.index_cast %add3A_1005 : i32 to index
        %get3A_1084 = arith.constant 112 : index
        %get3A_1085 = tpu.vector_load %arg17[%get3A_1083, %get3A_1084] {strides = array<i32>} : memref<128x128xf32, #tpu.memory_space<vmem>>, vector<1x16xf32>,
        %get3A_1086 = vector.shape_cast %get3A_1085 : vector<1x16xf32> to vector<16xf32>
        %mul3A_1087 = vector.broadcast %squeeze3A_1001 : f32 to vector<16xf32>
        %mul3A_1088 = arith.mulf %get3A_1086, %mul3A_1087 : vector<16xf32>
        %swap3A_1089 = arith.index_cast %add3A_1005 : i32 to index
        %swap3A_1090 = arith.constant 112 : index
        %swap3A_1091 = tpu.vector_load %arg17[%swap3A_1089, %swap3A_1090] {strides = array<i32>} : memref<128x128xf32, #tpu.memory_space<vmem>>, vector<1x16xf32>,
        %swap3A_1092 = vector.shape_cast %swap3A_1091 : vector<1x16xf32> to vector<16xf32>
        %swap3A_1093 = vector.shape_cast %mul3A_1088 : vector<16xf32> to vector<1x16xf32>
        tpu.vector_store %arg17[%swap3A_1089, %swap3A_1090], %swap3A_1093 {strides = array<i32>} : memref<128x128xf32, #tpu.memory_space<vmem>>, vector<1x16xf32>,
        %slice3A_1094 = vector.extract_strided_slice %get3A_437 {offsets = [7], sizes = [1], strides = [1]} : vector<16xf32> to vector<1xf32>
        %squeeze3A_1095 = vector.extract %slice3A_1094[0] : f32 from vector<1xf32>
        %mul3A_1096 = arith.constant 16 : i32
        %mul3A_1097 = arith.muli %scan3A_431, %mul3A_1096 : i32
        %add3A_1098 = arith.constant 7 : i32
        %add3A_1099 = arith.addi %mul3A_1097, %add3A_1098 : i32
        %get3A_1100 = arith.index_cast %add3A_1099 : i32 to index
        %get3A_1101 = arith.constant 0 : index
        %get3A_1102 = tpu.vector_load %arg17[%get3A_1100, %get3A_1101] {strides = array<i32>} : memref<128x128xf32, #tpu.memory_space<vmem>>, vector<1x16xf32>,
        %get3A_1103 = vector.shape_cast %get3A_1102 : vector<1x16xf32> to vector<16xf32>
        %mul3A_1104 = vector.broadcast %squeeze3A_1095 : f32 to vector<16xf32>
        %mul3A_1105 = arith.mulf %get3A_1103, %mul3A_1104 : vector<16xf32>
        %swap3A_1106 = arith.index_cast %add3A_1099 : i32 to index
        %swap3A_1107 = arith.constant 0 : index
        %swap3A_1108 = tpu.vector_load %arg17[%swap3A_1106, %swap3A_1107] {strides = array<i32>} : memref<128x128xf32, #tpu.memory_space<vmem>>, vector<1x16xf32>,
        %swap3A_1109 = vector.shape_cast %swap3A_1108 : vector<1x16xf32> to vector<16xf32>
        %swap3A_1110 = vector.shape_cast %mul3A_1105 : vector<16xf32> to vector<1x16xf32>
        tpu.vector_store %arg17[%swap3A_1106, %swap3A_1107], %swap3A_1110 {strides = array<i32>} : memref<128x128xf32, #tpu.memory_space<vmem>>, vector<1x16xf32>,
        %get3A_1111 = arith.index_cast %add3A_1099 : i32 to index
        %get3A_1112 = arith.constant 16 : index
        %get3A_1113 = tpu.vector_load %arg17[%get3A_1111, %get3A_1112] {strides = array<i32>} : memref<128x128xf32, #tpu.memory_space<vmem>>, vector<1x16xf32>,
        %get3A_1114 = vector.shape_cast %get3A_1113 : vector<1x16xf32> to vector<16xf32>
        %mul3A_1115 = vector.broadcast %squeeze3A_1095 : f32 to vector<16xf32>
        %mul3A_1116 = arith.mulf %get3A_1114, %mul3A_1115 : vector<16xf32>
        %swap3A_1117 = arith.index_cast %add3A_1099 : i32 to index
        %swap3A_1118 = arith.constant 16 : index
        %swap3A_1119 = tpu.vector_load %arg17[%swap3A_1117, %swap3A_1118] {strides = array<i32>} : memref<128x128xf32, #tpu.memory_space<vmem>>, vector<1x16xf32>,
        %swap3A_1120 = vector.shape_cast %swap3A_1119 : vector<1x16xf32> to vector<16xf32>
        %swap3A_1121 = vector.shape_cast %mul3A_1116 : vector<16xf32> to vector<1x16xf32>
        tpu.vector_store %arg17[%swap3A_1117, %swap3A_1118], %swap3A_1121 {strides = array<i32>} : memref<128x128xf32, #tpu.memory_space<vmem>>, vector<1x16xf32>,
        %get3A_1122 = arith.index_cast %add3A_1099 : i32 to index
        %get3A_1123 = arith.constant 32 : index
        %get3A_1124 = tpu.vector_load %arg17[%get3A_1122, %get3A_1123] {strides = array<i32>} : memref<128x128xf32, #tpu.memory_space<vmem>>, vector<1x16xf32>,
        %get3A_1125 = vector.shape_cast %get3A_1124 : vector<1x16xf32> to vector<16xf32>
        %mul3A_1126 = vector.broadcast %squeeze3A_1095 : f32 to vector<16xf32>
        %mul3A_1127 = arith.mulf %get3A_1125, %mul3A_1126 : vector<16xf32>
        %swap3A_1128 = arith.index_cast %add3A_1099 : i32 to index
        %swap3A_1129 = arith.constant 32 : index
        %swap3A_1130 = tpu.vector_load %arg17[%swap3A_1128, %swap3A_1129] {strides = array<i32>} : memref<128x128xf32, #tpu.memory_space<vmem>>, vector<1x16xf32>,
        %swap3A_1131 = vector.shape_cast %swap3A_1130 : vector<1x16xf32> to vector<16xf32>
        %swap3A_1132 = vector.shape_cast %mul3A_1127 : vector<16xf32> to vector<1x16xf32>
        tpu.vector_store %arg17[%swap3A_1128, %swap3A_1129], %swap3A_1132 {strides = array<i32>} : memref<128x128xf32, #tpu.memory_space<vmem>>, vector<1x16xf32>,
        %get3A_1133 = arith.index_cast %add3A_1099 : i32 to index
        %get3A_1134 = arith.constant 48 : index
        %get3A_1135 = tpu.vector_load %arg17[%get3A_1133, %get3A_1134] {strides = array<i32>} : memref<128x128xf32, #tpu.memory_space<vmem>>, vector<1x16xf32>,
        %get3A_1136 = vector.shape_cast %get3A_1135 : vector<1x16xf32> to vector<16xf32>
        %mul3A_1137 = vector.broadcast %squeeze3A_1095 : f32 to vector<16xf32>
        %mul3A_1138 = arith.mulf %get3A_1136, %mul3A_1137 : vector<16xf32>
        %swap3A_1139 = arith.index_cast %add3A_1099 : i32 to index
        %swap3A_1140 = arith.constant 48 : index
        %swap3A_1141 = tpu.vector_load %arg17[%swap3A_1139, %swap3A_1140] {strides = array<i32>} : memref<128x128xf32, #tpu.memory_space<vmem>>, vector<1x16xf32>,
        %swap3A_1142 = vector.shape_cast %swap3A_1141 : vector<1x16xf32> to vector<16xf32>
        %swap3A_1143 = vector.shape_cast %mul3A_1138 : vector<16xf32> to vector<1x16xf32>
        tpu.vector_store %arg17[%swap3A_1139, %swap3A_1140], %swap3A_1143 {strides = array<i32>} : memref<128x128xf32, #tpu.memory_space<vmem>>, vector<1x16xf32>,
        %get3A_1144 = arith.index_cast %add3A_1099 : i32 to index
        %get3A_1145 = arith.constant 64 : index
        %get3A_1146 = tpu.vector_load %arg17[%get3A_1144, %get3A_1145] {strides = array<i32>} : memref<128x128xf32, #tpu.memory_space<vmem>>, vector<1x16xf32>,
        %get3A_1147 = vector.shape_cast %get3A_1146 : vector<1x16xf32> to vector<16xf32>
        %mul3A_1148 = vector.broadcast %squeeze3A_1095 : f32 to vector<16xf32>
        %mul3A_1149 = arith.mulf %get3A_1147, %mul3A_1148 : vector<16xf32>
        %swap3A_1150 = arith.index_cast %add3A_1099 : i32 to index
        %swap3A_1151 = arith.constant 64 : index
        %swap3A_1152 = tpu.vector_load %arg17[%swap3A_1150, %swap3A_1151] {strides = array<i32>} : memref<128x128xf32, #tpu.memory_space<vmem>>, vector<1x16xf32>,
        %swap3A_1153 = vector.shape_cast %swap3A_1152 : vector<1x16xf32> to vector<16xf32>
        %swap3A_1154 = vector.shape_cast %mul3A_1149 : vector<16xf32> to vector<1x16xf32>
        tpu.vector_store %arg17[%swap3A_1150, %swap3A_1151], %swap3A_1154 {strides = array<i32>} : memref<128x128xf32, #tpu.memory_space<vmem>>, vector<1x16xf32>,
        %get3A_1155 = arith.index_cast %add3A_1099 : i32 to index
        %get3A_1156 = arith.constant 80 : index
        %get3A_1157 = tpu.vector_load %arg17[%get3A_1155, %get3A_1156] {strides = array<i32>} : memref<128x128xf32, #tpu.memory_space<vmem>>, vector<1x16xf32>,
        %get3A_1158 = vector.shape_cast %get3A_1157 : vector<1x16xf32> to vector<16xf32>
        %mul3A_1159 = vector.broadcast %squeeze3A_1095 : f32 to vector<16xf32>
        %mul3A_1160 = arith.mulf %get3A_1158, %mul3A_1159 : vector<16xf32>
        %swap3A_1161 = arith.index_cast %add3A_1099 : i32 to index
        %swap3A_1162 = arith.constant 80 : index
        %swap3A_1163 = tpu.vector_load %arg17[%swap3A_1161, %swap3A_1162] {strides = array<i32>} : memref<128x128xf32, #tpu.memory_space<vmem>>, vector<1x16xf32>,
        %swap3A_1164 = vector.shape_cast %swap3A_1163 : vector<1x16xf32> to vector<16xf32>
        %swap3A_1165 = vector.shape_cast %mul3A_1160 : vector<16xf32> to vector<1x16xf32>
        tpu.vector_store %arg17[%swap3A_1161, %swap3A_1162], %swap3A_1165 {strides = array<i32>} : memref<128x128xf32, #tpu.memory_space<vmem>>, vector<1x16xf32>,
        %get3A_1166 = arith.index_cast %add3A_1099 : i32 to index
        %get3A_1167 = arith.constant 96 : index
        %get3A_1168 = tpu.vector_load %arg17[%get3A_1166, %get3A_1167] {strides = array<i32>} : memref<128x128xf32, #tpu.memory_space<vmem>>, vector<1x16xf32>,
        %get3A_1169 = vector.shape_cast %get3A_1168 : vector<1x16xf32> to vector<16xf32>
        %mul3A_1170 = vector.broadcast %squeeze3A_1095 : f32 to vector<16xf32>
        %mul3A_1171 = arith.mulf %get3A_1169, %mul3A_1170 : vector<16xf32>
        %swap3A_1172 = arith.index_cast %add3A_1099 : i32 to index
        %swap3A_1173 = arith.constant 96 : index
        %swap3A_1174 = tpu.vector_load %arg17[%swap3A_1172, %swap3A_1173] {strides = array<i32>} : memref<128x128xf32, #tpu.memory_space<vmem>>, vector<1x16xf32>,
        %swap3A_1175 = vector.shape_cast %swap3A_1174 : vector<1x16xf32> to vector<16xf32>
        %swap3A_1176 = vector.shape_cast %mul3A_1171 : vector<16xf32> to vector<1x16xf32>
        tpu.vector_store %arg17[%swap3A_1172, %swap3A_1173], %swap3A_1176 {strides = array<i32>} : memref<128x128xf32, #tpu.memory_space<vmem>>, vector<1x16xf32>,
        %get3A_1177 = arith.index_cast %add3A_1099 : i32 to index
        %get3A_1178 = arith.constant 112 : index
        %get3A_1179 = tpu.vector_load %arg17[%get3A_1177, %get3A_1178] {strides = array<i32>} : memref<128x128xf32, #tpu.memory_space<vmem>>, vector<1x16xf32>,
        %get3A_1180 = vector.shape_cast %get3A_1179 : vector<1x16xf32> to vector<16xf32>
        %mul3A_1181 = vector.broadcast %squeeze3A_1095 : f32 to vector<16xf32>
        %mul3A_1182 = arith.mulf %get3A_1180, %mul3A_1181 : vector<16xf32>
        %swap3A_1183 = arith.index_cast %add3A_1099 : i32 to index
        %swap3A_1184 = arith.constant 112 : index
        %swap3A_1185 = tpu.vector_load %arg17[%swap3A_1183, %swap3A_1184] {strides = array<i32>} : memref<128x128xf32, #tpu.memory_space<vmem>>, vector<1x16xf32>,
        %swap3A_1186 = vector.shape_cast %swap3A_1185 : vector<1x16xf32> to vector<16xf32>
        %swap3A_1187 = vector.shape_cast %mul3A_1182 : vector<16xf32> to vector<1x16xf32>
        tpu.vector_store %arg17[%swap3A_1183, %swap3A_1184], %swap3A_1187 {strides = array<i32>} : memref<128x128xf32, #tpu.memory_space<vmem>>, vector<1x16xf32>,
        %slice3A_1188 = vector.extract_strided_slice %get3A_437 {offsets = [8], sizes = [1], strides = [1]} : vector<16xf32> to vector<1xf32>
        %squeeze3A_1189 = vector.extract %slice3A_1188[0] : f32 from vector<1xf32>
        %mul3A_1190 = arith.constant 16 : i32
        %mul3A_1191 = arith.muli %scan3A_431, %mul3A_1190 : i32
        %add3A_1192 = arith.constant 8 : i32
        %add3A_1193 = arith.addi %mul3A_1191, %add3A_1192 : i32
        %get3A_1194 = arith.index_cast %add3A_1193 : i32 to index
        %get3A_1195 = arith.constant 0 : index
        %get3A_1196 = tpu.vector_load %arg17[%get3A_1194, %get3A_1195] {strides = array<i32>} : memref<128x128xf32, #tpu.memory_space<vmem>>, vector<1x16xf32>,
        %get3A_1197 = vector.shape_cast %get3A_1196 : vector<1x16xf32> to vector<16xf32>
        %mul3A_1198 = vector.broadcast %squeeze3A_1189 : f32 to vector<16xf32>
        %mul3A_1199 = arith.mulf %get3A_1197, %mul3A_1198 : vector<16xf32>
        %swap3A_1200 = arith.index_cast %add3A_1193 : i32 to index
        %swap3A_1201 = arith.constant 0 : index
        %swap3A_1202 = tpu.vector_load %arg17[%swap3A_1200, %swap3A_1201] {strides = array<i32>} : memref<128x128xf32, #tpu.memory_space<vmem>>, vector<1x16xf32>,
        %swap3A_1203 = vector.shape_cast %swap3A_1202 : vector<1x16xf32> to vector<16xf32>
        %swap3A_1204 = vector.shape_cast %mul3A_1199 : vector<16xf32> to vector<1x16xf32>
        tpu.vector_store %arg17[%swap3A_1200, %swap3A_1201], %swap3A_1204 {strides = array<i32>} : memref<128x128xf32, #tpu.memory_space<vmem>>, vector<1x16xf32>,
        %get3A_1205 = arith.index_cast %add3A_1193 : i32 to index
        %get3A_1206 = arith.constant 16 : index
        %get3A_1207 = tpu.vector_load %arg17[%get3A_1205, %get3A_1206] {strides = array<i32>} : memref<128x128xf32, #tpu.memory_space<vmem>>, vector<1x16xf32>,
        %get3A_1208 = vector.shape_cast %get3A_1207 : vector<1x16xf32> to vector<16xf32>
        %mul3A_1209 = vector.broadcast %squeeze3A_1189 : f32 to vector<16xf32>
        %mul3A_1210 = arith.mulf %get3A_1208, %mul3A_1209 : vector<16xf32>
        %swap3A_1211 = arith.index_cast %add3A_1193 : i32 to index
        %swap3A_1212 = arith.constant 16 : index
        %swap3A_1213 = tpu.vector_load %arg17[%swap3A_1211, %swap3A_1212] {strides = array<i32>} : memref<128x128xf32, #tpu.memory_space<vmem>>, vector<1x16xf32>,
        %swap3A_1214 = vector.shape_cast %swap3A_1213 : vector<1x16xf32> to vector<16xf32>
        %swap3A_1215 = vector.shape_cast %mul3A_1210 : vector<16xf32> to vector<1x16xf32>
        tpu.vector_store %arg17[%swap3A_1211, %swap3A_1212], %swap3A_1215 {strides = array<i32>} : memref<128x128xf32, #tpu.memory_space<vmem>>, vector<1x16xf32>,
        %get3A_1216 = arith.index_cast %add3A_1193 : i32 to index
        %get3A_1217 = arith.constant 32 : index
        %get3A_1218 = tpu.vector_load %arg17[%get3A_1216, %get3A_1217] {strides = array<i32>} : memref<128x128xf32, #tpu.memory_space<vmem>>, vector<1x16xf32>,
        %get3A_1219 = vector.shape_cast %get3A_1218 : vector<1x16xf32> to vector<16xf32>
        %mul3A_1220 = vector.broadcast %squeeze3A_1189 : f32 to vector<16xf32>
        %mul3A_1221 = arith.mulf %get3A_1219, %mul3A_1220 : vector<16xf32>
        %swap3A_1222 = arith.index_cast %add3A_1193 : i32 to index
        %swap3A_1223 = arith.constant 32 : index
        %swap3A_1224 = tpu.vector_load %arg17[%swap3A_1222, %swap3A_1223] {strides = array<i32>} : memref<128x128xf32, #tpu.memory_space<vmem>>, vector<1x16xf32>,
        %swap3A_1225 = vector.shape_cast %swap3A_1224 : vector<1x16xf32> to vector<16xf32>
        %swap3A_1226 = vector.shape_cast %mul3A_1221 : vector<16xf32> to vector<1x16xf32>
        tpu.vector_store %arg17[%swap3A_1222, %swap3A_1223], %swap3A_1226 {strides = array<i32>} : memref<128x128xf32, #tpu.memory_space<vmem>>, vector<1x16xf32>,
        %get3A_1227 = arith.index_cast %add3A_1193 : i32 to index
        %get3A_1228 = arith.constant 48 : index
        %get3A_1229 = tpu.vector_load %arg17[%get3A_1227, %get3A_1228] {strides = array<i32>} : memref<128x128xf32, #tpu.memory_space<vmem>>, vector<1x16xf32>,
        %get3A_1230 = vector.shape_cast %get3A_1229 : vector<1x16xf32> to vector<16xf32>
        %mul3A_1231 = vector.broadcast %squeeze3A_1189 : f32 to vector<16xf32>
        %mul3A_1232 = arith.mulf %get3A_1230, %mul3A_1231 : vector<16xf32>
        %swap3A_1233 = arith.index_cast %add3A_1193 : i32 to index
        %swap3A_1234 = arith.constant 48 : index
        %swap3A_1235 = tpu.vector_load %arg17[%swap3A_1233, %swap3A_1234] {strides = array<i32>} : memref<128x128xf32, #tpu.memory_space<vmem>>, vector<1x16xf32>,
        %swap3A_1236 = vector.shape_cast %swap3A_1235 : vector<1x16xf32> to vector<16xf32>
        %swap3A_1237 = vector.shape_cast %mul3A_1232 : vector<16xf32> to vector<1x16xf32>
        tpu.vector_store %arg17[%swap3A_1233, %swap3A_1234], %swap3A_1237 {strides = array<i32>} : memref<128x128xf32, #tpu.memory_space<vmem>>, vector<1x16xf32>,
        %get3A_1238 = arith.index_cast %add3A_1193 : i32 to index
        %get3A_1239 = arith.constant 64 : index
        %get3A_1240 = tpu.vector_load %arg17[%get3A_1238, %get3A_1239] {strides = array<i32>} : memref<128x128xf32, #tpu.memory_space<vmem>>, vector<1x16xf32>,
        %get3A_1241 = vector.shape_cast %get3A_1240 : vector<1x16xf32> to vector<16xf32>
        %mul3A_1242 = vector.broadcast %squeeze3A_1189 : f32 to vector<16xf32>
        %mul3A_1243 = arith.mulf %get3A_1241, %mul3A_1242 : vector<16xf32>
        %swap3A_1244 = arith.index_cast %add3A_1193 : i32 to index
        %swap3A_1245 = arith.constant 64 : index
        %swap3A_1246 = tpu.vector_load %arg17[%swap3A_1244, %swap3A_1245] {strides = array<i32>} : memref<128x128xf32, #tpu.memory_space<vmem>>, vector<1x16xf32>,
        %swap3A_1247 = vector.shape_cast %swap3A_1246 : vector<1x16xf32> to vector<16xf32>
        %swap3A_1248 = vector.shape_cast %mul3A_1243 : vector<16xf32> to vector<1x16xf32>
        tpu.vector_store %arg17[%swap3A_1244, %swap3A_1245], %swap3A_1248 {strides = array<i32>} : memref<128x128xf32, #tpu.memory_space<vmem>>, vector<1x16xf32>,
        %get3A_1249 = arith.index_cast %add3A_1193 : i32 to index
        %get3A_1250 = arith.constant 80 : index
        %get3A_1251 = tpu.vector_load %arg17[%get3A_1249, %get3A_1250] {strides = array<i32>} : memref<128x128xf32, #tpu.memory_space<vmem>>, vector<1x16xf32>,
        %get3A_1252 = vector.shape_cast %get3A_1251 : vector<1x16xf32> to vector<16xf32>
        %mul3A_1253 = vector.broadcast %squeeze3A_1189 : f32 to vector<16xf32>
        %mul3A_1254 = arith.mulf %get3A_1252, %mul3A_1253 : vector<16xf32>
        %swap3A_1255 = arith.index_cast %add3A_1193 : i32 to index
        %swap3A_1256 = arith.constant 80 : index
        %swap3A_1257 = tpu.vector_load %arg17[%swap3A_1255, %swap3A_1256] {strides = array<i32>} : memref<128x128xf32, #tpu.memory_space<vmem>>, vector<1x16xf32>,
        %swap3A_1258 = vector.shape_cast %swap3A_1257 : vector<1x16xf32> to vector<16xf32>
        %swap3A_1259 = vector.shape_cast %mul3A_1254 : vector<16xf32> to vector<1x16xf32>
        tpu.vector_store %arg17[%swap3A_1255, %swap3A_1256], %swap3A_1259 {strides = array<i32>} : memref<128x128xf32, #tpu.memory_space<vmem>>, vector<1x16xf32>,
        %get3A_1260 = arith.index_cast %add3A_1193 : i32 to index
        %get3A_1261 = arith.constant 96 : index
        %get3A_1262 = tpu.vector_load %arg17[%get3A_1260, %get3A_1261] {strides = array<i32>} : memref<128x128xf32, #tpu.memory_space<vmem>>, vector<1x16xf32>,
        %get3A_1263 = vector.shape_cast %get3A_1262 : vector<1x16xf32> to vector<16xf32>
        %mul3A_1264 = vector.broadcast %squeeze3A_1189 : f32 to vector<16xf32>
        %mul3A_1265 = arith.mulf %get3A_1263, %mul3A_1264 : vector<16xf32>
        %swap3A_1266 = arith.index_cast %add3A_1193 : i32 to index
        %swap3A_1267 = arith.constant 96 : index
        %swap3A_1268 = tpu.vector_load %arg17[%swap3A_1266, %swap3A_1267] {strides = array<i32>} : memref<128x128xf32, #tpu.memory_space<vmem>>, vector<1x16xf32>,
        %swap3A_1269 = vector.shape_cast %swap3A_1268 : vector<1x16xf32> to vector<16xf32>
        %swap3A_1270 = vector.shape_cast %mul3A_1265 : vector<16xf32> to vector<1x16xf32>
        tpu.vector_store %arg17[%swap3A_1266, %swap3A_1267], %swap3A_1270 {strides = array<i32>} : memref<128x128xf32, #tpu.memory_space<vmem>>, vector<1x16xf32>,
        %get3A_1271 = arith.index_cast %add3A_1193 : i32 to index
        %get3A_1272 = arith.constant 112 : index
        %get3A_1273 = tpu.vector_load %arg17[%get3A_1271, %get3A_1272] {strides = array<i32>} : memref<128x128xf32, #tpu.memory_space<vmem>>, vector<1x16xf32>,
        %get3A_1274 = vector.shape_cast %get3A_1273 : vector<1x16xf32> to vector<16xf32>
        %mul3A_1275 = vector.broadcast %squeeze3A_1189 : f32 to vector<16xf32>
        %mul3A_1276 = arith.mulf %get3A_1274, %mul3A_1275 : vector<16xf32>
        %swap3A_1277 = arith.index_cast %add3A_1193 : i32 to index
        %swap3A_1278 = arith.constant 112 : index
        %swap3A_1279 = tpu.vector_load %arg17[%swap3A_1277, %swap3A_1278] {strides = array<i32>} : memref<128x128xf32, #tpu.memory_space<vmem>>, vector<1x16xf32>,
        %swap3A_1280 = vector.shape_cast %swap3A_1279 : vector<1x16xf32> to vector<16xf32>
        %swap3A_1281 = vector.shape_cast %mul3A_1276 : vector<16xf32> to vector<1x16xf32>
        tpu.vector_store %arg17[%swap3A_1277, %swap3A_1278], %swap3A_1281 {strides = array<i32>} : memref<128x128xf32, #tpu.memory_space<vmem>>, vector<1x16xf32>,
        %slice3A_1282 = vector.extract_strided_slice %get3A_437 {offsets = [9], sizes = [1], strides = [1]} : vector<16xf32> to vector<1xf32>
        %squeeze3A_1283 = vector.extract %slice3A_1282[0] : f32 from vector<1xf32>
        %mul3A_1284 = arith.constant 16 : i32
        %mul3A_1285 = arith.muli %scan3A_431, %mul3A_1284 : i32
        %add3A_1286 = arith.constant 9 : i32
        %add3A_1287 = arith.addi %mul3A_1285, %add3A_1286 : i32
        %get3A_1288 = arith.index_cast %add3A_1287 : i32 to index
        %get3A_1289 = arith.constant 0 : index
        %get3A_1290 = tpu.vector_load %arg17[%get3A_1288, %get3A_1289] {strides = array<i32>} : memref<128x128xf32, #tpu.memory_space<vmem>>, vector<1x16xf32>,
        %get3A_1291 = vector.shape_cast %get3A_1290 : vector<1x16xf32> to vector<16xf32>
        %mul3A_1292 = vector.broadcast %squeeze3A_1283 : f32 to vector<16xf32>
        %mul3A_1293 = arith.mulf %get3A_1291, %mul3A_1292 : vector<16xf32>
        %swap3A_1294 = arith.index_cast %add3A_1287 : i32 to index
        %swap3A_1295 = arith.constant 0 : index
        %swap3A_1296 = tpu.vector_load %arg17[%swap3A_1294, %swap3A_1295] {strides = array<i32>} : memref<128x128xf32, #tpu.memory_space<vmem>>, vector<1x16xf32>,
        %swap3A_1297 = vector.shape_cast %swap3A_1296 : vector<1x16xf32> to vector<16xf32>
        %swap3A_1298 = vector.shape_cast %mul3A_1293 : vector<16xf32> to vector<1x16xf32>
        tpu.vector_store %arg17[%swap3A_1294, %swap3A_1295], %swap3A_1298 {strides = array<i32>} : memref<128x128xf32, #tpu.memory_space<vmem>>, vector<1x16xf32>,
        %get3A_1299 = arith.index_cast %add3A_1287 : i32 to index
        %get3A_1300 = arith.constant 16 : index
        %get3A_1301 = tpu.vector_load %arg17[%get3A_1299, %get3A_1300] {strides = array<i32>} : memref<128x128xf32, #tpu.memory_space<vmem>>, vector<1x16xf32>,
        %get3A_1302 = vector.shape_cast %get3A_1301 : vector<1x16xf32> to vector<16xf32>
        %mul3A_1303 = vector.broadcast %squeeze3A_1283 : f32 to vector<16xf32>
        %mul3A_1304 = arith.mulf %get3A_1302, %mul3A_1303 : vector<16xf32>
        %swap3A_1305 = arith.index_cast %add3A_1287 : i32 to index
        %swap3A_1306 = arith.constant 16 : index
        %swap3A_1307 = tpu.vector_load %arg17[%swap3A_1305, %swap3A_1306] {strides = array<i32>} : memref<128x128xf32, #tpu.memory_space<vmem>>, vector<1x16xf32>,
        %swap3A_1308 = vector.shape_cast %swap3A_1307 : vector<1x16xf32> to vector<16xf32>
        %swap3A_1309 = vector.shape_cast %mul3A_1304 : vector<16xf32> to vector<1x16xf32>
        tpu.vector_store %arg17[%swap3A_1305, %swap3A_1306], %swap3A_1309 {strides = array<i32>} : memref<128x128xf32, #tpu.memory_space<vmem>>, vector<1x16xf32>,
        %get3A_1310 = arith.index_cast %add3A_1287 : i32 to index
        %get3A_1311 = arith.constant 32 : index
        %get3A_1312 = tpu.vector_load %arg17[%get3A_1310, %get3A_1311] {strides = array<i32>} : memref<128x128xf32, #tpu.memory_space<vmem>>, vector<1x16xf32>,
        %get3A_1313 = vector.shape_cast %get3A_1312 : vector<1x16xf32> to vector<16xf32>
        %mul3A_1314 = vector.broadcast %squeeze3A_1283 : f32 to vector<16xf32>
        %mul3A_1315 = arith.mulf %get3A_1313, %mul3A_1314 : vector<16xf32>
        %swap3A_1316 = arith.index_cast %add3A_1287 : i32 to index
        %swap3A_1317 = arith.constant 32 : index
        %swap3A_1318 = tpu.vector_load %arg17[%swap3A_1316, %swap3A_1317] {strides = array<i32>} : memref<128x128xf32, #tpu.memory_space<vmem>>, vector<1x16xf32>,
        %swap3A_1319 = vector.shape_cast %swap3A_1318 : vector<1x16xf32> to vector<16xf32>
        %swap3A_1320 = vector.shape_cast %mul3A_1315 : vector<16xf32> to vector<1x16xf32>
        tpu.vector_store %arg17[%swap3A_1316, %swap3A_1317], %swap3A_1320 {strides = array<i32>} : memref<128x128xf32, #tpu.memory_space<vmem>>, vector<1x16xf32>,
        %get3A_1321 = arith.index_cast %add3A_1287 : i32 to index
        %get3A_1322 = arith.constant 48 : index
        %get3A_1323 = tpu.vector_load %arg17[%get3A_1321, %get3A_1322] {strides = array<i32>} : memref<128x128xf32, #tpu.memory_space<vmem>>, vector<1x16xf32>,
        %get3A_1324 = vector.shape_cast %get3A_1323 : vector<1x16xf32> to vector<16xf32>
        %mul3A_1325 = vector.broadcast %squeeze3A_1283 : f32 to vector<16xf32>
        %mul3A_1326 = arith.mulf %get3A_1324, %mul3A_1325 : vector<16xf32>
        %swap3A_1327 = arith.index_cast %add3A_1287 : i32 to index
        %swap3A_1328 = arith.constant 48 : index
        %swap3A_1329 = tpu.vector_load %arg17[%swap3A_1327, %swap3A_1328] {strides = array<i32>} : memref<128x128xf32, #tpu.memory_space<vmem>>, vector<1x16xf32>,
        %swap3A_1330 = vector.shape_cast %swap3A_1329 : vector<1x16xf32> to vector<16xf32>
        %swap3A_1331 = vector.shape_cast %mul3A_1326 : vector<16xf32> to vector<1x16xf32>
        tpu.vector_store %arg17[%swap3A_1327, %swap3A_1328], %swap3A_1331 {strides = array<i32>} : memref<128x128xf32, #tpu.memory_space<vmem>>, vector<1x16xf32>,
        %get3A_1332 = arith.index_cast %add3A_1287 : i32 to index
        %get3A_1333 = arith.constant 64 : index
        %get3A_1334 = tpu.vector_load %arg17[%get3A_1332, %get3A_1333] {strides = array<i32>} : memref<128x128xf32, #tpu.memory_space<vmem>>, vector<1x16xf32>,
        %get3A_1335 = vector.shape_cast %get3A_1334 : vector<1x16xf32> to vector<16xf32>
        %mul3A_1336 = vector.broadcast %squeeze3A_1283 : f32 to vector<16xf32>
        %mul3A_1337 = arith.mulf %get3A_1335, %mul3A_1336 : vector<16xf32>
        %swap3A_1338 = arith.index_cast %add3A_1287 : i32 to index
        %swap3A_1339 = arith.constant 64 : index
        %swap3A_1340 = tpu.vector_load %arg17[%swap3A_1338, %swap3A_1339] {strides = array<i32>} : memref<128x128xf32, #tpu.memory_space<vmem>>, vector<1x16xf32>,
        %swap3A_1341 = vector.shape_cast %swap3A_1340 : vector<1x16xf32> to vector<16xf32>
        %swap3A_1342 = vector.shape_cast %mul3A_1337 : vector<16xf32> to vector<1x16xf32>
        tpu.vector_store %arg17[%swap3A_1338, %swap3A_1339], %swap3A_1342 {strides = array<i32>} : memref<128x128xf32, #tpu.memory_space<vmem>>, vector<1x16xf32>,
        %get3A_1343 = arith.index_cast %add3A_1287 : i32 to index
        %get3A_1344 = arith.constant 80 : index
        %get3A_1345 = tpu.vector_load %arg17[%get3A_1343, %get3A_1344] {strides = array<i32>} : memref<128x128xf32, #tpu.memory_space<vmem>>, vector<1x16xf32>,
        %get3A_1346 = vector.shape_cast %get3A_1345 : vector<1x16xf32> to vector<16xf32>
        %mul3A_1347 = vector.broadcast %squeeze3A_1283 : f32 to vector<16xf32>
        %mul3A_1348 = arith.mulf %get3A_1346, %mul3A_1347 : vector<16xf32>
        %swap3A_1349 = arith.index_cast %add3A_1287 : i32 to index
        %swap3A_1350 = arith.constant 80 : index
        %swap3A_1351 = tpu.vector_load %arg17[%swap3A_1349, %swap3A_1350] {strides = array<i32>} : memref<128x128xf32, #tpu.memory_space<vmem>>, vector<1x16xf32>,
        %swap3A_1352 = vector.shape_cast %swap3A_1351 : vector<1x16xf32> to vector<16xf32>
        %swap3A_1353 = vector.shape_cast %mul3A_1348 : vector<16xf32> to vector<1x16xf32>
        tpu.vector_store %arg17[%swap3A_1349, %swap3A_1350], %swap3A_1353 {strides = array<i32>} : memref<128x128xf32, #tpu.memory_space<vmem>>, vector<1x16xf32>,
        %get3A_1354 = arith.index_cast %add3A_1287 : i32 to index
        %get3A_1355 = arith.constant 96 : index
        %get3A_1356 = tpu.vector_load %arg17[%get3A_1354, %get3A_1355] {strides = array<i32>} : memref<128x128xf32, #tpu.memory_space<vmem>>, vector<1x16xf32>,
        %get3A_1357 = vector.shape_cast %get3A_1356 : vector<1x16xf32> to vector<16xf32>
        %mul3A_1358 = vector.broadcast %squeeze3A_1283 : f32 to vector<16xf32>
        %mul3A_1359 = arith.mulf %get3A_1357, %mul3A_1358 : vector<16xf32>
        %swap3A_1360 = arith.index_cast %add3A_1287 : i32 to index
        %swap3A_1361 = arith.constant 96 : index
        %swap3A_1362 = tpu.vector_load %arg17[%swap3A_1360, %swap3A_1361] {strides = array<i32>} : memref<128x128xf32, #tpu.memory_space<vmem>>, vector<1x16xf32>,
        %swap3A_1363 = vector.shape_cast %swap3A_1362 : vector<1x16xf32> to vector<16xf32>
        %swap3A_1364 = vector.shape_cast %mul3A_1359 : vector<16xf32> to vector<1x16xf32>
        tpu.vector_store %arg17[%swap3A_1360, %swap3A_1361], %swap3A_1364 {strides = array<i32>} : memref<128x128xf32, #tpu.memory_space<vmem>>, vector<1x16xf32>,
        %get3A_1365 = arith.index_cast %add3A_1287 : i32 to index
        %get3A_1366 = arith.constant 112 : index
        %get3A_1367 = tpu.vector_load %arg17[%get3A_1365, %get3A_1366] {strides = array<i32>} : memref<128x128xf32, #tpu.memory_space<vmem>>, vector<1x16xf32>,
        %get3A_1368 = vector.shape_cast %get3A_1367 : vector<1x16xf32> to vector<16xf32>
        %mul3A_1369 = vector.broadcast %squeeze3A_1283 : f32 to vector<16xf32>
        %mul3A_1370 = arith.mulf %get3A_1368, %mul3A_1369 : vector<16xf32>
        %swap3A_1371 = arith.index_cast %add3A_1287 : i32 to index
        %swap3A_1372 = arith.constant 112 : index
        %swap3A_1373 = tpu.vector_load %arg17[%swap3A_1371, %swap3A_1372] {strides = array<i32>} : memref<128x128xf32, #tpu.memory_space<vmem>>, vector<1x16xf32>,
        %swap3A_1374 = vector.shape_cast %swap3A_1373 : vector<1x16xf32> to vector<16xf32>
        %swap3A_1375 = vector.shape_cast %mul3A_1370 : vector<16xf32> to vector<1x16xf32>
        tpu.vector_store %arg17[%swap3A_1371, %swap3A_1372], %swap3A_1375 {strides = array<i32>} : memref<128x128xf32, #tpu.memory_space<vmem>>, vector<1x16xf32>,
        %slice3A_1376 = vector.extract_strided_slice %get3A_437 {offsets = [10], sizes = [1], strides = [1]} : vector<16xf32> to vector<1xf32>
        %squeeze3A_1377 = vector.extract %slice3A_1376[0] : f32 from vector<1xf32>
        %mul3A_1378 = arith.constant 16 : i32
        %mul3A_1379 = arith.muli %scan3A_431, %mul3A_1378 : i32
        %add3A_1380 = arith.constant 10 : i32
        %add3A_1381 = arith.addi %mul3A_1379, %add3A_1380 : i32
        %get3A_1382 = arith.index_cast %add3A_1381 : i32 to index
        %get3A_1383 = arith.constant 0 : index
        %get3A_1384 = tpu.vector_load %arg17[%get3A_1382, %get3A_1383] {strides = array<i32>} : memref<128x128xf32, #tpu.memory_space<vmem>>, vector<1x16xf32>,
        %get3A_1385 = vector.shape_cast %get3A_1384 : vector<1x16xf32> to vector<16xf32>
        %mul3A_1386 = vector.broadcast %squeeze3A_1377 : f32 to vector<16xf32>
        %mul3A_1387 = arith.mulf %get3A_1385, %mul3A_1386 : vector<16xf32>
        %swap3A_1388 = arith.index_cast %add3A_1381 : i32 to index
        %swap3A_1389 = arith.constant 0 : index
        %swap3A_1390 = tpu.vector_load %arg17[%swap3A_1388, %swap3A_1389] {strides = array<i32>} : memref<128x128xf32, #tpu.memory_space<vmem>>, vector<1x16xf32>,
        %swap3A_1391 = vector.shape_cast %swap3A_1390 : vector<1x16xf32> to vector<16xf32>
        %swap3A_1392 = vector.shape_cast %mul3A_1387 : vector<16xf32> to vector<1x16xf32>
        tpu.vector_store %arg17[%swap3A_1388, %swap3A_1389], %swap3A_1392 {strides = array<i32>} : memref<128x128xf32, #tpu.memory_space<vmem>>, vector<1x16xf32>,
        %get3A_1393 = arith.index_cast %add3A_1381 : i32 to index
        %get3A_1394 = arith.constant 16 : index
        %get3A_1395 = tpu.vector_load %arg17[%get3A_1393, %get3A_1394] {strides = array<i32>} : memref<128x128xf32, #tpu.memory_space<vmem>>, vector<1x16xf32>,
        %get3A_1396 = vector.shape_cast %get3A_1395 : vector<1x16xf32> to vector<16xf32>
        %mul3A_1397 = vector.broadcast %squeeze3A_1377 : f32 to vector<16xf32>
        %mul3A_1398 = arith.mulf %get3A_1396, %mul3A_1397 : vector<16xf32>
        %swap3A_1399 = arith.index_cast %add3A_1381 : i32 to index
        %swap3A_1400 = arith.constant 16 : index
        %swap3A_1401 = tpu.vector_load %arg17[%swap3A_1399, %swap3A_1400] {strides = array<i32>} : memref<128x128xf32, #tpu.memory_space<vmem>>, vector<1x16xf32>,
        %swap3A_1402 = vector.shape_cast %swap3A_1401 : vector<1x16xf32> to vector<16xf32>
        %swap3A_1403 = vector.shape_cast %mul3A_1398 : vector<16xf32> to vector<1x16xf32>
        tpu.vector_store %arg17[%swap3A_1399, %swap3A_1400], %swap3A_1403 {strides = array<i32>} : memref<128x128xf32, #tpu.memory_space<vmem>>, vector<1x16xf32>,
        %get3A_1404 = arith.index_cast %add3A_1381 : i32 to index
        %get3A_1405 = arith.constant 32 : index
        %get3A_1406 = tpu.vector_load %arg17[%get3A_1404, %get3A_1405] {strides = array<i32>} : memref<128x128xf32, #tpu.memory_space<vmem>>, vector<1x16xf32>,
        %get3A_1407 = vector.shape_cast %get3A_1406 : vector<1x16xf32> to vector<16xf32>
        %mul3A_1408 = vector.broadcast %squeeze3A_1377 : f32 to vector<16xf32>
        %mul3A_1409 = arith.mulf %get3A_1407, %mul3A_1408 : vector<16xf32>
        %swap3A_1410 = arith.index_cast %add3A_1381 : i32 to index
        %swap3A_1411 = arith.constant 32 : index
        %swap3A_1412 = tpu.vector_load %arg17[%swap3A_1410, %swap3A_1411] {strides = array<i32>} : memref<128x128xf32, #tpu.memory_space<vmem>>, vector<1x16xf32>,
        %swap3A_1413 = vector.shape_cast %swap3A_1412 : vector<1x16xf32> to vector<16xf32>
        %swap3A_1414 = vector.shape_cast %mul3A_1409 : vector<16xf32> to vector<1x16xf32>
        tpu.vector_store %arg17[%swap3A_1410, %swap3A_1411], %swap3A_1414 {strides = array<i32>} : memref<128x128xf32, #tpu.memory_space<vmem>>, vector<1x16xf32>,
        %get3A_1415 = arith.index_cast %add3A_1381 : i32 to index
        %get3A_1416 = arith.constant 48 : index
        %get3A_1417 = tpu.vector_load %arg17[%get3A_1415, %get3A_1416] {strides = array<i32>} : memref<128x128xf32, #tpu.memory_space<vmem>>, vector<1x16xf32>,
        %get3A_1418 = vector.shape_cast %get3A_1417 : vector<1x16xf32> to vector<16xf32>
        %mul3A_1419 = vector.broadcast %squeeze3A_1377 : f32 to vector<16xf32>
        %mul3A_1420 = arith.mulf %get3A_1418, %mul3A_1419 : vector<16xf32>
        %swap3A_1421 = arith.index_cast %add3A_1381 : i32 to index
        %swap3A_1422 = arith.constant 48 : index
        %swap3A_1423 = tpu.vector_load %arg17[%swap3A_1421, %swap3A_1422] {strides = array<i32>} : memref<128x128xf32, #tpu.memory_space<vmem>>, vector<1x16xf32>,
        %swap3A_1424 = vector.shape_cast %swap3A_1423 : vector<1x16xf32> to vector<16xf32>
        %swap3A_1425 = vector.shape_cast %mul3A_1420 : vector<16xf32> to vector<1x16xf32>
        tpu.vector_store %arg17[%swap3A_1421, %swap3A_1422], %swap3A_1425 {strides = array<i32>} : memref<128x128xf32, #tpu.memory_space<vmem>>, vector<1x16xf32>,
        %get3A_1426 = arith.index_cast %add3A_1381 : i32 to index
        %get3A_1427 = arith.constant 64 : index
        %get3A_1428 = tpu.vector_load %arg17[%get3A_1426, %get3A_1427] {strides = array<i32>} : memref<128x128xf32, #tpu.memory_space<vmem>>, vector<1x16xf32>,
        %get3A_1429 = vector.shape_cast %get3A_1428 : vector<1x16xf32> to vector<16xf32>
        %mul3A_1430 = vector.broadcast %squeeze3A_1377 : f32 to vector<16xf32>
        %mul3A_1431 = arith.mulf %get3A_1429, %mul3A_1430 : vector<16xf32>
        %swap3A_1432 = arith.index_cast %add3A_1381 : i32 to index
        %swap3A_1433 = arith.constant 64 : index
        %swap3A_1434 = tpu.vector_load %arg17[%swap3A_1432, %swap3A_1433] {strides = array<i32>} : memref<128x128xf32, #tpu.memory_space<vmem>>, vector<1x16xf32>,
        %swap3A_1435 = vector.shape_cast %swap3A_1434 : vector<1x16xf32> to vector<16xf32>
        %swap3A_1436 = vector.shape_cast %mul3A_1431 : vector<16xf32> to vector<1x16xf32>
        tpu.vector_store %arg17[%swap3A_1432, %swap3A_1433], %swap3A_1436 {strides = array<i32>} : memref<128x128xf32, #tpu.memory_space<vmem>>, vector<1x16xf32>,
        %get3A_1437 = arith.index_cast %add3A_1381 : i32 to index
        %get3A_1438 = arith.constant 80 : index
        %get3A_1439 = tpu.vector_load %arg17[%get3A_1437, %get3A_1438] {strides = array<i32>} : memref<128x128xf32, #tpu.memory_space<vmem>>, vector<1x16xf32>,
        %get3A_1440 = vector.shape_cast %get3A_1439 : vector<1x16xf32> to vector<16xf32>
        %mul3A_1441 = vector.broadcast %squeeze3A_1377 : f32 to vector<16xf32>
        %mul3A_1442 = arith.mulf %get3A_1440, %mul3A_1441 : vector<16xf32>
        %swap3A_1443 = arith.index_cast %add3A_1381 : i32 to index
        %swap3A_1444 = arith.constant 80 : index
        %swap3A_1445 = tpu.vector_load %arg17[%swap3A_1443, %swap3A_1444] {strides = array<i32>} : memref<128x128xf32, #tpu.memory_space<vmem>>, vector<1x16xf32>,
        %swap3A_1446 = vector.shape_cast %swap3A_1445 : vector<1x16xf32> to vector<16xf32>
        %swap3A_1447 = vector.shape_cast %mul3A_1442 : vector<16xf32> to vector<1x16xf32>
        tpu.vector_store %arg17[%swap3A_1443, %swap3A_1444], %swap3A_1447 {strides = array<i32>} : memref<128x128xf32, #tpu.memory_space<vmem>>, vector<1x16xf32>,
        %get3A_1448 = arith.index_cast %add3A_1381 : i32 to index
        %get3A_1449 = arith.constant 96 : index
        %get3A_1450 = tpu.vector_load %arg17[%get3A_1448, %get3A_1449] {strides = array<i32>} : memref<128x128xf32, #tpu.memory_space<vmem>>, vector<1x16xf32>,
        %get3A_1451 = vector.shape_cast %get3A_1450 : vector<1x16xf32> to vector<16xf32>
        %mul3A_1452 = vector.broadcast %squeeze3A_1377 : f32 to vector<16xf32>
        %mul3A_1453 = arith.mulf %get3A_1451, %mul3A_1452 : vector<16xf32>
        %swap3A_1454 = arith.index_cast %add3A_1381 : i32 to index
        %swap3A_1455 = arith.constant 96 : index
        %swap3A_1456 = tpu.vector_load %arg17[%swap3A_1454, %swap3A_1455] {strides = array<i32>} : memref<128x128xf32, #tpu.memory_space<vmem>>, vector<1x16xf32>,
        %swap3A_1457 = vector.shape_cast %swap3A_1456 : vector<1x16xf32> to vector<16xf32>
        %swap3A_1458 = vector.shape_cast %mul3A_1453 : vector<16xf32> to vector<1x16xf32>
        tpu.vector_store %arg17[%swap3A_1454, %swap3A_1455], %swap3A_1458 {strides = array<i32>} : memref<128x128xf32, #tpu.memory_space<vmem>>, vector<1x16xf32>,
        %get3A_1459 = arith.index_cast %add3A_1381 : i32 to index
        %get3A_1460 = arith.constant 112 : index
        %get3A_1461 = tpu.vector_load %arg17[%get3A_1459, %get3A_1460] {strides = array<i32>} : memref<128x128xf32, #tpu.memory_space<vmem>>, vector<1x16xf32>,
        %get3A_1462 = vector.shape_cast %get3A_1461 : vector<1x16xf32> to vector<16xf32>
        %mul3A_1463 = vector.broadcast %squeeze3A_1377 : f32 to vector<16xf32>
        %mul3A_1464 = arith.mulf %get3A_1462, %mul3A_1463 : vector<16xf32>
        %swap3A_1465 = arith.index_cast %add3A_1381 : i32 to index
        %swap3A_1466 = arith.constant 112 : index
        %swap3A_1467 = tpu.vector_load %arg17[%swap3A_1465, %swap3A_1466] {strides = array<i32>} : memref<128x128xf32, #tpu.memory_space<vmem>>, vector<1x16xf32>,
        %swap3A_1468 = vector.shape_cast %swap3A_1467 : vector<1x16xf32> to vector<16xf32>
        %swap3A_1469 = vector.shape_cast %mul3A_1464 : vector<16xf32> to vector<1x16xf32>
        tpu.vector_store %arg17[%swap3A_1465, %swap3A_1466], %swap3A_1469 {strides = array<i32>} : memref<128x128xf32, #tpu.memory_space<vmem>>, vector<1x16xf32>,
        %slice3A_1470 = vector.extract_strided_slice %get3A_437 {offsets = [11], sizes = [1], strides = [1]} : vector<16xf32> to vector<1xf32>
        %squeeze3A_1471 = vector.extract %slice3A_1470[0] : f32 from vector<1xf32>
        %mul3A_1472 = arith.constant 16 : i32
        %mul3A_1473 = arith.muli %scan3A_431, %mul3A_1472 : i32
        %add3A_1474 = arith.constant 11 : i32
        %add3A_1475 = arith.addi %mul3A_1473, %add3A_1474 : i32
        %get3A_1476 = arith.index_cast %add3A_1475 : i32 to index
        %get3A_1477 = arith.constant 0 : index
        %get3A_1478 = tpu.vector_load %arg17[%get3A_1476, %get3A_1477] {strides = array<i32>} : memref<128x128xf32, #tpu.memory_space<vmem>>, vector<1x16xf32>,
        %get3A_1479 = vector.shape_cast %get3A_1478 : vector<1x16xf32> to vector<16xf32>
        %mul3A_1480 = vector.broadcast %squeeze3A_1471 : f32 to vector<16xf32>
        %mul3A_1481 = arith.mulf %get3A_1479, %mul3A_1480 : vector<16xf32>
        %swap3A_1482 = arith.index_cast %add3A_1475 : i32 to index
        %swap3A_1483 = arith.constant 0 : index
        %swap3A_1484 = tpu.vector_load %arg17[%swap3A_1482, %swap3A_1483] {strides = array<i32>} : memref<128x128xf32, #tpu.memory_space<vmem>>, vector<1x16xf32>,
        %swap3A_1485 = vector.shape_cast %swap3A_1484 : vector<1x16xf32> to vector<16xf32>
        %swap3A_1486 = vector.shape_cast %mul3A_1481 : vector<16xf32> to vector<1x16xf32>
        tpu.vector_store %arg17[%swap3A_1482, %swap3A_1483], %swap3A_1486 {strides = array<i32>} : memref<128x128xf32, #tpu.memory_space<vmem>>, vector<1x16xf32>,
        %get3A_1487 = arith.index_cast %add3A_1475 : i32 to index
        %get3A_1488 = arith.constant 16 : index
        %get3A_1489 = tpu.vector_load %arg17[%get3A_1487, %get3A_1488] {strides = array<i32>} : memref<128x128xf32, #tpu.memory_space<vmem>>, vector<1x16xf32>,
        %get3A_1490 = vector.shape_cast %get3A_1489 : vector<1x16xf32> to vector<16xf32>
        %mul3A_1491 = vector.broadcast %squeeze3A_1471 : f32 to vector<16xf32>
        %mul3A_1492 = arith.mulf %get3A_1490, %mul3A_1491 : vector<16xf32>
        %swap3A_1493 = arith.index_cast %add3A_1475 : i32 to index
        %swap3A_1494 = arith.constant 16 : index
        %swap3A_1495 = tpu.vector_load %arg17[%swap3A_1493, %swap3A_1494] {strides = array<i32>} : memref<128x128xf32, #tpu.memory_space<vmem>>, vector<1x16xf32>,
        %swap3A_1496 = vector.shape_cast %swap3A_1495 : vector<1x16xf32> to vector<16xf32>
        %swap3A_1497 = vector.shape_cast %mul3A_1492 : vector<16xf32> to vector<1x16xf32>
        tpu.vector_store %arg17[%swap3A_1493, %swap3A_1494], %swap3A_1497 {strides = array<i32>} : memref<128x128xf32, #tpu.memory_space<vmem>>, vector<1x16xf32>,
        %get3A_1498 = arith.index_cast %add3A_1475 : i32 to index
        %get3A_1499 = arith.constant 32 : index
        %get3A_1500 = tpu.vector_load %arg17[%get3A_1498, %get3A_1499] {strides = array<i32>} : memref<128x128xf32, #tpu.memory_space<vmem>>, vector<1x16xf32>,
        %get3A_1501 = vector.shape_cast %get3A_1500 : vector<1x16xf32> to vector<16xf32>
        %mul3A_1502 = vector.broadcast %squeeze3A_1471 : f32 to vector<16xf32>
        %mul3A_1503 = arith.mulf %get3A_1501, %mul3A_1502 : vector<16xf32>
        %swap3A_1504 = arith.index_cast %add3A_1475 : i32 to index
        %swap3A_1505 = arith.constant 32 : index
        %swap3A_1506 = tpu.vector_load %arg17[%swap3A_1504, %swap3A_1505] {strides = array<i32>} : memref<128x128xf32, #tpu.memory_space<vmem>>, vector<1x16xf32>,
        %swap3A_1507 = vector.shape_cast %swap3A_1506 : vector<1x16xf32> to vector<16xf32>
        %swap3A_1508 = vector.shape_cast %mul3A_1503 : vector<16xf32> to vector<1x16xf32>
        tpu.vector_store %arg17[%swap3A_1504, %swap3A_1505], %swap3A_1508 {strides = array<i32>} : memref<128x128xf32, #tpu.memory_space<vmem>>, vector<1x16xf32>,
        %get3A_1509 = arith.index_cast %add3A_1475 : i32 to index
        %get3A_1510 = arith.constant 48 : index
        %get3A_1511 = tpu.vector_load %arg17[%get3A_1509, %get3A_1510] {strides = array<i32>} : memref<128x128xf32, #tpu.memory_space<vmem>>, vector<1x16xf32>,
        %get3A_1512 = vector.shape_cast %get3A_1511 : vector<1x16xf32> to vector<16xf32>
        %mul3A_1513 = vector.broadcast %squeeze3A_1471 : f32 to vector<16xf32>
        %mul3A_1514 = arith.mulf %get3A_1512, %mul3A_1513 : vector<16xf32>
        %swap3A_1515 = arith.index_cast %add3A_1475 : i32 to index
        %swap3A_1516 = arith.constant 48 : index
        %swap3A_1517 = tpu.vector_load %arg17[%swap3A_1515, %swap3A_1516] {strides = array<i32>} : memref<128x128xf32, #tpu.memory_space<vmem>>, vector<1x16xf32>,
        %swap3A_1518 = vector.shape_cast %swap3A_1517 : vector<1x16xf32> to vector<16xf32>
        %swap3A_1519 = vector.shape_cast %mul3A_1514 : vector<16xf32> to vector<1x16xf32>
        tpu.vector_store %arg17[%swap3A_1515, %swap3A_1516], %swap3A_1519 {strides = array<i32>} : memref<128x128xf32, #tpu.memory_space<vmem>>, vector<1x16xf32>,
        %get3A_1520 = arith.index_cast %add3A_1475 : i32 to index
        %get3A_1521 = arith.constant 64 : index
        %get3A_1522 = tpu.vector_load %arg17[%get3A_1520, %get3A_1521] {strides = array<i32>} : memref<128x128xf32, #tpu.memory_space<vmem>>, vector<1x16xf32>,
        %get3A_1523 = vector.shape_cast %get3A_1522 : vector<1x16xf32> to vector<16xf32>
        %mul3A_1524 = vector.broadcast %squeeze3A_1471 : f32 to vector<16xf32>
        %mul3A_1525 = arith.mulf %get3A_1523, %mul3A_1524 : vector<16xf32>
        %swap3A_1526 = arith.index_cast %add3A_1475 : i32 to index
        %swap3A_1527 = arith.constant 64 : index
        %swap3A_1528 = tpu.vector_load %arg17[%swap3A_1526, %swap3A_1527] {strides = array<i32>} : memref<128x128xf32, #tpu.memory_space<vmem>>, vector<1x16xf32>,
        %swap3A_1529 = vector.shape_cast %swap3A_1528 : vector<1x16xf32> to vector<16xf32>
        %swap3A_1530 = vector.shape_cast %mul3A_1525 : vector<16xf32> to vector<1x16xf32>
        tpu.vector_store %arg17[%swap3A_1526, %swap3A_1527], %swap3A_1530 {strides = array<i32>} : memref<128x128xf32, #tpu.memory_space<vmem>>, vector<1x16xf32>,
        %get3A_1531 = arith.index_cast %add3A_1475 : i32 to index
        %get3A_1532 = arith.constant 80 : index
        %get3A_1533 = tpu.vector_load %arg17[%get3A_1531, %get3A_1532] {strides = array<i32>} : memref<128x128xf32, #tpu.memory_space<vmem>>, vector<1x16xf32>,
        %get3A_1534 = vector.shape_cast %get3A_1533 : vector<1x16xf32> to vector<16xf32>
        %mul3A_1535 = vector.broadcast %squeeze3A_1471 : f32 to vector<16xf32>
        %mul3A_1536 = arith.mulf %get3A_1534, %mul3A_1535 : vector<16xf32>
        %swap3A_1537 = arith.index_cast %add3A_1475 : i32 to index
        %swap3A_1538 = arith.constant 80 : index
        %swap3A_1539 = tpu.vector_load %arg17[%swap3A_1537, %swap3A_1538] {strides = array<i32>} : memref<128x128xf32, #tpu.memory_space<vmem>>, vector<1x16xf32>,
        %swap3A_1540 = vector.shape_cast %swap3A_1539 : vector<1x16xf32> to vector<16xf32>
        %swap3A_1541 = vector.shape_cast %mul3A_1536 : vector<16xf32> to vector<1x16xf32>
        tpu.vector_store %arg17[%swap3A_1537, %swap3A_1538], %swap3A_1541 {strides = array<i32>} : memref<128x128xf32, #tpu.memory_space<vmem>>, vector<1x16xf32>,
        %get3A_1542 = arith.index_cast %add3A_1475 : i32 to index
        %get3A_1543 = arith.constant 96 : index
        %get3A_1544 = tpu.vector_load %arg17[%get3A_1542, %get3A_1543] {strides = array<i32>} : memref<128x128xf32, #tpu.memory_space<vmem>>, vector<1x16xf32>,
        %get3A_1545 = vector.shape_cast %get3A_1544 : vector<1x16xf32> to vector<16xf32>
        %mul3A_1546 = vector.broadcast %squeeze3A_1471 : f32 to vector<16xf32>
        %mul3A_1547 = arith.mulf %get3A_1545, %mul3A_1546 : vector<16xf32>
        %swap3A_1548 = arith.index_cast %add3A_1475 : i32 to index
        %swap3A_1549 = arith.constant 96 : index
        %swap3A_1550 = tpu.vector_load %arg17[%swap3A_1548, %swap3A_1549] {strides = array<i32>} : memref<128x128xf32, #tpu.memory_space<vmem>>, vector<1x16xf32>,
        %swap3A_1551 = vector.shape_cast %swap3A_1550 : vector<1x16xf32> to vector<16xf32>
        %swap3A_1552 = vector.shape_cast %mul3A_1547 : vector<16xf32> to vector<1x16xf32>
        tpu.vector_store %arg17[%swap3A_1548, %swap3A_1549], %swap3A_1552 {strides = array<i32>} : memref<128x128xf32, #tpu.memory_space<vmem>>, vector<1x16xf32>,
        %get3A_1553 = arith.index_cast %add3A_1475 : i32 to index
        %get3A_1554 = arith.constant 112 : index
        %get3A_1555 = tpu.vector_load %arg17[%get3A_1553, %get3A_1554] {strides = array<i32>} : memref<128x128xf32, #tpu.memory_space<vmem>>, vector<1x16xf32>,
        %get3A_1556 = vector.shape_cast %get3A_1555 : vector<1x16xf32> to vector<16xf32>
        %mul3A_1557 = vector.broadcast %squeeze3A_1471 : f32 to vector<16xf32>
        %mul3A_1558 = arith.mulf %get3A_1556, %mul3A_1557 : vector<16xf32>
        %swap3A_1559 = arith.index_cast %add3A_1475 : i32 to index
        %swap3A_1560 = arith.constant 112 : index
        %swap3A_1561 = tpu.vector_load %arg17[%swap3A_1559, %swap3A_1560] {strides = array<i32>} : memref<128x128xf32, #tpu.memory_space<vmem>>, vector<1x16xf32>,
        %swap3A_1562 = vector.shape_cast %swap3A_1561 : vector<1x16xf32> to vector<16xf32>
        %swap3A_1563 = vector.shape_cast %mul3A_1558 : vector<16xf32> to vector<1x16xf32>
        tpu.vector_store %arg17[%swap3A_1559, %swap3A_1560], %swap3A_1563 {strides = array<i32>} : memref<128x128xf32, #tpu.memory_space<vmem>>, vector<1x16xf32>,
        %slice3A_1564 = vector.extract_strided_slice %get3A_437 {offsets = [12], sizes = [1], strides = [1]} : vector<16xf32> to vector<1xf32>
        %squeeze3A_1565 = vector.extract %slice3A_1564[0] : f32 from vector<1xf32>
        %mul3A_1566 = arith.constant 16 : i32
        %mul3A_1567 = arith.muli %scan3A_431, %mul3A_1566 : i32
        %add3A_1568 = arith.constant 12 : i32
        %add3A_1569 = arith.addi %mul3A_1567, %add3A_1568 : i32
        %get3A_1570 = arith.index_cast %add3A_1569 : i32 to index
        %get3A_1571 = arith.constant 0 : index
        %get3A_1572 = tpu.vector_load %arg17[%get3A_1570, %get3A_1571] {strides = array<i32>} : memref<128x128xf32, #tpu.memory_space<vmem>>, vector<1x16xf32>,
        %get3A_1573 = vector.shape_cast %get3A_1572 : vector<1x16xf32> to vector<16xf32>
        %mul3A_1574 = vector.broadcast %squeeze3A_1565 : f32 to vector<16xf32>
        %mul3A_1575 = arith.mulf %get3A_1573, %mul3A_1574 : vector<16xf32>
        %swap3A_1576 = arith.index_cast %add3A_1569 : i32 to index
        %swap3A_1577 = arith.constant 0 : index
        %swap3A_1578 = tpu.vector_load %arg17[%swap3A_1576, %swap3A_1577] {strides = array<i32>} : memref<128x128xf32, #tpu.memory_space<vmem>>, vector<1x16xf32>,
        %swap3A_1579 = vector.shape_cast %swap3A_1578 : vector<1x16xf32> to vector<16xf32>
        %swap3A_1580 = vector.shape_cast %mul3A_1575 : vector<16xf32> to vector<1x16xf32>
        tpu.vector_store %arg17[%swap3A_1576, %swap3A_1577], %swap3A_1580 {strides = array<i32>} : memref<128x128xf32, #tpu.memory_space<vmem>>, vector<1x16xf32>,
        %get3A_1581 = arith.index_cast %add3A_1569 : i32 to index
        %get3A_1582 = arith.constant 16 : index
        %get3A_1583 = tpu.vector_load %arg17[%get3A_1581, %get3A_1582] {strides = array<i32>} : memref<128x128xf32, #tpu.memory_space<vmem>>, vector<1x16xf32>,
        %get3A_1584 = vector.shape_cast %get3A_1583 : vector<1x16xf32> to vector<16xf32>
        %mul3A_1585 = vector.broadcast %squeeze3A_1565 : f32 to vector<16xf32>
        %mul3A_1586 = arith.mulf %get3A_1584, %mul3A_1585 : vector<16xf32>
        %swap3A_1587 = arith.index_cast %add3A_1569 : i32 to index
        %swap3A_1588 = arith.constant 16 : index
        %swap3A_1589 = tpu.vector_load %arg17[%swap3A_1587, %swap3A_1588] {strides = array<i32>} : memref<128x128xf32, #tpu.memory_space<vmem>>, vector<1x16xf32>,
        %swap3A_1590 = vector.shape_cast %swap3A_1589 : vector<1x16xf32> to vector<16xf32>
        %swap3A_1591 = vector.shape_cast %mul3A_1586 : vector<16xf32> to vector<1x16xf32>
        tpu.vector_store %arg17[%swap3A_1587, %swap3A_1588], %swap3A_1591 {strides = array<i32>} : memref<128x128xf32, #tpu.memory_space<vmem>>, vector<1x16xf32>,
        %get3A_1592 = arith.index_cast %add3A_1569 : i32 to index
        %get3A_1593 = arith.constant 32 : index
        %get3A_1594 = tpu.vector_load %arg17[%get3A_1592, %get3A_1593] {strides = array<i32>} : memref<128x128xf32, #tpu.memory_space<vmem>>, vector<1x16xf32>,
        %get3A_1595 = vector.shape_cast %get3A_1594 : vector<1x16xf32> to vector<16xf32>
        %mul3A_1596 = vector.broadcast %squeeze3A_1565 : f32 to vector<16xf32>
        %mul3A_1597 = arith.mulf %get3A_1595, %mul3A_1596 : vector<16xf32>
        %swap3A_1598 = arith.index_cast %add3A_1569 : i32 to index
        %swap3A_1599 = arith.constant 32 : index
        %swap3A_1600 = tpu.vector_load %arg17[%swap3A_1598, %swap3A_1599] {strides = array<i32>} : memref<128x128xf32, #tpu.memory_space<vmem>>, vector<1x16xf32>,
        %swap3A_1601 = vector.shape_cast %swap3A_1600 : vector<1x16xf32> to vector<16xf32>
        %swap3A_1602 = vector.shape_cast %mul3A_1597 : vector<16xf32> to vector<1x16xf32>
        tpu.vector_store %arg17[%swap3A_1598, %swap3A_1599], %swap3A_1602 {strides = array<i32>} : memref<128x128xf32, #tpu.memory_space<vmem>>, vector<1x16xf32>,
        %get3A_1603 = arith.index_cast %add3A_1569 : i32 to index
        %get3A_1604 = arith.constant 48 : index
        %get3A_1605 = tpu.vector_load %arg17[%get3A_1603, %get3A_1604] {strides = array<i32>} : memref<128x128xf32, #tpu.memory_space<vmem>>, vector<1x16xf32>,
        %get3A_1606 = vector.shape_cast %get3A_1605 : vector<1x16xf32> to vector<16xf32>
        %mul3A_1607 = vector.broadcast %squeeze3A_1565 : f32 to vector<16xf32>
        %mul3A_1608 = arith.mulf %get3A_1606, %mul3A_1607 : vector<16xf32>
        %swap3A_1609 = arith.index_cast %add3A_1569 : i32 to index
        %swap3A_1610 = arith.constant 48 : index
        %swap3A_1611 = tpu.vector_load %arg17[%swap3A_1609, %swap3A_1610] {strides = array<i32>} : memref<128x128xf32, #tpu.memory_space<vmem>>, vector<1x16xf32>,
        %swap3A_1612 = vector.shape_cast %swap3A_1611 : vector<1x16xf32> to vector<16xf32>
        %swap3A_1613 = vector.shape_cast %mul3A_1608 : vector<16xf32> to vector<1x16xf32>
        tpu.vector_store %arg17[%swap3A_1609, %swap3A_1610], %swap3A_1613 {strides = array<i32>} : memref<128x128xf32, #tpu.memory_space<vmem>>, vector<1x16xf32>,
        %get3A_1614 = arith.index_cast %add3A_1569 : i32 to index
        %get3A_1615 = arith.constant 64 : index
        %get3A_1616 = tpu.vector_load %arg17[%get3A_1614, %get3A_1615] {strides = array<i32>} : memref<128x128xf32, #tpu.memory_space<vmem>>, vector<1x16xf32>,
        %get3A_1617 = vector.shape_cast %get3A_1616 : vector<1x16xf32> to vector<16xf32>
        %mul3A_1618 = vector.broadcast %squeeze3A_1565 : f32 to vector<16xf32>
        %mul3A_1619 = arith.mulf %get3A_1617, %mul3A_1618 : vector<16xf32>
        %swap3A_1620 = arith.index_cast %add3A_1569 : i32 to index
        %swap3A_1621 = arith.constant 64 : index
        %swap3A_1622 = tpu.vector_load %arg17[%swap3A_1620, %swap3A_1621] {strides = array<i32>} : memref<128x128xf32, #tpu.memory_space<vmem>>, vector<1x16xf32>,
        %swap3A_1623 = vector.shape_cast %swap3A_1622 : vector<1x16xf32> to vector<16xf32>
        %swap3A_1624 = vector.shape_cast %mul3A_1619 : vector<16xf32> to vector<1x16xf32>
        tpu.vector_store %arg17[%swap3A_1620, %swap3A_1621], %swap3A_1624 {strides = array<i32>} : memref<128x128xf32, #tpu.memory_space<vmem>>, vector<1x16xf32>,
        %get3A_1625 = arith.index_cast %add3A_1569 : i32 to index
        %get3A_1626 = arith.constant 80 : index
        %get3A_1627 = tpu.vector_load %arg17[%get3A_1625, %get3A_1626] {strides = array<i32>} : memref<128x128xf32, #tpu.memory_space<vmem>>, vector<1x16xf32>,
        %get3A_1628 = vector.shape_cast %get3A_1627 : vector<1x16xf32> to vector<16xf32>
        %mul3A_1629 = vector.broadcast %squeeze3A_1565 : f32 to vector<16xf32>
        %mul3A_1630 = arith.mulf %get3A_1628, %mul3A_1629 : vector<16xf32>
        %swap3A_1631 = arith.index_cast %add3A_1569 : i32 to index
        %swap3A_1632 = arith.constant 80 : index
        %swap3A_1633 = tpu.vector_load %arg17[%swap3A_1631, %swap3A_1632] {strides = array<i32>} : memref<128x128xf32, #tpu.memory_space<vmem>>, vector<1x16xf32>,
        %swap3A_1634 = vector.shape_cast %swap3A_1633 : vector<1x16xf32> to vector<16xf32>
        %swap3A_1635 = vector.shape_cast %mul3A_1630 : vector<16xf32> to vector<1x16xf32>
        tpu.vector_store %arg17[%swap3A_1631, %swap3A_1632], %swap3A_1635 {strides = array<i32>} : memref<128x128xf32, #tpu.memory_space<vmem>>, vector<1x16xf32>,
        %get3A_1636 = arith.index_cast %add3A_1569 : i32 to index
        %get3A_1637 = arith.constant 96 : index
        %get3A_1638 = tpu.vector_load %arg17[%get3A_1636, %get3A_1637] {strides = array<i32>} : memref<128x128xf32, #tpu.memory_space<vmem>>, vector<1x16xf32>,
        %get3A_1639 = vector.shape_cast %get3A_1638 : vector<1x16xf32> to vector<16xf32>
        %mul3A_1640 = vector.broadcast %squeeze3A_1565 : f32 to vector<16xf32>
        %mul3A_1641 = arith.mulf %get3A_1639, %mul3A_1640 : vector<16xf32>
        %swap3A_1642 = arith.index_cast %add3A_1569 : i32 to index
        %swap3A_1643 = arith.constant 96 : index
        %swap3A_1644 = tpu.vector_load %arg17[%swap3A_1642, %swap3A_1643] {strides = array<i32>} : memref<128x128xf32, #tpu.memory_space<vmem>>, vector<1x16xf32>,
        %swap3A_1645 = vector.shape_cast %swap3A_1644 : vector<1x16xf32> to vector<16xf32>
        %swap3A_1646 = vector.shape_cast %mul3A_1641 : vector<16xf32> to vector<1x16xf32>
        tpu.vector_store %arg17[%swap3A_1642, %swap3A_1643], %swap3A_1646 {strides = array<i32>} : memref<128x128xf32, #tpu.memory_space<vmem>>, vector<1x16xf32>,
        %get3A_1647 = arith.index_cast %add3A_1569 : i32 to index
        %get3A_1648 = arith.constant 112 : index
        %get3A_1649 = tpu.vector_load %arg17[%get3A_1647, %get3A_1648] {strides = array<i32>} : memref<128x128xf32, #tpu.memory_space<vmem>>, vector<1x16xf32>,
        %get3A_1650 = vector.shape_cast %get3A_1649 : vector<1x16xf32> to vector<16xf32>
        %mul3A_1651 = vector.broadcast %squeeze3A_1565 : f32 to vector<16xf32>
        %mul3A_1652 = arith.mulf %get3A_1650, %mul3A_1651 : vector<16xf32>
        %swap3A_1653 = arith.index_cast %add3A_1569 : i32 to index
        %swap3A_1654 = arith.constant 112 : index
        %swap3A_1655 = tpu.vector_load %arg17[%swap3A_1653, %swap3A_1654] {strides = array<i32>} : memref<128x128xf32, #tpu.memory_space<vmem>>, vector<1x16xf32>,
        %swap3A_1656 = vector.shape_cast %swap3A_1655 : vector<1x16xf32> to vector<16xf32>
        %swap3A_1657 = vector.shape_cast %mul3A_1652 : vector<16xf32> to vector<1x16xf32>
        tpu.vector_store %arg17[%swap3A_1653, %swap3A_1654], %swap3A_1657 {strides = array<i32>} : memref<128x128xf32, #tpu.memory_space<vmem>>, vector<1x16xf32>,
        %slice3A_1658 = vector.extract_strided_slice %get3A_437 {offsets = [13], sizes = [1], strides = [1]} : vector<16xf32> to vector<1xf32>
        %squeeze3A_1659 = vector.extract %slice3A_1658[0] : f32 from vector<1xf32>
        %mul3A_1660 = arith.constant 16 : i32
        %mul3A_1661 = arith.muli %scan3A_431, %mul3A_1660 : i32
        %add3A_1662 = arith.constant 13 : i32
        %add3A_1663 = arith.addi %mul3A_1661, %add3A_1662 : i32
        %get3A_1664 = arith.index_cast %add3A_1663 : i32 to index
        %get3A_1665 = arith.constant 0 : index
        %get3A_1666 = tpu.vector_load %arg17[%get3A_1664, %get3A_1665] {strides = array<i32>} : memref<128x128xf32, #tpu.memory_space<vmem>>, vector<1x16xf32>,
        %get3A_1667 = vector.shape_cast %get3A_1666 : vector<1x16xf32> to vector<16xf32>
        %mul3A_1668 = vector.broadcast %squeeze3A_1659 : f32 to vector<16xf32>
        %mul3A_1669 = arith.mulf %get3A_1667, %mul3A_1668 : vector<16xf32>
        %swap3A_1670 = arith.index_cast %add3A_1663 : i32 to index
        %swap3A_1671 = arith.constant 0 : index
        %swap3A_1672 = tpu.vector_load %arg17[%swap3A_1670, %swap3A_1671] {strides = array<i32>} : memref<128x128xf32, #tpu.memory_space<vmem>>, vector<1x16xf32>,
        %swap3A_1673 = vector.shape_cast %swap3A_1672 : vector<1x16xf32> to vector<16xf32>
        %swap3A_1674 = vector.shape_cast %mul3A_1669 : vector<16xf32> to vector<1x16xf32>
        tpu.vector_store %arg17[%swap3A_1670, %swap3A_1671], %swap3A_1674 {strides = array<i32>} : memref<128x128xf32, #tpu.memory_space<vmem>>, vector<1x16xf32>,
        %get3A_1675 = arith.index_cast %add3A_1663 : i32 to index
        %get3A_1676 = arith.constant 16 : index
        %get3A_1677 = tpu.vector_load %arg17[%get3A_1675, %get3A_1676] {strides = array<i32>} : memref<128x128xf32, #tpu.memory_space<vmem>>, vector<1x16xf32>,
        %get3A_1678 = vector.shape_cast %get3A_1677 : vector<1x16xf32> to vector<16xf32>
        %mul3A_1679 = vector.broadcast %squeeze3A_1659 : f32 to vector<16xf32>
        %mul3A_1680 = arith.mulf %get3A_1678, %mul3A_1679 : vector<16xf32>
        %swap3A_1681 = arith.index_cast %add3A_1663 : i32 to index
        %swap3A_1682 = arith.constant 16 : index
        %swap3A_1683 = tpu.vector_load %arg17[%swap3A_1681, %swap3A_1682] {strides = array<i32>} : memref<128x128xf32, #tpu.memory_space<vmem>>, vector<1x16xf32>,
        %swap3A_1684 = vector.shape_cast %swap3A_1683 : vector<1x16xf32> to vector<16xf32>
        %swap3A_1685 = vector.shape_cast %mul3A_1680 : vector<16xf32> to vector<1x16xf32>
        tpu.vector_store %arg17[%swap3A_1681, %swap3A_1682], %swap3A_1685 {strides = array<i32>} : memref<128x128xf32, #tpu.memory_space<vmem>>, vector<1x16xf32>,
        %get3A_1686 = arith.index_cast %add3A_1663 : i32 to index
        %get3A_1687 = arith.constant 32 : index
        %get3A_1688 = tpu.vector_load %arg17[%get3A_1686, %get3A_1687] {strides = array<i32>} : memref<128x128xf32, #tpu.memory_space<vmem>>, vector<1x16xf32>,
        %get3A_1689 = vector.shape_cast %get3A_1688 : vector<1x16xf32> to vector<16xf32>
        %mul3A_1690 = vector.broadcast %squeeze3A_1659 : f32 to vector<16xf32>
        %mul3A_1691 = arith.mulf %get3A_1689, %mul3A_1690 : vector<16xf32>
        %swap3A_1692 = arith.index_cast %add3A_1663 : i32 to index
        %swap3A_1693 = arith.constant 32 : index
        %swap3A_1694 = tpu.vector_load %arg17[%swap3A_1692, %swap3A_1693] {strides = array<i32>} : memref<128x128xf32, #tpu.memory_space<vmem>>, vector<1x16xf32>,
        %swap3A_1695 = vector.shape_cast %swap3A_1694 : vector<1x16xf32> to vector<16xf32>
        %swap3A_1696 = vector.shape_cast %mul3A_1691 : vector<16xf32> to vector<1x16xf32>
        tpu.vector_store %arg17[%swap3A_1692, %swap3A_1693], %swap3A_1696 {strides = array<i32>} : memref<128x128xf32, #tpu.memory_space<vmem>>, vector<1x16xf32>,
        %get3A_1697 = arith.index_cast %add3A_1663 : i32 to index
        %get3A_1698 = arith.constant 48 : index
        %get3A_1699 = tpu.vector_load %arg17[%get3A_1697, %get3A_1698] {strides = array<i32>} : memref<128x128xf32, #tpu.memory_space<vmem>>, vector<1x16xf32>,
        %get3A_1700 = vector.shape_cast %get3A_1699 : vector<1x16xf32> to vector<16xf32>
        %mul3A_1701 = vector.broadcast %squeeze3A_1659 : f32 to vector<16xf32>
        %mul3A_1702 = arith.mulf %get3A_1700, %mul3A_1701 : vector<16xf32>
        %swap3A_1703 = arith.index_cast %add3A_1663 : i32 to index
        %swap3A_1704 = arith.constant 48 : index
        %swap3A_1705 = tpu.vector_load %arg17[%swap3A_1703, %swap3A_1704] {strides = array<i32>} : memref<128x128xf32, #tpu.memory_space<vmem>>, vector<1x16xf32>,
        %swap3A_1706 = vector.shape_cast %swap3A_1705 : vector<1x16xf32> to vector<16xf32>
        %swap3A_1707 = vector.shape_cast %mul3A_1702 : vector<16xf32> to vector<1x16xf32>
        tpu.vector_store %arg17[%swap3A_1703, %swap3A_1704], %swap3A_1707 {strides = array<i32>} : memref<128x128xf32, #tpu.memory_space<vmem>>, vector<1x16xf32>,
        %get3A_1708 = arith.index_cast %add3A_1663 : i32 to index
        %get3A_1709 = arith.constant 64 : index
        %get3A_1710 = tpu.vector_load %arg17[%get3A_1708, %get3A_1709] {strides = array<i32>} : memref<128x128xf32, #tpu.memory_space<vmem>>, vector<1x16xf32>,
        %get3A_1711 = vector.shape_cast %get3A_1710 : vector<1x16xf32> to vector<16xf32>
        %mul3A_1712 = vector.broadcast %squeeze3A_1659 : f32 to vector<16xf32>
        %mul3A_1713 = arith.mulf %get3A_1711, %mul3A_1712 : vector<16xf32>
        %swap3A_1714 = arith.index_cast %add3A_1663 : i32 to index
        %swap3A_1715 = arith.constant 64 : index
        %swap3A_1716 = tpu.vector_load %arg17[%swap3A_1714, %swap3A_1715] {strides = array<i32>} : memref<128x128xf32, #tpu.memory_space<vmem>>, vector<1x16xf32>,
        %swap3A_1717 = vector.shape_cast %swap3A_1716 : vector<1x16xf32> to vector<16xf32>
        %swap3A_1718 = vector.shape_cast %mul3A_1713 : vector<16xf32> to vector<1x16xf32>
        tpu.vector_store %arg17[%swap3A_1714, %swap3A_1715], %swap3A_1718 {strides = array<i32>} : memref<128x128xf32, #tpu.memory_space<vmem>>, vector<1x16xf32>,
        %get3A_1719 = arith.index_cast %add3A_1663 : i32 to index
        %get3A_1720 = arith.constant 80 : index
        %get3A_1721 = tpu.vector_load %arg17[%get3A_1719, %get3A_1720] {strides = array<i32>} : memref<128x128xf32, #tpu.memory_space<vmem>>, vector<1x16xf32>,
        %get3A_1722 = vector.shape_cast %get3A_1721 : vector<1x16xf32> to vector<16xf32>
        %mul3A_1723 = vector.broadcast %squeeze3A_1659 : f32 to vector<16xf32>
        %mul3A_1724 = arith.mulf %get3A_1722, %mul3A_1723 : vector<16xf32>
        %swap3A_1725 = arith.index_cast %add3A_1663 : i32 to index
        %swap3A_1726 = arith.constant 80 : index
        %swap3A_1727 = tpu.vector_load %arg17[%swap3A_1725, %swap3A_1726] {strides = array<i32>} : memref<128x128xf32, #tpu.memory_space<vmem>>, vector<1x16xf32>,
        %swap3A_1728 = vector.shape_cast %swap3A_1727 : vector<1x16xf32> to vector<16xf32>
        %swap3A_1729 = vector.shape_cast %mul3A_1724 : vector<16xf32> to vector<1x16xf32>
        tpu.vector_store %arg17[%swap3A_1725, %swap3A_1726], %swap3A_1729 {strides = array<i32>} : memref<128x128xf32, #tpu.memory_space<vmem>>, vector<1x16xf32>,
        %get3A_1730 = arith.index_cast %add3A_1663 : i32 to index
        %get3A_1731 = arith.constant 96 : index
        %get3A_1732 = tpu.vector_load %arg17[%get3A_1730, %get3A_1731] {strides = array<i32>} : memref<128x128xf32, #tpu.memory_space<vmem>>, vector<1x16xf32>,
        %get3A_1733 = vector.shape_cast %get3A_1732 : vector<1x16xf32> to vector<16xf32>
        %mul3A_1734 = vector.broadcast %squeeze3A_1659 : f32 to vector<16xf32>
        %mul3A_1735 = arith.mulf %get3A_1733, %mul3A_1734 : vector<16xf32>
        %swap3A_1736 = arith.index_cast %add3A_1663 : i32 to index
        %swap3A_1737 = arith.constant 96 : index
        %swap3A_1738 = tpu.vector_load %arg17[%swap3A_1736, %swap3A_1737] {strides = array<i32>} : memref<128x128xf32, #tpu.memory_space<vmem>>, vector<1x16xf32>,
        %swap3A_1739 = vector.shape_cast %swap3A_1738 : vector<1x16xf32> to vector<16xf32>
        %swap3A_1740 = vector.shape_cast %mul3A_1735 : vector<16xf32> to vector<1x16xf32>
        tpu.vector_store %arg17[%swap3A_1736, %swap3A_1737], %swap3A_1740 {strides = array<i32>} : memref<128x128xf32, #tpu.memory_space<vmem>>, vector<1x16xf32>,
        %get3A_1741 = arith.index_cast %add3A_1663 : i32 to index
        %get3A_1742 = arith.constant 112 : index
        %get3A_1743 = tpu.vector_load %arg17[%get3A_1741, %get3A_1742] {strides = array<i32>} : memref<128x128xf32, #tpu.memory_space<vmem>>, vector<1x16xf32>,
        %get3A_1744 = vector.shape_cast %get3A_1743 : vector<1x16xf32> to vector<16xf32>
        %mul3A_1745 = vector.broadcast %squeeze3A_1659 : f32 to vector<16xf32>
        %mul3A_1746 = arith.mulf %get3A_1744, %mul3A_1745 : vector<16xf32>
        %swap3A_1747 = arith.index_cast %add3A_1663 : i32 to index
        %swap3A_1748 = arith.constant 112 : index
        %swap3A_1749 = tpu.vector_load %arg17[%swap3A_1747, %swap3A_1748] {strides = array<i32>} : memref<128x128xf32, #tpu.memory_space<vmem>>, vector<1x16xf32>,
        %swap3A_1750 = vector.shape_cast %swap3A_1749 : vector<1x16xf32> to vector<16xf32>
        %swap3A_1751 = vector.shape_cast %mul3A_1746 : vector<16xf32> to vector<1x16xf32>
        tpu.vector_store %arg17[%swap3A_1747, %swap3A_1748], %swap3A_1751 {strides = array<i32>} : memref<128x128xf32, #tpu.memory_space<vmem>>, vector<1x16xf32>,
        %slice3A_1752 = vector.extract_strided_slice %get3A_437 {offsets = [14], sizes = [1], strides = [1]} : vector<16xf32> to vector<1xf32>
        %squeeze3A_1753 = vector.extract %slice3A_1752[0] : f32 from vector<1xf32>
        %mul3A_1754 = arith.constant 16 : i32
        %mul3A_1755 = arith.muli %scan3A_431, %mul3A_1754 : i32
        %add3A_1756 = arith.constant 14 : i32
        %add3A_1757 = arith.addi %mul3A_1755, %add3A_1756 : i32
        %get3A_1758 = arith.index_cast %add3A_1757 : i32 to index
        %get3A_1759 = arith.constant 0 : index
        %get3A_1760 = tpu.vector_load %arg17[%get3A_1758, %get3A_1759] {strides = array<i32>} : memref<128x128xf32, #tpu.memory_space<vmem>>, vector<1x16xf32>,
        %get3A_1761 = vector.shape_cast %get3A_1760 : vector<1x16xf32> to vector<16xf32>
        %mul3A_1762 = vector.broadcast %squeeze3A_1753 : f32 to vector<16xf32>
        %mul3A_1763 = arith.mulf %get3A_1761, %mul3A_1762 : vector<16xf32>
        %swap3A_1764 = arith.index_cast %add3A_1757 : i32 to index
        %swap3A_1765 = arith.constant 0 : index
        %swap3A_1766 = tpu.vector_load %arg17[%swap3A_1764, %swap3A_1765] {strides = array<i32>} : memref<128x128xf32, #tpu.memory_space<vmem>>, vector<1x16xf32>,
        %swap3A_1767 = vector.shape_cast %swap3A_1766 : vector<1x16xf32> to vector<16xf32>
        %swap3A_1768 = vector.shape_cast %mul3A_1763 : vector<16xf32> to vector<1x16xf32>
        tpu.vector_store %arg17[%swap3A_1764, %swap3A_1765], %swap3A_1768 {strides = array<i32>} : memref<128x128xf32, #tpu.memory_space<vmem>>, vector<1x16xf32>,
        %get3A_1769 = arith.index_cast %add3A_1757 : i32 to index
        %get3A_1770 = arith.constant 16 : index
        %get3A_1771 = tpu.vector_load %arg17[%get3A_1769, %get3A_1770] {strides = array<i32>} : memref<128x128xf32, #tpu.memory_space<vmem>>, vector<1x16xf32>,
        %get3A_1772 = vector.shape_cast %get3A_1771 : vector<1x16xf32> to vector<16xf32>
        %mul3A_1773 = vector.broadcast %squeeze3A_1753 : f32 to vector<16xf32>
        %mul3A_1774 = arith.mulf %get3A_1772, %mul3A_1773 : vector<16xf32>
        %swap3A_1775 = arith.index_cast %add3A_1757 : i32 to index
        %swap3A_1776 = arith.constant 16 : index
        %swap3A_1777 = tpu.vector_load %arg17[%swap3A_1775, %swap3A_1776] {strides = array<i32>} : memref<128x128xf32, #tpu.memory_space<vmem>>, vector<1x16xf32>,
        %swap3A_1778 = vector.shape_cast %swap3A_1777 : vector<1x16xf32> to vector<16xf32>
        %swap3A_1779 = vector.shape_cast %mul3A_1774 : vector<16xf32> to vector<1x16xf32>
        tpu.vector_store %arg17[%swap3A_1775, %swap3A_1776], %swap3A_1779 {strides = array<i32>} : memref<128x128xf32, #tpu.memory_space<vmem>>, vector<1x16xf32>,
        %get3A_1780 = arith.index_cast %add3A_1757 : i32 to index
        %get3A_1781 = arith.constant 32 : index
        %get3A_1782 = tpu.vector_load %arg17[%get3A_1780, %get3A_1781] {strides = array<i32>} : memref<128x128xf32, #tpu.memory_space<vmem>>, vector<1x16xf32>,
        %get3A_1783 = vector.shape_cast %get3A_1782 : vector<1x16xf32> to vector<16xf32>
        %mul3A_1784 = vector.broadcast %squeeze3A_1753 : f32 to vector<16xf32>
        %mul3A_1785 = arith.mulf %get3A_1783, %mul3A_1784 : vector<16xf32>
        %swap3A_1786 = arith.index_cast %add3A_1757 : i32 to index
        %swap3A_1787 = arith.constant 32 : index
        %swap3A_1788 = tpu.vector_load %arg17[%swap3A_1786, %swap3A_1787] {strides = array<i32>} : memref<128x128xf32, #tpu.memory_space<vmem>>, vector<1x16xf32>,
        %swap3A_1789 = vector.shape_cast %swap3A_1788 : vector<1x16xf32> to vector<16xf32>
        %swap3A_1790 = vector.shape_cast %mul3A_1785 : vector<16xf32> to vector<1x16xf32>
        tpu.vector_store %arg17[%swap3A_1786, %swap3A_1787], %swap3A_1790 {strides = array<i32>} : memref<128x128xf32, #tpu.memory_space<vmem>>, vector<1x16xf32>,
        %get3A_1791 = arith.index_cast %add3A_1757 : i32 to index
        %get3A_1792 = arith.constant 48 : index
        %get3A_1793 = tpu.vector_load %arg17[%get3A_1791, %get3A_1792] {strides = array<i32>} : memref<128x128xf32, #tpu.memory_space<vmem>>, vector<1x16xf32>,
        %get3A_1794 = vector.shape_cast %get3A_1793 : vector<1x16xf32> to vector<16xf32>
        %mul3A_1795 = vector.broadcast %squeeze3A_1753 : f32 to vector<16xf32>
        %mul3A_1796 = arith.mulf %get3A_1794, %mul3A_1795 : vector<16xf32>
        %swap3A_1797 = arith.index_cast %add3A_1757 : i32 to index
        %swap3A_1798 = arith.constant 48 : index
        %swap3A_1799 = tpu.vector_load %arg17[%swap3A_1797, %swap3A_1798] {strides = array<i32>} : memref<128x128xf32, #tpu.memory_space<vmem>>, vector<1x16xf32>,
        %swap3A_1800 = vector.shape_cast %swap3A_1799 : vector<1x16xf32> to vector<16xf32>
        %swap3A_1801 = vector.shape_cast %mul3A_1796 : vector<16xf32> to vector<1x16xf32>
        tpu.vector_store %arg17[%swap3A_1797, %swap3A_1798], %swap3A_1801 {strides = array<i32>} : memref<128x128xf32, #tpu.memory_space<vmem>>, vector<1x16xf32>,
        %get3A_1802 = arith.index_cast %add3A_1757 : i32 to index
        %get3A_1803 = arith.constant 64 : index
        %get3A_1804 = tpu.vector_load %arg17[%get3A_1802, %get3A_1803] {strides = array<i32>} : memref<128x128xf32, #tpu.memory_space<vmem>>, vector<1x16xf32>,
        %get3A_1805 = vector.shape_cast %get3A_1804 : vector<1x16xf32> to vector<16xf32>
        %mul3A_1806 = vector.broadcast %squeeze3A_1753 : f32 to vector<16xf32>
        %mul3A_1807 = arith.mulf %get3A_1805, %mul3A_1806 : vector<16xf32>
        %swap3A_1808 = arith.index_cast %add3A_1757 : i32 to index
        %swap3A_1809 = arith.constant 64 : index
        %swap3A_1810 = tpu.vector_load %arg17[%swap3A_1808, %swap3A_1809] {strides = array<i32>} : memref<128x128xf32, #tpu.memory_space<vmem>>, vector<1x16xf32>,
        %swap3A_1811 = vector.shape_cast %swap3A_1810 : vector<1x16xf32> to vector<16xf32>
        %swap3A_1812 = vector.shape_cast %mul3A_1807 : vector<16xf32> to vector<1x16xf32>
        tpu.vector_store %arg17[%swap3A_1808, %swap3A_1809], %swap3A_1812 {strides = array<i32>} : memref<128x128xf32, #tpu.memory_space<vmem>>, vector<1x16xf32>,
        %get3A_1813 = arith.index_cast %add3A_1757 : i32 to index
        %get3A_1814 = arith.constant 80 : index
        %get3A_1815 = tpu.vector_load %arg17[%get3A_1813, %get3A_1814] {strides = array<i32>} : memref<128x128xf32, #tpu.memory_space<vmem>>, vector<1x16xf32>,
        %get3A_1816 = vector.shape_cast %get3A_1815 : vector<1x16xf32> to vector<16xf32>
        %mul3A_1817 = vector.broadcast %squeeze3A_1753 : f32 to vector<16xf32>
        %mul3A_1818 = arith.mulf %get3A_1816, %mul3A_1817 : vector<16xf32>
        %swap3A_1819 = arith.index_cast %add3A_1757 : i32 to index
        %swap3A_1820 = arith.constant 80 : index
        %swap3A_1821 = tpu.vector_load %arg17[%swap3A_1819, %swap3A_1820] {strides = array<i32>} : memref<128x128xf32, #tpu.memory_space<vmem>>, vector<1x16xf32>,
        %swap3A_1822 = vector.shape_cast %swap3A_1821 : vector<1x16xf32> to vector<16xf32>
        %swap3A_1823 = vector.shape_cast %mul3A_1818 : vector<16xf32> to vector<1x16xf32>
        tpu.vector_store %arg17[%swap3A_1819, %swap3A_1820], %swap3A_1823 {strides = array<i32>} : memref<128x128xf32, #tpu.memory_space<vmem>>, vector<1x16xf32>,
        %get3A_1824 = arith.index_cast %add3A_1757 : i32 to index
        %get3A_1825 = arith.constant 96 : index
        %get3A_1826 = tpu.vector_load %arg17[%get3A_1824, %get3A_1825] {strides = array<i32>} : memref<128x128xf32, #tpu.memory_space<vmem>>, vector<1x16xf32>,
        %get3A_1827 = vector.shape_cast %get3A_1826 : vector<1x16xf32> to vector<16xf32>
        %mul3A_1828 = vector.broadcast %squeeze3A_1753 : f32 to vector<16xf32>
        %mul3A_1829 = arith.mulf %get3A_1827, %mul3A_1828 : vector<16xf32>
        %swap3A_1830 = arith.index_cast %add3A_1757 : i32 to index
        %swap3A_1831 = arith.constant 96 : index
        %swap3A_1832 = tpu.vector_load %arg17[%swap3A_1830, %swap3A_1831] {strides = array<i32>} : memref<128x128xf32, #tpu.memory_space<vmem>>, vector<1x16xf32>,
        %swap3A_1833 = vector.shape_cast %swap3A_1832 : vector<1x16xf32> to vector<16xf32>
        %swap3A_1834 = vector.shape_cast %mul3A_1829 : vector<16xf32> to vector<1x16xf32>
        tpu.vector_store %arg17[%swap3A_1830, %swap3A_1831], %swap3A_1834 {strides = array<i32>} : memref<128x128xf32, #tpu.memory_space<vmem>>, vector<1x16xf32>,
        %get3A_1835 = arith.index_cast %add3A_1757 : i32 to index
        %get3A_1836 = arith.constant 112 : index
        %get3A_1837 = tpu.vector_load %arg17[%get3A_1835, %get3A_1836] {strides = array<i32>} : memref<128x128xf32, #tpu.memory_space<vmem>>, vector<1x16xf32>,
        %get3A_1838 = vector.shape_cast %get3A_1837 : vector<1x16xf32> to vector<16xf32>
        %mul3A_1839 = vector.broadcast %squeeze3A_1753 : f32 to vector<16xf32>
        %mul3A_1840 = arith.mulf %get3A_1838, %mul3A_1839 : vector<16xf32>
        %swap3A_1841 = arith.index_cast %add3A_1757 : i32 to index
        %swap3A_1842 = arith.constant 112 : index
        %swap3A_1843 = tpu.vector_load %arg17[%swap3A_1841, %swap3A_1842] {strides = array<i32>} : memref<128x128xf32, #tpu.memory_space<vmem>>, vector<1x16xf32>,
        %swap3A_1844 = vector.shape_cast %swap3A_1843 : vector<1x16xf32> to vector<16xf32>
        %swap3A_1845 = vector.shape_cast %mul3A_1840 : vector<16xf32> to vector<1x16xf32>
        tpu.vector_store %arg17[%swap3A_1841, %swap3A_1842], %swap3A_1845 {strides = array<i32>} : memref<128x128xf32, #tpu.memory_space<vmem>>, vector<1x16xf32>,
        %slice3A_1846 = vector.extract_strided_slice %get3A_437 {offsets = [15], sizes = [1], strides = [1]} : vector<16xf32> to vector<1xf32>
        %squeeze3A_1847 = vector.extract %slice3A_1846[0] : f32 from vector<1xf32>
        %mul3A_1848 = arith.constant 16 : i32
        %mul3A_1849 = arith.muli %scan3A_431, %mul3A_1848 : i32
        %add3A_1850 = arith.constant 15 : i32
        %add3A_1851 = arith.addi %mul3A_1849, %add3A_1850 : i32
        %get3A_1852 = arith.index_cast %add3A_1851 : i32 to index
        %get3A_1853 = arith.constant 0 : index
        %get3A_1854 = tpu.vector_load %arg17[%get3A_1852, %get3A_1853] {strides = array<i32>} : memref<128x128xf32, #tpu.memory_space<vmem>>, vector<1x16xf32>,
        %get3A_1855 = vector.shape_cast %get3A_1854 : vector<1x16xf32> to vector<16xf32>
        %mul3A_1856 = vector.broadcast %squeeze3A_1847 : f32 to vector<16xf32>
        %mul3A_1857 = arith.mulf %get3A_1855, %mul3A_1856 : vector<16xf32>
        %swap3A_1858 = arith.index_cast %add3A_1851 : i32 to index
        %swap3A_1859 = arith.constant 0 : index
        %swap3A_1860 = tpu.vector_load %arg17[%swap3A_1858, %swap3A_1859] {strides = array<i32>} : memref<128x128xf32, #tpu.memory_space<vmem>>, vector<1x16xf32>,
        %swap3A_1861 = vector.shape_cast %swap3A_1860 : vector<1x16xf32> to vector<16xf32>
        %swap3A_1862 = vector.shape_cast %mul3A_1857 : vector<16xf32> to vector<1x16xf32>
        tpu.vector_store %arg17[%swap3A_1858, %swap3A_1859], %swap3A_1862 {strides = array<i32>} : memref<128x128xf32, #tpu.memory_space<vmem>>, vector<1x16xf32>,
        %get3A_1863 = arith.index_cast %add3A_1851 : i32 to index
        %get3A_1864 = arith.constant 16 : index
        %get3A_1865 = tpu.vector_load %arg17[%get3A_1863, %get3A_1864] {strides = array<i32>} : memref<128x128xf32, #tpu.memory_space<vmem>>, vector<1x16xf32>,
        %get3A_1866 = vector.shape_cast %get3A_1865 : vector<1x16xf32> to vector<16xf32>
        %mul3A_1867 = vector.broadcast %squeeze3A_1847 : f32 to vector<16xf32>
        %mul3A_1868 = arith.mulf %get3A_1866, %mul3A_1867 : vector<16xf32>
        %swap3A_1869 = arith.index_cast %add3A_1851 : i32 to index
        %swap3A_1870 = arith.constant 16 : index
        %swap3A_1871 = tpu.vector_load %arg17[%swap3A_1869, %swap3A_1870] {strides = array<i32>} : memref<128x128xf32, #tpu.memory_space<vmem>>, vector<1x16xf32>,
        %swap3A_1872 = vector.shape_cast %swap3A_1871 : vector<1x16xf32> to vector<16xf32>
        %swap3A_1873 = vector.shape_cast %mul3A_1868 : vector<16xf32> to vector<1x16xf32>
        tpu.vector_store %arg17[%swap3A_1869, %swap3A_1870], %swap3A_1873 {strides = array<i32>} : memref<128x128xf32, #tpu.memory_space<vmem>>, vector<1x16xf32>,
        %get3A_1874 = arith.index_cast %add3A_1851 : i32 to index
        %get3A_1875 = arith.constant 32 : index
        %get3A_1876 = tpu.vector_load %arg17[%get3A_1874, %get3A_1875] {strides = array<i32>} : memref<128x128xf32, #tpu.memory_space<vmem>>, vector<1x16xf32>,
        %get3A_1877 = vector.shape_cast %get3A_1876 : vector<1x16xf32> to vector<16xf32>
        %mul3A_1878 = vector.broadcast %squeeze3A_1847 : f32 to vector<16xf32>
        %mul3A_1879 = arith.mulf %get3A_1877, %mul3A_1878 : vector<16xf32>
        %swap3A_1880 = arith.index_cast %add3A_1851 : i32 to index
        %swap3A_1881 = arith.constant 32 : index
        %swap3A_1882 = tpu.vector_load %arg17[%swap3A_1880, %swap3A_1881] {strides = array<i32>} : memref<128x128xf32, #tpu.memory_space<vmem>>, vector<1x16xf32>,
        %swap3A_1883 = vector.shape_cast %swap3A_1882 : vector<1x16xf32> to vector<16xf32>
        %swap3A_1884 = vector.shape_cast %mul3A_1879 : vector<16xf32> to vector<1x16xf32>
        tpu.vector_store %arg17[%swap3A_1880, %swap3A_1881], %swap3A_1884 {strides = array<i32>} : memref<128x128xf32, #tpu.memory_space<vmem>>, vector<1x16xf32>,
        %get3A_1885 = arith.index_cast %add3A_1851 : i32 to index
        %get3A_1886 = arith.constant 48 : index
        %get3A_1887 = tpu.vector_load %arg17[%get3A_1885, %get3A_1886] {strides = array<i32>} : memref<128x128xf32, #tpu.memory_space<vmem>>, vector<1x16xf32>,
        %get3A_1888 = vector.shape_cast %get3A_1887 : vector<1x16xf32> to vector<16xf32>
        %mul3A_1889 = vector.broadcast %squeeze3A_1847 : f32 to vector<16xf32>
        %mul3A_1890 = arith.mulf %get3A_1888, %mul3A_1889 : vector<16xf32>
        %swap3A_1891 = arith.index_cast %add3A_1851 : i32 to index
        %swap3A_1892 = arith.constant 48 : index
        %swap3A_1893 = tpu.vector_load %arg17[%swap3A_1891, %swap3A_1892] {strides = array<i32>} : memref<128x128xf32, #tpu.memory_space<vmem>>, vector<1x16xf32>,
        %swap3A_1894 = vector.shape_cast %swap3A_1893 : vector<1x16xf32> to vector<16xf32>
        %swap3A_1895 = vector.shape_cast %mul3A_1890 : vector<16xf32> to vector<1x16xf32>
        tpu.vector_store %arg17[%swap3A_1891, %swap3A_1892], %swap3A_1895 {strides = array<i32>} : memref<128x128xf32, #tpu.memory_space<vmem>>, vector<1x16xf32>,
        %get3A_1896 = arith.index_cast %add3A_1851 : i32 to index
        %get3A_1897 = arith.constant 64 : index
        %get3A_1898 = tpu.vector_load %arg17[%get3A_1896, %get3A_1897] {strides = array<i32>} : memref<128x128xf32, #tpu.memory_space<vmem>>, vector<1x16xf32>,
        %get3A_1899 = vector.shape_cast %get3A_1898 : vector<1x16xf32> to vector<16xf32>
        %mul3A_1900 = vector.broadcast %squeeze3A_1847 : f32 to vector<16xf32>
        %mul3A_1901 = arith.mulf %get3A_1899, %mul3A_1900 : vector<16xf32>
        %swap3A_1902 = arith.index_cast %add3A_1851 : i32 to index
        %swap3A_1903 = arith.constant 64 : index
        %swap3A_1904 = tpu.vector_load %arg17[%swap3A_1902, %swap3A_1903] {strides = array<i32>} : memref<128x128xf32, #tpu.memory_space<vmem>>, vector<1x16xf32>,
        %swap3A_1905 = vector.shape_cast %swap3A_1904 : vector<1x16xf32> to vector<16xf32>
        %swap3A_1906 = vector.shape_cast %mul3A_1901 : vector<16xf32> to vector<1x16xf32>
        tpu.vector_store %arg17[%swap3A_1902, %swap3A_1903], %swap3A_1906 {strides = array<i32>} : memref<128x128xf32, #tpu.memory_space<vmem>>, vector<1x16xf32>,
        %get3A_1907 = arith.index_cast %add3A_1851 : i32 to index
        %get3A_1908 = arith.constant 80 : index
        %get3A_1909 = tpu.vector_load %arg17[%get3A_1907, %get3A_1908] {strides = array<i32>} : memref<128x128xf32, #tpu.memory_space<vmem>>, vector<1x16xf32>,
        %get3A_1910 = vector.shape_cast %get3A_1909 : vector<1x16xf32> to vector<16xf32>
        %mul3A_1911 = vector.broadcast %squeeze3A_1847 : f32 to vector<16xf32>
        %mul3A_1912 = arith.mulf %get3A_1910, %mul3A_1911 : vector<16xf32>
        %swap3A_1913 = arith.index_cast %add3A_1851 : i32 to index
        %swap3A_1914 = arith.constant 80 : index
        %swap3A_1915 = tpu.vector_load %arg17[%swap3A_1913, %swap3A_1914] {strides = array<i32>} : memref<128x128xf32, #tpu.memory_space<vmem>>, vector<1x16xf32>,
        %swap3A_1916 = vector.shape_cast %swap3A_1915 : vector<1x16xf32> to vector<16xf32>
        %swap3A_1917 = vector.shape_cast %mul3A_1912 : vector<16xf32> to vector<1x16xf32>
        tpu.vector_store %arg17[%swap3A_1913, %swap3A_1914], %swap3A_1917 {strides = array<i32>} : memref<128x128xf32, #tpu.memory_space<vmem>>, vector<1x16xf32>,
        %get3A_1918 = arith.index_cast %add3A_1851 : i32 to index
        %get3A_1919 = arith.constant 96 : index
        %get3A_1920 = tpu.vector_load %arg17[%get3A_1918, %get3A_1919] {strides = array<i32>} : memref<128x128xf32, #tpu.memory_space<vmem>>, vector<1x16xf32>,
        %get3A_1921 = vector.shape_cast %get3A_1920 : vector<1x16xf32> to vector<16xf32>
        %mul3A_1922 = vector.broadcast %squeeze3A_1847 : f32 to vector<16xf32>
        %mul3A_1923 = arith.mulf %get3A_1921, %mul3A_1922 : vector<16xf32>
        %swap3A_1924 = arith.index_cast %add3A_1851 : i32 to index
        %swap3A_1925 = arith.constant 96 : index
        %swap3A_1926 = tpu.vector_load %arg17[%swap3A_1924, %swap3A_1925] {strides = array<i32>} : memref<128x128xf32, #tpu.memory_space<vmem>>, vector<1x16xf32>,
        %swap3A_1927 = vector.shape_cast %swap3A_1926 : vector<1x16xf32> to vector<16xf32>
        %swap3A_1928 = vector.shape_cast %mul3A_1923 : vector<16xf32> to vector<1x16xf32>
        tpu.vector_store %arg17[%swap3A_1924, %swap3A_1925], %swap3A_1928 {strides = array<i32>} : memref<128x128xf32, #tpu.memory_space<vmem>>, vector<1x16xf32>,
        %get3A_1929 = arith.index_cast %add3A_1851 : i32 to index
        %get3A_1930 = arith.constant 112 : index
        %get3A_1931 = tpu.vector_load %arg17[%get3A_1929, %get3A_1930] {strides = array<i32>} : memref<128x128xf32, #tpu.memory_space<vmem>>, vector<1x16xf32>,
        %get3A_1932 = vector.shape_cast %get3A_1931 : vector<1x16xf32> to vector<16xf32>
        %mul3A_1933 = vector.broadcast %squeeze3A_1847 : f32 to vector<16xf32>
        %mul3A_1934 = arith.mulf %get3A_1932, %mul3A_1933 : vector<16xf32>
        %swap3A_1935 = arith.index_cast %add3A_1851 : i32 to index
        %swap3A_1936 = arith.constant 112 : index
        %swap3A_1937 = tpu.vector_load %arg17[%swap3A_1935, %swap3A_1936] {strides = array<i32>} : memref<128x128xf32, #tpu.memory_space<vmem>>, vector<1x16xf32>,
        %swap3A_1938 = vector.shape_cast %swap3A_1937 : vector<1x16xf32> to vector<16xf32>
        %swap3A_1939 = vector.shape_cast %mul3A_1934 : vector<16xf32> to vector<1x16xf32>
        tpu.vector_store %arg17[%swap3A_1935, %swap3A_1936], %swap3A_1939 {strides = array<i32>} : memref<128x128xf32, #tpu.memory_space<vmem>>, vector<1x16xf32>,
        %scan3A_1940 = arith.constant 0 : i32
        scf.yield %scan3A_1940 : i32
      }
      %scan3A_429 = arith.constant 8 : i32
      "tpu.region"() ({
        %run_scoped3A_431 = tpu.sem_alloc : memref<!tpu.dma_semaphore, #tpu.memory_space<semaphore_mem>>
        %dma_start3A_432 = arith.constant 0 : i32
        %dma_start3A_433 = arith.constant 0 : i32
        %dma_start3A_434 = tpu.memref_slice %arg19[%dma_start3A_432, %dma_start3A_433] : memref<10240x128xf32, #tpu.memory_space<vmem_shared>> -> memref<10240x128xf32, #tpu.memory_space<vmem_shared>>
        tpu.enqueue_indirect_dma source(%arg17 : memref<128x128xf32, #tpu.memory_space<vmem>>) target(%dma_start3A_434 : memref<10240x128xf32, #tpu.memory_space<vmem_shared>>) offsets(%arg13 : memref<128xi32, #tpu.memory_space<vmem>>) semaphore(%run_scoped3A_431 : memref<!tpu.dma_semaphore, #tpu.memory_space<semaphore_mem>>) {add = true}
        %dma_wait3A_435 = arith.constant 0 : i32
        %dma_wait3A_436 = arith.constant 0 : i32
        %dma_wait3A_437 = tpu.memref_slice %arg19[%dma_wait3A_435, %dma_wait3A_436] : memref<10240x128xf32, #tpu.memory_space<vmem_shared>> -> memref<10240x128xf32, #tpu.memory_space<vmem_shared>>
        tpu.wait_indirect_dma semaphore(%run_scoped3A_431 : memref<!tpu.dma_semaphore, #tpu.memory_space<semaphore_mem>>) src(%arg17 : memref<128x128xf32, #tpu.memory_space<vmem>>) dst(%dma_wait3A_437 : memref<10240x128xf32, #tpu.memory_space<vmem_shared>>)
        tpu.yield
      }) : () -> ()
      %while3A_430 = arith.constant 0 : i32
      scf.yield %while3A_430 : i32
    }
    %while3A_46 = arith.constant 1 : i32
    %while3A_47 = scf.for %while3A_49 = %while3A_43 to %while3A_39 step %while3A_46 iter_args(%while3A_50 = %while3A_45) -> (i32)  : i32 {
      %get3A_51 = arith.index_cast %while3A_49 : i32 to index
      %get3A_52 = arith.constant 0 : index
      %get3A_53 = tpu.vector_load %arg10[%get3A_51, %get3A_52] {strides = array<i32>} : memref<85x128xi32, #tpu.memory_space<vmem>>, vector<1x16xi32>,
      %get3A_54 = vector.shape_cast %get3A_53 : vector<1x16xi32> to vector<16xi32>
      %shift_right_logical3A = arith.constant 14 : i32
      %shift_right_logical3A_55 = vector.broadcast %shift_right_logical3A : i32 to vector<16xi32>
      %shift_right_logical3A_56 = arith.shrui %get3A_54, %shift_right_logical3A_55 : vector<16xi32>
      %swap3A = arith.constant 0 : index
      %swap3A_57 = tpu.vector_load %arg12[%swap3A] {strides = array<i32>} : memref<128xi32, #tpu.memory_space<vmem>>, vector<16xi32>,
      %swap3A_58 = vector.shape_cast %swap3A_57 : vector<16xi32> to vector<16xi32>
      %swap3A_59 = vector.shape_cast %shift_right_logical3A_56 : vector<16xi32> to vector<16xi32>
      tpu.vector_store %arg12[%swap3A], %swap3A_59 {strides = array<i32>} : memref<128xi32, #tpu.memory_space<vmem>>, vector<16xi32>,
      %and3A = arith.constant 16383 : i32
      %and3A_60 = vector.broadcast %and3A : i32 to vector<16xi32>
      %and3A_61 = arith.andi %get3A_54, %and3A_60 : vector<16xi32>
      %swap3A_62 = arith.constant 0 : index
      %swap3A_63 = tpu.vector_load %arg13[%swap3A_62] {strides = array<i32>} : memref<128xi32, #tpu.memory_space<vmem>>, vector<16xi32>,
      %swap3A_64 = vector.shape_cast %swap3A_63 : vector<16xi32> to vector<16xi32>
      %swap3A_65 = vector.shape_cast %and3A_61 : vector<16xi32> to vector<16xi32>
      tpu.vector_store %arg13[%swap3A_62], %swap3A_65 {strides = array<i32>} : memref<128xi32, #tpu.memory_space<vmem>>, vector<16xi32>,
      %get3A_66 = arith.index_cast %while3A_49 : i32 to index
      %get3A_67 = arith.constant 16 : index
      %get3A_68 = tpu.vector_load %arg10[%get3A_66, %get3A_67] {strides = array<i32>} : memref<85x128xi32, #tpu.memory_space<vmem>>, vector<1x16xi32>,
      %get3A_69 = vector.shape_cast %get3A_68 : vector<1x16xi32> to vector<16xi32>
      %shift_right_logical3A_70 = arith.constant 14 : i32
      %shift_right_logical3A_71 = vector.broadcast %shift_right_logical3A_70 : i32 to vector<16xi32>
      %shift_right_logical3A_72 = arith.shrui %get3A_69, %shift_right_logical3A_71 : vector<16xi32>
      %swap3A_73 = arith.constant 16 : index
      %swap3A_74 = tpu.vector_load %arg12[%swap3A_73] {strides = array<i32>} : memref<128xi32, #tpu.memory_space<vmem>>, vector<16xi32>,
      %swap3A_75 = vector.shape_cast %swap3A_74 : vector<16xi32> to vector<16xi32>
      %swap3A_76 = vector.shape_cast %shift_right_logical3A_72 : vector<16xi32> to vector<16xi32>
      tpu.vector_store %arg12[%swap3A_73], %swap3A_76 {strides = array<i32>} : memref<128xi32, #tpu.memory_space<vmem>>, vector<16xi32>,
      %and3A_77 = arith.constant 16383 : i32
      %and3A_78 = vector.broadcast %and3A_77 : i32 to vector<16xi32>
      %and3A_79 = arith.andi %get3A_69, %and3A_78 : vector<16xi32>
      %swap3A_80 = arith.constant 16 : index
      %swap3A_81 = tpu.vector_load %arg13[%swap3A_80] {strides = array<i32>} : memref<128xi32, #tpu.memory_space<vmem>>, vector<16xi32>,
      %swap3A_82 = vector.shape_cast %swap3A_81 : vector<16xi32> to vector<16xi32>
      %swap3A_83 = vector.shape_cast %and3A_79 : vector<16xi32> to vector<16xi32>
      tpu.vector_store %arg13[%swap3A_80], %swap3A_83 {strides = array<i32>} : memref<128xi32, #tpu.memory_space<vmem>>, vector<16xi32>,
      %get3A_84 = arith.index_cast %while3A_49 : i32 to index
      %get3A_85 = arith.constant 32 : index
      %get3A_86 = tpu.vector_load %arg10[%get3A_84, %get3A_85] {strides = array<i32>} : memref<85x128xi32, #tpu.memory_space<vmem>>, vector<1x16xi32>,
      %get3A_87 = vector.shape_cast %get3A_86 : vector<1x16xi32> to vector<16xi32>
      %shift_right_logical3A_88 = arith.constant 14 : i32
      %shift_right_logical3A_89 = vector.broadcast %shift_right_logical3A_88 : i32 to vector<16xi32>
      %shift_right_logical3A_90 = arith.shrui %get3A_87, %shift_right_logical3A_89 : vector<16xi32>
      %swap3A_91 = arith.constant 32 : index
      %swap3A_92 = tpu.vector_load %arg12[%swap3A_91] {strides = array<i32>} : memref<128xi32, #tpu.memory_space<vmem>>, vector<16xi32>,
      %swap3A_93 = vector.shape_cast %swap3A_92 : vector<16xi32> to vector<16xi32>
      %swap3A_94 = vector.shape_cast %shift_right_logical3A_90 : vector<16xi32> to vector<16xi32>
      tpu.vector_store %arg12[%swap3A_91], %swap3A_94 {strides = array<i32>} : memref<128xi32, #tpu.memory_space<vmem>>, vector<16xi32>,
      %and3A_95 = arith.constant 16383 : i32
      %and3A_96 = vector.broadcast %and3A_95 : i32 to vector<16xi32>
      %and3A_97 = arith.andi %get3A_87, %and3A_96 : vector<16xi32>
      %swap3A_98 = arith.constant 32 : index
      %swap3A_99 = tpu.vector_load %arg13[%swap3A_98] {strides = array<i32>} : memref<128xi32, #tpu.memory_space<vmem>>, vector<16xi32>,
      %swap3A_100 = vector.shape_cast %swap3A_99 : vector<16xi32> to vector<16xi32>
      %swap3A_101 = vector.shape_cast %and3A_97 : vector<16xi32> to vector<16xi32>
      tpu.vector_store %arg13[%swap3A_98], %swap3A_101 {strides = array<i32>} : memref<128xi32, #tpu.memory_space<vmem>>, vector<16xi32>,
      %get3A_102 = arith.index_cast %while3A_49 : i32 to index
      %get3A_103 = arith.constant 48 : index
      %get3A_104 = tpu.vector_load %arg10[%get3A_102, %get3A_103] {strides = array<i32>} : memref<85x128xi32, #tpu.memory_space<vmem>>, vector<1x16xi32>,
      %get3A_105 = vector.shape_cast %get3A_104 : vector<1x16xi32> to vector<16xi32>
      %shift_right_logical3A_106 = arith.constant 14 : i32
      %shift_right_logical3A_107 = vector.broadcast %shift_right_logical3A_106 : i32 to vector<16xi32>
      %shift_right_logical3A_108 = arith.shrui %get3A_105, %shift_right_logical3A_107 : vector<16xi32>
      %swap3A_109 = arith.constant 48 : index
      %swap3A_110 = tpu.vector_load %arg12[%swap3A_109] {strides = array<i32>} : memref<128xi32, #tpu.memory_space<vmem>>, vector<16xi32>,
      %swap3A_111 = vector.shape_cast %swap3A_110 : vector<16xi32> to vector<16xi32>
      %swap3A_112 = vector.shape_cast %shift_right_logical3A_108 : vector<16xi32> to vector<16xi32>
      tpu.vector_store %arg12[%swap3A_109], %swap3A_112 {strides = array<i32>} : memref<128xi32, #tpu.memory_space<vmem>>, vector<16xi32>,
      %and3A_113 = arith.constant 16383 : i32
      %and3A_114 = vector.broadcast %and3A_113 : i32 to vector<16xi32>
      %and3A_115 = arith.andi %get3A_105, %and3A_114 : vector<16xi32>
      %swap3A_116 = arith.constant 48 : index
      %swap3A_117 = tpu.vector_load %arg13[%swap3A_116] {strides = array<i32>} : memref<128xi32, #tpu.memory_space<vmem>>, vector<16xi32>,
      %swap3A_118 = vector.shape_cast %swap3A_117 : vector<16xi32> to vector<16xi32>
      %swap3A_119 = vector.shape_cast %and3A_115 : vector<16xi32> to vector<16xi32>
      tpu.vector_store %arg13[%swap3A_116], %swap3A_119 {strides = array<i32>} : memref<128xi32, #tpu.memory_space<vmem>>, vector<16xi32>,
      %get3A_120 = arith.index_cast %while3A_49 : i32 to index
      %get3A_121 = arith.constant 64 : index
      %get3A_122 = tpu.vector_load %arg10[%get3A_120, %get3A_121] {strides = array<i32>} : memref<85x128xi32, #tpu.memory_space<vmem>>, vector<1x16xi32>,
      %get3A_123 = vector.shape_cast %get3A_122 : vector<1x16xi32> to vector<16xi32>
      %shift_right_logical3A_124 = arith.constant 14 : i32
      %shift_right_logical3A_125 = vector.broadcast %shift_right_logical3A_124 : i32 to vector<16xi32>
      %shift_right_logical3A_126 = arith.shrui %get3A_123, %shift_right_logical3A_125 : vector<16xi32>
      %swap3A_127 = arith.constant 64 : index
      %swap3A_128 = tpu.vector_load %arg12[%swap3A_127] {strides = array<i32>} : memref<128xi32, #tpu.memory_space<vmem>>, vector<16xi32>,
      %swap3A_129 = vector.shape_cast %swap3A_128 : vector<16xi32> to vector<16xi32>
      %swap3A_130 = vector.shape_cast %shift_right_logical3A_126 : vector<16xi32> to vector<16xi32>
      tpu.vector_store %arg12[%swap3A_127], %swap3A_130 {strides = array<i32>} : memref<128xi32, #tpu.memory_space<vmem>>, vector<16xi32>,
      %and3A_131 = arith.constant 16383 : i32
      %and3A_132 = vector.broadcast %and3A_131 : i32 to vector<16xi32>
      %and3A_133 = arith.andi %get3A_123, %and3A_132 : vector<16xi32>
      %swap3A_134 = arith.constant 64 : index
      %swap3A_135 = tpu.vector_load %arg13[%swap3A_134] {strides = array<i32>} : memref<128xi32, #tpu.memory_space<vmem>>, vector<16xi32>,
      %swap3A_136 = vector.shape_cast %swap3A_135 : vector<16xi32> to vector<16xi32>
      %swap3A_137 = vector.shape_cast %and3A_133 : vector<16xi32> to vector<16xi32>
      tpu.vector_store %arg13[%swap3A_134], %swap3A_137 {strides = array<i32>} : memref<128xi32, #tpu.memory_space<vmem>>, vector<16xi32>,
      %get3A_138 = arith.index_cast %while3A_49 : i32 to index
      %get3A_139 = arith.constant 80 : index
      %get3A_140 = tpu.vector_load %arg10[%get3A_138, %get3A_139] {strides = array<i32>} : memref<85x128xi32, #tpu.memory_space<vmem>>, vector<1x16xi32>,
      %get3A_141 = vector.shape_cast %get3A_140 : vector<1x16xi32> to vector<16xi32>
      %shift_right_logical3A_142 = arith.constant 14 : i32
      %shift_right_logical3A_143 = vector.broadcast %shift_right_logical3A_142 : i32 to vector<16xi32>
      %shift_right_logical3A_144 = arith.shrui %get3A_141, %shift_right_logical3A_143 : vector<16xi32>
      %swap3A_145 = arith.constant 80 : index
      %swap3A_146 = tpu.vector_load %arg12[%swap3A_145] {strides = array<i32>} : memref<128xi32, #tpu.memory_space<vmem>>, vector<16xi32>,
      %swap3A_147 = vector.shape_cast %swap3A_146 : vector<16xi32> to vector<16xi32>
      %swap3A_148 = vector.shape_cast %shift_right_logical3A_144 : vector<16xi32> to vector<16xi32>
      tpu.vector_store %arg12[%swap3A_145], %swap3A_148 {strides = array<i32>} : memref<128xi32, #tpu.memory_space<vmem>>, vector<16xi32>,
      %and3A_149 = arith.constant 16383 : i32
      %and3A_150 = vector.broadcast %and3A_149 : i32 to vector<16xi32>
      %and3A_151 = arith.andi %get3A_141, %and3A_150 : vector<16xi32>
      %swap3A_152 = arith.constant 80 : index
      %swap3A_153 = tpu.vector_load %arg13[%swap3A_152] {strides = array<i32>} : memref<128xi32, #tpu.memory_space<vmem>>, vector<16xi32>,
      %swap3A_154 = vector.shape_cast %swap3A_153 : vector<16xi32> to vector<16xi32>
      %swap3A_155 = vector.shape_cast %and3A_151 : vector<16xi32> to vector<16xi32>
      tpu.vector_store %arg13[%swap3A_152], %swap3A_155 {strides = array<i32>} : memref<128xi32, #tpu.memory_space<vmem>>, vector<16xi32>,
      %get3A_156 = arith.index_cast %while3A_49 : i32 to index
      %get3A_157 = arith.constant 96 : index
      %get3A_158 = tpu.vector_load %arg10[%get3A_156, %get3A_157] {strides = array<i32>} : memref<85x128xi32, #tpu.memory_space<vmem>>, vector<1x16xi32>,
      %get3A_159 = vector.shape_cast %get3A_158 : vector<1x16xi32> to vector<16xi32>
      %shift_right_logical3A_160 = arith.constant 14 : i32
      %shift_right_logical3A_161 = vector.broadcast %shift_right_logical3A_160 : i32 to vector<16xi32>
      %shift_right_logical3A_162 = arith.shrui %get3A_159, %shift_right_logical3A_161 : vector<16xi32>
      %swap3A_163 = arith.constant 96 : index
      %swap3A_164 = tpu.vector_load %arg12[%swap3A_163] {strides = array<i32>} : memref<128xi32, #tpu.memory_space<vmem>>, vector<16xi32>,
      %swap3A_165 = vector.shape_cast %swap3A_164 : vector<16xi32> to vector<16xi32>
      %swap3A_166 = vector.shape_cast %shift_right_logical3A_162 : vector<16xi32> to vector<16xi32>
      tpu.vector_store %arg12[%swap3A_163], %swap3A_166 {strides = array<i32>} : memref<128xi32, #tpu.memory_space<vmem>>, vector<16xi32>,
      %and3A_167 = arith.constant 16383 : i32
      %and3A_168 = vector.broadcast %and3A_167 : i32 to vector<16xi32>
      %and3A_169 = arith.andi %get3A_159, %and3A_168 : vector<16xi32>
      %swap3A_170 = arith.constant 96 : index
      %swap3A_171 = tpu.vector_load %arg13[%swap3A_170] {strides = array<i32>} : memref<128xi32, #tpu.memory_space<vmem>>, vector<16xi32>,
      %swap3A_172 = vector.shape_cast %swap3A_171 : vector<16xi32> to vector<16xi32>
      %swap3A_173 = vector.shape_cast %and3A_169 : vector<16xi32> to vector<16xi32>
      tpu.vector_store %arg13[%swap3A_170], %swap3A_173 {strides = array<i32>} : memref<128xi32, #tpu.memory_space<vmem>>, vector<16xi32>,
      %get3A_174 = arith.index_cast %while3A_49 : i32 to index
      %get3A_175 = arith.constant 112 : index
      %get3A_176 = tpu.vector_load %arg10[%get3A_174, %get3A_175] {strides = array<i32>} : memref<85x128xi32, #tpu.memory_space<vmem>>, vector<1x16xi32>,
      %get3A_177 = vector.shape_cast %get3A_176 : vector<1x16xi32> to vector<16xi32>
      %shift_right_logical3A_178 = arith.constant 14 : i32
      %shift_right_logical3A_179 = vector.broadcast %shift_right_logical3A_178 : i32 to vector<16xi32>
      %shift_right_logical3A_180 = arith.shrui %get3A_177, %shift_right_logical3A_179 : vector<16xi32>
      %swap3A_181 = arith.constant 112 : index
      %swap3A_182 = tpu.vector_load %arg12[%swap3A_181] {strides = array<i32>} : memref<128xi32, #tpu.memory_space<vmem>>, vector<16xi32>,
      %swap3A_183 = vector.shape_cast %swap3A_182 : vector<16xi32> to vector<16xi32>
      %swap3A_184 = vector.shape_cast %shift_right_logical3A_180 : vector<16xi32> to vector<16xi32>
      tpu.vector_store %arg12[%swap3A_181], %swap3A_184 {strides = array<i32>} : memref<128xi32, #tpu.memory_space<vmem>>, vector<16xi32>,
      %and3A_185 = arith.constant 16383 : i32
      %and3A_186 = vector.broadcast %and3A_185 : i32 to vector<16xi32>
      %and3A_187 = arith.andi %get3A_177, %and3A_186 : vector<16xi32>
      %swap3A_188 = arith.constant 112 : index
      %swap3A_189 = tpu.vector_load %arg13[%swap3A_188] {strides = array<i32>} : memref<128xi32, #tpu.memory_space<vmem>>, vector<16xi32>,
      %swap3A_190 = vector.shape_cast %swap3A_189 : vector<16xi32> to vector<16xi32>
      %swap3A_191 = vector.shape_cast %and3A_187 : vector<16xi32> to vector<16xi32>
      tpu.vector_store %arg13[%swap3A_188], %swap3A_191 {strides = array<i32>} : memref<128xi32, #tpu.memory_space<vmem>>, vector<16xi32>,
      %dma_start3A = arith.constant 0 : i32
      %dma_start3A_192 = arith.constant 0 : i32
      %dma_start3A_193 = tpu.memref_slice %arg2[%dma_start3A, %dma_start3A_192] : memref<10000x128xf32, #tpu.memory_space<hbm>> -> memref<10000x128xf32, #tpu.memory_space<hbm>>
      tpu.enqueue_indirect_dma source(%dma_start3A_193 : memref<10000x128xf32, #tpu.memory_space<hbm>>) target(%arg17 : memref<128x128xf32, #tpu.memory_space<vmem>>) offsets(%arg12 : memref<128xi32, #tpu.memory_space<vmem>>) semaphore(%arg22 : memref<!tpu.dma_semaphore, #tpu.memory_space<semaphore_mem>>)
      %dma_start3A_194 = arith.constant 0 : i32
      %dma_start3A_195 = tpu.memref_slice %arg3[%dma_start3A_194] : memref<10000xf32, #tpu.memory_space<hbm>> -> memref<10000xf32, #tpu.memory_space<hbm>>
      tpu.enqueue_indirect_dma source(%dma_start3A_195 : memref<10000xf32, #tpu.memory_space<hbm>>) target(%arg14 : memref<128xf32, #tpu.memory_space<vmem>>) offsets(%arg12 : memref<128xi32, #tpu.memory_space<vmem>>) semaphore(%arg21 : memref<!tpu.dma_semaphore, #tpu.memory_space<semaphore_mem>>)
      %dma_start3A_196 = arith.constant 0 : i32
      %dma_start3A_197 = tpu.memref_slice %arg4[%dma_start3A_196] : memref<10000xf32, #tpu.memory_space<hbm>> -> memref<10000xf32, #tpu.memory_space<hbm>>
      tpu.enqueue_indirect_dma source(%dma_start3A_197 : memref<10000xf32, #tpu.memory_space<hbm>>) target(%arg15 : memref<128xf32, #tpu.memory_space<vmem>>) offsets(%arg13 : memref<128xi32, #tpu.memory_space<vmem>>) semaphore(%arg21 : memref<!tpu.dma_semaphore, #tpu.memory_space<semaphore_mem>>)
      %dma_wait3A = arith.constant 0 : i32
      %dma_wait3A_198 = tpu.memref_slice %arg3[%dma_wait3A] : memref<10000xf32, #tpu.memory_space<hbm>> -> memref<10000xf32, #tpu.memory_space<hbm>>
      tpu.wait_indirect_dma semaphore(%arg21 : memref<!tpu.dma_semaphore, #tpu.memory_space<semaphore_mem>>) src(%dma_wait3A_198 : memref<10000xf32, #tpu.memory_space<hbm>>) dst(%arg14 : memref<128xf32, #tpu.memory_space<vmem>>)
      %dma_wait3A_199 = arith.constant 0 : i32
      %dma_wait3A_200 = tpu.memref_slice %arg4[%dma_wait3A_199] : memref<10000xf32, #tpu.memory_space<hbm>> -> memref<10000xf32, #tpu.memory_space<hbm>>
      tpu.wait_indirect_dma semaphore(%arg21 : memref<!tpu.dma_semaphore, #tpu.memory_space<semaphore_mem>>) src(%dma_wait3A_200 : memref<10000xf32, #tpu.memory_space<hbm>>) dst(%arg15 : memref<128xf32, #tpu.memory_space<vmem>>)
      %get3A_201 = arith.index_cast %while3A_49 : i32 to index
      %get3A_202 = arith.constant 0 : index
      %get3A_203 = tpu.vector_load %arg11[%get3A_201, %get3A_202] {strides = array<i32>} : memref<85x128xf32, #tpu.memory_space<vmem>>, vector<1x16xf32>,
      %get3A_204 = vector.shape_cast %get3A_203 : vector<1x16xf32> to vector<16xf32>
      %get3A_205 = arith.constant 0 : index
      %get3A_206 = tpu.vector_load %arg14[%get3A_205] {strides = array<i32>} : memref<128xf32, #tpu.memory_space<vmem>>, vector<16xf32>,
      %get3A_207 = vector.shape_cast %get3A_206 : vector<16xf32> to vector<16xf32>
      %get3A_208 = arith.constant 0 : index
      %get3A_209 = tpu.vector_load %arg15[%get3A_208] {strides = array<i32>} : memref<128xf32, #tpu.memory_space<vmem>>, vector<16xf32>,
      %get3A_210 = vector.shape_cast %get3A_209 : vector<16xf32> to vector<16xf32>
      %add3A_211 = arith.addf %get3A_207, %get3A_210 : vector<16xf32>
      %mul3A_212 = arith.constant 0.00999999977 : f32
      %mul3A_213 = vector.broadcast %mul3A_212 : f32 to vector<16xf32>
      %mul3A_214 = arith.mulf %mul3A_213, %add3A_211 : vector<16xf32>
      %max3A = arith.maximumf %add3A_211, %mul3A_214 : vector<16xf32>
      %mul3A_215 = arith.mulf %get3A_204, %max3A : vector<16xf32>
      %ge3A = arith.constant 0.000000e+00 : f32
      %ge3A_216 = vector.broadcast %ge3A : f32 to vector<16xf32>
      %ge3A_217 = arith.cmpf oge, %get3A_204, %ge3A_216 : vector<16xf32>
      %sub3A = arith.subf %mul3A_215, %get3A_4 : vector<16xf32>
      %exp3A = math.exp %sub3A : vector<16xf32>
      %jit3A_218 = arith.constant 0.000000e+00 : f32
      %broadcast_in_dim3A = vector.broadcast %jit3A_218 : f32 to vector<16xf32>
      %select_n3A_219 = arith.select %ge3A_217, %exp3A, %broadcast_in_dim3A : vector<16xi1>, vector<16xf32>
      %swap3A_220 = arith.constant 0 : index
      %swap3A_221 = tpu.vector_load %arg16[%swap3A_220] {strides = array<i32>} : memref<128xf32, #tpu.memory_space<vmem>>, vector<16xf32>,
      %swap3A_222 = vector.shape_cast %swap3A_221 : vector<16xf32> to vector<16xf32>
      %swap3A_223 = vector.shape_cast %select_n3A_219 : vector<16xf32> to vector<16xf32>
      tpu.vector_store %arg16[%swap3A_220], %swap3A_223 {strides = array<i32>} : memref<128xf32, #tpu.memory_space<vmem>>, vector<16xf32>,
      %get3A_224 = arith.index_cast %while3A_49 : i32 to index
      %get3A_225 = arith.constant 16 : index
      %get3A_226 = tpu.vector_load %arg11[%get3A_224, %get3A_225] {strides = array<i32>} : memref<85x128xf32, #tpu.memory_space<vmem>>, vector<1x16xf32>,
      %get3A_227 = vector.shape_cast %get3A_226 : vector<1x16xf32> to vector<16xf32>
      %get3A_228 = arith.constant 16 : index
      %get3A_229 = tpu.vector_load %arg14[%get3A_228] {strides = array<i32>} : memref<128xf32, #tpu.memory_space<vmem>>, vector<16xf32>,
      %get3A_230 = vector.shape_cast %get3A_229 : vector<16xf32> to vector<16xf32>
      %get3A_231 = arith.constant 16 : index
      %get3A_232 = tpu.vector_load %arg15[%get3A_231] {strides = array<i32>} : memref<128xf32, #tpu.memory_space<vmem>>, vector<16xf32>,
      %get3A_233 = vector.shape_cast %get3A_232 : vector<16xf32> to vector<16xf32>
      %add3A_234 = arith.addf %get3A_230, %get3A_233 : vector<16xf32>
      %mul3A_235 = arith.constant 0.00999999977 : f32
      %mul3A_236 = vector.broadcast %mul3A_235 : f32 to vector<16xf32>
      %mul3A_237 = arith.mulf %mul3A_236, %add3A_234 : vector<16xf32>
      %max3A_238 = arith.maximumf %add3A_234, %mul3A_237 : vector<16xf32>
      %mul3A_239 = arith.mulf %get3A_227, %max3A_238 : vector<16xf32>
      %ge3A_240 = arith.constant 0.000000e+00 : f32
      %ge3A_241 = vector.broadcast %ge3A_240 : f32 to vector<16xf32>
      %ge3A_242 = arith.cmpf oge, %get3A_227, %ge3A_241 : vector<16xf32>
      %sub3A_243 = arith.subf %mul3A_239, %get3A_4 : vector<16xf32>
      %exp3A_244 = math.exp %sub3A_243 : vector<16xf32>
      %jit3A_245 = arith.constant 0.000000e+00 : f32
      %broadcast_in_dim3A_246 = vector.broadcast %jit3A_245 : f32 to vector<16xf32>
      %select_n3A_247 = arith.select %ge3A_242, %exp3A_244, %broadcast_in_dim3A_246 : vector<16xi1>, vector<16xf32>
      %swap3A_248 = arith.constant 16 : index
      %swap3A_249 = tpu.vector_load %arg16[%swap3A_248] {strides = array<i32>} : memref<128xf32, #tpu.memory_space<vmem>>, vector<16xf32>,
      %swap3A_250 = vector.shape_cast %swap3A_249 : vector<16xf32> to vector<16xf32>
      %swap3A_251 = vector.shape_cast %select_n3A_247 : vector<16xf32> to vector<16xf32>
      tpu.vector_store %arg16[%swap3A_248], %swap3A_251 {strides = array<i32>} : memref<128xf32, #tpu.memory_space<vmem>>, vector<16xf32>,
      %get3A_252 = arith.index_cast %while3A_49 : i32 to index
      %get3A_253 = arith.constant 32 : index
      %get3A_254 = tpu.vector_load %arg11[%get3A_252, %get3A_253] {strides = array<i32>} : memref<85x128xf32, #tpu.memory_space<vmem>>, vector<1x16xf32>,
      %get3A_255 = vector.shape_cast %get3A_254 : vector<1x16xf32> to vector<16xf32>
      %get3A_256 = arith.constant 32 : index
      %get3A_257 = tpu.vector_load %arg14[%get3A_256] {strides = array<i32>} : memref<128xf32, #tpu.memory_space<vmem>>, vector<16xf32>,
      %get3A_258 = vector.shape_cast %get3A_257 : vector<16xf32> to vector<16xf32>
      %get3A_259 = arith.constant 32 : index
      %get3A_260 = tpu.vector_load %arg15[%get3A_259] {strides = array<i32>} : memref<128xf32, #tpu.memory_space<vmem>>, vector<16xf32>,
      %get3A_261 = vector.shape_cast %get3A_260 : vector<16xf32> to vector<16xf32>
      %add3A_262 = arith.addf %get3A_258, %get3A_261 : vector<16xf32>
      %mul3A_263 = arith.constant 0.00999999977 : f32
      %mul3A_264 = vector.broadcast %mul3A_263 : f32 to vector<16xf32>
      %mul3A_265 = arith.mulf %mul3A_264, %add3A_262 : vector<16xf32>
      %max3A_266 = arith.maximumf %add3A_262, %mul3A_265 : vector<16xf32>
      %mul3A_267 = arith.mulf %get3A_255, %max3A_266 : vector<16xf32>
      %ge3A_268 = arith.constant 0.000000e+00 : f32
      %ge3A_269 = vector.broadcast %ge3A_268 : f32 to vector<16xf32>
      %ge3A_270 = arith.cmpf oge, %get3A_255, %ge3A_269 : vector<16xf32>
      %sub3A_271 = arith.subf %mul3A_267, %get3A_4 : vector<16xf32>
      %exp3A_272 = math.exp %sub3A_271 : vector<16xf32>
      %jit3A_273 = arith.constant 0.000000e+00 : f32
      %broadcast_in_dim3A_274 = vector.broadcast %jit3A_273 : f32 to vector<16xf32>
      %select_n3A_275 = arith.select %ge3A_270, %exp3A_272, %broadcast_in_dim3A_274 : vector<16xi1>, vector<16xf32>
      %swap3A_276 = arith.constant 32 : index
      %swap3A_277 = tpu.vector_load %arg16[%swap3A_276] {strides = array<i32>} : memref<128xf32, #tpu.memory_space<vmem>>, vector<16xf32>,
      %swap3A_278 = vector.shape_cast %swap3A_277 : vector<16xf32> to vector<16xf32>
      %swap3A_279 = vector.shape_cast %select_n3A_275 : vector<16xf32> to vector<16xf32>
      tpu.vector_store %arg16[%swap3A_276], %swap3A_279 {strides = array<i32>} : memref<128xf32, #tpu.memory_space<vmem>>, vector<16xf32>,
      %get3A_280 = arith.index_cast %while3A_49 : i32 to index
      %get3A_281 = arith.constant 48 : index
      %get3A_282 = tpu.vector_load %arg11[%get3A_280, %get3A_281] {strides = array<i32>} : memref<85x128xf32, #tpu.memory_space<vmem>>, vector<1x16xf32>,
      %get3A_283 = vector.shape_cast %get3A_282 : vector<1x16xf32> to vector<16xf32>
      %get3A_284 = arith.constant 48 : index
      %get3A_285 = tpu.vector_load %arg14[%get3A_284] {strides = array<i32>} : memref<128xf32, #tpu.memory_space<vmem>>, vector<16xf32>,
      %get3A_286 = vector.shape_cast %get3A_285 : vector<16xf32> to vector<16xf32>
      %get3A_287 = arith.constant 48 : index
      %get3A_288 = tpu.vector_load %arg15[%get3A_287] {strides = array<i32>} : memref<128xf32, #tpu.memory_space<vmem>>, vector<16xf32>,
      %get3A_289 = vector.shape_cast %get3A_288 : vector<16xf32> to vector<16xf32>
      %add3A_290 = arith.addf %get3A_286, %get3A_289 : vector<16xf32>
      %mul3A_291 = arith.constant 0.00999999977 : f32
      %mul3A_292 = vector.broadcast %mul3A_291 : f32 to vector<16xf32>
      %mul3A_293 = arith.mulf %mul3A_292, %add3A_290 : vector<16xf32>
      %max3A_294 = arith.maximumf %add3A_290, %mul3A_293 : vector<16xf32>
      %mul3A_295 = arith.mulf %get3A_283, %max3A_294 : vector<16xf32>
      %ge3A_296 = arith.constant 0.000000e+00 : f32
      %ge3A_297 = vector.broadcast %ge3A_296 : f32 to vector<16xf32>
      %ge3A_298 = arith.cmpf oge, %get3A_283, %ge3A_297 : vector<16xf32>
      %sub3A_299 = arith.subf %mul3A_295, %get3A_4 : vector<16xf32>
      %exp3A_300 = math.exp %sub3A_299 : vector<16xf32>
      %jit3A_301 = arith.constant 0.000000e+00 : f32
      %broadcast_in_dim3A_302 = vector.broadcast %jit3A_301 : f32 to vector<16xf32>
      %select_n3A_303 = arith.select %ge3A_298, %exp3A_300, %broadcast_in_dim3A_302 : vector<16xi1>, vector<16xf32>
      %swap3A_304 = arith.constant 48 : index
      %swap3A_305 = tpu.vector_load %arg16[%swap3A_304] {strides = array<i32>} : memref<128xf32, #tpu.memory_space<vmem>>, vector<16xf32>,
      %swap3A_306 = vector.shape_cast %swap3A_305 : vector<16xf32> to vector<16xf32>
      %swap3A_307 = vector.shape_cast %select_n3A_303 : vector<16xf32> to vector<16xf32>
      tpu.vector_store %arg16[%swap3A_304], %swap3A_307 {strides = array<i32>} : memref<128xf32, #tpu.memory_space<vmem>>, vector<16xf32>,
      %get3A_308 = arith.index_cast %while3A_49 : i32 to index
      %get3A_309 = arith.constant 64 : index
      %get3A_310 = tpu.vector_load %arg11[%get3A_308, %get3A_309] {strides = array<i32>} : memref<85x128xf32, #tpu.memory_space<vmem>>, vector<1x16xf32>,
      %get3A_311 = vector.shape_cast %get3A_310 : vector<1x16xf32> to vector<16xf32>
      %get3A_312 = arith.constant 64 : index
      %get3A_313 = tpu.vector_load %arg14[%get3A_312] {strides = array<i32>} : memref<128xf32, #tpu.memory_space<vmem>>, vector<16xf32>,
      %get3A_314 = vector.shape_cast %get3A_313 : vector<16xf32> to vector<16xf32>
      %get3A_315 = arith.constant 64 : index
      %get3A_316 = tpu.vector_load %arg15[%get3A_315] {strides = array<i32>} : memref<128xf32, #tpu.memory_space<vmem>>, vector<16xf32>,
      %get3A_317 = vector.shape_cast %get3A_316 : vector<16xf32> to vector<16xf32>
      %add3A_318 = arith.addf %get3A_314, %get3A_317 : vector<16xf32>
      %mul3A_319 = arith.constant 0.00999999977 : f32
      %mul3A_320 = vector.broadcast %mul3A_319 : f32 to vector<16xf32>
      %mul3A_321 = arith.mulf %mul3A_320, %add3A_318 : vector<16xf32>
      %max3A_322 = arith.maximumf %add3A_318, %mul3A_321 : vector<16xf32>
      %mul3A_323 = arith.mulf %get3A_311, %max3A_322 : vector<16xf32>
      %ge3A_324 = arith.constant 0.000000e+00 : f32
      %ge3A_325 = vector.broadcast %ge3A_324 : f32 to vector<16xf32>
      %ge3A_326 = arith.cmpf oge, %get3A_311, %ge3A_325 : vector<16xf32>
      %sub3A_327 = arith.subf %mul3A_323, %get3A_4 : vector<16xf32>
      %exp3A_328 = math.exp %sub3A_327 : vector<16xf32>
      %jit3A_329 = arith.constant 0.000000e+00 : f32
      %broadcast_in_dim3A_330 = vector.broadcast %jit3A_329 : f32 to vector<16xf32>
      %select_n3A_331 = arith.select %ge3A_326, %exp3A_328, %broadcast_in_dim3A_330 : vector<16xi1>, vector<16xf32>
      %swap3A_332 = arith.constant 64 : index
      %swap3A_333 = tpu.vector_load %arg16[%swap3A_332] {strides = array<i32>} : memref<128xf32, #tpu.memory_space<vmem>>, vector<16xf32>,
      %swap3A_334 = vector.shape_cast %swap3A_333 : vector<16xf32> to vector<16xf32>
      %swap3A_335 = vector.shape_cast %select_n3A_331 : vector<16xf32> to vector<16xf32>
      tpu.vector_store %arg16[%swap3A_332], %swap3A_335 {strides = array<i32>} : memref<128xf32, #tpu.memory_space<vmem>>, vector<16xf32>,
      %get3A_336 = arith.index_cast %while3A_49 : i32 to index
      %get3A_337 = arith.constant 80 : index
      %get3A_338 = tpu.vector_load %arg11[%get3A_336, %get3A_337] {strides = array<i32>} : memref<85x128xf32, #tpu.memory_space<vmem>>, vector<1x16xf32>,
      %get3A_339 = vector.shape_cast %get3A_338 : vector<1x16xf32> to vector<16xf32>
      %get3A_340 = arith.constant 80 : index
      %get3A_341 = tpu.vector_load %arg14[%get3A_340] {strides = array<i32>} : memref<128xf32, #tpu.memory_space<vmem>>, vector<16xf32>,
      %get3A_342 = vector.shape_cast %get3A_341 : vector<16xf32> to vector<16xf32>
      %get3A_343 = arith.constant 80 : index
      %get3A_344 = tpu.vector_load %arg15[%get3A_343] {strides = array<i32>} : memref<128xf32, #tpu.memory_space<vmem>>, vector<16xf32>,
      %get3A_345 = vector.shape_cast %get3A_344 : vector<16xf32> to vector<16xf32>
      %add3A_346 = arith.addf %get3A_342, %get3A_345 : vector<16xf32>
      %mul3A_347 = arith.constant 0.00999999977 : f32
      %mul3A_348 = vector.broadcast %mul3A_347 : f32 to vector<16xf32>
      %mul3A_349 = arith.mulf %mul3A_348, %add3A_346 : vector<16xf32>
      %max3A_350 = arith.maximumf %add3A_346, %mul3A_349 : vector<16xf32>
      %mul3A_351 = arith.mulf %get3A_339, %max3A_350 : vector<16xf32>
      %ge3A_352 = arith.constant 0.000000e+00 : f32
      %ge3A_353 = vector.broadcast %ge3A_352 : f32 to vector<16xf32>
      %ge3A_354 = arith.cmpf oge, %get3A_339, %ge3A_353 : vector<16xf32>
      %sub3A_355 = arith.subf %mul3A_351, %get3A_4 : vector<16xf32>
      %exp3A_356 = math.exp %sub3A_355 : vector<16xf32>
      %jit3A_357 = arith.constant 0.000000e+00 : f32
      %broadcast_in_dim3A_358 = vector.broadcast %jit3A_357 : f32 to vector<16xf32>
      %select_n3A_359 = arith.select %ge3A_354, %exp3A_356, %broadcast_in_dim3A_358 : vector<16xi1>, vector<16xf32>
      %swap3A_360 = arith.constant 80 : index
      %swap3A_361 = tpu.vector_load %arg16[%swap3A_360] {strides = array<i32>} : memref<128xf32, #tpu.memory_space<vmem>>, vector<16xf32>,
      %swap3A_362 = vector.shape_cast %swap3A_361 : vector<16xf32> to vector<16xf32>
      %swap3A_363 = vector.shape_cast %select_n3A_359 : vector<16xf32> to vector<16xf32>
      tpu.vector_store %arg16[%swap3A_360], %swap3A_363 {strides = array<i32>} : memref<128xf32, #tpu.memory_space<vmem>>, vector<16xf32>,
      %get3A_364 = arith.index_cast %while3A_49 : i32 to index
      %get3A_365 = arith.constant 96 : index
      %get3A_366 = tpu.vector_load %arg11[%get3A_364, %get3A_365] {strides = array<i32>} : memref<85x128xf32, #tpu.memory_space<vmem>>, vector<1x16xf32>,
      %get3A_367 = vector.shape_cast %get3A_366 : vector<1x16xf32> to vector<16xf32>
      %get3A_368 = arith.constant 96 : index
      %get3A_369 = tpu.vector_load %arg14[%get3A_368] {strides = array<i32>} : memref<128xf32, #tpu.memory_space<vmem>>, vector<16xf32>,
      %get3A_370 = vector.shape_cast %get3A_369 : vector<16xf32> to vector<16xf32>
      %get3A_371 = arith.constant 96 : index
      %get3A_372 = tpu.vector_load %arg15[%get3A_371] {strides = array<i32>} : memref<128xf32, #tpu.memory_space<vmem>>, vector<16xf32>,
      %get3A_373 = vector.shape_cast %get3A_372 : vector<16xf32> to vector<16xf32>
      %add3A_374 = arith.addf %get3A_370, %get3A_373 : vector<16xf32>
      %mul3A_375 = arith.constant 0.00999999977 : f32
      %mul3A_376 = vector.broadcast %mul3A_375 : f32 to vector<16xf32>
      %mul3A_377 = arith.mulf %mul3A_376, %add3A_374 : vector<16xf32>
      %max3A_378 = arith.maximumf %add3A_374, %mul3A_377 : vector<16xf32>
      %mul3A_379 = arith.mulf %get3A_367, %max3A_378 : vector<16xf32>
      %ge3A_380 = arith.constant 0.000000e+00 : f32
      %ge3A_381 = vector.broadcast %ge3A_380 : f32 to vector<16xf32>
      %ge3A_382 = arith.cmpf oge, %get3A_367, %ge3A_381 : vector<16xf32>
      %sub3A_383 = arith.subf %mul3A_379, %get3A_4 : vector<16xf32>
      %exp3A_384 = math.exp %sub3A_383 : vector<16xf32>
      %jit3A_385 = arith.constant 0.000000e+00 : f32
      %broadcast_in_dim3A_386 = vector.broadcast %jit3A_385 : f32 to vector<16xf32>
      %select_n3A_387 = arith.select %ge3A_382, %exp3A_384, %broadcast_in_dim3A_386 : vector<16xi1>, vector<16xf32>
      %swap3A_388 = arith.constant 96 : index
      %swap3A_389 = tpu.vector_load %arg16[%swap3A_388] {strides = array<i32>} : memref<128xf32, #tpu.memory_space<vmem>>, vector<16xf32>,
      %swap3A_390 = vector.shape_cast %swap3A_389 : vector<16xf32> to vector<16xf32>
      %swap3A_391 = vector.shape_cast %select_n3A_387 : vector<16xf32> to vector<16xf32>
      tpu.vector_store %arg16[%swap3A_388], %swap3A_391 {strides = array<i32>} : memref<128xf32, #tpu.memory_space<vmem>>, vector<16xf32>,
      %get3A_392 = arith.index_cast %while3A_49 : i32 to index
      %get3A_393 = arith.constant 112 : index
      %get3A_394 = tpu.vector_load %arg11[%get3A_392, %get3A_393] {strides = array<i32>} : memref<85x128xf32, #tpu.memory_space<vmem>>, vector<1x16xf32>,
      %get3A_395 = vector.shape_cast %get3A_394 : vector<1x16xf32> to vector<16xf32>
      %get3A_396 = arith.constant 112 : index
      %get3A_397 = tpu.vector_load %arg14[%get3A_396] {strides = array<i32>} : memref<128xf32, #tpu.memory_space<vmem>>, vector<16xf32>,
      %get3A_398 = vector.shape_cast %get3A_397 : vector<16xf32> to vector<16xf32>
      %get3A_399 = arith.constant 112 : index
      %get3A_400 = tpu.vector_load %arg15[%get3A_399] {strides = array<i32>} : memref<128xf32, #tpu.memory_space<vmem>>, vector<16xf32>,
      %get3A_401 = vector.shape_cast %get3A_400 : vector<16xf32> to vector<16xf32>
      %add3A_402 = arith.addf %get3A_398, %get3A_401 : vector<16xf32>
      %mul3A_403 = arith.constant 0.00999999977 : f32
      %mul3A_404 = vector.broadcast %mul3A_403 : f32 to vector<16xf32>
      %mul3A_405 = arith.mulf %mul3A_404, %add3A_402 : vector<16xf32>
      %max3A_406 = arith.maximumf %add3A_402, %mul3A_405 : vector<16xf32>
      %mul3A_407 = arith.mulf %get3A_395, %max3A_406 : vector<16xf32>
      %ge3A_408 = arith.constant 0.000000e+00 : f32
      %ge3A_409 = vector.broadcast %ge3A_408 : f32 to vector<16xf32>
      %ge3A_410 = arith.cmpf oge, %get3A_395, %ge3A_409 : vector<16xf32>
      %sub3A_411 = arith.subf %mul3A_407, %get3A_4 : vector<16xf32>
      %exp3A_412 = math.exp %sub3A_411 : vector<16xf32>
      %jit3A_413 = arith.constant 0.000000e+00 : f32
      %broadcast_in_dim3A_414 = vector.broadcast %jit3A_413 : f32 to vector<16xf32>
      %select_n3A_415 = arith.select %ge3A_410, %exp3A_412, %broadcast_in_dim3A_414 : vector<16xi1>, vector<16xf32>
      %swap3A_416 = arith.constant 112 : index
      %swap3A_417 = tpu.vector_load %arg16[%swap3A_416] {strides = array<i32>} : memref<128xf32, #tpu.memory_space<vmem>>, vector<16xf32>,
      %swap3A_418 = vector.shape_cast %swap3A_417 : vector<16xf32> to vector<16xf32>
      %swap3A_419 = vector.shape_cast %select_n3A_415 : vector<16xf32> to vector<16xf32>
      tpu.vector_store %arg16[%swap3A_416], %swap3A_419 {strides = array<i32>} : memref<128xf32, #tpu.memory_space<vmem>>, vector<16xf32>,
      "tpu.region"() ({
        %run_scoped3A_431 = tpu.sem_alloc : memref<!tpu.dma_semaphore, #tpu.memory_space<semaphore_mem>>
        %dma_start3A_432 = arith.constant 0 : i32
        %dma_start3A_433 = tpu.memref_slice %arg20[%dma_start3A_432] : memref<10240xf32, #tpu.memory_space<vmem_shared>> -> memref<10240xf32, #tpu.memory_space<vmem_shared>>
        tpu.enqueue_indirect_dma source(%arg16 : memref<128xf32, #tpu.memory_space<vmem>>) target(%dma_start3A_433 : memref<10240xf32, #tpu.memory_space<vmem_shared>>) offsets(%arg13 : memref<128xi32, #tpu.memory_space<vmem>>) semaphore(%run_scoped3A_431 : memref<!tpu.dma_semaphore, #tpu.memory_space<semaphore_mem>>) {add = true}
        %dma_wait3A_434 = arith.constant 0 : i32
        %dma_wait3A_435 = tpu.memref_slice %arg20[%dma_wait3A_434] : memref<10240xf32, #tpu.memory_space<vmem_shared>> -> memref<10240xf32, #tpu.memory_space<vmem_shared>>
        tpu.wait_indirect_dma semaphore(%run_scoped3A_431 : memref<!tpu.dma_semaphore, #tpu.memory_space<semaphore_mem>>) src(%arg16 : memref<128xf32, #tpu.memory_space<vmem>>) dst(%dma_wait3A_435 : memref<10240xf32, #tpu.memory_space<vmem_shared>>)
        tpu.yield
      }) : () -> ()
      %dma_wait3A_420 = arith.constant 0 : i32
      %dma_wait3A_421 = arith.constant 0 : i32
      %dma_wait3A_422 = tpu.memref_slice %arg2[%dma_wait3A_420, %dma_wait3A_421] : memref<10000x128xf32, #tpu.memory_space<hbm>> -> memref<10000x128xf32, #tpu.memory_space<hbm>>
      tpu.wait_indirect_dma semaphore(%arg22 : memref<!tpu.dma_semaphore, #tpu.memory_space<semaphore_mem>>) src(%dma_wait3A_422 : memref<10000x128xf32, #tpu.memory_space<hbm>>) dst(%arg17 : memref<128x128xf32, #tpu.memory_space<vmem>>)
      %scan3A_423 = arith.constant 0 : i32
      %scan3A_424 = arith.constant 0 : i32
      %scan3A_425 = arith.constant 8 : i32
      %scan3A_426 = arith.addi %scan3A_424, %scan3A_425 : i32
      %scan3A_427 = arith.constant 1 : i32
      %scan3A_428 = scf.for %scan3A_431 = %scan3A_424 to %scan3A_426 step %scan3A_427 iter_args(%scan3A_432 = %scan3A_423) -> (i32)  : i32 {
        %mul3A_433 = arith.constant 16 : i32
        %mul3A_434 = arith.muli %scan3A_431, %mul3A_433 : i32
        %get3A_435 = arith.index_cast %mul3A_434 : i32 to index
        %get3A_436 = tpu.vector_load %arg16[%get3A_435] {strides = array<i32>} : memref<128xf32, #tpu.memory_space<vmem>>, vector<16xf32>,
        %get3A_437 = vector.shape_cast %get3A_436 : vector<16xf32> to vector<16xf32>
        %slice3A = vector.extract_strided_slice %get3A_437 {offsets = [0], sizes = [1], strides = [1]} : vector<16xf32> to vector<1xf32>
        %squeeze3A = vector.extract %slice3A[0] : f32 from vector<1xf32>
        %mul3A_438 = arith.constant 16 : i32
        %mul3A_439 = arith.muli %scan3A_431, %mul3A_438 : i32
        %add3A_440 = arith.constant 0 : i32
        %add3A_441 = arith.addi %mul3A_439, %add3A_440 : i32
        %get3A_442 = arith.index_cast %add3A_441 : i32 to index
        %get3A_443 = arith.constant 0 : index
        %get3A_444 = tpu.vector_load %arg17[%get3A_442, %get3A_443] {strides = array<i32>} : memref<128x128xf32, #tpu.memory_space<vmem>>, vector<1x16xf32>,
        %get3A_445 = vector.shape_cast %get3A_444 : vector<1x16xf32> to vector<16xf32>
        %mul3A_446 = vector.broadcast %squeeze3A : f32 to vector<16xf32>
        %mul3A_447 = arith.mulf %get3A_445, %mul3A_446 : vector<16xf32>
        %swap3A_448 = arith.index_cast %add3A_441 : i32 to index
        %swap3A_449 = arith.constant 0 : index
        %swap3A_450 = tpu.vector_load %arg17[%swap3A_448, %swap3A_449] {strides = array<i32>} : memref<128x128xf32, #tpu.memory_space<vmem>>, vector<1x16xf32>,
        %swap3A_451 = vector.shape_cast %swap3A_450 : vector<1x16xf32> to vector<16xf32>
        %swap3A_452 = vector.shape_cast %mul3A_447 : vector<16xf32> to vector<1x16xf32>
        tpu.vector_store %arg17[%swap3A_448, %swap3A_449], %swap3A_452 {strides = array<i32>} : memref<128x128xf32, #tpu.memory_space<vmem>>, vector<1x16xf32>,
        %get3A_453 = arith.index_cast %add3A_441 : i32 to index
        %get3A_454 = arith.constant 16 : index
        %get3A_455 = tpu.vector_load %arg17[%get3A_453, %get3A_454] {strides = array<i32>} : memref<128x128xf32, #tpu.memory_space<vmem>>, vector<1x16xf32>,
        %get3A_456 = vector.shape_cast %get3A_455 : vector<1x16xf32> to vector<16xf32>
        %mul3A_457 = vector.broadcast %squeeze3A : f32 to vector<16xf32>
        %mul3A_458 = arith.mulf %get3A_456, %mul3A_457 : vector<16xf32>
        %swap3A_459 = arith.index_cast %add3A_441 : i32 to index
        %swap3A_460 = arith.constant 16 : index
        %swap3A_461 = tpu.vector_load %arg17[%swap3A_459, %swap3A_460] {strides = array<i32>} : memref<128x128xf32, #tpu.memory_space<vmem>>, vector<1x16xf32>,
        %swap3A_462 = vector.shape_cast %swap3A_461 : vector<1x16xf32> to vector<16xf32>
        %swap3A_463 = vector.shape_cast %mul3A_458 : vector<16xf32> to vector<1x16xf32>
        tpu.vector_store %arg17[%swap3A_459, %swap3A_460], %swap3A_463 {strides = array<i32>} : memref<128x128xf32, #tpu.memory_space<vmem>>, vector<1x16xf32>,
        %get3A_464 = arith.index_cast %add3A_441 : i32 to index
        %get3A_465 = arith.constant 32 : index
        %get3A_466 = tpu.vector_load %arg17[%get3A_464, %get3A_465] {strides = array<i32>} : memref<128x128xf32, #tpu.memory_space<vmem>>, vector<1x16xf32>,
        %get3A_467 = vector.shape_cast %get3A_466 : vector<1x16xf32> to vector<16xf32>
        %mul3A_468 = vector.broadcast %squeeze3A : f32 to vector<16xf32>
        %mul3A_469 = arith.mulf %get3A_467, %mul3A_468 : vector<16xf32>
        %swap3A_470 = arith.index_cast %add3A_441 : i32 to index
        %swap3A_471 = arith.constant 32 : index
        %swap3A_472 = tpu.vector_load %arg17[%swap3A_470, %swap3A_471] {strides = array<i32>} : memref<128x128xf32, #tpu.memory_space<vmem>>, vector<1x16xf32>,
        %swap3A_473 = vector.shape_cast %swap3A_472 : vector<1x16xf32> to vector<16xf32>
        %swap3A_474 = vector.shape_cast %mul3A_469 : vector<16xf32> to vector<1x16xf32>
        tpu.vector_store %arg17[%swap3A_470, %swap3A_471], %swap3A_474 {strides = array<i32>} : memref<128x128xf32, #tpu.memory_space<vmem>>, vector<1x16xf32>,
        %get3A_475 = arith.index_cast %add3A_441 : i32 to index
        %get3A_476 = arith.constant 48 : index
        %get3A_477 = tpu.vector_load %arg17[%get3A_475, %get3A_476] {strides = array<i32>} : memref<128x128xf32, #tpu.memory_space<vmem>>, vector<1x16xf32>,
        %get3A_478 = vector.shape_cast %get3A_477 : vector<1x16xf32> to vector<16xf32>
        %mul3A_479 = vector.broadcast %squeeze3A : f32 to vector<16xf32>
        %mul3A_480 = arith.mulf %get3A_478, %mul3A_479 : vector<16xf32>
        %swap3A_481 = arith.index_cast %add3A_441 : i32 to index
        %swap3A_482 = arith.constant 48 : index
        %swap3A_483 = tpu.vector_load %arg17[%swap3A_481, %swap3A_482] {strides = array<i32>} : memref<128x128xf32, #tpu.memory_space<vmem>>, vector<1x16xf32>,
        %swap3A_484 = vector.shape_cast %swap3A_483 : vector<1x16xf32> to vector<16xf32>
        %swap3A_485 = vector.shape_cast %mul3A_480 : vector<16xf32> to vector<1x16xf32>
        tpu.vector_store %arg17[%swap3A_481, %swap3A_482], %swap3A_485 {strides = array<i32>} : memref<128x128xf32, #tpu.memory_space<vmem>>, vector<1x16xf32>,
        %get3A_486 = arith.index_cast %add3A_441 : i32 to index
        %get3A_487 = arith.constant 64 : index
        %get3A_488 = tpu.vector_load %arg17[%get3A_486, %get3A_487] {strides = array<i32>} : memref<128x128xf32, #tpu.memory_space<vmem>>, vector<1x16xf32>,
        %get3A_489 = vector.shape_cast %get3A_488 : vector<1x16xf32> to vector<16xf32>
        %mul3A_490 = vector.broadcast %squeeze3A : f32 to vector<16xf32>
        %mul3A_491 = arith.mulf %get3A_489, %mul3A_490 : vector<16xf32>
        %swap3A_492 = arith.index_cast %add3A_441 : i32 to index
        %swap3A_493 = arith.constant 64 : index
        %swap3A_494 = tpu.vector_load %arg17[%swap3A_492, %swap3A_493] {strides = array<i32>} : memref<128x128xf32, #tpu.memory_space<vmem>>, vector<1x16xf32>,
        %swap3A_495 = vector.shape_cast %swap3A_494 : vector<1x16xf32> to vector<16xf32>
        %swap3A_496 = vector.shape_cast %mul3A_491 : vector<16xf32> to vector<1x16xf32>
        tpu.vector_store %arg17[%swap3A_492, %swap3A_493], %swap3A_496 {strides = array<i32>} : memref<128x128xf32, #tpu.memory_space<vmem>>, vector<1x16xf32>,
        %get3A_497 = arith.index_cast %add3A_441 : i32 to index
        %get3A_498 = arith.constant 80 : index
        %get3A_499 = tpu.vector_load %arg17[%get3A_497, %get3A_498] {strides = array<i32>} : memref<128x128xf32, #tpu.memory_space<vmem>>, vector<1x16xf32>,
        %get3A_500 = vector.shape_cast %get3A_499 : vector<1x16xf32> to vector<16xf32>
        %mul3A_501 = vector.broadcast %squeeze3A : f32 to vector<16xf32>
        %mul3A_502 = arith.mulf %get3A_500, %mul3A_501 : vector<16xf32>
        %swap3A_503 = arith.index_cast %add3A_441 : i32 to index
        %swap3A_504 = arith.constant 80 : index
        %swap3A_505 = tpu.vector_load %arg17[%swap3A_503, %swap3A_504] {strides = array<i32>} : memref<128x128xf32, #tpu.memory_space<vmem>>, vector<1x16xf32>,
        %swap3A_506 = vector.shape_cast %swap3A_505 : vector<1x16xf32> to vector<16xf32>
        %swap3A_507 = vector.shape_cast %mul3A_502 : vector<16xf32> to vector<1x16xf32>
        tpu.vector_store %arg17[%swap3A_503, %swap3A_504], %swap3A_507 {strides = array<i32>} : memref<128x128xf32, #tpu.memory_space<vmem>>, vector<1x16xf32>,
        %get3A_508 = arith.index_cast %add3A_441 : i32 to index
        %get3A_509 = arith.constant 96 : index
        %get3A_510 = tpu.vector_load %arg17[%get3A_508, %get3A_509] {strides = array<i32>} : memref<128x128xf32, #tpu.memory_space<vmem>>, vector<1x16xf32>,
        %get3A_511 = vector.shape_cast %get3A_510 : vector<1x16xf32> to vector<16xf32>
        %mul3A_512 = vector.broadcast %squeeze3A : f32 to vector<16xf32>
        %mul3A_513 = arith.mulf %get3A_511, %mul3A_512 : vector<16xf32>
        %swap3A_514 = arith.index_cast %add3A_441 : i32 to index
        %swap3A_515 = arith.constant 96 : index
        %swap3A_516 = tpu.vector_load %arg17[%swap3A_514, %swap3A_515] {strides = array<i32>} : memref<128x128xf32, #tpu.memory_space<vmem>>, vector<1x16xf32>,
        %swap3A_517 = vector.shape_cast %swap3A_516 : vector<1x16xf32> to vector<16xf32>
        %swap3A_518 = vector.shape_cast %mul3A_513 : vector<16xf32> to vector<1x16xf32>
        tpu.vector_store %arg17[%swap3A_514, %swap3A_515], %swap3A_518 {strides = array<i32>} : memref<128x128xf32, #tpu.memory_space<vmem>>, vector<1x16xf32>,
        %get3A_519 = arith.index_cast %add3A_441 : i32 to index
        %get3A_520 = arith.constant 112 : index
        %get3A_521 = tpu.vector_load %arg17[%get3A_519, %get3A_520] {strides = array<i32>} : memref<128x128xf32, #tpu.memory_space<vmem>>, vector<1x16xf32>,
        %get3A_522 = vector.shape_cast %get3A_521 : vector<1x16xf32> to vector<16xf32>
        %mul3A_523 = vector.broadcast %squeeze3A : f32 to vector<16xf32>
        %mul3A_524 = arith.mulf %get3A_522, %mul3A_523 : vector<16xf32>
        %swap3A_525 = arith.index_cast %add3A_441 : i32 to index
        %swap3A_526 = arith.constant 112 : index
        %swap3A_527 = tpu.vector_load %arg17[%swap3A_525, %swap3A_526] {strides = array<i32>} : memref<128x128xf32, #tpu.memory_space<vmem>>, vector<1x16xf32>,
        %swap3A_528 = vector.shape_cast %swap3A_527 : vector<1x16xf32> to vector<16xf32>
        %swap3A_529 = vector.shape_cast %mul3A_524 : vector<16xf32> to vector<1x16xf32>
        tpu.vector_store %arg17[%swap3A_525, %swap3A_526], %swap3A_529 {strides = array<i32>} : memref<128x128xf32, #tpu.memory_space<vmem>>, vector<1x16xf32>,
        %slice3A_530 = vector.extract_strided_slice %get3A_437 {offsets = [1], sizes = [1], strides = [1]} : vector<16xf32> to vector<1xf32>
        %squeeze3A_531 = vector.extract %slice3A_530[0] : f32 from vector<1xf32>
        %mul3A_532 = arith.constant 16 : i32
        %mul3A_533 = arith.muli %scan3A_431, %mul3A_532 : i32
        %add3A_534 = arith.constant 1 : i32
        %add3A_535 = arith.addi %mul3A_533, %add3A_534 : i32
        %get3A_536 = arith.index_cast %add3A_535 : i32 to index
        %get3A_537 = arith.constant 0 : index
        %get3A_538 = tpu.vector_load %arg17[%get3A_536, %get3A_537] {strides = array<i32>} : memref<128x128xf32, #tpu.memory_space<vmem>>, vector<1x16xf32>,
        %get3A_539 = vector.shape_cast %get3A_538 : vector<1x16xf32> to vector<16xf32>
        %mul3A_540 = vector.broadcast %squeeze3A_531 : f32 to vector<16xf32>
        %mul3A_541 = arith.mulf %get3A_539, %mul3A_540 : vector<16xf32>
        %swap3A_542 = arith.index_cast %add3A_535 : i32 to index
        %swap3A_543 = arith.constant 0 : index
        %swap3A_544 = tpu.vector_load %arg17[%swap3A_542, %swap3A_543] {strides = array<i32>} : memref<128x128xf32, #tpu.memory_space<vmem>>, vector<1x16xf32>,
        %swap3A_545 = vector.shape_cast %swap3A_544 : vector<1x16xf32> to vector<16xf32>
        %swap3A_546 = vector.shape_cast %mul3A_541 : vector<16xf32> to vector<1x16xf32>
        tpu.vector_store %arg17[%swap3A_542, %swap3A_543], %swap3A_546 {strides = array<i32>} : memref<128x128xf32, #tpu.memory_space<vmem>>, vector<1x16xf32>,
        %get3A_547 = arith.index_cast %add3A_535 : i32 to index
        %get3A_548 = arith.constant 16 : index
        %get3A_549 = tpu.vector_load %arg17[%get3A_547, %get3A_548] {strides = array<i32>} : memref<128x128xf32, #tpu.memory_space<vmem>>, vector<1x16xf32>,
        %get3A_550 = vector.shape_cast %get3A_549 : vector<1x16xf32> to vector<16xf32>
        %mul3A_551 = vector.broadcast %squeeze3A_531 : f32 to vector<16xf32>
        %mul3A_552 = arith.mulf %get3A_550, %mul3A_551 : vector<16xf32>
        %swap3A_553 = arith.index_cast %add3A_535 : i32 to index
        %swap3A_554 = arith.constant 16 : index
        %swap3A_555 = tpu.vector_load %arg17[%swap3A_553, %swap3A_554] {strides = array<i32>} : memref<128x128xf32, #tpu.memory_space<vmem>>, vector<1x16xf32>,
        %swap3A_556 = vector.shape_cast %swap3A_555 : vector<1x16xf32> to vector<16xf32>
        %swap3A_557 = vector.shape_cast %mul3A_552 : vector<16xf32> to vector<1x16xf32>
        tpu.vector_store %arg17[%swap3A_553, %swap3A_554], %swap3A_557 {strides = array<i32>} : memref<128x128xf32, #tpu.memory_space<vmem>>, vector<1x16xf32>,
        %get3A_558 = arith.index_cast %add3A_535 : i32 to index
        %get3A_559 = arith.constant 32 : index
        %get3A_560 = tpu.vector_load %arg17[%get3A_558, %get3A_559] {strides = array<i32>} : memref<128x128xf32, #tpu.memory_space<vmem>>, vector<1x16xf32>,
        %get3A_561 = vector.shape_cast %get3A_560 : vector<1x16xf32> to vector<16xf32>
        %mul3A_562 = vector.broadcast %squeeze3A_531 : f32 to vector<16xf32>
        %mul3A_563 = arith.mulf %get3A_561, %mul3A_562 : vector<16xf32>
        %swap3A_564 = arith.index_cast %add3A_535 : i32 to index
        %swap3A_565 = arith.constant 32 : index
        %swap3A_566 = tpu.vector_load %arg17[%swap3A_564, %swap3A_565] {strides = array<i32>} : memref<128x128xf32, #tpu.memory_space<vmem>>, vector<1x16xf32>,
        %swap3A_567 = vector.shape_cast %swap3A_566 : vector<1x16xf32> to vector<16xf32>
        %swap3A_568 = vector.shape_cast %mul3A_563 : vector<16xf32> to vector<1x16xf32>
        tpu.vector_store %arg17[%swap3A_564, %swap3A_565], %swap3A_568 {strides = array<i32>} : memref<128x128xf32, #tpu.memory_space<vmem>>, vector<1x16xf32>,
        %get3A_569 = arith.index_cast %add3A_535 : i32 to index
        %get3A_570 = arith.constant 48 : index
        %get3A_571 = tpu.vector_load %arg17[%get3A_569, %get3A_570] {strides = array<i32>} : memref<128x128xf32, #tpu.memory_space<vmem>>, vector<1x16xf32>,
        %get3A_572 = vector.shape_cast %get3A_571 : vector<1x16xf32> to vector<16xf32>
        %mul3A_573 = vector.broadcast %squeeze3A_531 : f32 to vector<16xf32>
        %mul3A_574 = arith.mulf %get3A_572, %mul3A_573 : vector<16xf32>
        %swap3A_575 = arith.index_cast %add3A_535 : i32 to index
        %swap3A_576 = arith.constant 48 : index
        %swap3A_577 = tpu.vector_load %arg17[%swap3A_575, %swap3A_576] {strides = array<i32>} : memref<128x128xf32, #tpu.memory_space<vmem>>, vector<1x16xf32>,
        %swap3A_578 = vector.shape_cast %swap3A_577 : vector<1x16xf32> to vector<16xf32>
        %swap3A_579 = vector.shape_cast %mul3A_574 : vector<16xf32> to vector<1x16xf32>
        tpu.vector_store %arg17[%swap3A_575, %swap3A_576], %swap3A_579 {strides = array<i32>} : memref<128x128xf32, #tpu.memory_space<vmem>>, vector<1x16xf32>,
        %get3A_580 = arith.index_cast %add3A_535 : i32 to index
        %get3A_581 = arith.constant 64 : index
        %get3A_582 = tpu.vector_load %arg17[%get3A_580, %get3A_581] {strides = array<i32>} : memref<128x128xf32, #tpu.memory_space<vmem>>, vector<1x16xf32>,
        %get3A_583 = vector.shape_cast %get3A_582 : vector<1x16xf32> to vector<16xf32>
        %mul3A_584 = vector.broadcast %squeeze3A_531 : f32 to vector<16xf32>
        %mul3A_585 = arith.mulf %get3A_583, %mul3A_584 : vector<16xf32>
        %swap3A_586 = arith.index_cast %add3A_535 : i32 to index
        %swap3A_587 = arith.constant 64 : index
        %swap3A_588 = tpu.vector_load %arg17[%swap3A_586, %swap3A_587] {strides = array<i32>} : memref<128x128xf32, #tpu.memory_space<vmem>>, vector<1x16xf32>,
        %swap3A_589 = vector.shape_cast %swap3A_588 : vector<1x16xf32> to vector<16xf32>
        %swap3A_590 = vector.shape_cast %mul3A_585 : vector<16xf32> to vector<1x16xf32>
        tpu.vector_store %arg17[%swap3A_586, %swap3A_587], %swap3A_590 {strides = array<i32>} : memref<128x128xf32, #tpu.memory_space<vmem>>, vector<1x16xf32>,
        %get3A_591 = arith.index_cast %add3A_535 : i32 to index
        %get3A_592 = arith.constant 80 : index
        %get3A_593 = tpu.vector_load %arg17[%get3A_591, %get3A_592] {strides = array<i32>} : memref<128x128xf32, #tpu.memory_space<vmem>>, vector<1x16xf32>,
        %get3A_594 = vector.shape_cast %get3A_593 : vector<1x16xf32> to vector<16xf32>
        %mul3A_595 = vector.broadcast %squeeze3A_531 : f32 to vector<16xf32>
        %mul3A_596 = arith.mulf %get3A_594, %mul3A_595 : vector<16xf32>
        %swap3A_597 = arith.index_cast %add3A_535 : i32 to index
        %swap3A_598 = arith.constant 80 : index
        %swap3A_599 = tpu.vector_load %arg17[%swap3A_597, %swap3A_598] {strides = array<i32>} : memref<128x128xf32, #tpu.memory_space<vmem>>, vector<1x16xf32>,
        %swap3A_600 = vector.shape_cast %swap3A_599 : vector<1x16xf32> to vector<16xf32>
        %swap3A_601 = vector.shape_cast %mul3A_596 : vector<16xf32> to vector<1x16xf32>
        tpu.vector_store %arg17[%swap3A_597, %swap3A_598], %swap3A_601 {strides = array<i32>} : memref<128x128xf32, #tpu.memory_space<vmem>>, vector<1x16xf32>,
        %get3A_602 = arith.index_cast %add3A_535 : i32 to index
        %get3A_603 = arith.constant 96 : index
        %get3A_604 = tpu.vector_load %arg17[%get3A_602, %get3A_603] {strides = array<i32>} : memref<128x128xf32, #tpu.memory_space<vmem>>, vector<1x16xf32>,
        %get3A_605 = vector.shape_cast %get3A_604 : vector<1x16xf32> to vector<16xf32>
        %mul3A_606 = vector.broadcast %squeeze3A_531 : f32 to vector<16xf32>
        %mul3A_607 = arith.mulf %get3A_605, %mul3A_606 : vector<16xf32>
        %swap3A_608 = arith.index_cast %add3A_535 : i32 to index
        %swap3A_609 = arith.constant 96 : index
        %swap3A_610 = tpu.vector_load %arg17[%swap3A_608, %swap3A_609] {strides = array<i32>} : memref<128x128xf32, #tpu.memory_space<vmem>>, vector<1x16xf32>,
        %swap3A_611 = vector.shape_cast %swap3A_610 : vector<1x16xf32> to vector<16xf32>
        %swap3A_612 = vector.shape_cast %mul3A_607 : vector<16xf32> to vector<1x16xf32>
        tpu.vector_store %arg17[%swap3A_608, %swap3A_609], %swap3A_612 {strides = array<i32>} : memref<128x128xf32, #tpu.memory_space<vmem>>, vector<1x16xf32>,
        %get3A_613 = arith.index_cast %add3A_535 : i32 to index
        %get3A_614 = arith.constant 112 : index
        %get3A_615 = tpu.vector_load %arg17[%get3A_613, %get3A_614] {strides = array<i32>} : memref<128x128xf32, #tpu.memory_space<vmem>>, vector<1x16xf32>,
        %get3A_616 = vector.shape_cast %get3A_615 : vector<1x16xf32> to vector<16xf32>
        %mul3A_617 = vector.broadcast %squeeze3A_531 : f32 to vector<16xf32>
        %mul3A_618 = arith.mulf %get3A_616, %mul3A_617 : vector<16xf32>
        %swap3A_619 = arith.index_cast %add3A_535 : i32 to index
        %swap3A_620 = arith.constant 112 : index
        %swap3A_621 = tpu.vector_load %arg17[%swap3A_619, %swap3A_620] {strides = array<i32>} : memref<128x128xf32, #tpu.memory_space<vmem>>, vector<1x16xf32>,
        %swap3A_622 = vector.shape_cast %swap3A_621 : vector<1x16xf32> to vector<16xf32>
        %swap3A_623 = vector.shape_cast %mul3A_618 : vector<16xf32> to vector<1x16xf32>
        tpu.vector_store %arg17[%swap3A_619, %swap3A_620], %swap3A_623 {strides = array<i32>} : memref<128x128xf32, #tpu.memory_space<vmem>>, vector<1x16xf32>,
        %slice3A_624 = vector.extract_strided_slice %get3A_437 {offsets = [2], sizes = [1], strides = [1]} : vector<16xf32> to vector<1xf32>
        %squeeze3A_625 = vector.extract %slice3A_624[0] : f32 from vector<1xf32>
        %mul3A_626 = arith.constant 16 : i32
        %mul3A_627 = arith.muli %scan3A_431, %mul3A_626 : i32
        %add3A_628 = arith.constant 2 : i32
        %add3A_629 = arith.addi %mul3A_627, %add3A_628 : i32
        %get3A_630 = arith.index_cast %add3A_629 : i32 to index
        %get3A_631 = arith.constant 0 : index
        %get3A_632 = tpu.vector_load %arg17[%get3A_630, %get3A_631] {strides = array<i32>} : memref<128x128xf32, #tpu.memory_space<vmem>>, vector<1x16xf32>,
        %get3A_633 = vector.shape_cast %get3A_632 : vector<1x16xf32> to vector<16xf32>
        %mul3A_634 = vector.broadcast %squeeze3A_625 : f32 to vector<16xf32>
        %mul3A_635 = arith.mulf %get3A_633, %mul3A_634 : vector<16xf32>
        %swap3A_636 = arith.index_cast %add3A_629 : i32 to index
        %swap3A_637 = arith.constant 0 : index
        %swap3A_638 = tpu.vector_load %arg17[%swap3A_636, %swap3A_637] {strides = array<i32>} : memref<128x128xf32, #tpu.memory_space<vmem>>, vector<1x16xf32>,
        %swap3A_639 = vector.shape_cast %swap3A_638 : vector<1x16xf32> to vector<16xf32>
        %swap3A_640 = vector.shape_cast %mul3A_635 : vector<16xf32> to vector<1x16xf32>
        tpu.vector_store %arg17[%swap3A_636, %swap3A_637], %swap3A_640 {strides = array<i32>} : memref<128x128xf32, #tpu.memory_space<vmem>>, vector<1x16xf32>,
        %get3A_641 = arith.index_cast %add3A_629 : i32 to index
        %get3A_642 = arith.constant 16 : index
        %get3A_643 = tpu.vector_load %arg17[%get3A_641, %get3A_642] {strides = array<i32>} : memref<128x128xf32, #tpu.memory_space<vmem>>, vector<1x16xf32>,
        %get3A_644 = vector.shape_cast %get3A_643 : vector<1x16xf32> to vector<16xf32>
        %mul3A_645 = vector.broadcast %squeeze3A_625 : f32 to vector<16xf32>
        %mul3A_646 = arith.mulf %get3A_644, %mul3A_645 : vector<16xf32>
        %swap3A_647 = arith.index_cast %add3A_629 : i32 to index
        %swap3A_648 = arith.constant 16 : index
        %swap3A_649 = tpu.vector_load %arg17[%swap3A_647, %swap3A_648] {strides = array<i32>} : memref<128x128xf32, #tpu.memory_space<vmem>>, vector<1x16xf32>,
        %swap3A_650 = vector.shape_cast %swap3A_649 : vector<1x16xf32> to vector<16xf32>
        %swap3A_651 = vector.shape_cast %mul3A_646 : vector<16xf32> to vector<1x16xf32>
        tpu.vector_store %arg17[%swap3A_647, %swap3A_648], %swap3A_651 {strides = array<i32>} : memref<128x128xf32, #tpu.memory_space<vmem>>, vector<1x16xf32>,
        %get3A_652 = arith.index_cast %add3A_629 : i32 to index
        %get3A_653 = arith.constant 32 : index
        %get3A_654 = tpu.vector_load %arg17[%get3A_652, %get3A_653] {strides = array<i32>} : memref<128x128xf32, #tpu.memory_space<vmem>>, vector<1x16xf32>,
        %get3A_655 = vector.shape_cast %get3A_654 : vector<1x16xf32> to vector<16xf32>
        %mul3A_656 = vector.broadcast %squeeze3A_625 : f32 to vector<16xf32>
        %mul3A_657 = arith.mulf %get3A_655, %mul3A_656 : vector<16xf32>
        %swap3A_658 = arith.index_cast %add3A_629 : i32 to index
        %swap3A_659 = arith.constant 32 : index
        %swap3A_660 = tpu.vector_load %arg17[%swap3A_658, %swap3A_659] {strides = array<i32>} : memref<128x128xf32, #tpu.memory_space<vmem>>, vector<1x16xf32>,
        %swap3A_661 = vector.shape_cast %swap3A_660 : vector<1x16xf32> to vector<16xf32>
        %swap3A_662 = vector.shape_cast %mul3A_657 : vector<16xf32> to vector<1x16xf32>
        tpu.vector_store %arg17[%swap3A_658, %swap3A_659], %swap3A_662 {strides = array<i32>} : memref<128x128xf32, #tpu.memory_space<vmem>>, vector<1x16xf32>,
        %get3A_663 = arith.index_cast %add3A_629 : i32 to index
        %get3A_664 = arith.constant 48 : index
        %get3A_665 = tpu.vector_load %arg17[%get3A_663, %get3A_664] {strides = array<i32>} : memref<128x128xf32, #tpu.memory_space<vmem>>, vector<1x16xf32>,
        %get3A_666 = vector.shape_cast %get3A_665 : vector<1x16xf32> to vector<16xf32>
        %mul3A_667 = vector.broadcast %squeeze3A_625 : f32 to vector<16xf32>
        %mul3A_668 = arith.mulf %get3A_666, %mul3A_667 : vector<16xf32>
        %swap3A_669 = arith.index_cast %add3A_629 : i32 to index
        %swap3A_670 = arith.constant 48 : index
        %swap3A_671 = tpu.vector_load %arg17[%swap3A_669, %swap3A_670] {strides = array<i32>} : memref<128x128xf32, #tpu.memory_space<vmem>>, vector<1x16xf32>,
        %swap3A_672 = vector.shape_cast %swap3A_671 : vector<1x16xf32> to vector<16xf32>
        %swap3A_673 = vector.shape_cast %mul3A_668 : vector<16xf32> to vector<1x16xf32>
        tpu.vector_store %arg17[%swap3A_669, %swap3A_670], %swap3A_673 {strides = array<i32>} : memref<128x128xf32, #tpu.memory_space<vmem>>, vector<1x16xf32>,
        %get3A_674 = arith.index_cast %add3A_629 : i32 to index
        %get3A_675 = arith.constant 64 : index
        %get3A_676 = tpu.vector_load %arg17[%get3A_674, %get3A_675] {strides = array<i32>} : memref<128x128xf32, #tpu.memory_space<vmem>>, vector<1x16xf32>,
        %get3A_677 = vector.shape_cast %get3A_676 : vector<1x16xf32> to vector<16xf32>
        %mul3A_678 = vector.broadcast %squeeze3A_625 : f32 to vector<16xf32>
        %mul3A_679 = arith.mulf %get3A_677, %mul3A_678 : vector<16xf32>
        %swap3A_680 = arith.index_cast %add3A_629 : i32 to index
        %swap3A_681 = arith.constant 64 : index
        %swap3A_682 = tpu.vector_load %arg17[%swap3A_680, %swap3A_681] {strides = array<i32>} : memref<128x128xf32, #tpu.memory_space<vmem>>, vector<1x16xf32>,
        %swap3A_683 = vector.shape_cast %swap3A_682 : vector<1x16xf32> to vector<16xf32>
        %swap3A_684 = vector.shape_cast %mul3A_679 : vector<16xf32> to vector<1x16xf32>
        tpu.vector_store %arg17[%swap3A_680, %swap3A_681], %swap3A_684 {strides = array<i32>} : memref<128x128xf32, #tpu.memory_space<vmem>>, vector<1x16xf32>,
        %get3A_685 = arith.index_cast %add3A_629 : i32 to index
        %get3A_686 = arith.constant 80 : index
        %get3A_687 = tpu.vector_load %arg17[%get3A_685, %get3A_686] {strides = array<i32>} : memref<128x128xf32, #tpu.memory_space<vmem>>, vector<1x16xf32>,
        %get3A_688 = vector.shape_cast %get3A_687 : vector<1x16xf32> to vector<16xf32>
        %mul3A_689 = vector.broadcast %squeeze3A_625 : f32 to vector<16xf32>
        %mul3A_690 = arith.mulf %get3A_688, %mul3A_689 : vector<16xf32>
        %swap3A_691 = arith.index_cast %add3A_629 : i32 to index
        %swap3A_692 = arith.constant 80 : index
        %swap3A_693 = tpu.vector_load %arg17[%swap3A_691, %swap3A_692] {strides = array<i32>} : memref<128x128xf32, #tpu.memory_space<vmem>>, vector<1x16xf32>,
        %swap3A_694 = vector.shape_cast %swap3A_693 : vector<1x16xf32> to vector<16xf32>
        %swap3A_695 = vector.shape_cast %mul3A_690 : vector<16xf32> to vector<1x16xf32>
        tpu.vector_store %arg17[%swap3A_691, %swap3A_692], %swap3A_695 {strides = array<i32>} : memref<128x128xf32, #tpu.memory_space<vmem>>, vector<1x16xf32>,
        %get3A_696 = arith.index_cast %add3A_629 : i32 to index
        %get3A_697 = arith.constant 96 : index
        %get3A_698 = tpu.vector_load %arg17[%get3A_696, %get3A_697] {strides = array<i32>} : memref<128x128xf32, #tpu.memory_space<vmem>>, vector<1x16xf32>,
        %get3A_699 = vector.shape_cast %get3A_698 : vector<1x16xf32> to vector<16xf32>
        %mul3A_700 = vector.broadcast %squeeze3A_625 : f32 to vector<16xf32>
        %mul3A_701 = arith.mulf %get3A_699, %mul3A_700 : vector<16xf32>
        %swap3A_702 = arith.index_cast %add3A_629 : i32 to index
        %swap3A_703 = arith.constant 96 : index
        %swap3A_704 = tpu.vector_load %arg17[%swap3A_702, %swap3A_703] {strides = array<i32>} : memref<128x128xf32, #tpu.memory_space<vmem>>, vector<1x16xf32>,
        %swap3A_705 = vector.shape_cast %swap3A_704 : vector<1x16xf32> to vector<16xf32>
        %swap3A_706 = vector.shape_cast %mul3A_701 : vector<16xf32> to vector<1x16xf32>
        tpu.vector_store %arg17[%swap3A_702, %swap3A_703], %swap3A_706 {strides = array<i32>} : memref<128x128xf32, #tpu.memory_space<vmem>>, vector<1x16xf32>,
        %get3A_707 = arith.index_cast %add3A_629 : i32 to index
        %get3A_708 = arith.constant 112 : index
        %get3A_709 = tpu.vector_load %arg17[%get3A_707, %get3A_708] {strides = array<i32>} : memref<128x128xf32, #tpu.memory_space<vmem>>, vector<1x16xf32>,
        %get3A_710 = vector.shape_cast %get3A_709 : vector<1x16xf32> to vector<16xf32>
        %mul3A_711 = vector.broadcast %squeeze3A_625 : f32 to vector<16xf32>
        %mul3A_712 = arith.mulf %get3A_710, %mul3A_711 : vector<16xf32>
        %swap3A_713 = arith.index_cast %add3A_629 : i32 to index
        %swap3A_714 = arith.constant 112 : index
        %swap3A_715 = tpu.vector_load %arg17[%swap3A_713, %swap3A_714] {strides = array<i32>} : memref<128x128xf32, #tpu.memory_space<vmem>>, vector<1x16xf32>,
        %swap3A_716 = vector.shape_cast %swap3A_715 : vector<1x16xf32> to vector<16xf32>
        %swap3A_717 = vector.shape_cast %mul3A_712 : vector<16xf32> to vector<1x16xf32>
        tpu.vector_store %arg17[%swap3A_713, %swap3A_714], %swap3A_717 {strides = array<i32>} : memref<128x128xf32, #tpu.memory_space<vmem>>, vector<1x16xf32>,
        %slice3A_718 = vector.extract_strided_slice %get3A_437 {offsets = [3], sizes = [1], strides = [1]} : vector<16xf32> to vector<1xf32>
        %squeeze3A_719 = vector.extract %slice3A_718[0] : f32 from vector<1xf32>
        %mul3A_720 = arith.constant 16 : i32
        %mul3A_721 = arith.muli %scan3A_431, %mul3A_720 : i32
        %add3A_722 = arith.constant 3 : i32
        %add3A_723 = arith.addi %mul3A_721, %add3A_722 : i32
        %get3A_724 = arith.index_cast %add3A_723 : i32 to index
        %get3A_725 = arith.constant 0 : index
        %get3A_726 = tpu.vector_load %arg17[%get3A_724, %get3A_725] {strides = array<i32>} : memref<128x128xf32, #tpu.memory_space<vmem>>, vector<1x16xf32>,
        %get3A_727 = vector.shape_cast %get3A_726 : vector<1x16xf32> to vector<16xf32>
        %mul3A_728 = vector.broadcast %squeeze3A_719 : f32 to vector<16xf32>
        %mul3A_729 = arith.mulf %get3A_727, %mul3A_728 : vector<16xf32>
        %swap3A_730 = arith.index_cast %add3A_723 : i32 to index
        %swap3A_731 = arith.constant 0 : index
        %swap3A_732 = tpu.vector_load %arg17[%swap3A_730, %swap3A_731] {strides = array<i32>} : memref<128x128xf32, #tpu.memory_space<vmem>>, vector<1x16xf32>,
        %swap3A_733 = vector.shape_cast %swap3A_732 : vector<1x16xf32> to vector<16xf32>
        %swap3A_734 = vector.shape_cast %mul3A_729 : vector<16xf32> to vector<1x16xf32>
        tpu.vector_store %arg17[%swap3A_730, %swap3A_731], %swap3A_734 {strides = array<i32>} : memref<128x128xf32, #tpu.memory_space<vmem>>, vector<1x16xf32>,
        %get3A_735 = arith.index_cast %add3A_723 : i32 to index
        %get3A_736 = arith.constant 16 : index
        %get3A_737 = tpu.vector_load %arg17[%get3A_735, %get3A_736] {strides = array<i32>} : memref<128x128xf32, #tpu.memory_space<vmem>>, vector<1x16xf32>,
        %get3A_738 = vector.shape_cast %get3A_737 : vector<1x16xf32> to vector<16xf32>
        %mul3A_739 = vector.broadcast %squeeze3A_719 : f32 to vector<16xf32>
        %mul3A_740 = arith.mulf %get3A_738, %mul3A_739 : vector<16xf32>
        %swap3A_741 = arith.index_cast %add3A_723 : i32 to index
        %swap3A_742 = arith.constant 16 : index
        %swap3A_743 = tpu.vector_load %arg17[%swap3A_741, %swap3A_742] {strides = array<i32>} : memref<128x128xf32, #tpu.memory_space<vmem>>, vector<1x16xf32>,
        %swap3A_744 = vector.shape_cast %swap3A_743 : vector<1x16xf32> to vector<16xf32>
        %swap3A_745 = vector.shape_cast %mul3A_740 : vector<16xf32> to vector<1x16xf32>
        tpu.vector_store %arg17[%swap3A_741, %swap3A_742], %swap3A_745 {strides = array<i32>} : memref<128x128xf32, #tpu.memory_space<vmem>>, vector<1x16xf32>,
        %get3A_746 = arith.index_cast %add3A_723 : i32 to index
        %get3A_747 = arith.constant 32 : index
        %get3A_748 = tpu.vector_load %arg17[%get3A_746, %get3A_747] {strides = array<i32>} : memref<128x128xf32, #tpu.memory_space<vmem>>, vector<1x16xf32>,
        %get3A_749 = vector.shape_cast %get3A_748 : vector<1x16xf32> to vector<16xf32>
        %mul3A_750 = vector.broadcast %squeeze3A_719 : f32 to vector<16xf32>
        %mul3A_751 = arith.mulf %get3A_749, %mul3A_750 : vector<16xf32>
        %swap3A_752 = arith.index_cast %add3A_723 : i32 to index
        %swap3A_753 = arith.constant 32 : index
        %swap3A_754 = tpu.vector_load %arg17[%swap3A_752, %swap3A_753] {strides = array<i32>} : memref<128x128xf32, #tpu.memory_space<vmem>>, vector<1x16xf32>,
        %swap3A_755 = vector.shape_cast %swap3A_754 : vector<1x16xf32> to vector<16xf32>
        %swap3A_756 = vector.shape_cast %mul3A_751 : vector<16xf32> to vector<1x16xf32>
        tpu.vector_store %arg17[%swap3A_752, %swap3A_753], %swap3A_756 {strides = array<i32>} : memref<128x128xf32, #tpu.memory_space<vmem>>, vector<1x16xf32>,
        %get3A_757 = arith.index_cast %add3A_723 : i32 to index
        %get3A_758 = arith.constant 48 : index
        %get3A_759 = tpu.vector_load %arg17[%get3A_757, %get3A_758] {strides = array<i32>} : memref<128x128xf32, #tpu.memory_space<vmem>>, vector<1x16xf32>,
        %get3A_760 = vector.shape_cast %get3A_759 : vector<1x16xf32> to vector<16xf32>
        %mul3A_761 = vector.broadcast %squeeze3A_719 : f32 to vector<16xf32>
        %mul3A_762 = arith.mulf %get3A_760, %mul3A_761 : vector<16xf32>
        %swap3A_763 = arith.index_cast %add3A_723 : i32 to index
        %swap3A_764 = arith.constant 48 : index
        %swap3A_765 = tpu.vector_load %arg17[%swap3A_763, %swap3A_764] {strides = array<i32>} : memref<128x128xf32, #tpu.memory_space<vmem>>, vector<1x16xf32>,
        %swap3A_766 = vector.shape_cast %swap3A_765 : vector<1x16xf32> to vector<16xf32>
        %swap3A_767 = vector.shape_cast %mul3A_762 : vector<16xf32> to vector<1x16xf32>
        tpu.vector_store %arg17[%swap3A_763, %swap3A_764], %swap3A_767 {strides = array<i32>} : memref<128x128xf32, #tpu.memory_space<vmem>>, vector<1x16xf32>,
        %get3A_768 = arith.index_cast %add3A_723 : i32 to index
        %get3A_769 = arith.constant 64 : index
        %get3A_770 = tpu.vector_load %arg17[%get3A_768, %get3A_769] {strides = array<i32>} : memref<128x128xf32, #tpu.memory_space<vmem>>, vector<1x16xf32>,
        %get3A_771 = vector.shape_cast %get3A_770 : vector<1x16xf32> to vector<16xf32>
        %mul3A_772 = vector.broadcast %squeeze3A_719 : f32 to vector<16xf32>
        %mul3A_773 = arith.mulf %get3A_771, %mul3A_772 : vector<16xf32>
        %swap3A_774 = arith.index_cast %add3A_723 : i32 to index
        %swap3A_775 = arith.constant 64 : index
        %swap3A_776 = tpu.vector_load %arg17[%swap3A_774, %swap3A_775] {strides = array<i32>} : memref<128x128xf32, #tpu.memory_space<vmem>>, vector<1x16xf32>,
        %swap3A_777 = vector.shape_cast %swap3A_776 : vector<1x16xf32> to vector<16xf32>
        %swap3A_778 = vector.shape_cast %mul3A_773 : vector<16xf32> to vector<1x16xf32>
        tpu.vector_store %arg17[%swap3A_774, %swap3A_775], %swap3A_778 {strides = array<i32>} : memref<128x128xf32, #tpu.memory_space<vmem>>, vector<1x16xf32>,
        %get3A_779 = arith.index_cast %add3A_723 : i32 to index
        %get3A_780 = arith.constant 80 : index
        %get3A_781 = tpu.vector_load %arg17[%get3A_779, %get3A_780] {strides = array<i32>} : memref<128x128xf32, #tpu.memory_space<vmem>>, vector<1x16xf32>,
        %get3A_782 = vector.shape_cast %get3A_781 : vector<1x16xf32> to vector<16xf32>
        %mul3A_783 = vector.broadcast %squeeze3A_719 : f32 to vector<16xf32>
        %mul3A_784 = arith.mulf %get3A_782, %mul3A_783 : vector<16xf32>
        %swap3A_785 = arith.index_cast %add3A_723 : i32 to index
        %swap3A_786 = arith.constant 80 : index
        %swap3A_787 = tpu.vector_load %arg17[%swap3A_785, %swap3A_786] {strides = array<i32>} : memref<128x128xf32, #tpu.memory_space<vmem>>, vector<1x16xf32>,
        %swap3A_788 = vector.shape_cast %swap3A_787 : vector<1x16xf32> to vector<16xf32>
        %swap3A_789 = vector.shape_cast %mul3A_784 : vector<16xf32> to vector<1x16xf32>
        tpu.vector_store %arg17[%swap3A_785, %swap3A_786], %swap3A_789 {strides = array<i32>} : memref<128x128xf32, #tpu.memory_space<vmem>>, vector<1x16xf32>,
        %get3A_790 = arith.index_cast %add3A_723 : i32 to index
        %get3A_791 = arith.constant 96 : index
        %get3A_792 = tpu.vector_load %arg17[%get3A_790, %get3A_791] {strides = array<i32>} : memref<128x128xf32, #tpu.memory_space<vmem>>, vector<1x16xf32>,
        %get3A_793 = vector.shape_cast %get3A_792 : vector<1x16xf32> to vector<16xf32>
        %mul3A_794 = vector.broadcast %squeeze3A_719 : f32 to vector<16xf32>
        %mul3A_795 = arith.mulf %get3A_793, %mul3A_794 : vector<16xf32>
        %swap3A_796 = arith.index_cast %add3A_723 : i32 to index
        %swap3A_797 = arith.constant 96 : index
        %swap3A_798 = tpu.vector_load %arg17[%swap3A_796, %swap3A_797] {strides = array<i32>} : memref<128x128xf32, #tpu.memory_space<vmem>>, vector<1x16xf32>,
        %swap3A_799 = vector.shape_cast %swap3A_798 : vector<1x16xf32> to vector<16xf32>
        %swap3A_800 = vector.shape_cast %mul3A_795 : vector<16xf32> to vector<1x16xf32>
        tpu.vector_store %arg17[%swap3A_796, %swap3A_797], %swap3A_800 {strides = array<i32>} : memref<128x128xf32, #tpu.memory_space<vmem>>, vector<1x16xf32>,
        %get3A_801 = arith.index_cast %add3A_723 : i32 to index
        %get3A_802 = arith.constant 112 : index
        %get3A_803 = tpu.vector_load %arg17[%get3A_801, %get3A_802] {strides = array<i32>} : memref<128x128xf32, #tpu.memory_space<vmem>>, vector<1x16xf32>,
        %get3A_804 = vector.shape_cast %get3A_803 : vector<1x16xf32> to vector<16xf32>
        %mul3A_805 = vector.broadcast %squeeze3A_719 : f32 to vector<16xf32>
        %mul3A_806 = arith.mulf %get3A_804, %mul3A_805 : vector<16xf32>
        %swap3A_807 = arith.index_cast %add3A_723 : i32 to index
        %swap3A_808 = arith.constant 112 : index
        %swap3A_809 = tpu.vector_load %arg17[%swap3A_807, %swap3A_808] {strides = array<i32>} : memref<128x128xf32, #tpu.memory_space<vmem>>, vector<1x16xf32>,
        %swap3A_810 = vector.shape_cast %swap3A_809 : vector<1x16xf32> to vector<16xf32>
        %swap3A_811 = vector.shape_cast %mul3A_806 : vector<16xf32> to vector<1x16xf32>
        tpu.vector_store %arg17[%swap3A_807, %swap3A_808], %swap3A_811 {strides = array<i32>} : memref<128x128xf32, #tpu.memory_space<vmem>>, vector<1x16xf32>,
        %slice3A_812 = vector.extract_strided_slice %get3A_437 {offsets = [4], sizes = [1], strides = [1]} : vector<16xf32> to vector<1xf32>
        %squeeze3A_813 = vector.extract %slice3A_812[0] : f32 from vector<1xf32>
        %mul3A_814 = arith.constant 16 : i32
        %mul3A_815 = arith.muli %scan3A_431, %mul3A_814 : i32
        %add3A_816 = arith.constant 4 : i32
        %add3A_817 = arith.addi %mul3A_815, %add3A_816 : i32
        %get3A_818 = arith.index_cast %add3A_817 : i32 to index
        %get3A_819 = arith.constant 0 : index
        %get3A_820 = tpu.vector_load %arg17[%get3A_818, %get3A_819] {strides = array<i32>} : memref<128x128xf32, #tpu.memory_space<vmem>>, vector<1x16xf32>,
        %get3A_821 = vector.shape_cast %get3A_820 : vector<1x16xf32> to vector<16xf32>
        %mul3A_822 = vector.broadcast %squeeze3A_813 : f32 to vector<16xf32>
        %mul3A_823 = arith.mulf %get3A_821, %mul3A_822 : vector<16xf32>
        %swap3A_824 = arith.index_cast %add3A_817 : i32 to index
        %swap3A_825 = arith.constant 0 : index
        %swap3A_826 = tpu.vector_load %arg17[%swap3A_824, %swap3A_825] {strides = array<i32>} : memref<128x128xf32, #tpu.memory_space<vmem>>, vector<1x16xf32>,
        %swap3A_827 = vector.shape_cast %swap3A_826 : vector<1x16xf32> to vector<16xf32>
        %swap3A_828 = vector.shape_cast %mul3A_823 : vector<16xf32> to vector<1x16xf32>
        tpu.vector_store %arg17[%swap3A_824, %swap3A_825], %swap3A_828 {strides = array<i32>} : memref<128x128xf32, #tpu.memory_space<vmem>>, vector<1x16xf32>,
        %get3A_829 = arith.index_cast %add3A_817 : i32 to index
        %get3A_830 = arith.constant 16 : index
        %get3A_831 = tpu.vector_load %arg17[%get3A_829, %get3A_830] {strides = array<i32>} : memref<128x128xf32, #tpu.memory_space<vmem>>, vector<1x16xf32>,
        %get3A_832 = vector.shape_cast %get3A_831 : vector<1x16xf32> to vector<16xf32>
        %mul3A_833 = vector.broadcast %squeeze3A_813 : f32 to vector<16xf32>
        %mul3A_834 = arith.mulf %get3A_832, %mul3A_833 : vector<16xf32>
        %swap3A_835 = arith.index_cast %add3A_817 : i32 to index
        %swap3A_836 = arith.constant 16 : index
        %swap3A_837 = tpu.vector_load %arg17[%swap3A_835, %swap3A_836] {strides = array<i32>} : memref<128x128xf32, #tpu.memory_space<vmem>>, vector<1x16xf32>,
        %swap3A_838 = vector.shape_cast %swap3A_837 : vector<1x16xf32> to vector<16xf32>
        %swap3A_839 = vector.shape_cast %mul3A_834 : vector<16xf32> to vector<1x16xf32>
        tpu.vector_store %arg17[%swap3A_835, %swap3A_836], %swap3A_839 {strides = array<i32>} : memref<128x128xf32, #tpu.memory_space<vmem>>, vector<1x16xf32>,
        %get3A_840 = arith.index_cast %add3A_817 : i32 to index
        %get3A_841 = arith.constant 32 : index
        %get3A_842 = tpu.vector_load %arg17[%get3A_840, %get3A_841] {strides = array<i32>} : memref<128x128xf32, #tpu.memory_space<vmem>>, vector<1x16xf32>,
        %get3A_843 = vector.shape_cast %get3A_842 : vector<1x16xf32> to vector<16xf32>
        %mul3A_844 = vector.broadcast %squeeze3A_813 : f32 to vector<16xf32>
        %mul3A_845 = arith.mulf %get3A_843, %mul3A_844 : vector<16xf32>
        %swap3A_846 = arith.index_cast %add3A_817 : i32 to index
        %swap3A_847 = arith.constant 32 : index
        %swap3A_848 = tpu.vector_load %arg17[%swap3A_846, %swap3A_847] {strides = array<i32>} : memref<128x128xf32, #tpu.memory_space<vmem>>, vector<1x16xf32>,
        %swap3A_849 = vector.shape_cast %swap3A_848 : vector<1x16xf32> to vector<16xf32>
        %swap3A_850 = vector.shape_cast %mul3A_845 : vector<16xf32> to vector<1x16xf32>
        tpu.vector_store %arg17[%swap3A_846, %swap3A_847], %swap3A_850 {strides = array<i32>} : memref<128x128xf32, #tpu.memory_space<vmem>>, vector<1x16xf32>,
        %get3A_851 = arith.index_cast %add3A_817 : i32 to index
        %get3A_852 = arith.constant 48 : index
        %get3A_853 = tpu.vector_load %arg17[%get3A_851, %get3A_852] {strides = array<i32>} : memref<128x128xf32, #tpu.memory_space<vmem>>, vector<1x16xf32>,
        %get3A_854 = vector.shape_cast %get3A_853 : vector<1x16xf32> to vector<16xf32>
        %mul3A_855 = vector.broadcast %squeeze3A_813 : f32 to vector<16xf32>
        %mul3A_856 = arith.mulf %get3A_854, %mul3A_855 : vector<16xf32>
        %swap3A_857 = arith.index_cast %add3A_817 : i32 to index
        %swap3A_858 = arith.constant 48 : index
        %swap3A_859 = tpu.vector_load %arg17[%swap3A_857, %swap3A_858] {strides = array<i32>} : memref<128x128xf32, #tpu.memory_space<vmem>>, vector<1x16xf32>,
        %swap3A_860 = vector.shape_cast %swap3A_859 : vector<1x16xf32> to vector<16xf32>
        %swap3A_861 = vector.shape_cast %mul3A_856 : vector<16xf32> to vector<1x16xf32>
        tpu.vector_store %arg17[%swap3A_857, %swap3A_858], %swap3A_861 {strides = array<i32>} : memref<128x128xf32, #tpu.memory_space<vmem>>, vector<1x16xf32>,
        %get3A_862 = arith.index_cast %add3A_817 : i32 to index
        %get3A_863 = arith.constant 64 : index
        %get3A_864 = tpu.vector_load %arg17[%get3A_862, %get3A_863] {strides = array<i32>} : memref<128x128xf32, #tpu.memory_space<vmem>>, vector<1x16xf32>,
        %get3A_865 = vector.shape_cast %get3A_864 : vector<1x16xf32> to vector<16xf32>
        %mul3A_866 = vector.broadcast %squeeze3A_813 : f32 to vector<16xf32>
        %mul3A_867 = arith.mulf %get3A_865, %mul3A_866 : vector<16xf32>
        %swap3A_868 = arith.index_cast %add3A_817 : i32 to index
        %swap3A_869 = arith.constant 64 : index
        %swap3A_870 = tpu.vector_load %arg17[%swap3A_868, %swap3A_869] {strides = array<i32>} : memref<128x128xf32, #tpu.memory_space<vmem>>, vector<1x16xf32>,
        %swap3A_871 = vector.shape_cast %swap3A_870 : vector<1x16xf32> to vector<16xf32>
        %swap3A_872 = vector.shape_cast %mul3A_867 : vector<16xf32> to vector<1x16xf32>
        tpu.vector_store %arg17[%swap3A_868, %swap3A_869], %swap3A_872 {strides = array<i32>} : memref<128x128xf32, #tpu.memory_space<vmem>>, vector<1x16xf32>,
        %get3A_873 = arith.index_cast %add3A_817 : i32 to index
        %get3A_874 = arith.constant 80 : index
        %get3A_875 = tpu.vector_load %arg17[%get3A_873, %get3A_874] {strides = array<i32>} : memref<128x128xf32, #tpu.memory_space<vmem>>, vector<1x16xf32>,
        %get3A_876 = vector.shape_cast %get3A_875 : vector<1x16xf32> to vector<16xf32>
        %mul3A_877 = vector.broadcast %squeeze3A_813 : f32 to vector<16xf32>
        %mul3A_878 = arith.mulf %get3A_876, %mul3A_877 : vector<16xf32>
        %swap3A_879 = arith.index_cast %add3A_817 : i32 to index
        %swap3A_880 = arith.constant 80 : index
        %swap3A_881 = tpu.vector_load %arg17[%swap3A_879, %swap3A_880] {strides = array<i32>} : memref<128x128xf32, #tpu.memory_space<vmem>>, vector<1x16xf32>,
        %swap3A_882 = vector.shape_cast %swap3A_881 : vector<1x16xf32> to vector<16xf32>
        %swap3A_883 = vector.shape_cast %mul3A_878 : vector<16xf32> to vector<1x16xf32>
        tpu.vector_store %arg17[%swap3A_879, %swap3A_880], %swap3A_883 {strides = array<i32>} : memref<128x128xf32, #tpu.memory_space<vmem>>, vector<1x16xf32>,
        %get3A_884 = arith.index_cast %add3A_817 : i32 to index
        %get3A_885 = arith.constant 96 : index
        %get3A_886 = tpu.vector_load %arg17[%get3A_884, %get3A_885] {strides = array<i32>} : memref<128x128xf32, #tpu.memory_space<vmem>>, vector<1x16xf32>,
        %get3A_887 = vector.shape_cast %get3A_886 : vector<1x16xf32> to vector<16xf32>
        %mul3A_888 = vector.broadcast %squeeze3A_813 : f32 to vector<16xf32>
        %mul3A_889 = arith.mulf %get3A_887, %mul3A_888 : vector<16xf32>
        %swap3A_890 = arith.index_cast %add3A_817 : i32 to index
        %swap3A_891 = arith.constant 96 : index
        %swap3A_892 = tpu.vector_load %arg17[%swap3A_890, %swap3A_891] {strides = array<i32>} : memref<128x128xf32, #tpu.memory_space<vmem>>, vector<1x16xf32>,
        %swap3A_893 = vector.shape_cast %swap3A_892 : vector<1x16xf32> to vector<16xf32>
        %swap3A_894 = vector.shape_cast %mul3A_889 : vector<16xf32> to vector<1x16xf32>
        tpu.vector_store %arg17[%swap3A_890, %swap3A_891], %swap3A_894 {strides = array<i32>} : memref<128x128xf32, #tpu.memory_space<vmem>>, vector<1x16xf32>,
        %get3A_895 = arith.index_cast %add3A_817 : i32 to index
        %get3A_896 = arith.constant 112 : index
        %get3A_897 = tpu.vector_load %arg17[%get3A_895, %get3A_896] {strides = array<i32>} : memref<128x128xf32, #tpu.memory_space<vmem>>, vector<1x16xf32>,
        %get3A_898 = vector.shape_cast %get3A_897 : vector<1x16xf32> to vector<16xf32>
        %mul3A_899 = vector.broadcast %squeeze3A_813 : f32 to vector<16xf32>
        %mul3A_900 = arith.mulf %get3A_898, %mul3A_899 : vector<16xf32>
        %swap3A_901 = arith.index_cast %add3A_817 : i32 to index
        %swap3A_902 = arith.constant 112 : index
        %swap3A_903 = tpu.vector_load %arg17[%swap3A_901, %swap3A_902] {strides = array<i32>} : memref<128x128xf32, #tpu.memory_space<vmem>>, vector<1x16xf32>,
        %swap3A_904 = vector.shape_cast %swap3A_903 : vector<1x16xf32> to vector<16xf32>
        %swap3A_905 = vector.shape_cast %mul3A_900 : vector<16xf32> to vector<1x16xf32>
        tpu.vector_store %arg17[%swap3A_901, %swap3A_902], %swap3A_905 {strides = array<i32>} : memref<128x128xf32, #tpu.memory_space<vmem>>, vector<1x16xf32>,
        %slice3A_906 = vector.extract_strided_slice %get3A_437 {offsets = [5], sizes = [1], strides = [1]} : vector<16xf32> to vector<1xf32>
        %squeeze3A_907 = vector.extract %slice3A_906[0] : f32 from vector<1xf32>
        %mul3A_908 = arith.constant 16 : i32
        %mul3A_909 = arith.muli %scan3A_431, %mul3A_908 : i32
        %add3A_910 = arith.constant 5 : i32
        %add3A_911 = arith.addi %mul3A_909, %add3A_910 : i32
        %get3A_912 = arith.index_cast %add3A_911 : i32 to index
        %get3A_913 = arith.constant 0 : index
        %get3A_914 = tpu.vector_load %arg17[%get3A_912, %get3A_913] {strides = array<i32>} : memref<128x128xf32, #tpu.memory_space<vmem>>, vector<1x16xf32>,
        %get3A_915 = vector.shape_cast %get3A_914 : vector<1x16xf32> to vector<16xf32>
        %mul3A_916 = vector.broadcast %squeeze3A_907 : f32 to vector<16xf32>
        %mul3A_917 = arith.mulf %get3A_915, %mul3A_916 : vector<16xf32>
        %swap3A_918 = arith.index_cast %add3A_911 : i32 to index
        %swap3A_919 = arith.constant 0 : index
        %swap3A_920 = tpu.vector_load %arg17[%swap3A_918, %swap3A_919] {strides = array<i32>} : memref<128x128xf32, #tpu.memory_space<vmem>>, vector<1x16xf32>,
        %swap3A_921 = vector.shape_cast %swap3A_920 : vector<1x16xf32> to vector<16xf32>
        %swap3A_922 = vector.shape_cast %mul3A_917 : vector<16xf32> to vector<1x16xf32>
        tpu.vector_store %arg17[%swap3A_918, %swap3A_919], %swap3A_922 {strides = array<i32>} : memref<128x128xf32, #tpu.memory_space<vmem>>, vector<1x16xf32>,
        %get3A_923 = arith.index_cast %add3A_911 : i32 to index
        %get3A_924 = arith.constant 16 : index
        %get3A_925 = tpu.vector_load %arg17[%get3A_923, %get3A_924] {strides = array<i32>} : memref<128x128xf32, #tpu.memory_space<vmem>>, vector<1x16xf32>,
        %get3A_926 = vector.shape_cast %get3A_925 : vector<1x16xf32> to vector<16xf32>
        %mul3A_927 = vector.broadcast %squeeze3A_907 : f32 to vector<16xf32>
        %mul3A_928 = arith.mulf %get3A_926, %mul3A_927 : vector<16xf32>
        %swap3A_929 = arith.index_cast %add3A_911 : i32 to index
        %swap3A_930 = arith.constant 16 : index
        %swap3A_931 = tpu.vector_load %arg17[%swap3A_929, %swap3A_930] {strides = array<i32>} : memref<128x128xf32, #tpu.memory_space<vmem>>, vector<1x16xf32>,
        %swap3A_932 = vector.shape_cast %swap3A_931 : vector<1x16xf32> to vector<16xf32>
        %swap3A_933 = vector.shape_cast %mul3A_928 : vector<16xf32> to vector<1x16xf32>
        tpu.vector_store %arg17[%swap3A_929, %swap3A_930], %swap3A_933 {strides = array<i32>} : memref<128x128xf32, #tpu.memory_space<vmem>>, vector<1x16xf32>,
        %get3A_934 = arith.index_cast %add3A_911 : i32 to index
        %get3A_935 = arith.constant 32 : index
        %get3A_936 = tpu.vector_load %arg17[%get3A_934, %get3A_935] {strides = array<i32>} : memref<128x128xf32, #tpu.memory_space<vmem>>, vector<1x16xf32>,
        %get3A_937 = vector.shape_cast %get3A_936 : vector<1x16xf32> to vector<16xf32>
        %mul3A_938 = vector.broadcast %squeeze3A_907 : f32 to vector<16xf32>
        %mul3A_939 = arith.mulf %get3A_937, %mul3A_938 : vector<16xf32>
        %swap3A_940 = arith.index_cast %add3A_911 : i32 to index
        %swap3A_941 = arith.constant 32 : index
        %swap3A_942 = tpu.vector_load %arg17[%swap3A_940, %swap3A_941] {strides = array<i32>} : memref<128x128xf32, #tpu.memory_space<vmem>>, vector<1x16xf32>,
        %swap3A_943 = vector.shape_cast %swap3A_942 : vector<1x16xf32> to vector<16xf32>
        %swap3A_944 = vector.shape_cast %mul3A_939 : vector<16xf32> to vector<1x16xf32>
        tpu.vector_store %arg17[%swap3A_940, %swap3A_941], %swap3A_944 {strides = array<i32>} : memref<128x128xf32, #tpu.memory_space<vmem>>, vector<1x16xf32>,
        %get3A_945 = arith.index_cast %add3A_911 : i32 to index
        %get3A_946 = arith.constant 48 : index
        %get3A_947 = tpu.vector_load %arg17[%get3A_945, %get3A_946] {strides = array<i32>} : memref<128x128xf32, #tpu.memory_space<vmem>>, vector<1x16xf32>,
        %get3A_948 = vector.shape_cast %get3A_947 : vector<1x16xf32> to vector<16xf32>
        %mul3A_949 = vector.broadcast %squeeze3A_907 : f32 to vector<16xf32>
        %mul3A_950 = arith.mulf %get3A_948, %mul3A_949 : vector<16xf32>
        %swap3A_951 = arith.index_cast %add3A_911 : i32 to index
        %swap3A_952 = arith.constant 48 : index
        %swap3A_953 = tpu.vector_load %arg17[%swap3A_951, %swap3A_952] {strides = array<i32>} : memref<128x128xf32, #tpu.memory_space<vmem>>, vector<1x16xf32>,
        %swap3A_954 = vector.shape_cast %swap3A_953 : vector<1x16xf32> to vector<16xf32>
        %swap3A_955 = vector.shape_cast %mul3A_950 : vector<16xf32> to vector<1x16xf32>
        tpu.vector_store %arg17[%swap3A_951, %swap3A_952], %swap3A_955 {strides = array<i32>} : memref<128x128xf32, #tpu.memory_space<vmem>>, vector<1x16xf32>,
        %get3A_956 = arith.index_cast %add3A_911 : i32 to index
        %get3A_957 = arith.constant 64 : index
        %get3A_958 = tpu.vector_load %arg17[%get3A_956, %get3A_957] {strides = array<i32>} : memref<128x128xf32, #tpu.memory_space<vmem>>, vector<1x16xf32>,
        %get3A_959 = vector.shape_cast %get3A_958 : vector<1x16xf32> to vector<16xf32>
        %mul3A_960 = vector.broadcast %squeeze3A_907 : f32 to vector<16xf32>
        %mul3A_961 = arith.mulf %get3A_959, %mul3A_960 : vector<16xf32>
        %swap3A_962 = arith.index_cast %add3A_911 : i32 to index
        %swap3A_963 = arith.constant 64 : index
        %swap3A_964 = tpu.vector_load %arg17[%swap3A_962, %swap3A_963] {strides = array<i32>} : memref<128x128xf32, #tpu.memory_space<vmem>>, vector<1x16xf32>,
        %swap3A_965 = vector.shape_cast %swap3A_964 : vector<1x16xf32> to vector<16xf32>
        %swap3A_966 = vector.shape_cast %mul3A_961 : vector<16xf32> to vector<1x16xf32>
        tpu.vector_store %arg17[%swap3A_962, %swap3A_963], %swap3A_966 {strides = array<i32>} : memref<128x128xf32, #tpu.memory_space<vmem>>, vector<1x16xf32>,
        %get3A_967 = arith.index_cast %add3A_911 : i32 to index
        %get3A_968 = arith.constant 80 : index
        %get3A_969 = tpu.vector_load %arg17[%get3A_967, %get3A_968] {strides = array<i32>} : memref<128x128xf32, #tpu.memory_space<vmem>>, vector<1x16xf32>,
        %get3A_970 = vector.shape_cast %get3A_969 : vector<1x16xf32> to vector<16xf32>
        %mul3A_971 = vector.broadcast %squeeze3A_907 : f32 to vector<16xf32>
        %mul3A_972 = arith.mulf %get3A_970, %mul3A_971 : vector<16xf32>
        %swap3A_973 = arith.index_cast %add3A_911 : i32 to index
        %swap3A_974 = arith.constant 80 : index
        %swap3A_975 = tpu.vector_load %arg17[%swap3A_973, %swap3A_974] {strides = array<i32>} : memref<128x128xf32, #tpu.memory_space<vmem>>, vector<1x16xf32>,
        %swap3A_976 = vector.shape_cast %swap3A_975 : vector<1x16xf32> to vector<16xf32>
        %swap3A_977 = vector.shape_cast %mul3A_972 : vector<16xf32> to vector<1x16xf32>
        tpu.vector_store %arg17[%swap3A_973, %swap3A_974], %swap3A_977 {strides = array<i32>} : memref<128x128xf32, #tpu.memory_space<vmem>>, vector<1x16xf32>,
        %get3A_978 = arith.index_cast %add3A_911 : i32 to index
        %get3A_979 = arith.constant 96 : index
        %get3A_980 = tpu.vector_load %arg17[%get3A_978, %get3A_979] {strides = array<i32>} : memref<128x128xf32, #tpu.memory_space<vmem>>, vector<1x16xf32>,
        %get3A_981 = vector.shape_cast %get3A_980 : vector<1x16xf32> to vector<16xf32>
        %mul3A_982 = vector.broadcast %squeeze3A_907 : f32 to vector<16xf32>
        %mul3A_983 = arith.mulf %get3A_981, %mul3A_982 : vector<16xf32>
        %swap3A_984 = arith.index_cast %add3A_911 : i32 to index
        %swap3A_985 = arith.constant 96 : index
        %swap3A_986 = tpu.vector_load %arg17[%swap3A_984, %swap3A_985] {strides = array<i32>} : memref<128x128xf32, #tpu.memory_space<vmem>>, vector<1x16xf32>,
        %swap3A_987 = vector.shape_cast %swap3A_986 : vector<1x16xf32> to vector<16xf32>
        %swap3A_988 = vector.shape_cast %mul3A_983 : vector<16xf32> to vector<1x16xf32>
        tpu.vector_store %arg17[%swap3A_984, %swap3A_985], %swap3A_988 {strides = array<i32>} : memref<128x128xf32, #tpu.memory_space<vmem>>, vector<1x16xf32>,
        %get3A_989 = arith.index_cast %add3A_911 : i32 to index
        %get3A_990 = arith.constant 112 : index
        %get3A_991 = tpu.vector_load %arg17[%get3A_989, %get3A_990] {strides = array<i32>} : memref<128x128xf32, #tpu.memory_space<vmem>>, vector<1x16xf32>,
        %get3A_992 = vector.shape_cast %get3A_991 : vector<1x16xf32> to vector<16xf32>
        %mul3A_993 = vector.broadcast %squeeze3A_907 : f32 to vector<16xf32>
        %mul3A_994 = arith.mulf %get3A_992, %mul3A_993 : vector<16xf32>
        %swap3A_995 = arith.index_cast %add3A_911 : i32 to index
        %swap3A_996 = arith.constant 112 : index
        %swap3A_997 = tpu.vector_load %arg17[%swap3A_995, %swap3A_996] {strides = array<i32>} : memref<128x128xf32, #tpu.memory_space<vmem>>, vector<1x16xf32>,
        %swap3A_998 = vector.shape_cast %swap3A_997 : vector<1x16xf32> to vector<16xf32>
        %swap3A_999 = vector.shape_cast %mul3A_994 : vector<16xf32> to vector<1x16xf32>
        tpu.vector_store %arg17[%swap3A_995, %swap3A_996], %swap3A_999 {strides = array<i32>} : memref<128x128xf32, #tpu.memory_space<vmem>>, vector<1x16xf32>,
        %slice3A_1000 = vector.extract_strided_slice %get3A_437 {offsets = [6], sizes = [1], strides = [1]} : vector<16xf32> to vector<1xf32>
        %squeeze3A_1001 = vector.extract %slice3A_1000[0] : f32 from vector<1xf32>
        %mul3A_1002 = arith.constant 16 : i32
        %mul3A_1003 = arith.muli %scan3A_431, %mul3A_1002 : i32
        %add3A_1004 = arith.constant 6 : i32
        %add3A_1005 = arith.addi %mul3A_1003, %add3A_1004 : i32
        %get3A_1006 = arith.index_cast %add3A_1005 : i32 to index
        %get3A_1007 = arith.constant 0 : index
        %get3A_1008 = tpu.vector_load %arg17[%get3A_1006, %get3A_1007] {strides = array<i32>} : memref<128x128xf32, #tpu.memory_space<vmem>>, vector<1x16xf32>,
        %get3A_1009 = vector.shape_cast %get3A_1008 : vector<1x16xf32> to vector<16xf32>
        %mul3A_1010 = vector.broadcast %squeeze3A_1001 : f32 to vector<16xf32>
        %mul3A_1011 = arith.mulf %get3A_1009, %mul3A_1010 : vector<16xf32>
        %swap3A_1012 = arith.index_cast %add3A_1005 : i32 to index
        %swap3A_1013 = arith.constant 0 : index
        %swap3A_1014 = tpu.vector_load %arg17[%swap3A_1012, %swap3A_1013] {strides = array<i32>} : memref<128x128xf32, #tpu.memory_space<vmem>>, vector<1x16xf32>,
        %swap3A_1015 = vector.shape_cast %swap3A_1014 : vector<1x16xf32> to vector<16xf32>
        %swap3A_1016 = vector.shape_cast %mul3A_1011 : vector<16xf32> to vector<1x16xf32>
        tpu.vector_store %arg17[%swap3A_1012, %swap3A_1013], %swap3A_1016 {strides = array<i32>} : memref<128x128xf32, #tpu.memory_space<vmem>>, vector<1x16xf32>,
        %get3A_1017 = arith.index_cast %add3A_1005 : i32 to index
        %get3A_1018 = arith.constant 16 : index
        %get3A_1019 = tpu.vector_load %arg17[%get3A_1017, %get3A_1018] {strides = array<i32>} : memref<128x128xf32, #tpu.memory_space<vmem>>, vector<1x16xf32>,
        %get3A_1020 = vector.shape_cast %get3A_1019 : vector<1x16xf32> to vector<16xf32>
        %mul3A_1021 = vector.broadcast %squeeze3A_1001 : f32 to vector<16xf32>
        %mul3A_1022 = arith.mulf %get3A_1020, %mul3A_1021 : vector<16xf32>
        %swap3A_1023 = arith.index_cast %add3A_1005 : i32 to index
        %swap3A_1024 = arith.constant 16 : index
        %swap3A_1025 = tpu.vector_load %arg17[%swap3A_1023, %swap3A_1024] {strides = array<i32>} : memref<128x128xf32, #tpu.memory_space<vmem>>, vector<1x16xf32>,
        %swap3A_1026 = vector.shape_cast %swap3A_1025 : vector<1x16xf32> to vector<16xf32>
        %swap3A_1027 = vector.shape_cast %mul3A_1022 : vector<16xf32> to vector<1x16xf32>
        tpu.vector_store %arg17[%swap3A_1023, %swap3A_1024], %swap3A_1027 {strides = array<i32>} : memref<128x128xf32, #tpu.memory_space<vmem>>, vector<1x16xf32>,
        %get3A_1028 = arith.index_cast %add3A_1005 : i32 to index
        %get3A_1029 = arith.constant 32 : index
        %get3A_1030 = tpu.vector_load %arg17[%get3A_1028, %get3A_1029] {strides = array<i32>} : memref<128x128xf32, #tpu.memory_space<vmem>>, vector<1x16xf32>,
        %get3A_1031 = vector.shape_cast %get3A_1030 : vector<1x16xf32> to vector<16xf32>
        %mul3A_1032 = vector.broadcast %squeeze3A_1001 : f32 to vector<16xf32>
        %mul3A_1033 = arith.mulf %get3A_1031, %mul3A_1032 : vector<16xf32>
        %swap3A_1034 = arith.index_cast %add3A_1005 : i32 to index
        %swap3A_1035 = arith.constant 32 : index
        %swap3A_1036 = tpu.vector_load %arg17[%swap3A_1034, %swap3A_1035] {strides = array<i32>} : memref<128x128xf32, #tpu.memory_space<vmem>>, vector<1x16xf32>,
        %swap3A_1037 = vector.shape_cast %swap3A_1036 : vector<1x16xf32> to vector<16xf32>
        %swap3A_1038 = vector.shape_cast %mul3A_1033 : vector<16xf32> to vector<1x16xf32>
        tpu.vector_store %arg17[%swap3A_1034, %swap3A_1035], %swap3A_1038 {strides = array<i32>} : memref<128x128xf32, #tpu.memory_space<vmem>>, vector<1x16xf32>,
        %get3A_1039 = arith.index_cast %add3A_1005 : i32 to index
        %get3A_1040 = arith.constant 48 : index
        %get3A_1041 = tpu.vector_load %arg17[%get3A_1039, %get3A_1040] {strides = array<i32>} : memref<128x128xf32, #tpu.memory_space<vmem>>, vector<1x16xf32>,
        %get3A_1042 = vector.shape_cast %get3A_1041 : vector<1x16xf32> to vector<16xf32>
        %mul3A_1043 = vector.broadcast %squeeze3A_1001 : f32 to vector<16xf32>
        %mul3A_1044 = arith.mulf %get3A_1042, %mul3A_1043 : vector<16xf32>
        %swap3A_1045 = arith.index_cast %add3A_1005 : i32 to index
        %swap3A_1046 = arith.constant 48 : index
        %swap3A_1047 = tpu.vector_load %arg17[%swap3A_1045, %swap3A_1046] {strides = array<i32>} : memref<128x128xf32, #tpu.memory_space<vmem>>, vector<1x16xf32>,
        %swap3A_1048 = vector.shape_cast %swap3A_1047 : vector<1x16xf32> to vector<16xf32>
        %swap3A_1049 = vector.shape_cast %mul3A_1044 : vector<16xf32> to vector<1x16xf32>
        tpu.vector_store %arg17[%swap3A_1045, %swap3A_1046], %swap3A_1049 {strides = array<i32>} : memref<128x128xf32, #tpu.memory_space<vmem>>, vector<1x16xf32>,
        %get3A_1050 = arith.index_cast %add3A_1005 : i32 to index
        %get3A_1051 = arith.constant 64 : index
        %get3A_1052 = tpu.vector_load %arg17[%get3A_1050, %get3A_1051] {strides = array<i32>} : memref<128x128xf32, #tpu.memory_space<vmem>>, vector<1x16xf32>,
        %get3A_1053 = vector.shape_cast %get3A_1052 : vector<1x16xf32> to vector<16xf32>
        %mul3A_1054 = vector.broadcast %squeeze3A_1001 : f32 to vector<16xf32>
        %mul3A_1055 = arith.mulf %get3A_1053, %mul3A_1054 : vector<16xf32>
        %swap3A_1056 = arith.index_cast %add3A_1005 : i32 to index
        %swap3A_1057 = arith.constant 64 : index
        %swap3A_1058 = tpu.vector_load %arg17[%swap3A_1056, %swap3A_1057] {strides = array<i32>} : memref<128x128xf32, #tpu.memory_space<vmem>>, vector<1x16xf32>,
        %swap3A_1059 = vector.shape_cast %swap3A_1058 : vector<1x16xf32> to vector<16xf32>
        %swap3A_1060 = vector.shape_cast %mul3A_1055 : vector<16xf32> to vector<1x16xf32>
        tpu.vector_store %arg17[%swap3A_1056, %swap3A_1057], %swap3A_1060 {strides = array<i32>} : memref<128x128xf32, #tpu.memory_space<vmem>>, vector<1x16xf32>,
        %get3A_1061 = arith.index_cast %add3A_1005 : i32 to index
        %get3A_1062 = arith.constant 80 : index
        %get3A_1063 = tpu.vector_load %arg17[%get3A_1061, %get3A_1062] {strides = array<i32>} : memref<128x128xf32, #tpu.memory_space<vmem>>, vector<1x16xf32>,
        %get3A_1064 = vector.shape_cast %get3A_1063 : vector<1x16xf32> to vector<16xf32>
        %mul3A_1065 = vector.broadcast %squeeze3A_1001 : f32 to vector<16xf32>
        %mul3A_1066 = arith.mulf %get3A_1064, %mul3A_1065 : vector<16xf32>
        %swap3A_1067 = arith.index_cast %add3A_1005 : i32 to index
        %swap3A_1068 = arith.constant 80 : index
        %swap3A_1069 = tpu.vector_load %arg17[%swap3A_1067, %swap3A_1068] {strides = array<i32>} : memref<128x128xf32, #tpu.memory_space<vmem>>, vector<1x16xf32>,
        %swap3A_1070 = vector.shape_cast %swap3A_1069 : vector<1x16xf32> to vector<16xf32>
        %swap3A_1071 = vector.shape_cast %mul3A_1066 : vector<16xf32> to vector<1x16xf32>
        tpu.vector_store %arg17[%swap3A_1067, %swap3A_1068], %swap3A_1071 {strides = array<i32>} : memref<128x128xf32, #tpu.memory_space<vmem>>, vector<1x16xf32>,
        %get3A_1072 = arith.index_cast %add3A_1005 : i32 to index
        %get3A_1073 = arith.constant 96 : index
        %get3A_1074 = tpu.vector_load %arg17[%get3A_1072, %get3A_1073] {strides = array<i32>} : memref<128x128xf32, #tpu.memory_space<vmem>>, vector<1x16xf32>,
        %get3A_1075 = vector.shape_cast %get3A_1074 : vector<1x16xf32> to vector<16xf32>
        %mul3A_1076 = vector.broadcast %squeeze3A_1001 : f32 to vector<16xf32>
        %mul3A_1077 = arith.mulf %get3A_1075, %mul3A_1076 : vector<16xf32>
        %swap3A_1078 = arith.index_cast %add3A_1005 : i32 to index
        %swap3A_1079 = arith.constant 96 : index
        %swap3A_1080 = tpu.vector_load %arg17[%swap3A_1078, %swap3A_1079] {strides = array<i32>} : memref<128x128xf32, #tpu.memory_space<vmem>>, vector<1x16xf32>,
        %swap3A_1081 = vector.shape_cast %swap3A_1080 : vector<1x16xf32> to vector<16xf32>
        %swap3A_1082 = vector.shape_cast %mul3A_1077 : vector<16xf32> to vector<1x16xf32>
        tpu.vector_store %arg17[%swap3A_1078, %swap3A_1079], %swap3A_1082 {strides = array<i32>} : memref<128x128xf32, #tpu.memory_space<vmem>>, vector<1x16xf32>,
        %get3A_1083 = arith.index_cast %add3A_1005 : i32 to index
        %get3A_1084 = arith.constant 112 : index
        %get3A_1085 = tpu.vector_load %arg17[%get3A_1083, %get3A_1084] {strides = array<i32>} : memref<128x128xf32, #tpu.memory_space<vmem>>, vector<1x16xf32>,
        %get3A_1086 = vector.shape_cast %get3A_1085 : vector<1x16xf32> to vector<16xf32>
        %mul3A_1087 = vector.broadcast %squeeze3A_1001 : f32 to vector<16xf32>
        %mul3A_1088 = arith.mulf %get3A_1086, %mul3A_1087 : vector<16xf32>
        %swap3A_1089 = arith.index_cast %add3A_1005 : i32 to index
        %swap3A_1090 = arith.constant 112 : index
        %swap3A_1091 = tpu.vector_load %arg17[%swap3A_1089, %swap3A_1090] {strides = array<i32>} : memref<128x128xf32, #tpu.memory_space<vmem>>, vector<1x16xf32>,
        %swap3A_1092 = vector.shape_cast %swap3A_1091 : vector<1x16xf32> to vector<16xf32>
        %swap3A_1093 = vector.shape_cast %mul3A_1088 : vector<16xf32> to vector<1x16xf32>
        tpu.vector_store %arg17[%swap3A_1089, %swap3A_1090], %swap3A_1093 {strides = array<i32>} : memref<128x128xf32, #tpu.memory_space<vmem>>, vector<1x16xf32>,
        %slice3A_1094 = vector.extract_strided_slice %get3A_437 {offsets = [7], sizes = [1], strides = [1]} : vector<16xf32> to vector<1xf32>
        %squeeze3A_1095 = vector.extract %slice3A_1094[0] : f32 from vector<1xf32>
        %mul3A_1096 = arith.constant 16 : i32
        %mul3A_1097 = arith.muli %scan3A_431, %mul3A_1096 : i32
        %add3A_1098 = arith.constant 7 : i32
        %add3A_1099 = arith.addi %mul3A_1097, %add3A_1098 : i32
        %get3A_1100 = arith.index_cast %add3A_1099 : i32 to index
        %get3A_1101 = arith.constant 0 : index
        %get3A_1102 = tpu.vector_load %arg17[%get3A_1100, %get3A_1101] {strides = array<i32>} : memref<128x128xf32, #tpu.memory_space<vmem>>, vector<1x16xf32>,
        %get3A_1103 = vector.shape_cast %get3A_1102 : vector<1x16xf32> to vector<16xf32>
        %mul3A_1104 = vector.broadcast %squeeze3A_1095 : f32 to vector<16xf32>
        %mul3A_1105 = arith.mulf %get3A_1103, %mul3A_1104 : vector<16xf32>
        %swap3A_1106 = arith.index_cast %add3A_1099 : i32 to index
        %swap3A_1107 = arith.constant 0 : index
        %swap3A_1108 = tpu.vector_load %arg17[%swap3A_1106, %swap3A_1107] {strides = array<i32>} : memref<128x128xf32, #tpu.memory_space<vmem>>, vector<1x16xf32>,
        %swap3A_1109 = vector.shape_cast %swap3A_1108 : vector<1x16xf32> to vector<16xf32>
        %swap3A_1110 = vector.shape_cast %mul3A_1105 : vector<16xf32> to vector<1x16xf32>
        tpu.vector_store %arg17[%swap3A_1106, %swap3A_1107], %swap3A_1110 {strides = array<i32>} : memref<128x128xf32, #tpu.memory_space<vmem>>, vector<1x16xf32>,
        %get3A_1111 = arith.index_cast %add3A_1099 : i32 to index
        %get3A_1112 = arith.constant 16 : index
        %get3A_1113 = tpu.vector_load %arg17[%get3A_1111, %get3A_1112] {strides = array<i32>} : memref<128x128xf32, #tpu.memory_space<vmem>>, vector<1x16xf32>,
        %get3A_1114 = vector.shape_cast %get3A_1113 : vector<1x16xf32> to vector<16xf32>
        %mul3A_1115 = vector.broadcast %squeeze3A_1095 : f32 to vector<16xf32>
        %mul3A_1116 = arith.mulf %get3A_1114, %mul3A_1115 : vector<16xf32>
        %swap3A_1117 = arith.index_cast %add3A_1099 : i32 to index
        %swap3A_1118 = arith.constant 16 : index
        %swap3A_1119 = tpu.vector_load %arg17[%swap3A_1117, %swap3A_1118] {strides = array<i32>} : memref<128x128xf32, #tpu.memory_space<vmem>>, vector<1x16xf32>,
        %swap3A_1120 = vector.shape_cast %swap3A_1119 : vector<1x16xf32> to vector<16xf32>
        %swap3A_1121 = vector.shape_cast %mul3A_1116 : vector<16xf32> to vector<1x16xf32>
        tpu.vector_store %arg17[%swap3A_1117, %swap3A_1118], %swap3A_1121 {strides = array<i32>} : memref<128x128xf32, #tpu.memory_space<vmem>>, vector<1x16xf32>,
        %get3A_1122 = arith.index_cast %add3A_1099 : i32 to index
        %get3A_1123 = arith.constant 32 : index
        %get3A_1124 = tpu.vector_load %arg17[%get3A_1122, %get3A_1123] {strides = array<i32>} : memref<128x128xf32, #tpu.memory_space<vmem>>, vector<1x16xf32>,
        %get3A_1125 = vector.shape_cast %get3A_1124 : vector<1x16xf32> to vector<16xf32>
        %mul3A_1126 = vector.broadcast %squeeze3A_1095 : f32 to vector<16xf32>
        %mul3A_1127 = arith.mulf %get3A_1125, %mul3A_1126 : vector<16xf32>
        %swap3A_1128 = arith.index_cast %add3A_1099 : i32 to index
        %swap3A_1129 = arith.constant 32 : index
        %swap3A_1130 = tpu.vector_load %arg17[%swap3A_1128, %swap3A_1129] {strides = array<i32>} : memref<128x128xf32, #tpu.memory_space<vmem>>, vector<1x16xf32>,
        %swap3A_1131 = vector.shape_cast %swap3A_1130 : vector<1x16xf32> to vector<16xf32>
        %swap3A_1132 = vector.shape_cast %mul3A_1127 : vector<16xf32> to vector<1x16xf32>
        tpu.vector_store %arg17[%swap3A_1128, %swap3A_1129], %swap3A_1132 {strides = array<i32>} : memref<128x128xf32, #tpu.memory_space<vmem>>, vector<1x16xf32>,
        %get3A_1133 = arith.index_cast %add3A_1099 : i32 to index
        %get3A_1134 = arith.constant 48 : index
        %get3A_1135 = tpu.vector_load %arg17[%get3A_1133, %get3A_1134] {strides = array<i32>} : memref<128x128xf32, #tpu.memory_space<vmem>>, vector<1x16xf32>,
        %get3A_1136 = vector.shape_cast %get3A_1135 : vector<1x16xf32> to vector<16xf32>
        %mul3A_1137 = vector.broadcast %squeeze3A_1095 : f32 to vector<16xf32>
        %mul3A_1138 = arith.mulf %get3A_1136, %mul3A_1137 : vector<16xf32>
        %swap3A_1139 = arith.index_cast %add3A_1099 : i32 to index
        %swap3A_1140 = arith.constant 48 : index
        %swap3A_1141 = tpu.vector_load %arg17[%swap3A_1139, %swap3A_1140] {strides = array<i32>} : memref<128x128xf32, #tpu.memory_space<vmem>>, vector<1x16xf32>,
        %swap3A_1142 = vector.shape_cast %swap3A_1141 : vector<1x16xf32> to vector<16xf32>
        %swap3A_1143 = vector.shape_cast %mul3A_1138 : vector<16xf32> to vector<1x16xf32>
        tpu.vector_store %arg17[%swap3A_1139, %swap3A_1140], %swap3A_1143 {strides = array<i32>} : memref<128x128xf32, #tpu.memory_space<vmem>>, vector<1x16xf32>,
        %get3A_1144 = arith.index_cast %add3A_1099 : i32 to index
        %get3A_1145 = arith.constant 64 : index
        %get3A_1146 = tpu.vector_load %arg17[%get3A_1144, %get3A_1145] {strides = array<i32>} : memref<128x128xf32, #tpu.memory_space<vmem>>, vector<1x16xf32>,
        %get3A_1147 = vector.shape_cast %get3A_1146 : vector<1x16xf32> to vector<16xf32>
        %mul3A_1148 = vector.broadcast %squeeze3A_1095 : f32 to vector<16xf32>
        %mul3A_1149 = arith.mulf %get3A_1147, %mul3A_1148 : vector<16xf32>
        %swap3A_1150 = arith.index_cast %add3A_1099 : i32 to index
        %swap3A_1151 = arith.constant 64 : index
        %swap3A_1152 = tpu.vector_load %arg17[%swap3A_1150, %swap3A_1151] {strides = array<i32>} : memref<128x128xf32, #tpu.memory_space<vmem>>, vector<1x16xf32>,
        %swap3A_1153 = vector.shape_cast %swap3A_1152 : vector<1x16xf32> to vector<16xf32>
        %swap3A_1154 = vector.shape_cast %mul3A_1149 : vector<16xf32> to vector<1x16xf32>
        tpu.vector_store %arg17[%swap3A_1150, %swap3A_1151], %swap3A_1154 {strides = array<i32>} : memref<128x128xf32, #tpu.memory_space<vmem>>, vector<1x16xf32>,
        %get3A_1155 = arith.index_cast %add3A_1099 : i32 to index
        %get3A_1156 = arith.constant 80 : index
        %get3A_1157 = tpu.vector_load %arg17[%get3A_1155, %get3A_1156] {strides = array<i32>} : memref<128x128xf32, #tpu.memory_space<vmem>>, vector<1x16xf32>,
        %get3A_1158 = vector.shape_cast %get3A_1157 : vector<1x16xf32> to vector<16xf32>
        %mul3A_1159 = vector.broadcast %squeeze3A_1095 : f32 to vector<16xf32>
        %mul3A_1160 = arith.mulf %get3A_1158, %mul3A_1159 : vector<16xf32>
        %swap3A_1161 = arith.index_cast %add3A_1099 : i32 to index
        %swap3A_1162 = arith.constant 80 : index
        %swap3A_1163 = tpu.vector_load %arg17[%swap3A_1161, %swap3A_1162] {strides = array<i32>} : memref<128x128xf32, #tpu.memory_space<vmem>>, vector<1x16xf32>,
        %swap3A_1164 = vector.shape_cast %swap3A_1163 : vector<1x16xf32> to vector<16xf32>
        %swap3A_1165 = vector.shape_cast %mul3A_1160 : vector<16xf32> to vector<1x16xf32>
        tpu.vector_store %arg17[%swap3A_1161, %swap3A_1162], %swap3A_1165 {strides = array<i32>} : memref<128x128xf32, #tpu.memory_space<vmem>>, vector<1x16xf32>,
        %get3A_1166 = arith.index_cast %add3A_1099 : i32 to index
        %get3A_1167 = arith.constant 96 : index
        %get3A_1168 = tpu.vector_load %arg17[%get3A_1166, %get3A_1167] {strides = array<i32>} : memref<128x128xf32, #tpu.memory_space<vmem>>, vector<1x16xf32>,
        %get3A_1169 = vector.shape_cast %get3A_1168 : vector<1x16xf32> to vector<16xf32>
        %mul3A_1170 = vector.broadcast %squeeze3A_1095 : f32 to vector<16xf32>
        %mul3A_1171 = arith.mulf %get3A_1169, %mul3A_1170 : vector<16xf32>
        %swap3A_1172 = arith.index_cast %add3A_1099 : i32 to index
        %swap3A_1173 = arith.constant 96 : index
        %swap3A_1174 = tpu.vector_load %arg17[%swap3A_1172, %swap3A_1173] {strides = array<i32>} : memref<128x128xf32, #tpu.memory_space<vmem>>, vector<1x16xf32>,
        %swap3A_1175 = vector.shape_cast %swap3A_1174 : vector<1x16xf32> to vector<16xf32>
        %swap3A_1176 = vector.shape_cast %mul3A_1171 : vector<16xf32> to vector<1x16xf32>
        tpu.vector_store %arg17[%swap3A_1172, %swap3A_1173], %swap3A_1176 {strides = array<i32>} : memref<128x128xf32, #tpu.memory_space<vmem>>, vector<1x16xf32>,
        %get3A_1177 = arith.index_cast %add3A_1099 : i32 to index
        %get3A_1178 = arith.constant 112 : index
        %get3A_1179 = tpu.vector_load %arg17[%get3A_1177, %get3A_1178] {strides = array<i32>} : memref<128x128xf32, #tpu.memory_space<vmem>>, vector<1x16xf32>,
        %get3A_1180 = vector.shape_cast %get3A_1179 : vector<1x16xf32> to vector<16xf32>
        %mul3A_1181 = vector.broadcast %squeeze3A_1095 : f32 to vector<16xf32>
        %mul3A_1182 = arith.mulf %get3A_1180, %mul3A_1181 : vector<16xf32>
        %swap3A_1183 = arith.index_cast %add3A_1099 : i32 to index
        %swap3A_1184 = arith.constant 112 : index
        %swap3A_1185 = tpu.vector_load %arg17[%swap3A_1183, %swap3A_1184] {strides = array<i32>} : memref<128x128xf32, #tpu.memory_space<vmem>>, vector<1x16xf32>,
        %swap3A_1186 = vector.shape_cast %swap3A_1185 : vector<1x16xf32> to vector<16xf32>
        %swap3A_1187 = vector.shape_cast %mul3A_1182 : vector<16xf32> to vector<1x16xf32>
        tpu.vector_store %arg17[%swap3A_1183, %swap3A_1184], %swap3A_1187 {strides = array<i32>} : memref<128x128xf32, #tpu.memory_space<vmem>>, vector<1x16xf32>,
        %slice3A_1188 = vector.extract_strided_slice %get3A_437 {offsets = [8], sizes = [1], strides = [1]} : vector<16xf32> to vector<1xf32>
        %squeeze3A_1189 = vector.extract %slice3A_1188[0] : f32 from vector<1xf32>
        %mul3A_1190 = arith.constant 16 : i32
        %mul3A_1191 = arith.muli %scan3A_431, %mul3A_1190 : i32
        %add3A_1192 = arith.constant 8 : i32
        %add3A_1193 = arith.addi %mul3A_1191, %add3A_1192 : i32
        %get3A_1194 = arith.index_cast %add3A_1193 : i32 to index
        %get3A_1195 = arith.constant 0 : index
        %get3A_1196 = tpu.vector_load %arg17[%get3A_1194, %get3A_1195] {strides = array<i32>} : memref<128x128xf32, #tpu.memory_space<vmem>>, vector<1x16xf32>,
        %get3A_1197 = vector.shape_cast %get3A_1196 : vector<1x16xf32> to vector<16xf32>
        %mul3A_1198 = vector.broadcast %squeeze3A_1189 : f32 to vector<16xf32>
        %mul3A_1199 = arith.mulf %get3A_1197, %mul3A_1198 : vector<16xf32>
        %swap3A_1200 = arith.index_cast %add3A_1193 : i32 to index
        %swap3A_1201 = arith.constant 0 : index
        %swap3A_1202 = tpu.vector_load %arg17[%swap3A_1200, %swap3A_1201] {strides = array<i32>} : memref<128x128xf32, #tpu.memory_space<vmem>>, vector<1x16xf32>,
        %swap3A_1203 = vector.shape_cast %swap3A_1202 : vector<1x16xf32> to vector<16xf32>
        %swap3A_1204 = vector.shape_cast %mul3A_1199 : vector<16xf32> to vector<1x16xf32>
        tpu.vector_store %arg17[%swap3A_1200, %swap3A_1201], %swap3A_1204 {strides = array<i32>} : memref<128x128xf32, #tpu.memory_space<vmem>>, vector<1x16xf32>,
        %get3A_1205 = arith.index_cast %add3A_1193 : i32 to index
        %get3A_1206 = arith.constant 16 : index
        %get3A_1207 = tpu.vector_load %arg17[%get3A_1205, %get3A_1206] {strides = array<i32>} : memref<128x128xf32, #tpu.memory_space<vmem>>, vector<1x16xf32>,
        %get3A_1208 = vector.shape_cast %get3A_1207 : vector<1x16xf32> to vector<16xf32>
        %mul3A_1209 = vector.broadcast %squeeze3A_1189 : f32 to vector<16xf32>
        %mul3A_1210 = arith.mulf %get3A_1208, %mul3A_1209 : vector<16xf32>
        %swap3A_1211 = arith.index_cast %add3A_1193 : i32 to index
        %swap3A_1212 = arith.constant 16 : index
        %swap3A_1213 = tpu.vector_load %arg17[%swap3A_1211, %swap3A_1212] {strides = array<i32>} : memref<128x128xf32, #tpu.memory_space<vmem>>, vector<1x16xf32>,
        %swap3A_1214 = vector.shape_cast %swap3A_1213 : vector<1x16xf32> to vector<16xf32>
        %swap3A_1215 = vector.shape_cast %mul3A_1210 : vector<16xf32> to vector<1x16xf32>
        tpu.vector_store %arg17[%swap3A_1211, %swap3A_1212], %swap3A_1215 {strides = array<i32>} : memref<128x128xf32, #tpu.memory_space<vmem>>, vector<1x16xf32>,
        %get3A_1216 = arith.index_cast %add3A_1193 : i32 to index
        %get3A_1217 = arith.constant 32 : index
        %get3A_1218 = tpu.vector_load %arg17[%get3A_1216, %get3A_1217] {strides = array<i32>} : memref<128x128xf32, #tpu.memory_space<vmem>>, vector<1x16xf32>,
        %get3A_1219 = vector.shape_cast %get3A_1218 : vector<1x16xf32> to vector<16xf32>
        %mul3A_1220 = vector.broadcast %squeeze3A_1189 : f32 to vector<16xf32>
        %mul3A_1221 = arith.mulf %get3A_1219, %mul3A_1220 : vector<16xf32>
        %swap3A_1222 = arith.index_cast %add3A_1193 : i32 to index
        %swap3A_1223 = arith.constant 32 : index
        %swap3A_1224 = tpu.vector_load %arg17[%swap3A_1222, %swap3A_1223] {strides = array<i32>} : memref<128x128xf32, #tpu.memory_space<vmem>>, vector<1x16xf32>,
        %swap3A_1225 = vector.shape_cast %swap3A_1224 : vector<1x16xf32> to vector<16xf32>
        %swap3A_1226 = vector.shape_cast %mul3A_1221 : vector<16xf32> to vector<1x16xf32>
        tpu.vector_store %arg17[%swap3A_1222, %swap3A_1223], %swap3A_1226 {strides = array<i32>} : memref<128x128xf32, #tpu.memory_space<vmem>>, vector<1x16xf32>,
        %get3A_1227 = arith.index_cast %add3A_1193 : i32 to index
        %get3A_1228 = arith.constant 48 : index
        %get3A_1229 = tpu.vector_load %arg17[%get3A_1227, %get3A_1228] {strides = array<i32>} : memref<128x128xf32, #tpu.memory_space<vmem>>, vector<1x16xf32>,
        %get3A_1230 = vector.shape_cast %get3A_1229 : vector<1x16xf32> to vector<16xf32>
        %mul3A_1231 = vector.broadcast %squeeze3A_1189 : f32 to vector<16xf32>
        %mul3A_1232 = arith.mulf %get3A_1230, %mul3A_1231 : vector<16xf32>
        %swap3A_1233 = arith.index_cast %add3A_1193 : i32 to index
        %swap3A_1234 = arith.constant 48 : index
        %swap3A_1235 = tpu.vector_load %arg17[%swap3A_1233, %swap3A_1234] {strides = array<i32>} : memref<128x128xf32, #tpu.memory_space<vmem>>, vector<1x16xf32>,
        %swap3A_1236 = vector.shape_cast %swap3A_1235 : vector<1x16xf32> to vector<16xf32>
        %swap3A_1237 = vector.shape_cast %mul3A_1232 : vector<16xf32> to vector<1x16xf32>
        tpu.vector_store %arg17[%swap3A_1233, %swap3A_1234], %swap3A_1237 {strides = array<i32>} : memref<128x128xf32, #tpu.memory_space<vmem>>, vector<1x16xf32>,
        %get3A_1238 = arith.index_cast %add3A_1193 : i32 to index
        %get3A_1239 = arith.constant 64 : index
        %get3A_1240 = tpu.vector_load %arg17[%get3A_1238, %get3A_1239] {strides = array<i32>} : memref<128x128xf32, #tpu.memory_space<vmem>>, vector<1x16xf32>,
        %get3A_1241 = vector.shape_cast %get3A_1240 : vector<1x16xf32> to vector<16xf32>
        %mul3A_1242 = vector.broadcast %squeeze3A_1189 : f32 to vector<16xf32>
        %mul3A_1243 = arith.mulf %get3A_1241, %mul3A_1242 : vector<16xf32>
        %swap3A_1244 = arith.index_cast %add3A_1193 : i32 to index
        %swap3A_1245 = arith.constant 64 : index
        %swap3A_1246 = tpu.vector_load %arg17[%swap3A_1244, %swap3A_1245] {strides = array<i32>} : memref<128x128xf32, #tpu.memory_space<vmem>>, vector<1x16xf32>,
        %swap3A_1247 = vector.shape_cast %swap3A_1246 : vector<1x16xf32> to vector<16xf32>
        %swap3A_1248 = vector.shape_cast %mul3A_1243 : vector<16xf32> to vector<1x16xf32>
        tpu.vector_store %arg17[%swap3A_1244, %swap3A_1245], %swap3A_1248 {strides = array<i32>} : memref<128x128xf32, #tpu.memory_space<vmem>>, vector<1x16xf32>,
        %get3A_1249 = arith.index_cast %add3A_1193 : i32 to index
        %get3A_1250 = arith.constant 80 : index
        %get3A_1251 = tpu.vector_load %arg17[%get3A_1249, %get3A_1250] {strides = array<i32>} : memref<128x128xf32, #tpu.memory_space<vmem>>, vector<1x16xf32>,
        %get3A_1252 = vector.shape_cast %get3A_1251 : vector<1x16xf32> to vector<16xf32>
        %mul3A_1253 = vector.broadcast %squeeze3A_1189 : f32 to vector<16xf32>
        %mul3A_1254 = arith.mulf %get3A_1252, %mul3A_1253 : vector<16xf32>
        %swap3A_1255 = arith.index_cast %add3A_1193 : i32 to index
        %swap3A_1256 = arith.constant 80 : index
        %swap3A_1257 = tpu.vector_load %arg17[%swap3A_1255, %swap3A_1256] {strides = array<i32>} : memref<128x128xf32, #tpu.memory_space<vmem>>, vector<1x16xf32>,
        %swap3A_1258 = vector.shape_cast %swap3A_1257 : vector<1x16xf32> to vector<16xf32>
        %swap3A_1259 = vector.shape_cast %mul3A_1254 : vector<16xf32> to vector<1x16xf32>
        tpu.vector_store %arg17[%swap3A_1255, %swap3A_1256], %swap3A_1259 {strides = array<i32>} : memref<128x128xf32, #tpu.memory_space<vmem>>, vector<1x16xf32>,
        %get3A_1260 = arith.index_cast %add3A_1193 : i32 to index
        %get3A_1261 = arith.constant 96 : index
        %get3A_1262 = tpu.vector_load %arg17[%get3A_1260, %get3A_1261] {strides = array<i32>} : memref<128x128xf32, #tpu.memory_space<vmem>>, vector<1x16xf32>,
        %get3A_1263 = vector.shape_cast %get3A_1262 : vector<1x16xf32> to vector<16xf32>
        %mul3A_1264 = vector.broadcast %squeeze3A_1189 : f32 to vector<16xf32>
        %mul3A_1265 = arith.mulf %get3A_1263, %mul3A_1264 : vector<16xf32>
        %swap3A_1266 = arith.index_cast %add3A_1193 : i32 to index
        %swap3A_1267 = arith.constant 96 : index
        %swap3A_1268 = tpu.vector_load %arg17[%swap3A_1266, %swap3A_1267] {strides = array<i32>} : memref<128x128xf32, #tpu.memory_space<vmem>>, vector<1x16xf32>,
        %swap3A_1269 = vector.shape_cast %swap3A_1268 : vector<1x16xf32> to vector<16xf32>
        %swap3A_1270 = vector.shape_cast %mul3A_1265 : vector<16xf32> to vector<1x16xf32>
        tpu.vector_store %arg17[%swap3A_1266, %swap3A_1267], %swap3A_1270 {strides = array<i32>} : memref<128x128xf32, #tpu.memory_space<vmem>>, vector<1x16xf32>,
        %get3A_1271 = arith.index_cast %add3A_1193 : i32 to index
        %get3A_1272 = arith.constant 112 : index
        %get3A_1273 = tpu.vector_load %arg17[%get3A_1271, %get3A_1272] {strides = array<i32>} : memref<128x128xf32, #tpu.memory_space<vmem>>, vector<1x16xf32>,
        %get3A_1274 = vector.shape_cast %get3A_1273 : vector<1x16xf32> to vector<16xf32>
        %mul3A_1275 = vector.broadcast %squeeze3A_1189 : f32 to vector<16xf32>
        %mul3A_1276 = arith.mulf %get3A_1274, %mul3A_1275 : vector<16xf32>
        %swap3A_1277 = arith.index_cast %add3A_1193 : i32 to index
        %swap3A_1278 = arith.constant 112 : index
        %swap3A_1279 = tpu.vector_load %arg17[%swap3A_1277, %swap3A_1278] {strides = array<i32>} : memref<128x128xf32, #tpu.memory_space<vmem>>, vector<1x16xf32>,
        %swap3A_1280 = vector.shape_cast %swap3A_1279 : vector<1x16xf32> to vector<16xf32>
        %swap3A_1281 = vector.shape_cast %mul3A_1276 : vector<16xf32> to vector<1x16xf32>
        tpu.vector_store %arg17[%swap3A_1277, %swap3A_1278], %swap3A_1281 {strides = array<i32>} : memref<128x128xf32, #tpu.memory_space<vmem>>, vector<1x16xf32>,
        %slice3A_1282 = vector.extract_strided_slice %get3A_437 {offsets = [9], sizes = [1], strides = [1]} : vector<16xf32> to vector<1xf32>
        %squeeze3A_1283 = vector.extract %slice3A_1282[0] : f32 from vector<1xf32>
        %mul3A_1284 = arith.constant 16 : i32
        %mul3A_1285 = arith.muli %scan3A_431, %mul3A_1284 : i32
        %add3A_1286 = arith.constant 9 : i32
        %add3A_1287 = arith.addi %mul3A_1285, %add3A_1286 : i32
        %get3A_1288 = arith.index_cast %add3A_1287 : i32 to index
        %get3A_1289 = arith.constant 0 : index
        %get3A_1290 = tpu.vector_load %arg17[%get3A_1288, %get3A_1289] {strides = array<i32>} : memref<128x128xf32, #tpu.memory_space<vmem>>, vector<1x16xf32>,
        %get3A_1291 = vector.shape_cast %get3A_1290 : vector<1x16xf32> to vector<16xf32>
        %mul3A_1292 = vector.broadcast %squeeze3A_1283 : f32 to vector<16xf32>
        %mul3A_1293 = arith.mulf %get3A_1291, %mul3A_1292 : vector<16xf32>
        %swap3A_1294 = arith.index_cast %add3A_1287 : i32 to index
        %swap3A_1295 = arith.constant 0 : index
        %swap3A_1296 = tpu.vector_load %arg17[%swap3A_1294, %swap3A_1295] {strides = array<i32>} : memref<128x128xf32, #tpu.memory_space<vmem>>, vector<1x16xf32>,
        %swap3A_1297 = vector.shape_cast %swap3A_1296 : vector<1x16xf32> to vector<16xf32>
        %swap3A_1298 = vector.shape_cast %mul3A_1293 : vector<16xf32> to vector<1x16xf32>
        tpu.vector_store %arg17[%swap3A_1294, %swap3A_1295], %swap3A_1298 {strides = array<i32>} : memref<128x128xf32, #tpu.memory_space<vmem>>, vector<1x16xf32>,
        %get3A_1299 = arith.index_cast %add3A_1287 : i32 to index
        %get3A_1300 = arith.constant 16 : index
        %get3A_1301 = tpu.vector_load %arg17[%get3A_1299, %get3A_1300] {strides = array<i32>} : memref<128x128xf32, #tpu.memory_space<vmem>>, vector<1x16xf32>,
        %get3A_1302 = vector.shape_cast %get3A_1301 : vector<1x16xf32> to vector<16xf32>
        %mul3A_1303 = vector.broadcast %squeeze3A_1283 : f32 to vector<16xf32>
        %mul3A_1304 = arith.mulf %get3A_1302, %mul3A_1303 : vector<16xf32>
        %swap3A_1305 = arith.index_cast %add3A_1287 : i32 to index
        %swap3A_1306 = arith.constant 16 : index
        %swap3A_1307 = tpu.vector_load %arg17[%swap3A_1305, %swap3A_1306] {strides = array<i32>} : memref<128x128xf32, #tpu.memory_space<vmem>>, vector<1x16xf32>,
        %swap3A_1308 = vector.shape_cast %swap3A_1307 : vector<1x16xf32> to vector<16xf32>
        %swap3A_1309 = vector.shape_cast %mul3A_1304 : vector<16xf32> to vector<1x16xf32>
        tpu.vector_store %arg17[%swap3A_1305, %swap3A_1306], %swap3A_1309 {strides = array<i32>} : memref<128x128xf32, #tpu.memory_space<vmem>>, vector<1x16xf32>,
        %get3A_1310 = arith.index_cast %add3A_1287 : i32 to index
        %get3A_1311 = arith.constant 32 : index
        %get3A_1312 = tpu.vector_load %arg17[%get3A_1310, %get3A_1311] {strides = array<i32>} : memref<128x128xf32, #tpu.memory_space<vmem>>, vector<1x16xf32>,
        %get3A_1313 = vector.shape_cast %get3A_1312 : vector<1x16xf32> to vector<16xf32>
        %mul3A_1314 = vector.broadcast %squeeze3A_1283 : f32 to vector<16xf32>
        %mul3A_1315 = arith.mulf %get3A_1313, %mul3A_1314 : vector<16xf32>
        %swap3A_1316 = arith.index_cast %add3A_1287 : i32 to index
        %swap3A_1317 = arith.constant 32 : index
        %swap3A_1318 = tpu.vector_load %arg17[%swap3A_1316, %swap3A_1317] {strides = array<i32>} : memref<128x128xf32, #tpu.memory_space<vmem>>, vector<1x16xf32>,
        %swap3A_1319 = vector.shape_cast %swap3A_1318 : vector<1x16xf32> to vector<16xf32>
        %swap3A_1320 = vector.shape_cast %mul3A_1315 : vector<16xf32> to vector<1x16xf32>
        tpu.vector_store %arg17[%swap3A_1316, %swap3A_1317], %swap3A_1320 {strides = array<i32>} : memref<128x128xf32, #tpu.memory_space<vmem>>, vector<1x16xf32>,
        %get3A_1321 = arith.index_cast %add3A_1287 : i32 to index
        %get3A_1322 = arith.constant 48 : index
        %get3A_1323 = tpu.vector_load %arg17[%get3A_1321, %get3A_1322] {strides = array<i32>} : memref<128x128xf32, #tpu.memory_space<vmem>>, vector<1x16xf32>,
        %get3A_1324 = vector.shape_cast %get3A_1323 : vector<1x16xf32> to vector<16xf32>
        %mul3A_1325 = vector.broadcast %squeeze3A_1283 : f32 to vector<16xf32>
        %mul3A_1326 = arith.mulf %get3A_1324, %mul3A_1325 : vector<16xf32>
        %swap3A_1327 = arith.index_cast %add3A_1287 : i32 to index
        %swap3A_1328 = arith.constant 48 : index
        %swap3A_1329 = tpu.vector_load %arg17[%swap3A_1327, %swap3A_1328] {strides = array<i32>} : memref<128x128xf32, #tpu.memory_space<vmem>>, vector<1x16xf32>,
        %swap3A_1330 = vector.shape_cast %swap3A_1329 : vector<1x16xf32> to vector<16xf32>
        %swap3A_1331 = vector.shape_cast %mul3A_1326 : vector<16xf32> to vector<1x16xf32>
        tpu.vector_store %arg17[%swap3A_1327, %swap3A_1328], %swap3A_1331 {strides = array<i32>} : memref<128x128xf32, #tpu.memory_space<vmem>>, vector<1x16xf32>,
        %get3A_1332 = arith.index_cast %add3A_1287 : i32 to index
        %get3A_1333 = arith.constant 64 : index
        %get3A_1334 = tpu.vector_load %arg17[%get3A_1332, %get3A_1333] {strides = array<i32>} : memref<128x128xf32, #tpu.memory_space<vmem>>, vector<1x16xf32>,
        %get3A_1335 = vector.shape_cast %get3A_1334 : vector<1x16xf32> to vector<16xf32>
        %mul3A_1336 = vector.broadcast %squeeze3A_1283 : f32 to vector<16xf32>
        %mul3A_1337 = arith.mulf %get3A_1335, %mul3A_1336 : vector<16xf32>
        %swap3A_1338 = arith.index_cast %add3A_1287 : i32 to index
        %swap3A_1339 = arith.constant 64 : index
        %swap3A_1340 = tpu.vector_load %arg17[%swap3A_1338, %swap3A_1339] {strides = array<i32>} : memref<128x128xf32, #tpu.memory_space<vmem>>, vector<1x16xf32>,
        %swap3A_1341 = vector.shape_cast %swap3A_1340 : vector<1x16xf32> to vector<16xf32>
        %swap3A_1342 = vector.shape_cast %mul3A_1337 : vector<16xf32> to vector<1x16xf32>
        tpu.vector_store %arg17[%swap3A_1338, %swap3A_1339], %swap3A_1342 {strides = array<i32>} : memref<128x128xf32, #tpu.memory_space<vmem>>, vector<1x16xf32>,
        %get3A_1343 = arith.index_cast %add3A_1287 : i32 to index
        %get3A_1344 = arith.constant 80 : index
        %get3A_1345 = tpu.vector_load %arg17[%get3A_1343, %get3A_1344] {strides = array<i32>} : memref<128x128xf32, #tpu.memory_space<vmem>>, vector<1x16xf32>,
        %get3A_1346 = vector.shape_cast %get3A_1345 : vector<1x16xf32> to vector<16xf32>
        %mul3A_1347 = vector.broadcast %squeeze3A_1283 : f32 to vector<16xf32>
        %mul3A_1348 = arith.mulf %get3A_1346, %mul3A_1347 : vector<16xf32>
        %swap3A_1349 = arith.index_cast %add3A_1287 : i32 to index
        %swap3A_1350 = arith.constant 80 : index
        %swap3A_1351 = tpu.vector_load %arg17[%swap3A_1349, %swap3A_1350] {strides = array<i32>} : memref<128x128xf32, #tpu.memory_space<vmem>>, vector<1x16xf32>,
        %swap3A_1352 = vector.shape_cast %swap3A_1351 : vector<1x16xf32> to vector<16xf32>
        %swap3A_1353 = vector.shape_cast %mul3A_1348 : vector<16xf32> to vector<1x16xf32>
        tpu.vector_store %arg17[%swap3A_1349, %swap3A_1350], %swap3A_1353 {strides = array<i32>} : memref<128x128xf32, #tpu.memory_space<vmem>>, vector<1x16xf32>,
        %get3A_1354 = arith.index_cast %add3A_1287 : i32 to index
        %get3A_1355 = arith.constant 96 : index
        %get3A_1356 = tpu.vector_load %arg17[%get3A_1354, %get3A_1355] {strides = array<i32>} : memref<128x128xf32, #tpu.memory_space<vmem>>, vector<1x16xf32>,
        %get3A_1357 = vector.shape_cast %get3A_1356 : vector<1x16xf32> to vector<16xf32>
        %mul3A_1358 = vector.broadcast %squeeze3A_1283 : f32 to vector<16xf32>
        %mul3A_1359 = arith.mulf %get3A_1357, %mul3A_1358 : vector<16xf32>
        %swap3A_1360 = arith.index_cast %add3A_1287 : i32 to index
        %swap3A_1361 = arith.constant 96 : index
        %swap3A_1362 = tpu.vector_load %arg17[%swap3A_1360, %swap3A_1361] {strides = array<i32>} : memref<128x128xf32, #tpu.memory_space<vmem>>, vector<1x16xf32>,
        %swap3A_1363 = vector.shape_cast %swap3A_1362 : vector<1x16xf32> to vector<16xf32>
        %swap3A_1364 = vector.shape_cast %mul3A_1359 : vector<16xf32> to vector<1x16xf32>
        tpu.vector_store %arg17[%swap3A_1360, %swap3A_1361], %swap3A_1364 {strides = array<i32>} : memref<128x128xf32, #tpu.memory_space<vmem>>, vector<1x16xf32>,
        %get3A_1365 = arith.index_cast %add3A_1287 : i32 to index
        %get3A_1366 = arith.constant 112 : index
        %get3A_1367 = tpu.vector_load %arg17[%get3A_1365, %get3A_1366] {strides = array<i32>} : memref<128x128xf32, #tpu.memory_space<vmem>>, vector<1x16xf32>,
        %get3A_1368 = vector.shape_cast %get3A_1367 : vector<1x16xf32> to vector<16xf32>
        %mul3A_1369 = vector.broadcast %squeeze3A_1283 : f32 to vector<16xf32>
        %mul3A_1370 = arith.mulf %get3A_1368, %mul3A_1369 : vector<16xf32>
        %swap3A_1371 = arith.index_cast %add3A_1287 : i32 to index
        %swap3A_1372 = arith.constant 112 : index
        %swap3A_1373 = tpu.vector_load %arg17[%swap3A_1371, %swap3A_1372] {strides = array<i32>} : memref<128x128xf32, #tpu.memory_space<vmem>>, vector<1x16xf32>,
        %swap3A_1374 = vector.shape_cast %swap3A_1373 : vector<1x16xf32> to vector<16xf32>
        %swap3A_1375 = vector.shape_cast %mul3A_1370 : vector<16xf32> to vector<1x16xf32>
        tpu.vector_store %arg17[%swap3A_1371, %swap3A_1372], %swap3A_1375 {strides = array<i32>} : memref<128x128xf32, #tpu.memory_space<vmem>>, vector<1x16xf32>,
        %slice3A_1376 = vector.extract_strided_slice %get3A_437 {offsets = [10], sizes = [1], strides = [1]} : vector<16xf32> to vector<1xf32>
        %squeeze3A_1377 = vector.extract %slice3A_1376[0] : f32 from vector<1xf32>
        %mul3A_1378 = arith.constant 16 : i32
        %mul3A_1379 = arith.muli %scan3A_431, %mul3A_1378 : i32
        %add3A_1380 = arith.constant 10 : i32
        %add3A_1381 = arith.addi %mul3A_1379, %add3A_1380 : i32
        %get3A_1382 = arith.index_cast %add3A_1381 : i32 to index
        %get3A_1383 = arith.constant 0 : index
        %get3A_1384 = tpu.vector_load %arg17[%get3A_1382, %get3A_1383] {strides = array<i32>} : memref<128x128xf32, #tpu.memory_space<vmem>>, vector<1x16xf32>,
        %get3A_1385 = vector.shape_cast %get3A_1384 : vector<1x16xf32> to vector<16xf32>
        %mul3A_1386 = vector.broadcast %squeeze3A_1377 : f32 to vector<16xf32>
        %mul3A_1387 = arith.mulf %get3A_1385, %mul3A_1386 : vector<16xf32>
        %swap3A_1388 = arith.index_cast %add3A_1381 : i32 to index
        %swap3A_1389 = arith.constant 0 : index
        %swap3A_1390 = tpu.vector_load %arg17[%swap3A_1388, %swap3A_1389] {strides = array<i32>} : memref<128x128xf32, #tpu.memory_space<vmem>>, vector<1x16xf32>,
        %swap3A_1391 = vector.shape_cast %swap3A_1390 : vector<1x16xf32> to vector<16xf32>
        %swap3A_1392 = vector.shape_cast %mul3A_1387 : vector<16xf32> to vector<1x16xf32>
        tpu.vector_store %arg17[%swap3A_1388, %swap3A_1389], %swap3A_1392 {strides = array<i32>} : memref<128x128xf32, #tpu.memory_space<vmem>>, vector<1x16xf32>,
        %get3A_1393 = arith.index_cast %add3A_1381 : i32 to index
        %get3A_1394 = arith.constant 16 : index
        %get3A_1395 = tpu.vector_load %arg17[%get3A_1393, %get3A_1394] {strides = array<i32>} : memref<128x128xf32, #tpu.memory_space<vmem>>, vector<1x16xf32>,
        %get3A_1396 = vector.shape_cast %get3A_1395 : vector<1x16xf32> to vector<16xf32>
        %mul3A_1397 = vector.broadcast %squeeze3A_1377 : f32 to vector<16xf32>
        %mul3A_1398 = arith.mulf %get3A_1396, %mul3A_1397 : vector<16xf32>
        %swap3A_1399 = arith.index_cast %add3A_1381 : i32 to index
        %swap3A_1400 = arith.constant 16 : index
        %swap3A_1401 = tpu.vector_load %arg17[%swap3A_1399, %swap3A_1400] {strides = array<i32>} : memref<128x128xf32, #tpu.memory_space<vmem>>, vector<1x16xf32>,
        %swap3A_1402 = vector.shape_cast %swap3A_1401 : vector<1x16xf32> to vector<16xf32>
        %swap3A_1403 = vector.shape_cast %mul3A_1398 : vector<16xf32> to vector<1x16xf32>
        tpu.vector_store %arg17[%swap3A_1399, %swap3A_1400], %swap3A_1403 {strides = array<i32>} : memref<128x128xf32, #tpu.memory_space<vmem>>, vector<1x16xf32>,
        %get3A_1404 = arith.index_cast %add3A_1381 : i32 to index
        %get3A_1405 = arith.constant 32 : index
        %get3A_1406 = tpu.vector_load %arg17[%get3A_1404, %get3A_1405] {strides = array<i32>} : memref<128x128xf32, #tpu.memory_space<vmem>>, vector<1x16xf32>,
        %get3A_1407 = vector.shape_cast %get3A_1406 : vector<1x16xf32> to vector<16xf32>
        %mul3A_1408 = vector.broadcast %squeeze3A_1377 : f32 to vector<16xf32>
        %mul3A_1409 = arith.mulf %get3A_1407, %mul3A_1408 : vector<16xf32>
        %swap3A_1410 = arith.index_cast %add3A_1381 : i32 to index
        %swap3A_1411 = arith.constant 32 : index
        %swap3A_1412 = tpu.vector_load %arg17[%swap3A_1410, %swap3A_1411] {strides = array<i32>} : memref<128x128xf32, #tpu.memory_space<vmem>>, vector<1x16xf32>,
        %swap3A_1413 = vector.shape_cast %swap3A_1412 : vector<1x16xf32> to vector<16xf32>
        %swap3A_1414 = vector.shape_cast %mul3A_1409 : vector<16xf32> to vector<1x16xf32>
        tpu.vector_store %arg17[%swap3A_1410, %swap3A_1411], %swap3A_1414 {strides = array<i32>} : memref<128x128xf32, #tpu.memory_space<vmem>>, vector<1x16xf32>,
        %get3A_1415 = arith.index_cast %add3A_1381 : i32 to index
        %get3A_1416 = arith.constant 48 : index
        %get3A_1417 = tpu.vector_load %arg17[%get3A_1415, %get3A_1416] {strides = array<i32>} : memref<128x128xf32, #tpu.memory_space<vmem>>, vector<1x16xf32>,
        %get3A_1418 = vector.shape_cast %get3A_1417 : vector<1x16xf32> to vector<16xf32>
        %mul3A_1419 = vector.broadcast %squeeze3A_1377 : f32 to vector<16xf32>
        %mul3A_1420 = arith.mulf %get3A_1418, %mul3A_1419 : vector<16xf32>
        %swap3A_1421 = arith.index_cast %add3A_1381 : i32 to index
        %swap3A_1422 = arith.constant 48 : index
        %swap3A_1423 = tpu.vector_load %arg17[%swap3A_1421, %swap3A_1422] {strides = array<i32>} : memref<128x128xf32, #tpu.memory_space<vmem>>, vector<1x16xf32>,
        %swap3A_1424 = vector.shape_cast %swap3A_1423 : vector<1x16xf32> to vector<16xf32>
        %swap3A_1425 = vector.shape_cast %mul3A_1420 : vector<16xf32> to vector<1x16xf32>
        tpu.vector_store %arg17[%swap3A_1421, %swap3A_1422], %swap3A_1425 {strides = array<i32>} : memref<128x128xf32, #tpu.memory_space<vmem>>, vector<1x16xf32>,
        %get3A_1426 = arith.index_cast %add3A_1381 : i32 to index
        %get3A_1427 = arith.constant 64 : index
        %get3A_1428 = tpu.vector_load %arg17[%get3A_1426, %get3A_1427] {strides = array<i32>} : memref<128x128xf32, #tpu.memory_space<vmem>>, vector<1x16xf32>,
        %get3A_1429 = vector.shape_cast %get3A_1428 : vector<1x16xf32> to vector<16xf32>
        %mul3A_1430 = vector.broadcast %squeeze3A_1377 : f32 to vector<16xf32>
        %mul3A_1431 = arith.mulf %get3A_1429, %mul3A_1430 : vector<16xf32>
        %swap3A_1432 = arith.index_cast %add3A_1381 : i32 to index
        %swap3A_1433 = arith.constant 64 : index
        %swap3A_1434 = tpu.vector_load %arg17[%swap3A_1432, %swap3A_1433] {strides = array<i32>} : memref<128x128xf32, #tpu.memory_space<vmem>>, vector<1x16xf32>,
        %swap3A_1435 = vector.shape_cast %swap3A_1434 : vector<1x16xf32> to vector<16xf32>
        %swap3A_1436 = vector.shape_cast %mul3A_1431 : vector<16xf32> to vector<1x16xf32>
        tpu.vector_store %arg17[%swap3A_1432, %swap3A_1433], %swap3A_1436 {strides = array<i32>} : memref<128x128xf32, #tpu.memory_space<vmem>>, vector<1x16xf32>,
        %get3A_1437 = arith.index_cast %add3A_1381 : i32 to index
        %get3A_1438 = arith.constant 80 : index
        %get3A_1439 = tpu.vector_load %arg17[%get3A_1437, %get3A_1438] {strides = array<i32>} : memref<128x128xf32, #tpu.memory_space<vmem>>, vector<1x16xf32>,
        %get3A_1440 = vector.shape_cast %get3A_1439 : vector<1x16xf32> to vector<16xf32>
        %mul3A_1441 = vector.broadcast %squeeze3A_1377 : f32 to vector<16xf32>
        %mul3A_1442 = arith.mulf %get3A_1440, %mul3A_1441 : vector<16xf32>
        %swap3A_1443 = arith.index_cast %add3A_1381 : i32 to index
        %swap3A_1444 = arith.constant 80 : index
        %swap3A_1445 = tpu.vector_load %arg17[%swap3A_1443, %swap3A_1444] {strides = array<i32>} : memref<128x128xf32, #tpu.memory_space<vmem>>, vector<1x16xf32>,
        %swap3A_1446 = vector.shape_cast %swap3A_1445 : vector<1x16xf32> to vector<16xf32>
        %swap3A_1447 = vector.shape_cast %mul3A_1442 : vector<16xf32> to vector<1x16xf32>
        tpu.vector_store %arg17[%swap3A_1443, %swap3A_1444], %swap3A_1447 {strides = array<i32>} : memref<128x128xf32, #tpu.memory_space<vmem>>, vector<1x16xf32>,
        %get3A_1448 = arith.index_cast %add3A_1381 : i32 to index
        %get3A_1449 = arith.constant 96 : index
        %get3A_1450 = tpu.vector_load %arg17[%get3A_1448, %get3A_1449] {strides = array<i32>} : memref<128x128xf32, #tpu.memory_space<vmem>>, vector<1x16xf32>,
        %get3A_1451 = vector.shape_cast %get3A_1450 : vector<1x16xf32> to vector<16xf32>
        %mul3A_1452 = vector.broadcast %squeeze3A_1377 : f32 to vector<16xf32>
        %mul3A_1453 = arith.mulf %get3A_1451, %mul3A_1452 : vector<16xf32>
        %swap3A_1454 = arith.index_cast %add3A_1381 : i32 to index
        %swap3A_1455 = arith.constant 96 : index
        %swap3A_1456 = tpu.vector_load %arg17[%swap3A_1454, %swap3A_1455] {strides = array<i32>} : memref<128x128xf32, #tpu.memory_space<vmem>>, vector<1x16xf32>,
        %swap3A_1457 = vector.shape_cast %swap3A_1456 : vector<1x16xf32> to vector<16xf32>
        %swap3A_1458 = vector.shape_cast %mul3A_1453 : vector<16xf32> to vector<1x16xf32>
        tpu.vector_store %arg17[%swap3A_1454, %swap3A_1455], %swap3A_1458 {strides = array<i32>} : memref<128x128xf32, #tpu.memory_space<vmem>>, vector<1x16xf32>,
        %get3A_1459 = arith.index_cast %add3A_1381 : i32 to index
        %get3A_1460 = arith.constant 112 : index
        %get3A_1461 = tpu.vector_load %arg17[%get3A_1459, %get3A_1460] {strides = array<i32>} : memref<128x128xf32, #tpu.memory_space<vmem>>, vector<1x16xf32>,
        %get3A_1462 = vector.shape_cast %get3A_1461 : vector<1x16xf32> to vector<16xf32>
        %mul3A_1463 = vector.broadcast %squeeze3A_1377 : f32 to vector<16xf32>
        %mul3A_1464 = arith.mulf %get3A_1462, %mul3A_1463 : vector<16xf32>
        %swap3A_1465 = arith.index_cast %add3A_1381 : i32 to index
        %swap3A_1466 = arith.constant 112 : index
        %swap3A_1467 = tpu.vector_load %arg17[%swap3A_1465, %swap3A_1466] {strides = array<i32>} : memref<128x128xf32, #tpu.memory_space<vmem>>, vector<1x16xf32>,
        %swap3A_1468 = vector.shape_cast %swap3A_1467 : vector<1x16xf32> to vector<16xf32>
        %swap3A_1469 = vector.shape_cast %mul3A_1464 : vector<16xf32> to vector<1x16xf32>
        tpu.vector_store %arg17[%swap3A_1465, %swap3A_1466], %swap3A_1469 {strides = array<i32>} : memref<128x128xf32, #tpu.memory_space<vmem>>, vector<1x16xf32>,
        %slice3A_1470 = vector.extract_strided_slice %get3A_437 {offsets = [11], sizes = [1], strides = [1]} : vector<16xf32> to vector<1xf32>
        %squeeze3A_1471 = vector.extract %slice3A_1470[0] : f32 from vector<1xf32>
        %mul3A_1472 = arith.constant 16 : i32
        %mul3A_1473 = arith.muli %scan3A_431, %mul3A_1472 : i32
        %add3A_1474 = arith.constant 11 : i32
        %add3A_1475 = arith.addi %mul3A_1473, %add3A_1474 : i32
        %get3A_1476 = arith.index_cast %add3A_1475 : i32 to index
        %get3A_1477 = arith.constant 0 : index
        %get3A_1478 = tpu.vector_load %arg17[%get3A_1476, %get3A_1477] {strides = array<i32>} : memref<128x128xf32, #tpu.memory_space<vmem>>, vector<1x16xf32>,
        %get3A_1479 = vector.shape_cast %get3A_1478 : vector<1x16xf32> to vector<16xf32>
        %mul3A_1480 = vector.broadcast %squeeze3A_1471 : f32 to vector<16xf32>
        %mul3A_1481 = arith.mulf %get3A_1479, %mul3A_1480 : vector<16xf32>
        %swap3A_1482 = arith.index_cast %add3A_1475 : i32 to index
        %swap3A_1483 = arith.constant 0 : index
        %swap3A_1484 = tpu.vector_load %arg17[%swap3A_1482, %swap3A_1483] {strides = array<i32>} : memref<128x128xf32, #tpu.memory_space<vmem>>, vector<1x16xf32>,
        %swap3A_1485 = vector.shape_cast %swap3A_1484 : vector<1x16xf32> to vector<16xf32>
        %swap3A_1486 = vector.shape_cast %mul3A_1481 : vector<16xf32> to vector<1x16xf32>
        tpu.vector_store %arg17[%swap3A_1482, %swap3A_1483], %swap3A_1486 {strides = array<i32>} : memref<128x128xf32, #tpu.memory_space<vmem>>, vector<1x16xf32>,
        %get3A_1487 = arith.index_cast %add3A_1475 : i32 to index
        %get3A_1488 = arith.constant 16 : index
        %get3A_1489 = tpu.vector_load %arg17[%get3A_1487, %get3A_1488] {strides = array<i32>} : memref<128x128xf32, #tpu.memory_space<vmem>>, vector<1x16xf32>,
        %get3A_1490 = vector.shape_cast %get3A_1489 : vector<1x16xf32> to vector<16xf32>
        %mul3A_1491 = vector.broadcast %squeeze3A_1471 : f32 to vector<16xf32>
        %mul3A_1492 = arith.mulf %get3A_1490, %mul3A_1491 : vector<16xf32>
        %swap3A_1493 = arith.index_cast %add3A_1475 : i32 to index
        %swap3A_1494 = arith.constant 16 : index
        %swap3A_1495 = tpu.vector_load %arg17[%swap3A_1493, %swap3A_1494] {strides = array<i32>} : memref<128x128xf32, #tpu.memory_space<vmem>>, vector<1x16xf32>,
        %swap3A_1496 = vector.shape_cast %swap3A_1495 : vector<1x16xf32> to vector<16xf32>
        %swap3A_1497 = vector.shape_cast %mul3A_1492 : vector<16xf32> to vector<1x16xf32>
        tpu.vector_store %arg17[%swap3A_1493, %swap3A_1494], %swap3A_1497 {strides = array<i32>} : memref<128x128xf32, #tpu.memory_space<vmem>>, vector<1x16xf32>,
        %get3A_1498 = arith.index_cast %add3A_1475 : i32 to index
        %get3A_1499 = arith.constant 32 : index
        %get3A_1500 = tpu.vector_load %arg17[%get3A_1498, %get3A_1499] {strides = array<i32>} : memref<128x128xf32, #tpu.memory_space<vmem>>, vector<1x16xf32>,
        %get3A_1501 = vector.shape_cast %get3A_1500 : vector<1x16xf32> to vector<16xf32>
        %mul3A_1502 = vector.broadcast %squeeze3A_1471 : f32 to vector<16xf32>
        %mul3A_1503 = arith.mulf %get3A_1501, %mul3A_1502 : vector<16xf32>
        %swap3A_1504 = arith.index_cast %add3A_1475 : i32 to index
        %swap3A_1505 = arith.constant 32 : index
        %swap3A_1506 = tpu.vector_load %arg17[%swap3A_1504, %swap3A_1505] {strides = array<i32>} : memref<128x128xf32, #tpu.memory_space<vmem>>, vector<1x16xf32>,
        %swap3A_1507 = vector.shape_cast %swap3A_1506 : vector<1x16xf32> to vector<16xf32>
        %swap3A_1508 = vector.shape_cast %mul3A_1503 : vector<16xf32> to vector<1x16xf32>
        tpu.vector_store %arg17[%swap3A_1504, %swap3A_1505], %swap3A_1508 {strides = array<i32>} : memref<128x128xf32, #tpu.memory_space<vmem>>, vector<1x16xf32>,
        %get3A_1509 = arith.index_cast %add3A_1475 : i32 to index
        %get3A_1510 = arith.constant 48 : index
        %get3A_1511 = tpu.vector_load %arg17[%get3A_1509, %get3A_1510] {strides = array<i32>} : memref<128x128xf32, #tpu.memory_space<vmem>>, vector<1x16xf32>,
        %get3A_1512 = vector.shape_cast %get3A_1511 : vector<1x16xf32> to vector<16xf32>
        %mul3A_1513 = vector.broadcast %squeeze3A_1471 : f32 to vector<16xf32>
        %mul3A_1514 = arith.mulf %get3A_1512, %mul3A_1513 : vector<16xf32>
        %swap3A_1515 = arith.index_cast %add3A_1475 : i32 to index
        %swap3A_1516 = arith.constant 48 : index
        %swap3A_1517 = tpu.vector_load %arg17[%swap3A_1515, %swap3A_1516] {strides = array<i32>} : memref<128x128xf32, #tpu.memory_space<vmem>>, vector<1x16xf32>,
        %swap3A_1518 = vector.shape_cast %swap3A_1517 : vector<1x16xf32> to vector<16xf32>
        %swap3A_1519 = vector.shape_cast %mul3A_1514 : vector<16xf32> to vector<1x16xf32>
        tpu.vector_store %arg17[%swap3A_1515, %swap3A_1516], %swap3A_1519 {strides = array<i32>} : memref<128x128xf32, #tpu.memory_space<vmem>>, vector<1x16xf32>,
        %get3A_1520 = arith.index_cast %add3A_1475 : i32 to index
        %get3A_1521 = arith.constant 64 : index
        %get3A_1522 = tpu.vector_load %arg17[%get3A_1520, %get3A_1521] {strides = array<i32>} : memref<128x128xf32, #tpu.memory_space<vmem>>, vector<1x16xf32>,
        %get3A_1523 = vector.shape_cast %get3A_1522 : vector<1x16xf32> to vector<16xf32>
        %mul3A_1524 = vector.broadcast %squeeze3A_1471 : f32 to vector<16xf32>
        %mul3A_1525 = arith.mulf %get3A_1523, %mul3A_1524 : vector<16xf32>
        %swap3A_1526 = arith.index_cast %add3A_1475 : i32 to index
        %swap3A_1527 = arith.constant 64 : index
        %swap3A_1528 = tpu.vector_load %arg17[%swap3A_1526, %swap3A_1527] {strides = array<i32>} : memref<128x128xf32, #tpu.memory_space<vmem>>, vector<1x16xf32>,
        %swap3A_1529 = vector.shape_cast %swap3A_1528 : vector<1x16xf32> to vector<16xf32>
        %swap3A_1530 = vector.shape_cast %mul3A_1525 : vector<16xf32> to vector<1x16xf32>
        tpu.vector_store %arg17[%swap3A_1526, %swap3A_1527], %swap3A_1530 {strides = array<i32>} : memref<128x128xf32, #tpu.memory_space<vmem>>, vector<1x16xf32>,
        %get3A_1531 = arith.index_cast %add3A_1475 : i32 to index
        %get3A_1532 = arith.constant 80 : index
        %get3A_1533 = tpu.vector_load %arg17[%get3A_1531, %get3A_1532] {strides = array<i32>} : memref<128x128xf32, #tpu.memory_space<vmem>>, vector<1x16xf32>,
        %get3A_1534 = vector.shape_cast %get3A_1533 : vector<1x16xf32> to vector<16xf32>
        %mul3A_1535 = vector.broadcast %squeeze3A_1471 : f32 to vector<16xf32>
        %mul3A_1536 = arith.mulf %get3A_1534, %mul3A_1535 : vector<16xf32>
        %swap3A_1537 = arith.index_cast %add3A_1475 : i32 to index
        %swap3A_1538 = arith.constant 80 : index
        %swap3A_1539 = tpu.vector_load %arg17[%swap3A_1537, %swap3A_1538] {strides = array<i32>} : memref<128x128xf32, #tpu.memory_space<vmem>>, vector<1x16xf32>,
        %swap3A_1540 = vector.shape_cast %swap3A_1539 : vector<1x16xf32> to vector<16xf32>
        %swap3A_1541 = vector.shape_cast %mul3A_1536 : vector<16xf32> to vector<1x16xf32>
        tpu.vector_store %arg17[%swap3A_1537, %swap3A_1538], %swap3A_1541 {strides = array<i32>} : memref<128x128xf32, #tpu.memory_space<vmem>>, vector<1x16xf32>,
        %get3A_1542 = arith.index_cast %add3A_1475 : i32 to index
        %get3A_1543 = arith.constant 96 : index
        %get3A_1544 = tpu.vector_load %arg17[%get3A_1542, %get3A_1543] {strides = array<i32>} : memref<128x128xf32, #tpu.memory_space<vmem>>, vector<1x16xf32>,
        %get3A_1545 = vector.shape_cast %get3A_1544 : vector<1x16xf32> to vector<16xf32>
        %mul3A_1546 = vector.broadcast %squeeze3A_1471 : f32 to vector<16xf32>
        %mul3A_1547 = arith.mulf %get3A_1545, %mul3A_1546 : vector<16xf32>
        %swap3A_1548 = arith.index_cast %add3A_1475 : i32 to index
        %swap3A_1549 = arith.constant 96 : index
        %swap3A_1550 = tpu.vector_load %arg17[%swap3A_1548, %swap3A_1549] {strides = array<i32>} : memref<128x128xf32, #tpu.memory_space<vmem>>, vector<1x16xf32>,
        %swap3A_1551 = vector.shape_cast %swap3A_1550 : vector<1x16xf32> to vector<16xf32>
        %swap3A_1552 = vector.shape_cast %mul3A_1547 : vector<16xf32> to vector<1x16xf32>
        tpu.vector_store %arg17[%swap3A_1548, %swap3A_1549], %swap3A_1552 {strides = array<i32>} : memref<128x128xf32, #tpu.memory_space<vmem>>, vector<1x16xf32>,
        %get3A_1553 = arith.index_cast %add3A_1475 : i32 to index
        %get3A_1554 = arith.constant 112 : index
        %get3A_1555 = tpu.vector_load %arg17[%get3A_1553, %get3A_1554] {strides = array<i32>} : memref<128x128xf32, #tpu.memory_space<vmem>>, vector<1x16xf32>,
        %get3A_1556 = vector.shape_cast %get3A_1555 : vector<1x16xf32> to vector<16xf32>
        %mul3A_1557 = vector.broadcast %squeeze3A_1471 : f32 to vector<16xf32>
        %mul3A_1558 = arith.mulf %get3A_1556, %mul3A_1557 : vector<16xf32>
        %swap3A_1559 = arith.index_cast %add3A_1475 : i32 to index
        %swap3A_1560 = arith.constant 112 : index
        %swap3A_1561 = tpu.vector_load %arg17[%swap3A_1559, %swap3A_1560] {strides = array<i32>} : memref<128x128xf32, #tpu.memory_space<vmem>>, vector<1x16xf32>,
        %swap3A_1562 = vector.shape_cast %swap3A_1561 : vector<1x16xf32> to vector<16xf32>
        %swap3A_1563 = vector.shape_cast %mul3A_1558 : vector<16xf32> to vector<1x16xf32>
        tpu.vector_store %arg17[%swap3A_1559, %swap3A_1560], %swap3A_1563 {strides = array<i32>} : memref<128x128xf32, #tpu.memory_space<vmem>>, vector<1x16xf32>,
        %slice3A_1564 = vector.extract_strided_slice %get3A_437 {offsets = [12], sizes = [1], strides = [1]} : vector<16xf32> to vector<1xf32>
        %squeeze3A_1565 = vector.extract %slice3A_1564[0] : f32 from vector<1xf32>
        %mul3A_1566 = arith.constant 16 : i32
        %mul3A_1567 = arith.muli %scan3A_431, %mul3A_1566 : i32
        %add3A_1568 = arith.constant 12 : i32
        %add3A_1569 = arith.addi %mul3A_1567, %add3A_1568 : i32
        %get3A_1570 = arith.index_cast %add3A_1569 : i32 to index
        %get3A_1571 = arith.constant 0 : index
        %get3A_1572 = tpu.vector_load %arg17[%get3A_1570, %get3A_1571] {strides = array<i32>} : memref<128x128xf32, #tpu.memory_space<vmem>>, vector<1x16xf32>,
        %get3A_1573 = vector.shape_cast %get3A_1572 : vector<1x16xf32> to vector<16xf32>
        %mul3A_1574 = vector.broadcast %squeeze3A_1565 : f32 to vector<16xf32>
        %mul3A_1575 = arith.mulf %get3A_1573, %mul3A_1574 : vector<16xf32>
        %swap3A_1576 = arith.index_cast %add3A_1569 : i32 to index
        %swap3A_1577 = arith.constant 0 : index
        %swap3A_1578 = tpu.vector_load %arg17[%swap3A_1576, %swap3A_1577] {strides = array<i32>} : memref<128x128xf32, #tpu.memory_space<vmem>>, vector<1x16xf32>,
        %swap3A_1579 = vector.shape_cast %swap3A_1578 : vector<1x16xf32> to vector<16xf32>
        %swap3A_1580 = vector.shape_cast %mul3A_1575 : vector<16xf32> to vector<1x16xf32>
        tpu.vector_store %arg17[%swap3A_1576, %swap3A_1577], %swap3A_1580 {strides = array<i32>} : memref<128x128xf32, #tpu.memory_space<vmem>>, vector<1x16xf32>,
        %get3A_1581 = arith.index_cast %add3A_1569 : i32 to index
        %get3A_1582 = arith.constant 16 : index
        %get3A_1583 = tpu.vector_load %arg17[%get3A_1581, %get3A_1582] {strides = array<i32>} : memref<128x128xf32, #tpu.memory_space<vmem>>, vector<1x16xf32>,
        %get3A_1584 = vector.shape_cast %get3A_1583 : vector<1x16xf32> to vector<16xf32>
        %mul3A_1585 = vector.broadcast %squeeze3A_1565 : f32 to vector<16xf32>
        %mul3A_1586 = arith.mulf %get3A_1584, %mul3A_1585 : vector<16xf32>
        %swap3A_1587 = arith.index_cast %add3A_1569 : i32 to index
        %swap3A_1588 = arith.constant 16 : index
        %swap3A_1589 = tpu.vector_load %arg17[%swap3A_1587, %swap3A_1588] {strides = array<i32>} : memref<128x128xf32, #tpu.memory_space<vmem>>, vector<1x16xf32>,
        %swap3A_1590 = vector.shape_cast %swap3A_1589 : vector<1x16xf32> to vector<16xf32>
        %swap3A_1591 = vector.shape_cast %mul3A_1586 : vector<16xf32> to vector<1x16xf32>
        tpu.vector_store %arg17[%swap3A_1587, %swap3A_1588], %swap3A_1591 {strides = array<i32>} : memref<128x128xf32, #tpu.memory_space<vmem>>, vector<1x16xf32>,
        %get3A_1592 = arith.index_cast %add3A_1569 : i32 to index
        %get3A_1593 = arith.constant 32 : index
        %get3A_1594 = tpu.vector_load %arg17[%get3A_1592, %get3A_1593] {strides = array<i32>} : memref<128x128xf32, #tpu.memory_space<vmem>>, vector<1x16xf32>,
        %get3A_1595 = vector.shape_cast %get3A_1594 : vector<1x16xf32> to vector<16xf32>
        %mul3A_1596 = vector.broadcast %squeeze3A_1565 : f32 to vector<16xf32>
        %mul3A_1597 = arith.mulf %get3A_1595, %mul3A_1596 : vector<16xf32>
        %swap3A_1598 = arith.index_cast %add3A_1569 : i32 to index
        %swap3A_1599 = arith.constant 32 : index
        %swap3A_1600 = tpu.vector_load %arg17[%swap3A_1598, %swap3A_1599] {strides = array<i32>} : memref<128x128xf32, #tpu.memory_space<vmem>>, vector<1x16xf32>,
        %swap3A_1601 = vector.shape_cast %swap3A_1600 : vector<1x16xf32> to vector<16xf32>
        %swap3A_1602 = vector.shape_cast %mul3A_1597 : vector<16xf32> to vector<1x16xf32>
        tpu.vector_store %arg17[%swap3A_1598, %swap3A_1599], %swap3A_1602 {strides = array<i32>} : memref<128x128xf32, #tpu.memory_space<vmem>>, vector<1x16xf32>,
        %get3A_1603 = arith.index_cast %add3A_1569 : i32 to index
        %get3A_1604 = arith.constant 48 : index
        %get3A_1605 = tpu.vector_load %arg17[%get3A_1603, %get3A_1604] {strides = array<i32>} : memref<128x128xf32, #tpu.memory_space<vmem>>, vector<1x16xf32>,
        %get3A_1606 = vector.shape_cast %get3A_1605 : vector<1x16xf32> to vector<16xf32>
        %mul3A_1607 = vector.broadcast %squeeze3A_1565 : f32 to vector<16xf32>
        %mul3A_1608 = arith.mulf %get3A_1606, %mul3A_1607 : vector<16xf32>
        %swap3A_1609 = arith.index_cast %add3A_1569 : i32 to index
        %swap3A_1610 = arith.constant 48 : index
        %swap3A_1611 = tpu.vector_load %arg17[%swap3A_1609, %swap3A_1610] {strides = array<i32>} : memref<128x128xf32, #tpu.memory_space<vmem>>, vector<1x16xf32>,
        %swap3A_1612 = vector.shape_cast %swap3A_1611 : vector<1x16xf32> to vector<16xf32>
        %swap3A_1613 = vector.shape_cast %mul3A_1608 : vector<16xf32> to vector<1x16xf32>
        tpu.vector_store %arg17[%swap3A_1609, %swap3A_1610], %swap3A_1613 {strides = array<i32>} : memref<128x128xf32, #tpu.memory_space<vmem>>, vector<1x16xf32>,
        %get3A_1614 = arith.index_cast %add3A_1569 : i32 to index
        %get3A_1615 = arith.constant 64 : index
        %get3A_1616 = tpu.vector_load %arg17[%get3A_1614, %get3A_1615] {strides = array<i32>} : memref<128x128xf32, #tpu.memory_space<vmem>>, vector<1x16xf32>,
        %get3A_1617 = vector.shape_cast %get3A_1616 : vector<1x16xf32> to vector<16xf32>
        %mul3A_1618 = vector.broadcast %squeeze3A_1565 : f32 to vector<16xf32>
        %mul3A_1619 = arith.mulf %get3A_1617, %mul3A_1618 : vector<16xf32>
        %swap3A_1620 = arith.index_cast %add3A_1569 : i32 to index
        %swap3A_1621 = arith.constant 64 : index
        %swap3A_1622 = tpu.vector_load %arg17[%swap3A_1620, %swap3A_1621] {strides = array<i32>} : memref<128x128xf32, #tpu.memory_space<vmem>>, vector<1x16xf32>,
        %swap3A_1623 = vector.shape_cast %swap3A_1622 : vector<1x16xf32> to vector<16xf32>
        %swap3A_1624 = vector.shape_cast %mul3A_1619 : vector<16xf32> to vector<1x16xf32>
        tpu.vector_store %arg17[%swap3A_1620, %swap3A_1621], %swap3A_1624 {strides = array<i32>} : memref<128x128xf32, #tpu.memory_space<vmem>>, vector<1x16xf32>,
        %get3A_1625 = arith.index_cast %add3A_1569 : i32 to index
        %get3A_1626 = arith.constant 80 : index
        %get3A_1627 = tpu.vector_load %arg17[%get3A_1625, %get3A_1626] {strides = array<i32>} : memref<128x128xf32, #tpu.memory_space<vmem>>, vector<1x16xf32>,
        %get3A_1628 = vector.shape_cast %get3A_1627 : vector<1x16xf32> to vector<16xf32>
        %mul3A_1629 = vector.broadcast %squeeze3A_1565 : f32 to vector<16xf32>
        %mul3A_1630 = arith.mulf %get3A_1628, %mul3A_1629 : vector<16xf32>
        %swap3A_1631 = arith.index_cast %add3A_1569 : i32 to index
        %swap3A_1632 = arith.constant 80 : index
        %swap3A_1633 = tpu.vector_load %arg17[%swap3A_1631, %swap3A_1632] {strides = array<i32>} : memref<128x128xf32, #tpu.memory_space<vmem>>, vector<1x16xf32>,
        %swap3A_1634 = vector.shape_cast %swap3A_1633 : vector<1x16xf32> to vector<16xf32>
        %swap3A_1635 = vector.shape_cast %mul3A_1630 : vector<16xf32> to vector<1x16xf32>
        tpu.vector_store %arg17[%swap3A_1631, %swap3A_1632], %swap3A_1635 {strides = array<i32>} : memref<128x128xf32, #tpu.memory_space<vmem>>, vector<1x16xf32>,
        %get3A_1636 = arith.index_cast %add3A_1569 : i32 to index
        %get3A_1637 = arith.constant 96 : index
        %get3A_1638 = tpu.vector_load %arg17[%get3A_1636, %get3A_1637] {strides = array<i32>} : memref<128x128xf32, #tpu.memory_space<vmem>>, vector<1x16xf32>,
        %get3A_1639 = vector.shape_cast %get3A_1638 : vector<1x16xf32> to vector<16xf32>
        %mul3A_1640 = vector.broadcast %squeeze3A_1565 : f32 to vector<16xf32>
        %mul3A_1641 = arith.mulf %get3A_1639, %mul3A_1640 : vector<16xf32>
        %swap3A_1642 = arith.index_cast %add3A_1569 : i32 to index
        %swap3A_1643 = arith.constant 96 : index
        %swap3A_1644 = tpu.vector_load %arg17[%swap3A_1642, %swap3A_1643] {strides = array<i32>} : memref<128x128xf32, #tpu.memory_space<vmem>>, vector<1x16xf32>,
        %swap3A_1645 = vector.shape_cast %swap3A_1644 : vector<1x16xf32> to vector<16xf32>
        %swap3A_1646 = vector.shape_cast %mul3A_1641 : vector<16xf32> to vector<1x16xf32>
        tpu.vector_store %arg17[%swap3A_1642, %swap3A_1643], %swap3A_1646 {strides = array<i32>} : memref<128x128xf32, #tpu.memory_space<vmem>>, vector<1x16xf32>,
        %get3A_1647 = arith.index_cast %add3A_1569 : i32 to index
        %get3A_1648 = arith.constant 112 : index
        %get3A_1649 = tpu.vector_load %arg17[%get3A_1647, %get3A_1648] {strides = array<i32>} : memref<128x128xf32, #tpu.memory_space<vmem>>, vector<1x16xf32>,
        %get3A_1650 = vector.shape_cast %get3A_1649 : vector<1x16xf32> to vector<16xf32>
        %mul3A_1651 = vector.broadcast %squeeze3A_1565 : f32 to vector<16xf32>
        %mul3A_1652 = arith.mulf %get3A_1650, %mul3A_1651 : vector<16xf32>
        %swap3A_1653 = arith.index_cast %add3A_1569 : i32 to index
        %swap3A_1654 = arith.constant 112 : index
        %swap3A_1655 = tpu.vector_load %arg17[%swap3A_1653, %swap3A_1654] {strides = array<i32>} : memref<128x128xf32, #tpu.memory_space<vmem>>, vector<1x16xf32>,
        %swap3A_1656 = vector.shape_cast %swap3A_1655 : vector<1x16xf32> to vector<16xf32>
        %swap3A_1657 = vector.shape_cast %mul3A_1652 : vector<16xf32> to vector<1x16xf32>
        tpu.vector_store %arg17[%swap3A_1653, %swap3A_1654], %swap3A_1657 {strides = array<i32>} : memref<128x128xf32, #tpu.memory_space<vmem>>, vector<1x16xf32>,
        %slice3A_1658 = vector.extract_strided_slice %get3A_437 {offsets = [13], sizes = [1], strides = [1]} : vector<16xf32> to vector<1xf32>
        %squeeze3A_1659 = vector.extract %slice3A_1658[0] : f32 from vector<1xf32>
        %mul3A_1660 = arith.constant 16 : i32
        %mul3A_1661 = arith.muli %scan3A_431, %mul3A_1660 : i32
        %add3A_1662 = arith.constant 13 : i32
        %add3A_1663 = arith.addi %mul3A_1661, %add3A_1662 : i32
        %get3A_1664 = arith.index_cast %add3A_1663 : i32 to index
        %get3A_1665 = arith.constant 0 : index
        %get3A_1666 = tpu.vector_load %arg17[%get3A_1664, %get3A_1665] {strides = array<i32>} : memref<128x128xf32, #tpu.memory_space<vmem>>, vector<1x16xf32>,
        %get3A_1667 = vector.shape_cast %get3A_1666 : vector<1x16xf32> to vector<16xf32>
        %mul3A_1668 = vector.broadcast %squeeze3A_1659 : f32 to vector<16xf32>
        %mul3A_1669 = arith.mulf %get3A_1667, %mul3A_1668 : vector<16xf32>
        %swap3A_1670 = arith.index_cast %add3A_1663 : i32 to index
        %swap3A_1671 = arith.constant 0 : index
        %swap3A_1672 = tpu.vector_load %arg17[%swap3A_1670, %swap3A_1671] {strides = array<i32>} : memref<128x128xf32, #tpu.memory_space<vmem>>, vector<1x16xf32>,
        %swap3A_1673 = vector.shape_cast %swap3A_1672 : vector<1x16xf32> to vector<16xf32>
        %swap3A_1674 = vector.shape_cast %mul3A_1669 : vector<16xf32> to vector<1x16xf32>
        tpu.vector_store %arg17[%swap3A_1670, %swap3A_1671], %swap3A_1674 {strides = array<i32>} : memref<128x128xf32, #tpu.memory_space<vmem>>, vector<1x16xf32>,
        %get3A_1675 = arith.index_cast %add3A_1663 : i32 to index
        %get3A_1676 = arith.constant 16 : index
        %get3A_1677 = tpu.vector_load %arg17[%get3A_1675, %get3A_1676] {strides = array<i32>} : memref<128x128xf32, #tpu.memory_space<vmem>>, vector<1x16xf32>,
        %get3A_1678 = vector.shape_cast %get3A_1677 : vector<1x16xf32> to vector<16xf32>
        %mul3A_1679 = vector.broadcast %squeeze3A_1659 : f32 to vector<16xf32>
        %mul3A_1680 = arith.mulf %get3A_1678, %mul3A_1679 : vector<16xf32>
        %swap3A_1681 = arith.index_cast %add3A_1663 : i32 to index
        %swap3A_1682 = arith.constant 16 : index
        %swap3A_1683 = tpu.vector_load %arg17[%swap3A_1681, %swap3A_1682] {strides = array<i32>} : memref<128x128xf32, #tpu.memory_space<vmem>>, vector<1x16xf32>,
        %swap3A_1684 = vector.shape_cast %swap3A_1683 : vector<1x16xf32> to vector<16xf32>
        %swap3A_1685 = vector.shape_cast %mul3A_1680 : vector<16xf32> to vector<1x16xf32>
        tpu.vector_store %arg17[%swap3A_1681, %swap3A_1682], %swap3A_1685 {strides = array<i32>} : memref<128x128xf32, #tpu.memory_space<vmem>>, vector<1x16xf32>,
        %get3A_1686 = arith.index_cast %add3A_1663 : i32 to index
        %get3A_1687 = arith.constant 32 : index
        %get3A_1688 = tpu.vector_load %arg17[%get3A_1686, %get3A_1687] {strides = array<i32>} : memref<128x128xf32, #tpu.memory_space<vmem>>, vector<1x16xf32>,
        %get3A_1689 = vector.shape_cast %get3A_1688 : vector<1x16xf32> to vector<16xf32>
        %mul3A_1690 = vector.broadcast %squeeze3A_1659 : f32 to vector<16xf32>
        %mul3A_1691 = arith.mulf %get3A_1689, %mul3A_1690 : vector<16xf32>
        %swap3A_1692 = arith.index_cast %add3A_1663 : i32 to index
        %swap3A_1693 = arith.constant 32 : index
        %swap3A_1694 = tpu.vector_load %arg17[%swap3A_1692, %swap3A_1693] {strides = array<i32>} : memref<128x128xf32, #tpu.memory_space<vmem>>, vector<1x16xf32>,
        %swap3A_1695 = vector.shape_cast %swap3A_1694 : vector<1x16xf32> to vector<16xf32>
        %swap3A_1696 = vector.shape_cast %mul3A_1691 : vector<16xf32> to vector<1x16xf32>
        tpu.vector_store %arg17[%swap3A_1692, %swap3A_1693], %swap3A_1696 {strides = array<i32>} : memref<128x128xf32, #tpu.memory_space<vmem>>, vector<1x16xf32>,
        %get3A_1697 = arith.index_cast %add3A_1663 : i32 to index
        %get3A_1698 = arith.constant 48 : index
        %get3A_1699 = tpu.vector_load %arg17[%get3A_1697, %get3A_1698] {strides = array<i32>} : memref<128x128xf32, #tpu.memory_space<vmem>>, vector<1x16xf32>,
        %get3A_1700 = vector.shape_cast %get3A_1699 : vector<1x16xf32> to vector<16xf32>
        %mul3A_1701 = vector.broadcast %squeeze3A_1659 : f32 to vector<16xf32>
        %mul3A_1702 = arith.mulf %get3A_1700, %mul3A_1701 : vector<16xf32>
        %swap3A_1703 = arith.index_cast %add3A_1663 : i32 to index
        %swap3A_1704 = arith.constant 48 : index
        %swap3A_1705 = tpu.vector_load %arg17[%swap3A_1703, %swap3A_1704] {strides = array<i32>} : memref<128x128xf32, #tpu.memory_space<vmem>>, vector<1x16xf32>,
        %swap3A_1706 = vector.shape_cast %swap3A_1705 : vector<1x16xf32> to vector<16xf32>
        %swap3A_1707 = vector.shape_cast %mul3A_1702 : vector<16xf32> to vector<1x16xf32>
        tpu.vector_store %arg17[%swap3A_1703, %swap3A_1704], %swap3A_1707 {strides = array<i32>} : memref<128x128xf32, #tpu.memory_space<vmem>>, vector<1x16xf32>,
        %get3A_1708 = arith.index_cast %add3A_1663 : i32 to index
        %get3A_1709 = arith.constant 64 : index
        %get3A_1710 = tpu.vector_load %arg17[%get3A_1708, %get3A_1709] {strides = array<i32>} : memref<128x128xf32, #tpu.memory_space<vmem>>, vector<1x16xf32>,
        %get3A_1711 = vector.shape_cast %get3A_1710 : vector<1x16xf32> to vector<16xf32>
        %mul3A_1712 = vector.broadcast %squeeze3A_1659 : f32 to vector<16xf32>
        %mul3A_1713 = arith.mulf %get3A_1711, %mul3A_1712 : vector<16xf32>
        %swap3A_1714 = arith.index_cast %add3A_1663 : i32 to index
        %swap3A_1715 = arith.constant 64 : index
        %swap3A_1716 = tpu.vector_load %arg17[%swap3A_1714, %swap3A_1715] {strides = array<i32>} : memref<128x128xf32, #tpu.memory_space<vmem>>, vector<1x16xf32>,
        %swap3A_1717 = vector.shape_cast %swap3A_1716 : vector<1x16xf32> to vector<16xf32>
        %swap3A_1718 = vector.shape_cast %mul3A_1713 : vector<16xf32> to vector<1x16xf32>
        tpu.vector_store %arg17[%swap3A_1714, %swap3A_1715], %swap3A_1718 {strides = array<i32>} : memref<128x128xf32, #tpu.memory_space<vmem>>, vector<1x16xf32>,
        %get3A_1719 = arith.index_cast %add3A_1663 : i32 to index
        %get3A_1720 = arith.constant 80 : index
        %get3A_1721 = tpu.vector_load %arg17[%get3A_1719, %get3A_1720] {strides = array<i32>} : memref<128x128xf32, #tpu.memory_space<vmem>>, vector<1x16xf32>,
        %get3A_1722 = vector.shape_cast %get3A_1721 : vector<1x16xf32> to vector<16xf32>
        %mul3A_1723 = vector.broadcast %squeeze3A_1659 : f32 to vector<16xf32>
        %mul3A_1724 = arith.mulf %get3A_1722, %mul3A_1723 : vector<16xf32>
        %swap3A_1725 = arith.index_cast %add3A_1663 : i32 to index
        %swap3A_1726 = arith.constant 80 : index
        %swap3A_1727 = tpu.vector_load %arg17[%swap3A_1725, %swap3A_1726] {strides = array<i32>} : memref<128x128xf32, #tpu.memory_space<vmem>>, vector<1x16xf32>,
        %swap3A_1728 = vector.shape_cast %swap3A_1727 : vector<1x16xf32> to vector<16xf32>
        %swap3A_1729 = vector.shape_cast %mul3A_1724 : vector<16xf32> to vector<1x16xf32>
        tpu.vector_store %arg17[%swap3A_1725, %swap3A_1726], %swap3A_1729 {strides = array<i32>} : memref<128x128xf32, #tpu.memory_space<vmem>>, vector<1x16xf32>,
        %get3A_1730 = arith.index_cast %add3A_1663 : i32 to index
        %get3A_1731 = arith.constant 96 : index
        %get3A_1732 = tpu.vector_load %arg17[%get3A_1730, %get3A_1731] {strides = array<i32>} : memref<128x128xf32, #tpu.memory_space<vmem>>, vector<1x16xf32>,
        %get3A_1733 = vector.shape_cast %get3A_1732 : vector<1x16xf32> to vector<16xf32>
        %mul3A_1734 = vector.broadcast %squeeze3A_1659 : f32 to vector<16xf32>
        %mul3A_1735 = arith.mulf %get3A_1733, %mul3A_1734 : vector<16xf32>
        %swap3A_1736 = arith.index_cast %add3A_1663 : i32 to index
        %swap3A_1737 = arith.constant 96 : index
        %swap3A_1738 = tpu.vector_load %arg17[%swap3A_1736, %swap3A_1737] {strides = array<i32>} : memref<128x128xf32, #tpu.memory_space<vmem>>, vector<1x16xf32>,
        %swap3A_1739 = vector.shape_cast %swap3A_1738 : vector<1x16xf32> to vector<16xf32>
        %swap3A_1740 = vector.shape_cast %mul3A_1735 : vector<16xf32> to vector<1x16xf32>
        tpu.vector_store %arg17[%swap3A_1736, %swap3A_1737], %swap3A_1740 {strides = array<i32>} : memref<128x128xf32, #tpu.memory_space<vmem>>, vector<1x16xf32>,
        %get3A_1741 = arith.index_cast %add3A_1663 : i32 to index
        %get3A_1742 = arith.constant 112 : index
        %get3A_1743 = tpu.vector_load %arg17[%get3A_1741, %get3A_1742] {strides = array<i32>} : memref<128x128xf32, #tpu.memory_space<vmem>>, vector<1x16xf32>,
        %get3A_1744 = vector.shape_cast %get3A_1743 : vector<1x16xf32> to vector<16xf32>
        %mul3A_1745 = vector.broadcast %squeeze3A_1659 : f32 to vector<16xf32>
        %mul3A_1746 = arith.mulf %get3A_1744, %mul3A_1745 : vector<16xf32>
        %swap3A_1747 = arith.index_cast %add3A_1663 : i32 to index
        %swap3A_1748 = arith.constant 112 : index
        %swap3A_1749 = tpu.vector_load %arg17[%swap3A_1747, %swap3A_1748] {strides = array<i32>} : memref<128x128xf32, #tpu.memory_space<vmem>>, vector<1x16xf32>,
        %swap3A_1750 = vector.shape_cast %swap3A_1749 : vector<1x16xf32> to vector<16xf32>
        %swap3A_1751 = vector.shape_cast %mul3A_1746 : vector<16xf32> to vector<1x16xf32>
        tpu.vector_store %arg17[%swap3A_1747, %swap3A_1748], %swap3A_1751 {strides = array<i32>} : memref<128x128xf32, #tpu.memory_space<vmem>>, vector<1x16xf32>,
        %slice3A_1752 = vector.extract_strided_slice %get3A_437 {offsets = [14], sizes = [1], strides = [1]} : vector<16xf32> to vector<1xf32>
        %squeeze3A_1753 = vector.extract %slice3A_1752[0] : f32 from vector<1xf32>
        %mul3A_1754 = arith.constant 16 : i32
        %mul3A_1755 = arith.muli %scan3A_431, %mul3A_1754 : i32
        %add3A_1756 = arith.constant 14 : i32
        %add3A_1757 = arith.addi %mul3A_1755, %add3A_1756 : i32
        %get3A_1758 = arith.index_cast %add3A_1757 : i32 to index
        %get3A_1759 = arith.constant 0 : index
        %get3A_1760 = tpu.vector_load %arg17[%get3A_1758, %get3A_1759] {strides = array<i32>} : memref<128x128xf32, #tpu.memory_space<vmem>>, vector<1x16xf32>,
        %get3A_1761 = vector.shape_cast %get3A_1760 : vector<1x16xf32> to vector<16xf32>
        %mul3A_1762 = vector.broadcast %squeeze3A_1753 : f32 to vector<16xf32>
        %mul3A_1763 = arith.mulf %get3A_1761, %mul3A_1762 : vector<16xf32>
        %swap3A_1764 = arith.index_cast %add3A_1757 : i32 to index
        %swap3A_1765 = arith.constant 0 : index
        %swap3A_1766 = tpu.vector_load %arg17[%swap3A_1764, %swap3A_1765] {strides = array<i32>} : memref<128x128xf32, #tpu.memory_space<vmem>>, vector<1x16xf32>,
        %swap3A_1767 = vector.shape_cast %swap3A_1766 : vector<1x16xf32> to vector<16xf32>
        %swap3A_1768 = vector.shape_cast %mul3A_1763 : vector<16xf32> to vector<1x16xf32>
        tpu.vector_store %arg17[%swap3A_1764, %swap3A_1765], %swap3A_1768 {strides = array<i32>} : memref<128x128xf32, #tpu.memory_space<vmem>>, vector<1x16xf32>,
        %get3A_1769 = arith.index_cast %add3A_1757 : i32 to index
        %get3A_1770 = arith.constant 16 : index
        %get3A_1771 = tpu.vector_load %arg17[%get3A_1769, %get3A_1770] {strides = array<i32>} : memref<128x128xf32, #tpu.memory_space<vmem>>, vector<1x16xf32>,
        %get3A_1772 = vector.shape_cast %get3A_1771 : vector<1x16xf32> to vector<16xf32>
        %mul3A_1773 = vector.broadcast %squeeze3A_1753 : f32 to vector<16xf32>
        %mul3A_1774 = arith.mulf %get3A_1772, %mul3A_1773 : vector<16xf32>
        %swap3A_1775 = arith.index_cast %add3A_1757 : i32 to index
        %swap3A_1776 = arith.constant 16 : index
        %swap3A_1777 = tpu.vector_load %arg17[%swap3A_1775, %swap3A_1776] {strides = array<i32>} : memref<128x128xf32, #tpu.memory_space<vmem>>, vector<1x16xf32>,
        %swap3A_1778 = vector.shape_cast %swap3A_1777 : vector<1x16xf32> to vector<16xf32>
        %swap3A_1779 = vector.shape_cast %mul3A_1774 : vector<16xf32> to vector<1x16xf32>
        tpu.vector_store %arg17[%swap3A_1775, %swap3A_1776], %swap3A_1779 {strides = array<i32>} : memref<128x128xf32, #tpu.memory_space<vmem>>, vector<1x16xf32>,
        %get3A_1780 = arith.index_cast %add3A_1757 : i32 to index
        %get3A_1781 = arith.constant 32 : index
        %get3A_1782 = tpu.vector_load %arg17[%get3A_1780, %get3A_1781] {strides = array<i32>} : memref<128x128xf32, #tpu.memory_space<vmem>>, vector<1x16xf32>,
        %get3A_1783 = vector.shape_cast %get3A_1782 : vector<1x16xf32> to vector<16xf32>
        %mul3A_1784 = vector.broadcast %squeeze3A_1753 : f32 to vector<16xf32>
        %mul3A_1785 = arith.mulf %get3A_1783, %mul3A_1784 : vector<16xf32>
        %swap3A_1786 = arith.index_cast %add3A_1757 : i32 to index
        %swap3A_1787 = arith.constant 32 : index
        %swap3A_1788 = tpu.vector_load %arg17[%swap3A_1786, %swap3A_1787] {strides = array<i32>} : memref<128x128xf32, #tpu.memory_space<vmem>>, vector<1x16xf32>,
        %swap3A_1789 = vector.shape_cast %swap3A_1788 : vector<1x16xf32> to vector<16xf32>
        %swap3A_1790 = vector.shape_cast %mul3A_1785 : vector<16xf32> to vector<1x16xf32>
        tpu.vector_store %arg17[%swap3A_1786, %swap3A_1787], %swap3A_1790 {strides = array<i32>} : memref<128x128xf32, #tpu.memory_space<vmem>>, vector<1x16xf32>,
        %get3A_1791 = arith.index_cast %add3A_1757 : i32 to index
        %get3A_1792 = arith.constant 48 : index
        %get3A_1793 = tpu.vector_load %arg17[%get3A_1791, %get3A_1792] {strides = array<i32>} : memref<128x128xf32, #tpu.memory_space<vmem>>, vector<1x16xf32>,
        %get3A_1794 = vector.shape_cast %get3A_1793 : vector<1x16xf32> to vector<16xf32>
        %mul3A_1795 = vector.broadcast %squeeze3A_1753 : f32 to vector<16xf32>
        %mul3A_1796 = arith.mulf %get3A_1794, %mul3A_1795 : vector<16xf32>
        %swap3A_1797 = arith.index_cast %add3A_1757 : i32 to index
        %swap3A_1798 = arith.constant 48 : index
        %swap3A_1799 = tpu.vector_load %arg17[%swap3A_1797, %swap3A_1798] {strides = array<i32>} : memref<128x128xf32, #tpu.memory_space<vmem>>, vector<1x16xf32>,
        %swap3A_1800 = vector.shape_cast %swap3A_1799 : vector<1x16xf32> to vector<16xf32>
        %swap3A_1801 = vector.shape_cast %mul3A_1796 : vector<16xf32> to vector<1x16xf32>
        tpu.vector_store %arg17[%swap3A_1797, %swap3A_1798], %swap3A_1801 {strides = array<i32>} : memref<128x128xf32, #tpu.memory_space<vmem>>, vector<1x16xf32>,
        %get3A_1802 = arith.index_cast %add3A_1757 : i32 to index
        %get3A_1803 = arith.constant 64 : index
        %get3A_1804 = tpu.vector_load %arg17[%get3A_1802, %get3A_1803] {strides = array<i32>} : memref<128x128xf32, #tpu.memory_space<vmem>>, vector<1x16xf32>,
        %get3A_1805 = vector.shape_cast %get3A_1804 : vector<1x16xf32> to vector<16xf32>
        %mul3A_1806 = vector.broadcast %squeeze3A_1753 : f32 to vector<16xf32>
        %mul3A_1807 = arith.mulf %get3A_1805, %mul3A_1806 : vector<16xf32>
        %swap3A_1808 = arith.index_cast %add3A_1757 : i32 to index
        %swap3A_1809 = arith.constant 64 : index
        %swap3A_1810 = tpu.vector_load %arg17[%swap3A_1808, %swap3A_1809] {strides = array<i32>} : memref<128x128xf32, #tpu.memory_space<vmem>>, vector<1x16xf32>,
        %swap3A_1811 = vector.shape_cast %swap3A_1810 : vector<1x16xf32> to vector<16xf32>
        %swap3A_1812 = vector.shape_cast %mul3A_1807 : vector<16xf32> to vector<1x16xf32>
        tpu.vector_store %arg17[%swap3A_1808, %swap3A_1809], %swap3A_1812 {strides = array<i32>} : memref<128x128xf32, #tpu.memory_space<vmem>>, vector<1x16xf32>,
        %get3A_1813 = arith.index_cast %add3A_1757 : i32 to index
        %get3A_1814 = arith.constant 80 : index
        %get3A_1815 = tpu.vector_load %arg17[%get3A_1813, %get3A_1814] {strides = array<i32>} : memref<128x128xf32, #tpu.memory_space<vmem>>, vector<1x16xf32>,
        %get3A_1816 = vector.shape_cast %get3A_1815 : vector<1x16xf32> to vector<16xf32>
        %mul3A_1817 = vector.broadcast %squeeze3A_1753 : f32 to vector<16xf32>
        %mul3A_1818 = arith.mulf %get3A_1816, %mul3A_1817 : vector<16xf32>
        %swap3A_1819 = arith.index_cast %add3A_1757 : i32 to index
        %swap3A_1820 = arith.constant 80 : index
        %swap3A_1821 = tpu.vector_load %arg17[%swap3A_1819, %swap3A_1820] {strides = array<i32>} : memref<128x128xf32, #tpu.memory_space<vmem>>, vector<1x16xf32>,
        %swap3A_1822 = vector.shape_cast %swap3A_1821 : vector<1x16xf32> to vector<16xf32>
        %swap3A_1823 = vector.shape_cast %mul3A_1818 : vector<16xf32> to vector<1x16xf32>
        tpu.vector_store %arg17[%swap3A_1819, %swap3A_1820], %swap3A_1823 {strides = array<i32>} : memref<128x128xf32, #tpu.memory_space<vmem>>, vector<1x16xf32>,
        %get3A_1824 = arith.index_cast %add3A_1757 : i32 to index
        %get3A_1825 = arith.constant 96 : index
        %get3A_1826 = tpu.vector_load %arg17[%get3A_1824, %get3A_1825] {strides = array<i32>} : memref<128x128xf32, #tpu.memory_space<vmem>>, vector<1x16xf32>,
        %get3A_1827 = vector.shape_cast %get3A_1826 : vector<1x16xf32> to vector<16xf32>
        %mul3A_1828 = vector.broadcast %squeeze3A_1753 : f32 to vector<16xf32>
        %mul3A_1829 = arith.mulf %get3A_1827, %mul3A_1828 : vector<16xf32>
        %swap3A_1830 = arith.index_cast %add3A_1757 : i32 to index
        %swap3A_1831 = arith.constant 96 : index
        %swap3A_1832 = tpu.vector_load %arg17[%swap3A_1830, %swap3A_1831] {strides = array<i32>} : memref<128x128xf32, #tpu.memory_space<vmem>>, vector<1x16xf32>,
        %swap3A_1833 = vector.shape_cast %swap3A_1832 : vector<1x16xf32> to vector<16xf32>
        %swap3A_1834 = vector.shape_cast %mul3A_1829 : vector<16xf32> to vector<1x16xf32>
        tpu.vector_store %arg17[%swap3A_1830, %swap3A_1831], %swap3A_1834 {strides = array<i32>} : memref<128x128xf32, #tpu.memory_space<vmem>>, vector<1x16xf32>,
        %get3A_1835 = arith.index_cast %add3A_1757 : i32 to index
        %get3A_1836 = arith.constant 112 : index
        %get3A_1837 = tpu.vector_load %arg17[%get3A_1835, %get3A_1836] {strides = array<i32>} : memref<128x128xf32, #tpu.memory_space<vmem>>, vector<1x16xf32>,
        %get3A_1838 = vector.shape_cast %get3A_1837 : vector<1x16xf32> to vector<16xf32>
        %mul3A_1839 = vector.broadcast %squeeze3A_1753 : f32 to vector<16xf32>
        %mul3A_1840 = arith.mulf %get3A_1838, %mul3A_1839 : vector<16xf32>
        %swap3A_1841 = arith.index_cast %add3A_1757 : i32 to index
        %swap3A_1842 = arith.constant 112 : index
        %swap3A_1843 = tpu.vector_load %arg17[%swap3A_1841, %swap3A_1842] {strides = array<i32>} : memref<128x128xf32, #tpu.memory_space<vmem>>, vector<1x16xf32>,
        %swap3A_1844 = vector.shape_cast %swap3A_1843 : vector<1x16xf32> to vector<16xf32>
        %swap3A_1845 = vector.shape_cast %mul3A_1840 : vector<16xf32> to vector<1x16xf32>
        tpu.vector_store %arg17[%swap3A_1841, %swap3A_1842], %swap3A_1845 {strides = array<i32>} : memref<128x128xf32, #tpu.memory_space<vmem>>, vector<1x16xf32>,
        %slice3A_1846 = vector.extract_strided_slice %get3A_437 {offsets = [15], sizes = [1], strides = [1]} : vector<16xf32> to vector<1xf32>
        %squeeze3A_1847 = vector.extract %slice3A_1846[0] : f32 from vector<1xf32>
        %mul3A_1848 = arith.constant 16 : i32
        %mul3A_1849 = arith.muli %scan3A_431, %mul3A_1848 : i32
        %add3A_1850 = arith.constant 15 : i32
        %add3A_1851 = arith.addi %mul3A_1849, %add3A_1850 : i32
        %get3A_1852 = arith.index_cast %add3A_1851 : i32 to index
        %get3A_1853 = arith.constant 0 : index
        %get3A_1854 = tpu.vector_load %arg17[%get3A_1852, %get3A_1853] {strides = array<i32>} : memref<128x128xf32, #tpu.memory_space<vmem>>, vector<1x16xf32>,
        %get3A_1855 = vector.shape_cast %get3A_1854 : vector<1x16xf32> to vector<16xf32>
        %mul3A_1856 = vector.broadcast %squeeze3A_1847 : f32 to vector<16xf32>
        %mul3A_1857 = arith.mulf %get3A_1855, %mul3A_1856 : vector<16xf32>
        %swap3A_1858 = arith.index_cast %add3A_1851 : i32 to index
        %swap3A_1859 = arith.constant 0 : index
        %swap3A_1860 = tpu.vector_load %arg17[%swap3A_1858, %swap3A_1859] {strides = array<i32>} : memref<128x128xf32, #tpu.memory_space<vmem>>, vector<1x16xf32>,
        %swap3A_1861 = vector.shape_cast %swap3A_1860 : vector<1x16xf32> to vector<16xf32>
        %swap3A_1862 = vector.shape_cast %mul3A_1857 : vector<16xf32> to vector<1x16xf32>
        tpu.vector_store %arg17[%swap3A_1858, %swap3A_1859], %swap3A_1862 {strides = array<i32>} : memref<128x128xf32, #tpu.memory_space<vmem>>, vector<1x16xf32>,
        %get3A_1863 = arith.index_cast %add3A_1851 : i32 to index
        %get3A_1864 = arith.constant 16 : index
        %get3A_1865 = tpu.vector_load %arg17[%get3A_1863, %get3A_1864] {strides = array<i32>} : memref<128x128xf32, #tpu.memory_space<vmem>>, vector<1x16xf32>,
        %get3A_1866 = vector.shape_cast %get3A_1865 : vector<1x16xf32> to vector<16xf32>
        %mul3A_1867 = vector.broadcast %squeeze3A_1847 : f32 to vector<16xf32>
        %mul3A_1868 = arith.mulf %get3A_1866, %mul3A_1867 : vector<16xf32>
        %swap3A_1869 = arith.index_cast %add3A_1851 : i32 to index
        %swap3A_1870 = arith.constant 16 : index
        %swap3A_1871 = tpu.vector_load %arg17[%swap3A_1869, %swap3A_1870] {strides = array<i32>} : memref<128x128xf32, #tpu.memory_space<vmem>>, vector<1x16xf32>,
        %swap3A_1872 = vector.shape_cast %swap3A_1871 : vector<1x16xf32> to vector<16xf32>
        %swap3A_1873 = vector.shape_cast %mul3A_1868 : vector<16xf32> to vector<1x16xf32>
        tpu.vector_store %arg17[%swap3A_1869, %swap3A_1870], %swap3A_1873 {strides = array<i32>} : memref<128x128xf32, #tpu.memory_space<vmem>>, vector<1x16xf32>,
        %get3A_1874 = arith.index_cast %add3A_1851 : i32 to index
        %get3A_1875 = arith.constant 32 : index
        %get3A_1876 = tpu.vector_load %arg17[%get3A_1874, %get3A_1875] {strides = array<i32>} : memref<128x128xf32, #tpu.memory_space<vmem>>, vector<1x16xf32>,
        %get3A_1877 = vector.shape_cast %get3A_1876 : vector<1x16xf32> to vector<16xf32>
        %mul3A_1878 = vector.broadcast %squeeze3A_1847 : f32 to vector<16xf32>
        %mul3A_1879 = arith.mulf %get3A_1877, %mul3A_1878 : vector<16xf32>
        %swap3A_1880 = arith.index_cast %add3A_1851 : i32 to index
        %swap3A_1881 = arith.constant 32 : index
        %swap3A_1882 = tpu.vector_load %arg17[%swap3A_1880, %swap3A_1881] {strides = array<i32>} : memref<128x128xf32, #tpu.memory_space<vmem>>, vector<1x16xf32>,
        %swap3A_1883 = vector.shape_cast %swap3A_1882 : vector<1x16xf32> to vector<16xf32>
        %swap3A_1884 = vector.shape_cast %mul3A_1879 : vector<16xf32> to vector<1x16xf32>
        tpu.vector_store %arg17[%swap3A_1880, %swap3A_1881], %swap3A_1884 {strides = array<i32>} : memref<128x128xf32, #tpu.memory_space<vmem>>, vector<1x16xf32>,
        %get3A_1885 = arith.index_cast %add3A_1851 : i32 to index
        %get3A_1886 = arith.constant 48 : index
        %get3A_1887 = tpu.vector_load %arg17[%get3A_1885, %get3A_1886] {strides = array<i32>} : memref<128x128xf32, #tpu.memory_space<vmem>>, vector<1x16xf32>,
        %get3A_1888 = vector.shape_cast %get3A_1887 : vector<1x16xf32> to vector<16xf32>
        %mul3A_1889 = vector.broadcast %squeeze3A_1847 : f32 to vector<16xf32>
        %mul3A_1890 = arith.mulf %get3A_1888, %mul3A_1889 : vector<16xf32>
        %swap3A_1891 = arith.index_cast %add3A_1851 : i32 to index
        %swap3A_1892 = arith.constant 48 : index
        %swap3A_1893 = tpu.vector_load %arg17[%swap3A_1891, %swap3A_1892] {strides = array<i32>} : memref<128x128xf32, #tpu.memory_space<vmem>>, vector<1x16xf32>,
        %swap3A_1894 = vector.shape_cast %swap3A_1893 : vector<1x16xf32> to vector<16xf32>
        %swap3A_1895 = vector.shape_cast %mul3A_1890 : vector<16xf32> to vector<1x16xf32>
        tpu.vector_store %arg17[%swap3A_1891, %swap3A_1892], %swap3A_1895 {strides = array<i32>} : memref<128x128xf32, #tpu.memory_space<vmem>>, vector<1x16xf32>,
        %get3A_1896 = arith.index_cast %add3A_1851 : i32 to index
        %get3A_1897 = arith.constant 64 : index
        %get3A_1898 = tpu.vector_load %arg17[%get3A_1896, %get3A_1897] {strides = array<i32>} : memref<128x128xf32, #tpu.memory_space<vmem>>, vector<1x16xf32>,
        %get3A_1899 = vector.shape_cast %get3A_1898 : vector<1x16xf32> to vector<16xf32>
        %mul3A_1900 = vector.broadcast %squeeze3A_1847 : f32 to vector<16xf32>
        %mul3A_1901 = arith.mulf %get3A_1899, %mul3A_1900 : vector<16xf32>
        %swap3A_1902 = arith.index_cast %add3A_1851 : i32 to index
        %swap3A_1903 = arith.constant 64 : index
        %swap3A_1904 = tpu.vector_load %arg17[%swap3A_1902, %swap3A_1903] {strides = array<i32>} : memref<128x128xf32, #tpu.memory_space<vmem>>, vector<1x16xf32>,
        %swap3A_1905 = vector.shape_cast %swap3A_1904 : vector<1x16xf32> to vector<16xf32>
        %swap3A_1906 = vector.shape_cast %mul3A_1901 : vector<16xf32> to vector<1x16xf32>
        tpu.vector_store %arg17[%swap3A_1902, %swap3A_1903], %swap3A_1906 {strides = array<i32>} : memref<128x128xf32, #tpu.memory_space<vmem>>, vector<1x16xf32>,
        %get3A_1907 = arith.index_cast %add3A_1851 : i32 to index
        %get3A_1908 = arith.constant 80 : index
        %get3A_1909 = tpu.vector_load %arg17[%get3A_1907, %get3A_1908] {strides = array<i32>} : memref<128x128xf32, #tpu.memory_space<vmem>>, vector<1x16xf32>,
        %get3A_1910 = vector.shape_cast %get3A_1909 : vector<1x16xf32> to vector<16xf32>
        %mul3A_1911 = vector.broadcast %squeeze3A_1847 : f32 to vector<16xf32>
        %mul3A_1912 = arith.mulf %get3A_1910, %mul3A_1911 : vector<16xf32>
        %swap3A_1913 = arith.index_cast %add3A_1851 : i32 to index
        %swap3A_1914 = arith.constant 80 : index
        %swap3A_1915 = tpu.vector_load %arg17[%swap3A_1913, %swap3A_1914] {strides = array<i32>} : memref<128x128xf32, #tpu.memory_space<vmem>>, vector<1x16xf32>,
        %swap3A_1916 = vector.shape_cast %swap3A_1915 : vector<1x16xf32> to vector<16xf32>
        %swap3A_1917 = vector.shape_cast %mul3A_1912 : vector<16xf32> to vector<1x16xf32>
        tpu.vector_store %arg17[%swap3A_1913, %swap3A_1914], %swap3A_1917 {strides = array<i32>} : memref<128x128xf32, #tpu.memory_space<vmem>>, vector<1x16xf32>,
        %get3A_1918 = arith.index_cast %add3A_1851 : i32 to index
        %get3A_1919 = arith.constant 96 : index
        %get3A_1920 = tpu.vector_load %arg17[%get3A_1918, %get3A_1919] {strides = array<i32>} : memref<128x128xf32, #tpu.memory_space<vmem>>, vector<1x16xf32>,
        %get3A_1921 = vector.shape_cast %get3A_1920 : vector<1x16xf32> to vector<16xf32>
        %mul3A_1922 = vector.broadcast %squeeze3A_1847 : f32 to vector<16xf32>
        %mul3A_1923 = arith.mulf %get3A_1921, %mul3A_1922 : vector<16xf32>
        %swap3A_1924 = arith.index_cast %add3A_1851 : i32 to index
        %swap3A_1925 = arith.constant 96 : index
        %swap3A_1926 = tpu.vector_load %arg17[%swap3A_1924, %swap3A_1925] {strides = array<i32>} : memref<128x128xf32, #tpu.memory_space<vmem>>, vector<1x16xf32>,
        %swap3A_1927 = vector.shape_cast %swap3A_1926 : vector<1x16xf32> to vector<16xf32>
        %swap3A_1928 = vector.shape_cast %mul3A_1923 : vector<16xf32> to vector<1x16xf32>
        tpu.vector_store %arg17[%swap3A_1924, %swap3A_1925], %swap3A_1928 {strides = array<i32>} : memref<128x128xf32, #tpu.memory_space<vmem>>, vector<1x16xf32>,
        %get3A_1929 = arith.index_cast %add3A_1851 : i32 to index
        %get3A_1930 = arith.constant 112 : index
        %get3A_1931 = tpu.vector_load %arg17[%get3A_1929, %get3A_1930] {strides = array<i32>} : memref<128x128xf32, #tpu.memory_space<vmem>>, vector<1x16xf32>,
        %get3A_1932 = vector.shape_cast %get3A_1931 : vector<1x16xf32> to vector<16xf32>
        %mul3A_1933 = vector.broadcast %squeeze3A_1847 : f32 to vector<16xf32>
        %mul3A_1934 = arith.mulf %get3A_1932, %mul3A_1933 : vector<16xf32>
        %swap3A_1935 = arith.index_cast %add3A_1851 : i32 to index
        %swap3A_1936 = arith.constant 112 : index
        %swap3A_1937 = tpu.vector_load %arg17[%swap3A_1935, %swap3A_1936] {strides = array<i32>} : memref<128x128xf32, #tpu.memory_space<vmem>>, vector<1x16xf32>,
        %swap3A_1938 = vector.shape_cast %swap3A_1937 : vector<1x16xf32> to vector<16xf32>
        %swap3A_1939 = vector.shape_cast %mul3A_1934 : vector<16xf32> to vector<1x16xf32>
        tpu.vector_store %arg17[%swap3A_1935, %swap3A_1936], %swap3A_1939 {strides = array<i32>} : memref<128x128xf32, #tpu.memory_space<vmem>>, vector<1x16xf32>,
        %scan3A_1940 = arith.constant 0 : i32
        scf.yield %scan3A_1940 : i32
      }
      %scan3A_429 = arith.constant 8 : i32
      "tpu.region"() ({
        %run_scoped3A_431 = tpu.sem_alloc : memref<!tpu.dma_semaphore, #tpu.memory_space<semaphore_mem>>
        %dma_start3A_432 = arith.constant 0 : i32
        %dma_start3A_433 = arith.constant 0 : i32
        %dma_start3A_434 = tpu.memref_slice %arg19[%dma_start3A_432, %dma_start3A_433] : memref<10240x128xf32, #tpu.memory_space<vmem_shared>> -> memref<10240x128xf32, #tpu.memory_space<vmem_shared>>
        tpu.enqueue_indirect_dma source(%arg17 : memref<128x128xf32, #tpu.memory_space<vmem>>) target(%dma_start3A_434 : memref<10240x128xf32, #tpu.memory_space<vmem_shared>>) offsets(%arg13 : memref<128xi32, #tpu.memory_space<vmem>>) semaphore(%run_scoped3A_431 : memref<!tpu.dma_semaphore, #tpu.memory_space<semaphore_mem>>) {add = true}
        %dma_wait3A_435 = arith.constant 0 : i32
        %dma_wait3A_436 = arith.constant 0 : i32
        %dma_wait3A_437 = tpu.memref_slice %arg19[%dma_wait3A_435, %dma_wait3A_436] : memref<10240x128xf32, #tpu.memory_space<vmem_shared>> -> memref<10240x128xf32, #tpu.memory_space<vmem_shared>>
        tpu.wait_indirect_dma semaphore(%run_scoped3A_431 : memref<!tpu.dma_semaphore, #tpu.memory_space<semaphore_mem>>) src(%arg17 : memref<128x128xf32, #tpu.memory_space<vmem>>) dst(%dma_wait3A_437 : memref<10240x128xf32, #tpu.memory_space<vmem_shared>>)
        tpu.yield
      }) : () -> ()
      %while3A_430 = arith.constant 0 : i32
      scf.yield %while3A_430 : i32
    }
    %barrier3A_48 = arith.constant 0 : index
    tpu.barrier barrier_id(%barrier3A_48)
    "tpu.region"() ({
      %run_scoped3A_49 = tpu.sem_alloc : memref<!tpu.dma_semaphore, #tpu.memory_space<semaphore_mem>>
      %dma_start3A = arith.constant 0 : i32
      %dma_start3A_50 = tpu.memref_slice %arg8[%arg0, %mul3A_2, %dma_start3A] : memref<2x10240x128xf32, #tpu.memory_space<hbm>> -> memref<1x640x128xf32, #tpu.memory_space<hbm>>
      %dma_start3A_51 = tpu.memref_squeeze %dma_start3A_50 : memref<1x640x128xf32, #tpu.memory_space<hbm>> -> memref<640x128xf32, #tpu.memory_space<hbm>>
      %dma_start3A_52 = arith.constant 0 : i32
      %dma_start3A_53 = tpu.memref_slice %arg19[%mul3A_2, %dma_start3A_52] : memref<10240x128xf32, #tpu.memory_space<vmem_shared>> -> memref<640x128xf32, #tpu.memory_space<vmem_shared>>
      tpu.enqueue_dma source(%dma_start3A_53 : memref<640x128xf32, #tpu.memory_space<vmem_shared>>) target(%dma_start3A_51 : memref<640x128xf32, #tpu.memory_space<hbm>>) target_semaphore(%run_scoped3A_49 : memref<!tpu.dma_semaphore, #tpu.memory_space<semaphore_mem>>)
      %dma_wait3A = arith.constant 0 : i32
      %dma_wait3A_54 = tpu.memref_slice %arg8[%arg0, %mul3A_2, %dma_wait3A] : memref<2x10240x128xf32, #tpu.memory_space<hbm>> -> memref<1x640x128xf32, #tpu.memory_space<hbm>>
      %dma_wait3A_55 = tpu.memref_squeeze %dma_wait3A_54 : memref<1x640x128xf32, #tpu.memory_space<hbm>> -> memref<640x128xf32, #tpu.memory_space<hbm>>
      %dma_wait3A_56 = arith.constant 0 : i32
      %dma_wait3A_57 = tpu.memref_slice %arg19[%mul3A_2, %dma_wait3A_56] : memref<10240x128xf32, #tpu.memory_space<vmem_shared>> -> memref<640x128xf32, #tpu.memory_space<vmem_shared>>
      tpu.wait_dma2 semaphore(%run_scoped3A_49 : memref<!tpu.dma_semaphore, #tpu.memory_space<semaphore_mem>>) src(%dma_wait3A_57 : memref<640x128xf32, #tpu.memory_space<vmem_shared>>) dst(%dma_wait3A_55 : memref<640x128xf32, #tpu.memory_space<hbm>>)
      tpu.yield
    }) : () -> ()
    "tpu.region"() ({
      %run_scoped3A_49 = tpu.sem_alloc : memref<!tpu.dma_semaphore, #tpu.memory_space<semaphore_mem>>
      %dma_start3A = tpu.memref_slice %arg9[%arg0, %mul3A_2] : memref<2x10240xf32, #tpu.memory_space<hbm>> -> memref<1x640xf32, #tpu.memory_space<hbm>>
      %dma_start3A_50 = tpu.memref_squeeze %dma_start3A : memref<1x640xf32, #tpu.memory_space<hbm>> -> memref<640xf32, #tpu.memory_space<hbm>>
      %dma_start3A_51 = tpu.memref_slice %arg20[%mul3A_2] : memref<10240xf32, #tpu.memory_space<vmem_shared>> -> memref<640xf32, #tpu.memory_space<vmem_shared>>
      tpu.enqueue_dma source(%dma_start3A_51 : memref<640xf32, #tpu.memory_space<vmem_shared>>) target(%dma_start3A_50 : memref<640xf32, #tpu.memory_space<hbm>>) target_semaphore(%run_scoped3A_49 : memref<!tpu.dma_semaphore, #tpu.memory_space<semaphore_mem>>)
      %dma_wait3A = tpu.memref_slice %arg9[%arg0, %mul3A_2] : memref<2x10240xf32, #tpu.memory_space<hbm>> -> memref<1x640xf32, #tpu.memory_space<hbm>>
      %dma_wait3A_52 = tpu.memref_squeeze %dma_wait3A : memref<1x640xf32, #tpu.memory_space<hbm>> -> memref<640xf32, #tpu.memory_space<hbm>>
      %dma_wait3A_53 = tpu.memref_slice %arg20[%mul3A_2] : memref<10240xf32, #tpu.memory_space<vmem_shared>> -> memref<640xf32, #tpu.memory_space<vmem_shared>>
      tpu.wait_dma2 semaphore(%run_scoped3A_49 : memref<!tpu.dma_semaphore, #tpu.memory_space<semaphore_mem>>) src(%dma_wait3A_53 : memref<640xf32, #tpu.memory_space<vmem_shared>>) dst(%dma_wait3A_52 : memref<640xf32, #tpu.memory_space<hbm>>)
      tpu.yield
    }) : () -> ()
    return
  }
}

module attributes {stable_mosaic.version = 14 : i64} {
  func.func @_pre_body(%arg0: memref<10000x128xf32, #tpu.memory_space<vmem>>, %arg1: memref<128x128xf32, #tpu.memory_space<vmem>>, %arg2: memref<128xf32, #tpu.memory_space<vmem>>, %arg3: memref<128xf32, #tpu.memory_space<vmem>>, %arg4: memref<10000x128xf32, #tpu.memory_space<vmem>>, %arg5: memref<10000xf32, #tpu.memory_space<vmem>>, %arg6: memref<10000xf32, #tpu.memory_space<vmem>>, %arg7: memref<16xf32, #tpu.memory_space<vmem>>) attributes {dimension_semantics = [], scalar_prefetch = 0 : i64, scratch_operands = 0 : i64, tpu.core_type = #tpu.core_type<tc>} {
    %get3A = arith.constant 0 : index
    %get3A_0 = arith.constant 0 : index
    %get3A_1 = vector.load %arg0[%get3A, %get3A_0] : memref<10000x128xf32, #tpu.memory_space<vmem>>, vector<10000x128xf32>
    %get3A_2 = arith.constant 0 : index
    %get3A_3 = arith.constant 0 : index
    %get3A_4 = vector.load %arg1[%get3A_2, %get3A_3] : memref<128x128xf32, #tpu.memory_space<vmem>>, vector<128x128xf32>
    %dot_general3A = arith.constant dense<0.000000e+00> : vector<10000x128xf32>
    %dot_general3A_5 = tpu.matmul %get3A_1, %get3A_4, %dot_general3A {dimension_numbers = #tpu.dot_dimension_numbers<[1], [1], [0], [0], [0, 0, 1, 0], [], []>, transpose_lhs_hint = false} : vector<10000x128xf32>, vector<128x128xf32>, vector<10000x128xf32> -> vector<10000x128xf32>
    %swap3A = arith.constant 0 : index
    %swap3A_6 = arith.constant 0 : index
    %swap3A_7 = vector.load %arg4[%swap3A, %swap3A_6] : memref<10000x128xf32, #tpu.memory_space<vmem>>, vector<10000x128xf32>
    tpu.vector_store %arg4[%swap3A, %swap3A_6], %dot_general3A_5 {strides = array<i32>} : memref<10000x128xf32, #tpu.memory_space<vmem>>, vector<10000x128xf32>,
    %get3A_8 = arith.constant 0 : index
    %get3A_9 = vector.load %arg2[%get3A_8] : memref<128xf32, #tpu.memory_space<vmem>>, vector<128xf32>
    %broadcast_in_dim3A = vector.shape_cast %get3A_9 : vector<128xf32> to vector<1x128xf32>
    %mul3A = vector.broadcast %broadcast_in_dim3A : vector<1x128xf32> to vector<10000x128xf32>
    %mul3A_10 = arith.mulf %dot_general3A_5, %mul3A : vector<10000x128xf32>
    %reduce_sum3A = arith.constant dense<0.000000e+00> : vector<10000xf32>
    %reduce_sum3A_11 = vector.multi_reduction <add>, %mul3A_10, %reduce_sum3A [1] : vector<10000x128xf32> to vector<10000xf32>
    %get3A_12 = arith.constant 0 : index
    %get3A_13 = vector.load %arg3[%get3A_12] : memref<128xf32, #tpu.memory_space<vmem>>, vector<128xf32>
    %broadcast_in_dim3A_14 = vector.shape_cast %get3A_13 : vector<128xf32> to vector<1x128xf32>
    %mul3A_15 = vector.broadcast %broadcast_in_dim3A_14 : vector<1x128xf32> to vector<10000x128xf32>
    %mul3A_16 = arith.mulf %dot_general3A_5, %mul3A_15 : vector<10000x128xf32>
    %reduce_sum3A_17 = arith.constant dense<0.000000e+00> : vector<10000xf32>
    %reduce_sum3A_18 = vector.multi_reduction <add>, %mul3A_16, %reduce_sum3A_17 [1] : vector<10000x128xf32> to vector<10000xf32>
    %swap3A_19 = arith.constant 0 : index
    %swap3A_20 = vector.load %arg5[%swap3A_19] : memref<10000xf32, #tpu.memory_space<vmem>>, vector<10000xf32>
    tpu.vector_store %arg5[%swap3A_19], %reduce_sum3A_11 {strides = array<i32>} : memref<10000xf32, #tpu.memory_space<vmem>>, vector<10000xf32>,
    %swap3A_21 = arith.constant 0 : index
    %swap3A_22 = vector.load %arg6[%swap3A_21] : memref<10000xf32, #tpu.memory_space<vmem>>, vector<10000xf32>
    tpu.vector_store %arg6[%swap3A_21], %reduce_sum3A_18 {strides = array<i32>} : memref<10000xf32, #tpu.memory_space<vmem>>, vector<10000xf32>,
    %reduce_max3A = vector.shape_cast %reduce_sum3A_11 : vector<10000xf32> to vector<1x10000xf32>
    %reduce_max3A_23 = arith.constant dense<0xFF800000> : vector<1xf32>
    %reduce_max3A_24 = vector.multi_reduction <maximumf>, %reduce_max3A, %reduce_max3A_23 [1] : vector<1x10000xf32> to vector<1xf32>
    %reduce_max3A_25 = vector.shape_cast %reduce_max3A_24 : vector<1xf32> to vector<1x1xf32>
    %reduce_max3A_26 = vector.extract %reduce_max3A_25[0, 0] : f32 from vector<1x1xf32>
    %reduce_max3A_27 = vector.shape_cast %reduce_sum3A_18 : vector<10000xf32> to vector<1x10000xf32>
    %reduce_max3A_28 = arith.constant dense<0xFF800000> : vector<1xf32>
    %reduce_max3A_29 = vector.multi_reduction <maximumf>, %reduce_max3A_27, %reduce_max3A_28 [1] : vector<1x10000xf32> to vector<1xf32>
    %reduce_max3A_30 = vector.shape_cast %reduce_max3A_29 : vector<1xf32> to vector<1x1xf32>
    %reduce_max3A_31 = vector.extract %reduce_max3A_30[0, 0] : f32 from vector<1x1xf32>
    %add3A = arith.addf %reduce_max3A_26, %reduce_max3A_31 : f32
    %max3A = arith.constant 0.000000e+00 : f32
    %max3A_32 = arith.maximumf %add3A, %max3A : f32
    %broadcast_in_dim3A_33 = vector.broadcast %max3A_32 : f32 to vector<16xf32>
    %swap3A_34 = arith.constant 0 : index
    %swap3A_35 = vector.load %arg7[%swap3A_34] : memref<16xf32, #tpu.memory_space<vmem>>, vector<16xf32>
    tpu.vector_store %arg7[%swap3A_34], %broadcast_in_dim3A_33 {strides = array<i32>} : memref<16xf32, #tpu.memory_space<vmem>>, vector<16xf32>,
    return
  }
}

module attributes {stable_mosaic.version = 14 : i64} {
  func.func @_post_body(%arg0: memref<2x10240x128xf32, #tpu.memory_space<vmem>>, %arg1: memref<2x10240xf32, #tpu.memory_space<vmem>>, %arg2: memref<10000x128xf32, #tpu.memory_space<vmem>>) attributes {dimension_semantics = [], scalar_prefetch = 0 : i64, scratch_operands = 0 : i64, tpu.core_type = #tpu.core_type<tc>} {
    %get3A = arith.constant 0 : index
    %get3A_0 = arith.constant 0 : index
    %get3A_1 = vector.load %arg1[%get3A, %get3A_0] : memref<2x10240xf32, #tpu.memory_space<vmem>>, vector<1x10000xf32>
    %get3A_2 = vector.shape_cast %get3A_1 : vector<1x10000xf32> to vector<10000xf32>
    %get3A_3 = arith.constant 1 : index
    %get3A_4 = arith.constant 0 : index
    %get3A_5 = vector.load %arg1[%get3A_3, %get3A_4] : memref<2x10240xf32, #tpu.memory_space<vmem>>, vector<1x10000xf32>
    %get3A_6 = vector.shape_cast %get3A_5 : vector<1x10000xf32> to vector<10000xf32>
    %add3A = arith.addf %get3A_2, %get3A_6 : vector<10000xf32>
    %eq3A = arith.constant 0.000000e+00 : f32
    %eq3A_7 = vector.broadcast %eq3A : f32 to vector<10000xf32>
    %eq3A_8 = arith.cmpf oeq, %add3A, %eq3A_7 : vector<10000xf32>
    %jit3A = arith.constant 1.000000e+00 : f32
    %broadcast_in_dim3A = vector.broadcast %jit3A : f32 to vector<10000xf32>
    %select_n3A = arith.select %eq3A_8, %broadcast_in_dim3A, %add3A : vector<10000xi1>, vector<10000xf32>
    %get3A_9 = arith.constant 0 : index
    %get3A_10 = arith.constant 0 : index
    %get3A_11 = arith.constant 0 : index
    %get3A_12 = vector.load %arg0[%get3A_9, %get3A_10, %get3A_11] : memref<2x10240x128xf32, #tpu.memory_space<vmem>>, vector<1x10000x128xf32>
    %get3A_13 = vector.shape_cast %get3A_12 : vector<1x10000x128xf32> to vector<10000x128xf32>
    %get3A_14 = arith.constant 1 : index
    %get3A_15 = arith.constant 0 : index
    %get3A_16 = arith.constant 0 : index
    %get3A_17 = vector.load %arg0[%get3A_14, %get3A_15, %get3A_16] : memref<2x10240x128xf32, #tpu.memory_space<vmem>>, vector<1x10000x128xf32>
    %get3A_18 = vector.shape_cast %get3A_17 : vector<1x10000x128xf32> to vector<10000x128xf32>
    %add3A_19 = arith.addf %get3A_13, %get3A_18 : vector<10000x128xf32>
    %broadcast_in_dim3A_20 = vector.shape_cast %select_n3A : vector<10000xf32> to vector<10000x1xf32>
    %div3A = vector.broadcast %broadcast_in_dim3A_20 : vector<10000x1xf32> to vector<10000x128xf32>
    %div3A_21 = arith.divf %add3A_19, %div3A : vector<10000x128xf32>
    %swap3A = arith.constant 0 : index
    %swap3A_22 = arith.constant 0 : index
    %swap3A_23 = vector.load %arg2[%swap3A, %swap3A_22] : memref<10000x128xf32, #tpu.memory_space<vmem>>, vector<10000x128xf32>
    tpu.vector_store %arg2[%swap3A, %swap3A_22], %div3A_21 {strides = array<i32>} : memref<10000x128xf32, #tpu.memory_space<vmem>>, vector<10000x128xf32>,
    return
  }
}

</mosaic_0001>

<sc_bundles>
// kernel: kernel.5.cloned.1.call-start
scs
__scs_entry_jumppad:
0x0: {  	(pc) =	sbr.rel $0x88, $3  }
0x1: {  	(tag) =	ssettag $0x0;
	lr =	simm.s32 $0x1  }
0x2: {  	[smem:$0x3F9C] =	sst lr;
	_ =	strace $0xD0000000  }
0x3: {  	_ = 	snop  }
0x4: {  	_ = 	snop  }
0x5: {  	_ = 	snop  }
0x6: {  	_ = 	snop  }
0x7: {  	_ = 	snop  }
__scs_overlays_trampoline_lowered:
0x8: {  	[smem:$0x3FAB] =	sst s0  }
0x9: {  	[smem:$0x3FAC] =	sst s1  }
0xa: {  	[smem:$0x3FAD] =	sst s2  }
0xb: {  	[smem:$0x3FAE] =	sst s3  }
0xc: {  	[smem:$0x3FAF] =	sst s4  }
0xd: {  	[smem:$0x3FB0] =	sst s5  }
0xe: {  	[smem:$0x3FB1] =	sst s6  }
0xf: {  	[smem:$0x3FB2] =	sst s7  }
0x10: {  	[smem:$0x3FB3] =	sst s8  }
0x11: {  	[smem:$0x3FB4] =	sst s9;
	s0 =	simm.s32 @!p0 $0x0  }
0x12: {  	s1 =	sld [smem:$0x3F9A];
	s0 =	simm.s32 @p0 $0x1  }
0x13: {  	[smem:$0x3FB5] =	sst s0;
	s0 =	simm.s32 @!p1 $0x0  }
0x14: {  	s2 =	sld [smem:$0x3F99];
	s0 =	simm.s32 @p1 $0x1  }
0x15: {  	[smem:$0x3FB6] =	sst s0;
	s0 =	simm.s32 @!p2 $0x0  }
0x16: {  	s3 =	sld [smem:$0x3FDB];
	s0 =	simm.s32 @p2 $0x1  }
0x17: {  	s4 =	simm.s32 $0x1BF5;
	[smem:$0x3FB8] =	sst s0  }
0x18: {  	s0 =	sld [smem:$0x3F9B];
	_ =	swait.ge [sflag:s4], $0x0  }
0x19: {  	s7 =	sld [smem:$0x3F9C]  }
0x1a: {  	s8 =	sadd.s32 $0xFFFFE003, lr  }
0x1b: {  	s9 =	sadd.s32 $0xFFFFFEF7, lr;
	s5 =	simm.s32 $0xFFFFFFFF;
	p2 =	slt.u32 s8, $0xFFFFF086  }
0x1c: {  	p1 =	slt.u32 s9, $0xF7A;
	s5 =	simm.s32 @!p2 $0x0  }
0x1d: {  	s5 =	simm.s32 @p1 $0x1;
	p0 =	seq.s32 s7, s2  }
0x1e: {  	s7 =	smul.u32 @!p0 $0xF7A, s2;
	p2 =	seq.s32 @!p0 s5, $0x0  }
0x1f: {  	s9 =	smul.u32 $0xF7A, s1;
	s8 =	simm.s32 @!p0 $0x1BF5;
	p2 =	por !p2, p0  }
0x20: {  	[sflag:s8] =	ssyncset.s32 @!p0 $0xFFFFF086;
	s6 =	sadd.s32 @!p0 s3, s7;
	s7 =	simm.s32 @!p0 $0x108  }
0x21: {  	s3 =	sadd.s32 s3, s9;
	s6 =	sadd.s32 @!p0 $0x88, s6;
	s7 =	simm.s32 @p2 $0x1082  }
0x22: {  	[simem:s7], [sflag:s8] =	dma.local @!p0 [hbm:s6], $0xF7A  }
0x23: {  	s9 =	sor.u32 $0xD0000000, s2;
	s6 =	simm.s32 $0x108;
	_ =	swait.ge @!p0 [sflag:s8], $0x0  }
0x24: {  	s3 =	sadd.s32 $0x88, s3;
	s6 =	simm.s32 @!p1 $0x1082;
	[sflag:s4] =	ssyncset.s32 $0xFFFFF086  }
0x25: {  	[simem:s6], [sflag:s4] =	dma.local [hbm:s3], $0xF7A  }
0x26: {  	[smem:$0x3F9C] =	sst s1;
	(tag) =	ssettag s2;
	_ =	strace s9  }
0x27: {  	s1 =	sld [smem:$0x3FAC]  }
0x28: {  	s2 =	sld [smem:$0x3FAD]  }
0x29: {  	s4 =	sld [smem:$0x3FAF]  }
0x2a: {  	p0 =	seq.s32 s5, $0x0;
	s5 =	sld [smem:$0x3FB0]  }
0x2b: {  	s6 =	sld [smem:$0x3FB1]  }
0x2c: {  	s7 =	sld [smem:$0x3FB2]  }
0x2d: {  	s3 =	simm.s32 $0x108;
	s8 =	sld [smem:$0x3FB3]  }
0x2e: {  	s3 =	simm.s32 @!p0 $0x1082;
	s9 =	sld [smem:$0x3FB4]  }
0x2f: {  	lr =	sadd.s32 s0, s3;
	s0 =	sld [smem:$0x3FAB]  }
0x30: {  	s3 =	sld [smem:$0x3FAE]  }
0x31: {  	[smem:$0x3FB7] =	sst s10  }
0x32: {  	s10 =	sld [smem:$0x3FB5];
	_ =	sdelay $0x3  }
0x33: {  	p0 =	seq.s32 s10, $0x1;
	s10 =	sld [smem:$0x3FB7];
	_ =	sdelay $0x3  }
0x34: {  	[smem:$0x3FB7] =	sst s10  }
0x35: {  	s10 =	sld [smem:$0x3FB6];
	_ =	sdelay $0x3  }
0x36: {  	p1 =	seq.s32 s10, $0x1;
	s10 =	sld [smem:$0x3FB7];
	_ =	sdelay $0x3  }
0x37: {  	[smem:$0x3FB7] =	sst s10  }
0x38: {  	s10 =	sld [smem:$0x3FB8]  }
0x39: {  	_ = 	snop;
	(pc) =	sbr.ind lr, $3  }
0x3a: {  	_ = 	snop  }
0x3b: {  	_ = 	snop  }
0x3c: {  	p2 =	seq.s32 s10, $0x1;
	s10 =	sld [smem:$0x3FB7]  }
0x3d: {  	_ =	shalt  }
0x3e: {  	_ =	shalt  }
0x3f: {  	_ =	shalt  }
0x40: {  	_ =	shalt  }
0x41: {  	_ =	shalt  }
0x42: {  	_ =	shalt  }
0x43: {  	_ =	shalt  }
0x44: {  	_ =	shalt  }
0x45: {  	_ =	shalt  }
0x46: {  	_ =	shalt  }
0x47: {  	_ =	shalt  }
0x48: {  	_ =	shalt  }
0x49: {  	_ =	shalt  }
0x4a: {  	_ =	shalt  }
0x4b: {  	_ =	shalt  }
0x4c: {  	_ =	shalt  }
0x4d: {  	_ =	shalt  }
0x4e: {  	_ =	shalt  }
0x4f: {  	_ =	shalt  }
0x50: {  	_ =	shalt  }
0x51: {  	_ =	shalt  }
0x52: {  	_ =	shalt  }
0x53: {  	_ =	shalt  }
0x54: {  	_ =	shalt  }
0x55: {  	_ =	shalt  }
0x56: {  	_ =	shalt  }
0x57: {  	_ =	shalt  }
0x58: {  	_ =	shalt  }
0x59: {  	_ =	shalt  }
0x5a: {  	_ =	shalt  }
0x5b: {  	_ =	shalt  }
0x5c: {  	_ =	shalt  }
0x5d: {  	_ =	shalt  }
0x5e: {  	_ =	shalt  }
0x5f: {  	_ =	shalt  }
0x60: {  	_ =	shalt  }
0x61: {  	_ =	shalt  }
0x62: {  	_ =	shalt  }
0x63: {  	_ =	shalt  }
0x64: {  	_ =	shalt  }
0x65: {  	_ =	shalt  }
0x66: {  	_ =	shalt  }
0x67: {  	_ =	shalt  }
0x68: {  	_ =	shalt  }
0x69: {  	_ =	shalt  }
0x6a: {  	_ =	shalt  }
0x6b: {  	_ =	shalt  }
0x6c: {  	_ =	shalt  }
0x6d: {  	_ =	shalt  }
0x6e: {  	_ =	shalt  }
0x6f: {  	_ =	shalt  }
0x70: {  	_ =	shalt  }
0x71: {  	_ =	shalt  }
0x72: {  	_ =	shalt  }
0x73: {  	_ =	shalt  }
0x74: {  	_ =	shalt  }
0x75: {  	_ =	shalt  }
0x76: {  	_ =	shalt  }
0x77: {  	_ =	shalt  }
0x78: {  	_ =	shalt  }
0x79: {  	_ =	shalt  }
0x7a: {  	_ =	shalt  }
0x7b: {  	_ =	shalt  }
0x7c: {  	_ =	shalt  }
0x7d: {  	_ =	shalt  }
0x7e: {  	_ =	shalt  }
0x7f: {  	_ =	shalt  }
0x80: {  	_ =	shalt  }
0x81: {  	_ =	shalt  }
0x82: {  	_ =	shalt  }
0x83: {  	_ =	shalt  }
0x84: {  	_ =	shalt  }
0x85: {  	_ =	shalt  }
0x86: {  	_ =	shalt  }
0x87: {  	_ =	shalt  }
.Lfunc_end0:
.L_simem_size_0:
called_computation_lowered:
.L_overlay_start_0:
0x88: {  	s2 =	sld [smem:$0x3FD9]  }
0x89: {  	s3 =	sld [smem:$0x3FFE];
	_ =	sdelay $0x1  }
0x8a: {  	s1 =	srdreg.scid  }
0x8b: {  	s0 =	sand.u32 $0x1, s1  }
0x8c: {  	s17 =	sshll.u32 s0, $0xA;
	s2 =	sadd.s32 s3, s2  }
0x8d: {  	s2 =	sadd.s32 s2, s17  }
0x8e: {  	[smem:$0x3FC3] =	sst s2  }
0x8f: {  	_ = 	snop  }
0x90: {  	s2 =	sld [smem:$0x3FD0];
	(tm) =	ssettm $0x1  }
0x91: {  	s18 =	sld [smem:$0x3FFB];
	_ =	sdelay $0x3  }
0x92: {  	_ =	strace s18  }
0x93: {  	s3 =	sld [smem:$0x3FFC];
	_ =	sdelay $0x3  }
0x94: {  	_ =	strace s3  }
0x95: {  	s3 =	sld [smem:$0x3FFD];
	_ =	sdelay $0x3  }
0x96: {  	_ =	strace s3  }
0x97: {  	_ =	strace $0x8FFFFFFF  }
0x98: {  	s19 =	sld [smem:$0x3FDB];
	_ =	sdelay $0x1  }
0x99: {  	s4 =	simm.s32 $_scs_section_size  }
0x9a: {  	s5 =	simm.s32 $_size__tile_overlayer_lowered;
	s6 =	simm.s32 $_tile_overlayer_lowered  }
0x9b: {  	s22 =	simm.s32 $0x1BFF;
	s21 =	sshll.u32 s6, $0x1;
	s3 =	sadd.s32 s4, s19  }
0x9c: {  	s7 =	simm.s32 $0x0;
	s20 =	sshll.u32 s5, $0x1;
	s5 =	sadd.s32 s21, s3  }
0x9d: {  	[timem:s7], [sflag:s22] =	dma.local [hbm:s5], s20  }
0x9e: {  	_ =	swait.ge [sflag:s22], s20  }
0x9f: {  	s4 =	ssub.s32 $0x0, s20;
	[sflag:s22] =	ssyncset.done $0x0  }
0xa0: {  	[sflag:s22] =	ssyncadd.s32 s4;
	_ =	sdelay $0x1  }
0xa1: {  	s23 =	simm.s32 $0x1B8B  }
0xa2: {  	_ =	swait.ge [sflag:s23], $0x1  }
0xa3: {  	[sflag:s23] =	ssyncset.done $0x0  }
0xa4: {  	s25 =	simm.s32 $0x1B8E;
	s24 =	sld [smem:$0x3FFE];
	[sflag:s23] =	ssyncadd.s32 $0xFFFFFFFF  }
0xa5: {  	s26 =	simm.s32 $execute0_lowered;
	[smem:$0x3FD2] =	sst s25  }
0xa6: {  	s5 =	sshll.u32 s26, $0x1;
	_ =	strace $0x80000046;
	[dreg:$0x1] =	wrdreg $0xFFFFFFFF  }
0xa7: {  	s28 =	simm.s32 $_size_execute0_lowered;
	s3 =	sadd.s32 s3, s5;
	[dreg:$0x0] =	wrdreg $0x0  }
0xa8: {  	s5 =	sshll.u32 s28, $0x1;
	[dreg:$0x2] =	wrdreg s3  }
0xa9: {  	[dreg:$0x3] =	wrdreg s5  }
0xaa: {  	[dreg:$0x4] =	wrdreg $0xC0  }
0xab: {  	_ =	task [dreg:s7], $0x5FFFF  }
0xac: {  	[dreg:$0x1] =	wrdreg $0xFFFFFFFF  }
0xad: {  	[dreg:$0x0] =	wrdreg $0x60  }
0xae: {  	[dreg:$0x2] =	wrdreg s2  }
0xaf: {  	[dreg:$0x3] =	wrdreg s24  }
0xb0: {  	[dreg:$0x4] =	wrdreg $0x9B000  }
0xb1: {  	[dreg:$0x5] =	wrdreg $0x1DB000  }
0xb2: {  	[dreg:$0x6] =	wrdreg $0x9  }
0xb3: {  	_ =	task.clear_ibuf [dreg:s7], $0x7FFFF;
	_ =	strace $0x90000046  }
0xb4: {  	s29 =	simm.s32 $0x9;
	_ =	strace $0x80000048  }
0xb5: {  	_ =	swait.ge [sflag:s29], $0x1  }
0xb6: {  	[sflag:s29] =	ssyncadd.s32 $0xFFFFFFFF  }
0xb7: {  	_ =	strace $0x90000048  }
0xb8: {  	_ =	sfence  }
0xb9: {  	s30 =	sld [smem:$0x0];
	_ =	sdelay $0x2  }
0xba: {  	s31 =	sshll.u32 s1, $0xD;
	s1 =	sshrl.u32 s1, $0x2  }
0xbb: {  	s3 =	sand.u32 $0x4000, s31;
	s1 =	sadd.s32 s1, s30  }
0xbc: {  	s0 =	sor.u32 s3, s0;
	s1 =	sshll.u32 s1, $0x11  }
0xbd: {  	s0 =	sor.u32 s1, s0  }
0xbe: {  	s0 =	sadd.s32 $0x8F2B, s0  }
0xbf: {  	[sflag:s0] =	ssyncadd.remote.s32 $0x1  }
0xc0: {  	_ =	sfence.sel $0xFFFF  }
0xc1: {  	[dreg:$0x0] =	wrdreg $0xFFFFFFFF;
	(pc) =	sbr.abs _section_cstart, $3  }
0xc2: {  	[dreg:$0x1] =	wrdreg $0xFFFFFFFF  }
0xc3: {  	_ =	task.clear_ibuf [dreg:s7], $0x2FFFF;
	_ =	strace $0x9FFFFFFF  }
0xc4: {  	(tm) =	ssettm $0x7FFFFFFF  }
0xc5: {  	_ =	shalt  }
tec
execute0_lowered:
.L_overlay_start_1:
0x0: {  	(tag) =	ssettag $0x1  }
0x1: {  	s1 =	rddreg [dreg:$0x0]  }
0x2: {  	s0 =	srdreg.scid;
	s2 =	rddreg [dreg:$0x1]  }
0x3: {  	s14 =	stileid.u32;
	s3 =	rddreg [dreg:$0x2]  }
0x4: {  	s29 =	simm.s32 $0x5A80;
	s30 =	simm.s32 $0x80;
	s31 =	simm.s32 $0x5800  }
0x5: {  	s28 =	simm.s32 $0x5980;
	s0 =	sand.u32 $0x1, s0;
	s10 =	smul.u32 $0x14000, s14  }
0x6: {  	s6 =	sadd.s32 $0x18600, s2;
	s7 =	sadd.s32 $0x18C00, s2;
	s12 =	smul.u32 $0x500, s14  }
0x7: {  	s11 =	sadd.s32 $0x19200, s2;
	s4 =	sshll.u32 s0, $0x4;
	s9 =	smul.u32 $0x140000, s0  }
0x8: {  	s13 =	sshll.u32 s0, $0x7;
	s15 =	ssub.s32 $0x2, s0;
	p0 =	seq.s32 s0, $0x0  }
0x9: {  	s0 =	simm.s32 $0x1;
	s5 =	sor.u32 s14, s4;
	s4 =	rddreg [dreg:$0x3]  }
0xa: {  	s8 =	smul.u32 $0x580, s5;
	s5 =	simm.s32 $0x0;
	s9 =	sadd.s32 s10, s9  }
0xb: {  	s10 =	sor.u32 s13, s12;
	s13 =	smul.u32 $0x280, s14;
	s12 =	sshrl.u32 s15, $0x1  }
0xc: {  	s14 =	smul.u32 $0x50000, s14;
	[smem:$0x7FF] =	sst s5;
	s9 =	sshrl.u32 s9, $0x3  }
0xd: {  	s10 =	sshrl.u32 s10, $0x3;
	s16 =	ssub.s32 s15, s12;
	_ =	strace $0x80000047  }
0xe: {  	s8 =	sadd.s32 s8, s2;
	[dreg:$0x5] =	wrdreg s11;
	s9 =	sadd.s32 s9, s2  }
0xf: {  	s2 =	sadd.s32 s10, s2;
	s20 =	sshrl.u32 s14, $0x2;
	s21 =	sadd.s32 $0x80, s13  }
0x10: {  	s12 =	sadd.s32 s13, s4;
	s23 =	sadd.s32 $0x100, s13;
	s15 =	sadd.s32 $0x180, s13  }
0x11: {  	s26 =	sadd.s32 $0x200, s13;
	s10 =	simm.s32 $0x0;
	s19 =	sadd.s32 $0xD600, s8  }
0x12: {  	s8 =	sadd.s32 $0x2600, s8;
	s11 =	sadd.s32 s20, s3;
	s22 =	sshll.u32 s21, $0x7  }
0x13: {  	s14 =	sadd.s32 s21, s4;
	s24 =	sshll.u32 s23, $0x7;
	s25 =	sshll.u32 s15, $0x7  }
0x14: {  	s18 =	sadd.s32 s15, s4;
	s13 =	sshll.u32 s26, $0x7;
	[dreg:$0x6] =	wrdreg s19  }
0x15: {  	s21 =	sadd.s32 s26, s4;
	s26 =	simm.s32 $0x3;
	[dreg:$0x7] =	wrdreg s8  }
0x16: {  	s8 =	sadd.s32 s22, s3;
	[dreg:$0x9] =	wrdreg s14;
	s14 =	sadd.s32 s24, s3  }
0x17: {  	s17 =	sadd.s32 s25, s3;
	s19 =	simm.s32 $0x55;
	s20 =	sadd.s32 s13, s3  }
0x18: {  	s22 =	sadd.s32 $0x19400, s9;
	s24 =	smax.u32 s16, $0x1;
	[dreg:$0x8] =	wrdreg s8  }
0x19: {  	s25 =	simm.s32 $0x5880;
	s9 =	simm.s32 $0x2;
	[dreg:$0xa] =	wrdreg s14  }
0x1a: {  	s8 =	sadd.s32 s23, s4;
	s19 =	simm.s32 @!p0 $0x48;
	s23 =	sadd.s32 $0x69400, s2  }
0x1b: {  	v0 =	vimm.f32 $0.0e+00;
	s2 =	simm.s32 $0x5900;
	[dreg:$0xb] =	wrdreg s8;
	s8 =	simm.s32 $0x5A00  }
.LBB2_1:
0x1c: {  	s13 =	rddreg [dreg:$0x5];
	s14 =	simm.s32 $0x9A80  }
0x1d: {  	[tilespmem:s14], [sflag:$0x3] =	stream.linear.gather [hbm4b:s13+s5], $0x80, $0x38;
	[tilespmem:$0x1DD80] =	vst v63  }
0x1e: {  	_ =	swait.ge [sflag:s26], $0x80  }
0x1f: {  	[sflag:s26] =	ssyncset.done $0x0  }
0x20: {  	s14 =	rddreg [dreg:$0x6];
	[sflag:s26] =	ssyncadd.s32 $0xFFFFFF80  }
0x21: {  	v1 =	vld [tilespmem:$0x9A80];
	[tilespmem:s5], [sflag:$0x3] =	stream.linear.gather [hbm4b:s14+s5], $0x2A80, $0x38  }
0x22: {  	_ =	swait.ge [sflag:s26], $0x2A80  }
0x23: {  	[sflag:s26] =	ssyncset.done $0x0  }
0x24: {  	s16 =	simm.s32 $0x2C00;
	s15 =	rddreg [dreg:$0x7];
	[sflag:s26] =	ssyncadd.s32 $0xFFFFD580  }
0x25: {  	[tilespmem:s16], [sflag:$0x3] =	stream.linear.gather [hbm4b:s15+s5], $0x2A80, $0x38;
	[tilespmem:$0x1DD80] =	vst v63  }
0x26: {  	_ =	swait.ge [sflag:s26], $0x2A80  }
0x27: {  	[sflag:s26] =	ssyncset.done $0x0  }
0x28: {  	s13 =	simm.s32 $0x0;
	s14 =	simm.s32 $0x200;
	[sflag:s26] =	ssyncadd.s32 $0xFFFFD580  }
.LBB2_2:
0x29: {  	p0 =	sne.s32 s14, $0xFE00;
	[tilespmem:s13+$0x5AF0] =	vst v0  }
0x2a: {  	[tilespmem:s13+$0x5A80] =	vst v0  }
0x2b: {  	[tilespmem:s13+$0x5A90] =	vst v0  }
.Ltmp0:
0x2c: {  	[tilespmem:s13+$0x5AA0] =	vst v0;
	(pc) =	sbr.rel @p0 .LBB2_2-.Ltmp0, $4  }
0x2d: {  	[tilespmem:s13+$0x5AB0] =	vst v0  }
0x2e: {  	[tilespmem:s13+$0x5AC0] =	vst v0  }
0x2f: {  	[tilespmem:s13+$0x5AD0] =	vst v0  }
0x30: {  	[tilespmem:s13+$0x5AE0] =	vst v0;
	s13 =	sshra.s32 s14, $0x2;
	s14 =	sadd.s32 $0x200, s14  }
0x31: {  	[tilespmem:s13+$0x5AF0] =	vst v0  }
0x32: {  	[tilespmem:s13+$0x5A80] =	vst v0  }
0x33: {  	[tilespmem:s13+$0x5A90] =	vst v0  }
0x34: {  	[tilespmem:s13+$0x5AA0] =	vst v0  }
0x35: {  	[tilespmem:s13+$0x5AB0] =	vst v0  }
0x36: {  	[tilespmem:s13+$0x5AC0] =	vst v0  }
0x37: {  	[tilespmem:s13+$0x5AD0] =	vst v0  }
0x38: {  	[tilespmem:s13+$0x5AE0] =	vst v0  }
0x39: {  	[spmem:s11] =	stream.linear.scatter [tilespmem:s29], [sflag:$0x3], $0x4000, $0x38;
	[tilespmem:$0x1DD80] =	vst v63  }
0x3a: {  	_ =	swait.ge [sflag:s26], $0x4000  }
0x3b: {  	[sflag:s26] =	ssyncset.done $0x0  }
0x3c: {  	[sflag:s26] =	ssyncadd.s32 $0xFFFFC000  }
0x3d: {  	[spmem:s12] =	stream.linear.scatter [tilespmem:s29], [sflag:$0x3], $0x80, $0x38;
	[tilespmem:$0x1DD80] =	vst v63  }
0x3e: {  	_ =	swait.ge [sflag:s26], $0x80  }
0x3f: {  	[sflag:s26] =	ssyncset.done $0x0  }
0x40: {  	s16 =	rddreg [dreg:$0x8];
	[sflag:s26] =	ssyncadd.s32 $0xFFFFFF80  }
0x41: {  	[spmem:s16] =	stream.linear.scatter [tilespmem:s29], [sflag:$0x3], $0x4000, $0x38;
	[tilespmem:$0x1DD80] =	vst v63  }
0x42: {  	_ =	swait.ge [sflag:s26], $0x4000  }
0x43: {  	[sflag:s26] =	ssyncset.done $0x0  }
0x44: {  	s14 =	rddreg [dreg:$0x9];
	[sflag:s26] =	ssyncadd.s32 $0xFFFFC000  }
0x45: {  	[spmem:s14] =	stream.linear.scatter [tilespmem:s29], [sflag:$0x3], $0x80, $0x38;
	[tilespmem:$0x1DD80] =	vst v63  }
0x46: {  	_ =	swait.ge [sflag:s26], $0x80  }
0x47: {  	[sflag:s26] =	ssyncset.done $0x0  }
0x48: {  	s15 =	rddreg [dreg:$0xa];
	[sflag:s26] =	ssyncadd.s32 $0xFFFFFF80  }
0x49: {  	[spmem:s15] =	stream.linear.scatter [tilespmem:s29], [sflag:$0x3], $0x4000, $0x38;
	[tilespmem:$0x1DD80] =	vst v63  }
0x4a: {  	_ =	swait.ge [sflag:s26], $0x4000  }
0x4b: {  	[sflag:s26] =	ssyncset.done $0x0  }
0x4c: {  	s16 =	rddreg [dreg:$0xb];
	[sflag:s26] =	ssyncadd.s32 $0xFFFFC000  }
0x4d: {  	[spmem:s16] =	stream.linear.scatter [tilespmem:s29], [sflag:$0x3], $0x80, $0x38;
	[tilespmem:$0x1DD80] =	vst v63  }
0x4e: {  	_ =	swait.ge [sflag:s26], $0x80  }
0x4f: {  	[sflag:s26] =	ssyncset.done $0x0  }
0x50: {  	[sflag:s26] =	ssyncadd.s32 $0xFFFFFF80  }
0x51: {  	[spmem:s17] =	stream.linear.scatter [tilespmem:s29], [sflag:$0x3], $0x4000, $0x38;
	[tilespmem:$0x1DD80] =	vst v63  }
0x52: {  	_ =	swait.ge [sflag:s26], $0x4000  }
0x53: {  	[sflag:s26] =	ssyncset.done $0x0  }
0x54: {  	[sflag:s26] =	ssyncadd.s32 $0xFFFFC000  }
0x55: {  	[spmem:s18] =	stream.linear.scatter [tilespmem:s29], [sflag:$0x3], $0x80, $0x38;
	[tilespmem:$0x1DD80] =	vst v63  }
0x56: {  	_ =	swait.ge [sflag:s26], $0x80  }
0x57: {  	[sflag:s26] =	ssyncset.done $0x0  }
0x58: {  	[sflag:s26] =	ssyncadd.s32 $0xFFFFFF80  }
0x59: {  	[spmem:s20] =	stream.linear.scatter [tilespmem:s29], [sflag:$0x3], $0x4000, $0x38;
	[tilespmem:$0x1DD80] =	vst v63  }
0x5a: {  	_ =	swait.ge [sflag:s26], $0x4000  }
0x5b: {  	[sflag:s26] =	ssyncset.done $0x0  }
0x5c: {  	[sflag:s26] =	ssyncadd.s32 $0xFFFFC000  }
0x5d: {  	[spmem:s21] =	stream.linear.scatter [tilespmem:s29], [sflag:$0x3], $0x80, $0x38;
	[tilespmem:$0x1DD80] =	vst v63  }
0x5e: {  	_ =	swait.ge [sflag:s26], $0x80  }
0x5f: {  	[sflag:s26] =	ssyncset.done $0x0  }
0x60: {  	[sflag:s26] =	ssyncadd.s32 $0xFFFFFF80  }
0x61: {  	s13 =	simm.s32 $0x0;
	[bflag:$0x0] =	sbarrier.arrive $0xFFFF  }
.LBB2_4:
0x62: {  	s14 =	sshll.u32 s13, $0x7  }
0x63: {  	v2 =	vld [tilespmem:s14+$0x0];
	_ =	sdelay $0x4  }
0x64: {  	v3 =	vshrl.u32 v2, $0xE  }
0x65: {  	v2 =	vand.u32 $0x3FFF, v2;
	[tilespmem:$0x5800] =	vst v3  }
0x66: {  	[tilespmem:$0x5880] =	vst v2  }
0x67: {  	v2 =	vld [tilespmem:s14+$0x10];
	_ =	sdelay $0x4  }
0x68: {  	v3 =	vshrl.u32 v2, $0xE  }
0x69: {  	v2 =	vand.u32 $0x3FFF, v2;
	[tilespmem:$0x5810] =	vst v3  }
0x6a: {  	[tilespmem:$0x5890] =	vst v2  }
0x6b: {  	v2 =	vld [tilespmem:s14+$0x20];
	_ =	sdelay $0x4  }
0x6c: {  	v3 =	vshrl.u32 v2, $0xE  }
0x6d: {  	v2 =	vand.u32 $0x3FFF, v2;
	[tilespmem:$0x5820] =	vst v3  }
0x6e: {  	[tilespmem:$0x58A0] =	vst v2  }
0x6f: {  	v2 =	vld [tilespmem:s14+$0x30];
	_ =	sdelay $0x4  }
0x70: {  	v3 =	vshrl.u32 v2, $0xE  }
0x71: {  	v2 =	vand.u32 $0x3FFF, v2;
	[tilespmem:$0x5830] =	vst v3  }
0x72: {  	[tilespmem:$0x58B0] =	vst v2  }
0x73: {  	v2 =	vld [tilespmem:s14+$0x40];
	_ =	sdelay $0x4  }
0x74: {  	v3 =	vshrl.u32 v2, $0xE  }
0x75: {  	v2 =	vand.u32 $0x3FFF, v2;
	[tilespmem:$0x5840] =	vst v3  }
0x76: {  	[tilespmem:$0x58C0] =	vst v2  }
0x77: {  	v2 =	vld [tilespmem:s14+$0x50];
	_ =	sdelay $0x4  }
0x78: {  	v3 =	vshrl.u32 v2, $0xE  }
0x79: {  	v2 =	vand.u32 $0x3FFF, v2;
	[tilespmem:$0x5850] =	vst v3  }
0x7a: {  	[tilespmem:$0x58D0] =	vst v2  }
0x7b: {  	v2 =	vld [tilespmem:s14+$0x60];
	_ =	sdelay $0x4  }
0x7c: {  	v3 =	vshrl.u32 v2, $0xE  }
0x7d: {  	v2 =	vand.u32 $0x3FFF, v2;
	[tilespmem:$0x5860] =	vst v3  }
0x7e: {  	[tilespmem:$0x58E0] =	vst v2  }
0x7f: {  	v2 =	vld [tilespmem:s14+$0x70];
	_ =	sdelay $0x4  }
0x80: {  	v3 =	vshrl.u32 v2, $0xE  }
0x81: {  	v2 =	vand.u32 $0x3FFF, v2;
	[tilespmem:$0x5870] =	vst v3  }
0x82: {  	[tilespmem:$0x58F0] =	vst v2  }
0x83: {  	[tilespmem:s29], [sflag:$0x2] =	stream.indirect.gather [hbm4b:s1+s30], $0x80, s31, s30, $0xb8;
	[tilespmem:$0x1DD80] =	vst v63  }
0x84: {  	_ = 	snop  }
0x85: {  	[tilespmem:s2], [sflag:$0x1] =	stream.indirect.gather [hbm4b:s6+s30], $0x1, s31, s30, $0xb8;
	[tilespmem:$0x1DD80] =	vst v63  }
0x86: {  	_ = 	snop  }
0x87: {  	[tilespmem:s28], [sflag:$0x1] =	stream.indirect.gather [hbm4b:s7+s30], $0x1, s25, s30, $0xb8;
	[tilespmem:$0x1DD80] =	vst v63  }
0x88: {  	_ =	swait.ge [sflag:s0], $0x80  }
0x89: {  	[sflag:s0] =	ssyncset.done $0x0  }
0x8a: {  	[sflag:s0] =	ssyncadd.s32 $0xFFFFFF80  }
0x8b: {  	_ =	swait.ge [sflag:s0], $0x80  }
0x8c: {  	[sflag:s0] =	ssyncset.done $0x0  }
0x8d: {  	[sflag:s0] =	ssyncadd.s32 $0xFFFFFF80  }
0x8e: {  	v2 =	vld [tilespmem:$0x5900]  }
0x8f: {  	v3 =	vld [tilespmem:$0x5980];
	_ =	sdelay $0x4  }
0x90: {  	v4 =	vld [tilespmem:s14+$0x2C00];
	v2 =	vadd.f32 v3, v2;
	_ =	sdelay $0x1  }
0x91: {  	v3 =	vmul.f32 $9.999999770e-03, v2;
	_ =	sdelay $0x1  }
0x92: {  	v2 =	vmax.f32 v2, v3  }
0x93: {  	v2 =	vmul.f32 v2, v4;
	_ =	sdelay $0x1  }
0x94: {  	v2 =	vsub.f32 v2, v1;
	_ =	sdelay $0x1  }
0x95: {  	v2 =	vmul.f32 $1.442695020e+00, v2;
	_ =	sdelay $0x1  }
0x96: {  	(erf) = vpow2.f32 v2;
	_ =	sdelay $0x5  }
0x97: {  	v3 =	vld [tilespmem:$0x5990]  }
0x98: {  	v2 =	vld [tilespmem:$0x5910];
	_ =	sdelay $0x1  }
0x99: {  	vm0 =	vge.f32 v4, $0.0e+00;
	v4 =	vpop (erf)  }
0x9a: {  	v4 =	vnsel vm0, $0x0, v4  }
0x9b: {  	[tilespmem:$0x5A00] =	vst v4  }
0x9c: {  	v2 =	vadd.f32 v3, v2;
	v4 =	vld [tilespmem:s14+$0x2C10];
	_ =	sdelay $0x1  }
0x9d: {  	v3 =	vmul.f32 $9.999999770e-03, v2;
	_ =	sdelay $0x1  }
0x9e: {  	v2 =	vmax.f32 v2, v3  }
0x9f: {  	v2 =	vmul.f32 v2, v4;
	_ =	sdelay $0x1  }
0xa0: {  	v2 =	vsub.f32 v2, v1;
	_ =	sdelay $0x1  }
0xa1: {  	v2 =	vmul.f32 $1.442695020e+00, v2;
	_ =	sdelay $0x1  }
0xa2: {  	(erf) = vpow2.f32 v2;
	_ =	sdelay $0x5  }
0xa3: {  	v3 =	vld [tilespmem:$0x59A0]  }
0xa4: {  	v2 =	vld [tilespmem:$0x5920];
	_ =	sdelay $0x1  }
0xa5: {  	vm9 =	vge.f32 v4, $0.0e+00;
	v4 =	vpop (erf)  }
0xa6: {  	v4 =	vnsel vm9, $0x0, v4  }
0xa7: {  	[tilespmem:$0x5A10] =	vst v4  }
0xa8: {  	v2 =	vadd.f32 v3, v2;
	v4 =	vld [tilespmem:s14+$0x2C20];
	_ =	sdelay $0x1  }
0xa9: {  	v3 =	vmul.f32 $9.999999770e-03, v2;
	_ =	sdelay $0x1  }
0xaa: {  	v2 =	vmax.f32 v2, v3  }
0xab: {  	v2 =	vmul.f32 v2, v4;
	_ =	sdelay $0x1  }
0xac: {  	v2 =	vsub.f32 v2, v1;
	_ =	sdelay $0x1  }
0xad: {  	v2 =	vmul.f32 $1.442695020e+00, v2;
	_ =	sdelay $0x1  }
0xae: {  	(erf) = vpow2.f32 v2;
	_ =	sdelay $0x5  }
0xaf: {  	v3 =	vld [tilespmem:$0x59B0]  }
0xb0: {  	v2 =	vld [tilespmem:$0x5930];
	_ =	sdelay $0x1  }
0xb1: {  	vm10 =	vge.f32 v4, $0.0e+00;
	v4 =	vpop (erf)  }
0xb2: {  	v4 =	vnsel vm10, $0x0, v4  }
0xb3: {  	[tilespmem:$0x5A20] =	vst v4  }
0xb4: {  	v2 =	vadd.f32 v3, v2;
	v4 =	vld [tilespmem:s14+$0x2C30];
	_ =	sdelay $0x1  }
0xb5: {  	v3 =	vmul.f32 $9.999999770e-03, v2;
	_ =	sdelay $0x1  }
0xb6: {  	v2 =	vmax.f32 v2, v3  }
0xb7: {  	v2 =	vmul.f32 v2, v4;
	_ =	sdelay $0x1  }
0xb8: {  	v2 =	vsub.f32 v2, v1;
	_ =	sdelay $0x1  }
0xb9: {  	v2 =	vmul.f32 $1.442695020e+00, v2;
	_ =	sdelay $0x1  }
0xba: {  	(erf) = vpow2.f32 v2;
	_ =	sdelay $0x5  }
0xbb: {  	v3 =	vld [tilespmem:$0x59C0]  }
0xbc: {  	v2 =	vld [tilespmem:$0x5940];
	_ =	sdelay $0x1  }
0xbd: {  	vm11 =	vge.f32 v4, $0.0e+00;
	v4 =	vpop (erf)  }
0xbe: {  	v4 =	vnsel vm11, $0x0, v4  }
0xbf: {  	[tilespmem:$0x5A30] =	vst v4  }
0xc0: {  	v2 =	vadd.f32 v3, v2;
	v4 =	vld [tilespmem:s14+$0x2C40];
	_ =	sdelay $0x1  }
0xc1: {  	v3 =	vmul.f32 $9.999999770e-03, v2;
	_ =	sdelay $0x1  }
0xc2: {  	v2 =	vmax.f32 v2, v3  }
0xc3: {  	v2 =	vmul.f32 v2, v4;
	_ =	sdelay $0x1  }
0xc4: {  	v2 =	vsub.f32 v2, v1;
	_ =	sdelay $0x1  }
0xc5: {  	v2 =	vmul.f32 $1.442695020e+00, v2;
	_ =	sdelay $0x1  }
0xc6: {  	(erf) = vpow2.f32 v2;
	_ =	sdelay $0x5  }
0xc7: {  	v3 =	vld [tilespmem:$0x59D0]  }
0xc8: {  	v2 =	vld [tilespmem:$0x5950];
	_ =	sdelay $0x1  }
0xc9: {  	vm12 =	vge.f32 v4, $0.0e+00;
	v4 =	vpop (erf)  }
0xca: {  	v4 =	vnsel vm12, $0x0, v4  }
0xcb: {  	[tilespmem:$0x5A40] =	vst v4  }
0xcc: {  	v2 =	vadd.f32 v3, v2;
	v4 =	vld [tilespmem:s14+$0x2C50];
	_ =	sdelay $0x1  }
0xcd: {  	v3 =	vmul.f32 $9.999999770e-03, v2;
	_ =	sdelay $0x1  }
0xce: {  	v2 =	vmax.f32 v2, v3  }
0xcf: {  	v2 =	vmul.f32 v2, v4;
	_ =	sdelay $0x1  }
0xd0: {  	v2 =	vsub.f32 v2, v1;
	_ =	sdelay $0x1  }
0xd1: {  	v2 =	vmul.f32 $1.442695020e+00, v2;
	_ =	sdelay $0x1  }
0xd2: {  	(erf) = vpow2.f32 v2;
	_ =	sdelay $0x5  }
0xd3: {  	v3 =	vld [tilespmem:$0x59E0]  }
0xd4: {  	v2 =	vld [tilespmem:$0x5960];
	_ =	sdelay $0x1  }
0xd5: {  	vm13 =	vge.f32 v4, $0.0e+00;
	v4 =	vpop (erf)  }
0xd6: {  	v4 =	vnsel vm13, $0x0, v4  }
0xd7: {  	[tilespmem:$0x5A50] =	vst v4  }
0xd8: {  	v2 =	vadd.f32 v3, v2;
	v4 =	vld [tilespmem:s14+$0x2C60];
	_ =	sdelay $0x1  }
0xd9: {  	v3 =	vmul.f32 $9.999999770e-03, v2;
	_ =	sdelay $0x1  }
0xda: {  	v2 =	vmax.f32 v2, v3  }
0xdb: {  	v2 =	vmul.f32 v2, v4;
	_ =	sdelay $0x1  }
0xdc: {  	v2 =	vsub.f32 v2, v1;
	_ =	sdelay $0x1  }
0xdd: {  	v2 =	vmul.f32 $1.442695020e+00, v2;
	_ =	sdelay $0x1  }
0xde: {  	(erf) = vpow2.f32 v2;
	_ =	sdelay $0x5  }
0xdf: {  	v3 =	vld [tilespmem:$0x59F0]  }
0xe0: {  	v2 =	vld [tilespmem:$0x5970];
	_ =	sdelay $0x1  }
0xe1: {  	vm14 =	vge.f32 v4, $0.0e+00;
	v4 =	vpop (erf)  }
0xe2: {  	v4 =	vnsel vm14, $0x0, v4  }
0xe3: {  	[tilespmem:$0x5A60] =	vst v4  }
0xe4: {  	v2 =	vadd.f32 v3, v2;
	v4 =	vld [tilespmem:s14+$0x2C70];
	_ =	sdelay $0x1  }
0xe5: {  	v3 =	vmul.f32 $9.999999770e-03, v2;
	_ =	sdelay $0x1  }
0xe6: {  	v2 =	vmax.f32 v2, v3  }
0xe7: {  	v2 =	vmul.f32 v2, v4;
	_ =	sdelay $0x1  }
0xe8: {  	v2 =	vsub.f32 v2, v1;
	_ =	sdelay $0x1  }
0xe9: {  	v2 =	vmul.f32 $1.442695020e+00, v2;
	_ =	sdelay $0x1  }
0xea: {  	(erf) = vpow2.f32 v2;
	_ =	sdelay $0x8  }
0xeb: {  	vm15 =	vge.f32 v4, $0.0e+00;
	v2 =	vpop (erf)  }
0xec: {  	v2 =	vnsel vm15, $0x0, v2  }
0xed: {  	[tilespmem:$0x5A70] =	vst v2  }
0xee: {  	[spmem:s4] =	stream.indirect.scatter.add.f32 [tilespmem:s8], [sflag:$0x3], $0x1, s25, s30, $0xb8;
	[tilespmem:$0x1DD80] =	vst v63  }
0xef: {  	_ =	swait.ge [sflag:s26], $0x80  }
0xf0: {  	[sflag:s26] =	ssyncset.done $0x0  }
0xf1: {  	[sflag:s26] =	ssyncadd.s32 $0xFFFFFF80  }
0xf2: {  	_ =	swait.ge [sflag:s9], $0x4000  }
0xf3: {  	s16 =	simm.s32 $0x0;
	[sflag:s9] =	ssyncset.done $0x0  }
0xf4: {  	s15 =	simm.s32 $0x0;
	s14 =	sand.u32 $0x3FFFFFF0, s16;
	[sflag:s9] =	ssyncadd.s32 $0xFFFFC000  }
0xf5: {  	v2 =	vld [tilespmem:s14+$0x5A00];
	s14 =	sand.u32 $0x3FFFF800, s15  }
0xf6: {  	v8 =	vld [tilespmem:s14+$0x5B40]  }
0xf7: {  	v4 =	vld [tilespmem:s14+$0x5AA0]  }
0xf8: {  	v5 =	vld [tilespmem:s14+$0x5AB0]  }
0xf9: {  	v11 =	vld [tilespmem:s14+$0x5AE0]  }
0xfa: {  	v12 =	vld [tilespmem:s14+$0x5AF0];
	v3 =	vbroadcast v2, $0x0  }
0xfb: {  	v13 =	vld [tilespmem:s14+$0x5B00]  }
0xfc: {  	v14 =	vld [tilespmem:s14+$0x5B10];
	v4 =	vmul.f32 v4, v3  }
0xfd: {  	v15 =	vld [tilespmem:s14+$0x5B20];
	v5 =	vmul.f32 v5, v3  }
0xfe: {  	v10 =	vld [tilespmem:s14+$0x5B30];
	v21 =	vbroadcast v2, $0x1;
	v20 =	vmul.f32 v11, v3;
	[tilespmem:s14+$0x5AA0] =	vst v4  }
0xff: {  	v9 =	vld [tilespmem:s14+$0x5B50];
	v12 =	vmul.f32 v12, v3;
	[tilespmem:s14+$0x5AB0] =	vst v5  }
0x100: {  	v7 =	vld [tilespmem:s14+$0x5FF0];
	v13 =	vmul.f32 v13, v21;
	[tilespmem:s14+$0x5AE0] =	vst v20  }
0x101: {  	v23 =	vld [tilespmem:s14+$0x5B70];
	v14 =	vmul.f32 v14, v21;
	[tilespmem:s14+$0x5AF0] =	vst v12  }
0x102: {  	v24 =	vld [tilespmem:s14+$0x5B80];
	v15 =	vmul.f32 v15, v21;
	[tilespmem:s14+$0x5B00] =	vst v13  }
0x103: {  	v25 =	vld [tilespmem:s14+$0x5B90];
	v10 =	vmul.f32 v10, v21;
	[tilespmem:s14+$0x5B10] =	vst v14  }
0x104: {  	v22 =	vld [tilespmem:s14+$0x5B60];
	v8 =	vmul.f32 v8, v21;
	[tilespmem:s14+$0x5B20] =	vst v15  }
0x105: {  	v26 =	vld [tilespmem:s14+$0x5BA0];
	v16 =	vbroadcast v2, $0x2;
	v9 =	vmul.f32 v9, v21;
	[tilespmem:s14+$0x5B30] =	vst v10  }
0x106: {  	v27 =	vld [tilespmem:s14+$0x5BB0];
	v11 =	vmul.f32 v23, v21;
	[tilespmem:s14+$0x5B40] =	vst v8  }
0x107: {  	v28 =	vld [tilespmem:s14+$0x5BC0];
	v6 =	vbroadcast v2, $0xA;
	v30 =	vmul.f32 v24, v16;
	[tilespmem:s14+$0x5B50] =	vst v9  }
0x108: {  	v29 =	vld [tilespmem:s14+$0x5BD0];
	v32 =	vmul.f32 v25, v16;
	[tilespmem:s14+$0x5B70] =	vst v11  }
0x109: {  	v31 =	vld [tilespmem:s14+$0x5BE0];
	v4 =	vmul.f32 v7, v6;
	[tilespmem:s14+$0x5B80] =	vst v30  }
0x10a: {  	v33 =	vld [tilespmem:s14+$0x5BF0];
	v12 =	vmul.f32 v22, v21;
	[tilespmem:s14+$0x5B90] =	vst v32  }
0x10b: {  	v34 =	vld [tilespmem:s14+$0x5C00];
	v10 =	vmul.f32 v26, v16;
	[tilespmem:s14+$0x5FF0] =	vst v4  }
0x10c: {  	v35 =	vld [tilespmem:s14+$0x5C10];
	v8 =	vmul.f32 v27, v16;
	[tilespmem:s14+$0x5B60] =	vst v12  }
0x10d: {  	v36 =	vld [tilespmem:s14+$0x5C20];
	v9 =	vmul.f32 v28, v16;
	[tilespmem:s14+$0x5BA0] =	vst v10  }
0x10e: {  	v37 =	vld [tilespmem:s14+$0x5C30];
	v39 =	vbroadcast v2, $0x3;
	v11 =	vmul.f32 v31, v16;
	[tilespmem:s14+$0x5BB0] =	vst v8  }
0x10f: {  	v38 =	vld [tilespmem:s14+$0x5C40];
	v13 =	vmul.f32 v33, v16;
	[tilespmem:s14+$0x5BC0] =	vst v9  }
0x110: {  	v40 =	vld [tilespmem:s14+$0x5C50];
	v14 =	vmul.f32 v34, v39;
	[tilespmem:s14+$0x5BE0] =	vst v11  }
0x111: {  	v41 =	vld [tilespmem:s14+$0x5C60];
	v12 =	vmul.f32 v29, v16;
	[tilespmem:s14+$0x5BF0] =	vst v13  }
0x112: {  	v42 =	vld [tilespmem:s14+$0x5C70];
	v10 =	vmul.f32 v35, v39;
	[tilespmem:s14+$0x5C00] =	vst v14  }
0x113: {  	v43 =	vld [tilespmem:s14+$0x5C80];
	v8 =	vmul.f32 v36, v39;
	[tilespmem:s14+$0x5BD0] =	vst v12  }
0x114: {  	v44 =	vld [tilespmem:s14+$0x5C90];
	v9 =	vmul.f32 v37, v39;
	[tilespmem:s14+$0x5C10] =	vst v10  }
0x115: {  	v45 =	vld [tilespmem:s14+$0x5CA0];
	v11 =	vmul.f32 v40, v39;
	[tilespmem:s14+$0x5C20] =	vst v8  }
0x116: {  	v46 =	vld [tilespmem:s14+$0x5CB0];
	v13 =	vmul.f32 v41, v39;
	[tilespmem:s14+$0x5C30] =	vst v9  }
0x117: {  	v47 =	vld [tilespmem:s14+$0x5CC0];
	v48 =	vbroadcast v2, $0x4;
	v14 =	vmul.f32 v42, v39;
	[tilespmem:s14+$0x5C50] =	vst v11  }
0x118: {  	v49 =	vld [tilespmem:s14+$0x5CD0];
	v12 =	vmul.f32 v38, v39;
	[tilespmem:s14+$0x5C60] =	vst v13  }
0x119: {  	v50 =	vld [tilespmem:s14+$0x5CE0];
	v10 =	vmul.f32 v43, v48;
	[tilespmem:s14+$0x5C70] =	vst v14  }
0x11a: {  	v51 =	vld [tilespmem:s14+$0x5CF0];
	v8 =	vmul.f32 v44, v48;
	[tilespmem:s14+$0x5C40] =	vst v12  }
0x11b: {  	v52 =	vld [tilespmem:s14+$0x5D00];
	v9 =	vmul.f32 v45, v48;
	[tilespmem:s14+$0x5C80] =	vst v10  }
0x11c: {  	v53 =	vld [tilespmem:s14+$0x5D10];
	v11 =	vmul.f32 v47, v48;
	[tilespmem:s14+$0x5C90] =	vst v8  }
0x11d: {  	v54 =	vld [tilespmem:s14+$0x5D20];
	v13 =	vmul.f32 v49, v48;
	[tilespmem:s14+$0x5CA0] =	vst v9  }
0x11e: {  	v55 =	vld [tilespmem:s14+$0x5D30];
	v14 =	vmul.f32 v50, v48;
	[tilespmem:s14+$0x5CC0] =	vst v11  }
0x11f: {  	v56 =	vld [tilespmem:s14+$0x5D40];
	v57 =	vbroadcast v2, $0x5;
	v12 =	vmul.f32 v46, v48;
	[tilespmem:s14+$0x5CD0] =	vst v13  }
0x120: {  	v58 =	vld [tilespmem:s14+$0x5D50];
	v10 =	vmul.f32 v51, v48;
	[tilespmem:s14+$0x5CE0] =	vst v14  }
0x121: {  	v59 =	vld [tilespmem:s14+$0x5D60];
	v8 =	vmul.f32 v52, v57;
	[tilespmem:s14+$0x5CB0] =	vst v12  }
0x122: {  	v60 =	vld [tilespmem:s14+$0x5D70];
	v9 =	vmul.f32 v53, v57;
	[tilespmem:s14+$0x5CF0] =	vst v10  }
0x123: {  	v61 =	vld [tilespmem:s14+$0x5D80];
	v11 =	vmul.f32 v55, v57;
	[tilespmem:s14+$0x5D00] =	vst v8  }
0x124: {  	v62 =	vld [tilespmem:s14+$0x5D90];
	v13 =	vmul.f32 v56, v57;
	[tilespmem:s14+$0x5D10] =	vst v9  }
0x125: {  	v63 =	vld [tilespmem:s14+$0x5DA0];
	v14 =	vmul.f32 v58, v57;
	[tilespmem:s14+$0x5D30] =	vst v11  }
0x126: {  	v20 =	vld [tilespmem:s14+$0x5DB0];
	v12 =	vmul.f32 v54, v57;
	[tilespmem:s14+$0x5D40] =	vst v13  }
0x127: {  	v21 =	vld [tilespmem:s14+$0x5DC0];
	v22 =	vbroadcast v2, $0x6;
	v10 =	vmul.f32 v59, v57;
	[tilespmem:s14+$0x5D50] =	vst v14  }
0x128: {  	v23 =	vld [tilespmem:s14+$0x5DD0];
	v8 =	vmul.f32 v60, v57;
	[tilespmem:s14+$0x5D20] =	vst v12  }
0x129: {  	v24 =	vld [tilespmem:s14+$0x5DE0];
	v9 =	vmul.f32 v61, v22;
	[tilespmem:s14+$0x5D60] =	vst v10  }
0x12a: {  	v25 =	vld [tilespmem:s14+$0x5DF0];
	v11 =	vmul.f32 v63, v22;
	[tilespmem:s14+$0x5D70] =	vst v8  }
0x12b: {  	v5 =	vld [tilespmem:s14+$0x6000];
	v13 =	vmul.f32 v20, v22;
	[tilespmem:s14+$0x5D80] =	vst v9  }
0x12c: {  	v27 =	vld [tilespmem:s14+$0x5E10];
	v14 =	vmul.f32 v21, v22;
	[tilespmem:s14+$0x5DA0] =	vst v11  }
0x12d: {  	v28 =	vld [tilespmem:s14+$0x5E20];
	v12 =	vmul.f32 v62, v22;
	[tilespmem:s14+$0x5DB0] =	vst v13  }
0x12e: {  	v29 =	vld [tilespmem:s14+$0x5E30];
	v10 =	vmul.f32 v23, v22;
	[tilespmem:s14+$0x5DC0] =	vst v14  }
0x12f: {  	v31 =	vbroadcast v2, $0x7;
	v53 =	vld [tilespmem:s14+$0x5F80];
	v8 =	vmul.f32 v24, v22;
	[tilespmem:s14+$0x5D90] =	vst v12  }
0x130: {  	v58 =	vld [tilespmem:s14+$0x5FD0];
	v9 =	vmul.f32 v25, v22;
	[tilespmem:s14+$0x5DD0] =	vst v10  }
0x131: {  	v26 =	vld [tilespmem:s14+$0x5E00];
	v11 =	vmul.f32 v27, v31;
	[tilespmem:s14+$0x5DE0] =	vst v8  }
0x132: {  	v30 =	vld [tilespmem:s14+$0x5E40];
	v13 =	vmul.f32 v28, v31;
	[tilespmem:s14+$0x5DF0] =	vst v9  }
0x133: {  	v32 =	vld [tilespmem:s14+$0x5E50];
	v14 =	vmul.f32 v29, v31;
	[tilespmem:s14+$0x5E10] =	vst v11  }
0x134: {  	v33 =	vld [tilespmem:s14+$0x5E60];
	v59 =	vmul.f32 v53, v6;
	[tilespmem:s14+$0x5E20] =	vst v13  }
0x135: {  	v35 =	vld [tilespmem:s14+$0x5E80];
	v21 =	vmul.f32 v58, v6;
	[tilespmem:s14+$0x5E30] =	vst v14  }
0x136: {  	v36 =	vld [tilespmem:s14+$0x5E90];
	v12 =	vmul.f32 v26, v31;
	[tilespmem:s14+$0x5F80] =	vst v59  }
0x137: {  	v37 =	vld [tilespmem:s14+$0x5EA0];
	v10 =	vmul.f32 v30, v31;
	[tilespmem:s14+$0x5FD0] =	vst v21  }
0x138: {  	v7 =	vld [tilespmem:s14+$0x6010];
	v40 =	vbroadcast v2, $0x8;
	v8 =	vmul.f32 v32, v31;
	[tilespmem:s14+$0x5E00] =	vst v12  }
0x139: {  	v34 =	vld [tilespmem:s14+$0x5E70];
	v9 =	vmul.f32 v33, v31;
	[tilespmem:s14+$0x5E40] =	vst v10  }
0x13a: {  	v57 =	vld [tilespmem:s14+$0x5FC0];
	v11 =	vmul.f32 v35, v40;
	[tilespmem:s14+$0x5E50] =	vst v8  }
0x13b: {  	v61 =	vld [tilespmem:s14+$0x5A80];
	v24 =	vbroadcast v2, $0xB;
	v13 =	vmul.f32 v36, v40;
	[tilespmem:s14+$0x5E60] =	vst v9  }
0x13c: {  	v4 =	vld [tilespmem:s14+$0x6250];
	v14 =	vmul.f32 v37, v40;
	[tilespmem:s14+$0x5E80] =	vst v11  }
0x13d: {  	v38 =	vld [tilespmem:s14+$0x5EB0];
	v5 =	vmul.f32 v5, v24;
	[tilespmem:s14+$0x5E90] =	vst v13  }
0x13e: {  	v39 =	vld [tilespmem:s14+$0x5EC0];
	v7 =	vmul.f32 v7, v24;
	[tilespmem:s14+$0x5EA0] =	vst v14  }
0x13f: {  	v41 =	vld [tilespmem:s14+$0x5ED0];
	v19 =	vmul.f32 v57, v6;
	[tilespmem:s14+$0x6000] =	vst v5  }
0x140: {  	v43 =	vld [tilespmem:s14+$0x5EF0];
	v25 =	vmul.f32 v3, v61;
	[tilespmem:s14+$0x6010] =	vst v7  }
0x141: {  	v44 =	vld [tilespmem:s14+$0x5F00];
	v12 =	vmul.f32 v34, v31;
	[tilespmem:s14+$0x5FC0] =	vst v19  }
0x142: {  	v45 =	vld [tilespmem:s14+$0x5F10];
	v10 =	vmul.f32 v38, v40;
	[tilespmem:s14+$0x5A80] =	vst v25  }
0x143: {  	v27 =	vld [tilespmem:s14+$0x6050];
	v8 =	vmul.f32 v39, v40;
	[tilespmem:s14+$0x5E70] =	vst v12  }
0x144: {  	v49 =	vbroadcast v2, $0x9;
	v29 =	vld [tilespmem:s14+$0x6070];
	v9 =	vmul.f32 v41, v40;
	[tilespmem:s14+$0x5EB0] =	vst v10  }
0x145: {  	v42 =	vld [tilespmem:s14+$0x5EE0];
	v11 =	vmul.f32 v43, v40;
	[tilespmem:s14+$0x5EC0] =	vst v8  }
0x146: {  	v46 =	vld [tilespmem:s14+$0x5F20];
	v13 =	vmul.f32 v44, v49;
	[tilespmem:s14+$0x5ED0] =	vst v9  }
0x147: {  	v47 =	vld [tilespmem:s14+$0x5F30];
	v14 =	vmul.f32 v45, v49;
	[tilespmem:s14+$0x5EF0] =	vst v11  }
0x148: {  	v48 =	vld [tilespmem:s14+$0x5F40];
	v32 =	vmul.f32 v27, v24;
	[tilespmem:s14+$0x5F00] =	vst v13  }
0x149: {  	v51 =	vld [tilespmem:s14+$0x5F60];
	v7 =	vmul.f32 v29, v24;
	[tilespmem:s14+$0x5F10] =	vst v14  }
0x14a: {  	v52 =	vld [tilespmem:s14+$0x5F70];
	v12 =	vmul.f32 v42, v40;
	[tilespmem:s14+$0x6050] =	vst v32  }
0x14b: {  	v10 =	vmul.f32 v46, v49;
	[tilespmem:s14+$0x6070] =	vst v7  }
0x14c: {  	v28 =	vld [tilespmem:s14+$0x6060];
	v8 =	vmul.f32 v47, v49;
	[tilespmem:s14+$0x5EE0] =	vst v12  }
0x14d: {  	v30 =	vld [tilespmem:s14+$0x6080];
	v9 =	vmul.f32 v48, v49;
	[tilespmem:s14+$0x5F20] =	vst v10  }
0x14e: {  	v50 =	vld [tilespmem:s14+$0x5F50];
	v5 =	vbroadcast v2, $0xF;
	v11 =	vmul.f32 v51, v49;
	[tilespmem:s14+$0x5F30] =	vst v8  }
0x14f: {  	v54 =	vld [tilespmem:s14+$0x5F90];
	v13 =	vmul.f32 v52, v49;
	[tilespmem:s14+$0x5F40] =	vst v9  }
0x150: {  	v55 =	vld [tilespmem:s14+$0x5FA0];
	v35 =	vbroadcast v2, $0xC;
	v4 =	vmul.f32 v4, v5;
	[tilespmem:s14+$0x5F60] =	vst v11  }
0x151: {  	v56 =	vld [tilespmem:s14+$0x5FB0];
	v40 =	vmul.f32 v28, v24;
	[tilespmem:s14+$0x5F70] =	vst v13  }
0x152: {  	v60 =	vld [tilespmem:s14+$0x5FE0];
	v16 =	vmul.f32 v30, v35;
	[tilespmem:s14+$0x6250] =	vst v4  }
0x153: {  	v62 =	vld [tilespmem:s14+$0x5A90];
	v12 =	vmul.f32 v50, v49;
	[tilespmem:s14+$0x6060] =	vst v40  }
0x154: {  	v63 =	vld [tilespmem:s14+$0x5AC0];
	v10 =	vmul.f32 v54, v6;
	[tilespmem:s14+$0x6080] =	vst v16  }
0x155: {  	v20 =	vld [tilespmem:s14+$0x5AD0];
	v8 =	vmul.f32 v55, v6;
	[tilespmem:s14+$0x5F50] =	vst v12  }
0x156: {  	v33 =	vld [tilespmem:s14+$0x60B0];
	v9 =	vmul.f32 v56, v6;
	[tilespmem:s14+$0x5F90] =	vst v10  }
0x157: {  	v61 =	vld [tilespmem:s14+$0x6270];
	v6 =	vmul.f32 v60, v6;
	[tilespmem:s14+$0x5FA0] =	vst v8  }
0x158: {  	v38 =	vld [tilespmem:s14+$0x60F0];
	v13 =	vmul.f32 v62, v3;
	[tilespmem:s14+$0x5FB0] =	vst v9  }
0x159: {  	v22 =	vld [tilespmem:s14+$0x6020];
	v4 =	vmul.f32 v63, v3;
	[tilespmem:s14+$0x5FE0] =	vst v6  }
0x15a: {  	v23 =	vld [tilespmem:s14+$0x6030];
	v3 =	vmul.f32 v20, v3;
	[tilespmem:s14+$0x5A90] =	vst v13  }
0x15b: {  	v26 =	vld [tilespmem:s14+$0x6040];
	v62 =	vmul.f32 v33, v35;
	[tilespmem:s14+$0x5AC0] =	vst v4  }
0x15c: {  	v31 =	vld [tilespmem:s14+$0x6090];
	v63 =	vmul.f32 v61, v5;
	[tilespmem:s14+$0x5AD0] =	vst v3  }
0x15d: {  	v34 =	vld [tilespmem:s14+$0x60C0];
	v16 =	vmul.f32 v38, v35;
	[tilespmem:s14+$0x60B0] =	vst v62  }
0x15e: {  	v41 =	vld [tilespmem:s14+$0x6120];
	v8 =	vmul.f32 v22, v24;
	[tilespmem:s14+$0x6270] =	vst v63  }
0x15f: {  	v46 =	vld [tilespmem:s14+$0x6160];
	v9 =	vmul.f32 v23, v24;
	[tilespmem:s14+$0x60F0] =	vst v16  }
0x160: {  	v6 =	vmul.f32 v26, v24;
	v3 =	vld [tilespmem:s14+$0x6110];
	[tilespmem:s14+$0x6020] =	vst v8  }
0x161: {  	v36 =	vld [tilespmem:s14+$0x60D0];
	v44 =	vbroadcast v2, $0xD;
	v10 =	vmul.f32 v31, v35;
	[tilespmem:s14+$0x6030] =	vst v9  }
0x162: {  	v37 =	vld [tilespmem:s14+$0x60E0];
	v13 =	vmul.f32 v34, v35;
	[tilespmem:s14+$0x6040] =	vst v6  }
0x163: {  	v39 =	vld [tilespmem:s14+$0x6100];
	v12 =	vmul.f32 v41, v44;
	[tilespmem:s14+$0x6090] =	vst v10  }
0x164: {  	v42 =	vld [tilespmem:s14+$0x6130];
	v51 =	vmul.f32 v46, v44;
	[tilespmem:s14+$0x60C0] =	vst v13  }
0x165: {  	v48 =	vld [tilespmem:s14+$0x6190];
	[tilespmem:s14+$0x6120] =	vst v12;
	v3 =	vmul.f32 v3, v44  }
0x166: {  	v49 =	vld [tilespmem:s14+$0x61A0];
	v9 =	vmul.f32 v36, v35;
	[tilespmem:s14+$0x6160] =	vst v51  }
0x167: {  	v6 =	vmul.f32 v37, v35;
	[tilespmem:s14+$0x6110] =	vst v3;
	v3 =	vld [tilespmem:s14+$0x6180]  }
0x168: {  	v2 =	vbroadcast v2, $0xE;
	v50 =	vld [tilespmem:s14+$0x61B0];
	v10 =	vmul.f32 v39, v44;
	[tilespmem:s14+$0x60D0] =	vst v9  }
0x169: {  	v45 =	vld [tilespmem:s14+$0x6150];
	v13 =	vmul.f32 v42, v44;
	[tilespmem:s14+$0x60E0] =	vst v6  }
0x16a: {  	v47 =	vld [tilespmem:s14+$0x6170];
	v12 =	vmul.f32 v48, v2;
	[tilespmem:s14+$0x6100] =	vst v10  }
0x16b: {  	v43 =	vld [tilespmem:s14+$0x6140];
	v11 =	vmul.f32 v49, v2;
	[tilespmem:s14+$0x6130] =	vst v13  }
0x16c: {  	v55 =	vld [tilespmem:s14+$0x6200];
	[tilespmem:s14+$0x6190] =	vst v12;
	v3 =	vmul.f32 v3, v2  }
0x16d: {  	v57 =	vld [tilespmem:s14+$0x6220];
	v7 =	vmul.f32 v50, v2;
	[tilespmem:s14+$0x61A0] =	vst v11  }
0x16e: {  	v6 =	vmul.f32 v45, v44;
	[tilespmem:s14+$0x6180] =	vst v3;
	v3 =	vld [tilespmem:s14+$0x61F0]  }
0x16f: {  	v52 =	vld [tilespmem:s14+$0x61C0];
	v10 =	vmul.f32 v47, v44;
	[tilespmem:s14+$0x61B0] =	vst v7  }
0x170: {  	v56 =	vld [tilespmem:s14+$0x6210];
	v9 =	vmul.f32 v43, v44;
	[tilespmem:s14+$0x6150] =	vst v6  }
0x171: {  	v54 =	vld [tilespmem:s14+$0x61E0];
	v12 =	vmul.f32 v55, v5;
	[tilespmem:s14+$0x6170] =	vst v10  }
0x172: {  	v58 =	vld [tilespmem:s14+$0x6230];
	v7 =	vmul.f32 v57, v5;
	[tilespmem:s14+$0x6140] =	vst v9  }
0x173: {  	v53 =	vld [tilespmem:s14+$0x61D0];
	[tilespmem:s14+$0x6200] =	vst v12;
	v3 =	vmul.f32 v3, v2  }
0x174: {  	v59 =	vld [tilespmem:s14+$0x6240];
	v6 =	vmul.f32 v52, v2;
	[tilespmem:s14+$0x6220] =	vst v7  }
0x175: {  	v60 =	vld [tilespmem:s14+$0x6260];
	[tilespmem:s14+$0x61F0] =	vst v3;
	v3 =	vmul.f32 v56, v5  }
0x176: {  	v10 =	vmul.f32 v54, v2;
	[tilespmem:s14+$0x61C0] =	vst v6  }
0x177: {  	v4 =	vld [tilespmem:s14+$0x60A0];
	[tilespmem:s14+$0x6210] =	vst v3;
	v3 =	vmul.f32 v58, v5  }
0x178: {  	[tilespmem:s14+$0x61E0] =	vst v10;
	v2 =	vmul.f32 v53, v2  }
0x179: {  	[tilespmem:s14+$0x6230] =	vst v3;
	v3 =	vmul.f32 v59, v5  }
0x17a: {  	[tilespmem:s14+$0x61D0] =	vst v2;
	v5 =	vmul.f32 v60, v5  }
0x17b: {  	[tilespmem:s14+$0x6240] =	vst v3  }
0x17c: {  	s15 =	simm.s32 $0x1;
	v3 =	vmul.f32 v4, v35;
	[tilespmem:s14+$0x6260] =	vst v5  }
.LBB2_5:
0x17d: {  	s16 =	sshll.u32 s15, $0x4  }
0x17e: {  	p0 =	sne.s32 s15, $0x7;
	[tilespmem:s14+$0x60A0] =	vst v3;
	s14 =	smov.u32 s15;
	s15 =	sadd.s32 $0x1, s15  }
0x17f: {  	s16 =	sand.u32 $0x3FFFFFF0, s16  }
0x180: {  	s14 =	sshll.u32 s14, $0xB;
	v2 =	vld [tilespmem:s16+$0x5A00]  }
0x181: {  	s14 =	sand.u32 $0x3FFFF800, s14  }
0x182: {  	v9 =	vld [tilespmem:s14+$0x5B40]  }
0x183: {  	v10 =	vld [tilespmem:s14+$0x5B50]  }
0x184: {  	v11 =	vld [tilespmem:s14+$0x5B30]  }
0x185: {  	v3 =	vbroadcast v2, $0x0;
	v4 =	vld [tilespmem:s14+$0x5AA0];
	v8 =	vbroadcast v2, $0x4  }
0x186: {  	v6 =	vld [tilespmem:s14+$0x5AB0]  }
0x187: {  	v7 =	vld [tilespmem:s14+$0x5FF0]  }
0x188: {  	v12 =	vld [tilespmem:s14+$0x5AE0]  }
0x189: {  	v13 =	vld [tilespmem:s14+$0x5AF0]  }
0x18a: {  	v5 =	vbroadcast v2, $0xA;
	v4 =	vmul.f32 v4, v3;
	v14 =	vld [tilespmem:s14+$0x5B00]  }
0x18b: {  	v6 =	vmul.f32 v6, v3;
	v15 =	vld [tilespmem:s14+$0x5B10]  }
0x18c: {  	[tilespmem:s14+$0x5AA0] =	vst v4;
	v16 =	vld [tilespmem:s14+$0x5B20];
	v4 =	vmul.f32 v7, v5  }
0x18d: {  	[tilespmem:s14+$0x5AB0] =	vst v6;
	v7 =	vmul.f32 v12, v3;
	v12 =	vbroadcast v2, $0x1;
	v6 =	vld [tilespmem:s14+$0x6000]  }
0x18e: {  	v13 =	vmul.f32 v13, v3;
	[tilespmem:s14+$0x5FF0] =	vst v4;
	v4 =	vld [tilespmem:s14+$0x6250]  }
0x18f: {  	[tilespmem:s14+$0x5AE0] =	vst v7;
	v14 =	vmul.f32 v14, v12;
	v7 =	vld [tilespmem:s14+$0x6010]  }
0x190: {  	[tilespmem:s14+$0x5AF0] =	vst v13;
	v13 =	vmul.f32 v15, v12;
	v15 =	vld [tilespmem:s14+$0x5B60]  }
0x191: {  	[tilespmem:s14+$0x5B00] =	vst v14;
	v14 =	vmul.f32 v16, v12;
	v16 =	vld [tilespmem:s14+$0x5B70]  }
0x192: {  	v11 =	vmul.f32 v11, v12;
	[tilespmem:s14+$0x5B10] =	vst v13;
	v13 =	vld [tilespmem:s14+$0x5B80]  }
0x193: {  	v9 =	vmul.f32 v9, v12;
	[tilespmem:s14+$0x5B20] =	vst v14;
	v14 =	vld [tilespmem:s14+$0x5B90]  }
0x194: {  	v10 =	vmul.f32 v10, v12;
	[tilespmem:s14+$0x5B30] =	vst v11;
	v11 =	vld [tilespmem:s14+$0x5BA0]  }
0x195: {  	[tilespmem:s14+$0x5B40] =	vst v9;
	v9 =	vmul.f32 v15, v12;
	v15 =	vbroadcast v2, $0x2;
	v17 =	vld [tilespmem:s14+$0x5BB0]  }
0x196: {  	[tilespmem:s14+$0x5B50] =	vst v10;
	v10 =	vmul.f32 v16, v12;
	v12 =	vld [tilespmem:s14+$0x5BC0]  }
0x197: {  	[tilespmem:s14+$0x5B60] =	vst v9;
	v9 =	vmul.f32 v13, v15;
	v13 =	vld [tilespmem:s14+$0x5BD0]  }
0x198: {  	[tilespmem:s14+$0x5B70] =	vst v10;
	v10 =	vmul.f32 v14, v15;
	v14 =	vld [tilespmem:s14+$0x5BE0]  }
0x199: {  	[tilespmem:s14+$0x5B80] =	vst v9;
	v9 =	vmul.f32 v11, v15;
	v11 =	vld [tilespmem:s14+$0x5BF0]  }
0x19a: {  	[tilespmem:s14+$0x5B90] =	vst v10;
	v10 =	vmul.f32 v17, v15;
	v16 =	vld [tilespmem:s14+$0x5C00]  }
0x19b: {  	[tilespmem:s14+$0x5BA0] =	vst v9;
	v9 =	vmul.f32 v12, v15;
	v12 =	vld [tilespmem:s14+$0x5C10]  }
0x19c: {  	[tilespmem:s14+$0x5BB0] =	vst v10;
	v10 =	vmul.f32 v13, v15;
	v13 =	vld [tilespmem:s14+$0x5C20]  }
0x19d: {  	[tilespmem:s14+$0x5BC0] =	vst v9;
	v9 =	vmul.f32 v14, v15;
	v14 =	vbroadcast v2, $0x3;
	v17 =	vld [tilespmem:s14+$0x5C30]  }
0x19e: {  	[tilespmem:s14+$0x5BD0] =	vst v10;
	v10 =	vmul.f32 v11, v15;
	v11 =	vld [tilespmem:s14+$0x5C40]  }
0x19f: {  	[tilespmem:s14+$0x5BE0] =	vst v9;
	v9 =	vmul.f32 v16, v14;
	v15 =	vld [tilespmem:s14+$0x5C50]  }
0x1a0: {  	[tilespmem:s14+$0x5BF0] =	vst v10;
	v10 =	vmul.f32 v12, v14;
	v12 =	vld [tilespmem:s14+$0x5C60]  }
0x1a1: {  	[tilespmem:s14+$0x5C00] =	vst v9;
	v9 =	vmul.f32 v13, v14;
	v13 =	vld [tilespmem:s14+$0x5C70]  }
0x1a2: {  	[tilespmem:s14+$0x5C10] =	vst v10;
	v10 =	vmul.f32 v17, v14;
	v16 =	vld [tilespmem:s14+$0x5C80]  }
0x1a3: {  	[tilespmem:s14+$0x5C20] =	vst v9;
	v9 =	vmul.f32 v11, v14;
	v11 =	vld [tilespmem:s14+$0x5C90]  }
0x1a4: {  	[tilespmem:s14+$0x5C30] =	vst v10;
	v10 =	vmul.f32 v15, v14;
	v15 =	vld [tilespmem:s14+$0x5CA0]  }
0x1a5: {  	[tilespmem:s14+$0x5C40] =	vst v9;
	v9 =	vmul.f32 v12, v14;
	v12 =	vld [tilespmem:s14+$0x5CB0]  }
0x1a6: {  	[tilespmem:s14+$0x5C50] =	vst v10;
	v10 =	vmul.f32 v13, v14;
	v13 =	vld [tilespmem:s14+$0x5CC0]  }
0x1a7: {  	[tilespmem:s14+$0x5C60] =	vst v9;
	v9 =	vmul.f32 v16, v8;
	v14 =	vld [tilespmem:s14+$0x5CD0]  }
0x1a8: {  	[tilespmem:s14+$0x5C70] =	vst v10;
	v10 =	vmul.f32 v11, v8;
	v11 =	vld [tilespmem:s14+$0x5CE0]  }
0x1a9: {  	[tilespmem:s14+$0x5C80] =	vst v9;
	v9 =	vmul.f32 v15, v8;
	v15 =	vld [tilespmem:s14+$0x5CF0]  }
0x1aa: {  	[tilespmem:s14+$0x5C90] =	vst v10;
	v10 =	vmul.f32 v12, v8;
	v12 =	vld [tilespmem:s14+$0x5D00]  }
0x1ab: {  	[tilespmem:s14+$0x5CA0] =	vst v9;
	v9 =	vmul.f32 v13, v8;
	v13 =	vld [tilespmem:s14+$0x5D10]  }
0x1ac: {  	[tilespmem:s14+$0x5CB0] =	vst v10;
	v10 =	vmul.f32 v14, v8;
	v14 =	vld [tilespmem:s14+$0x5D20]  }
0x1ad: {  	[tilespmem:s14+$0x5CC0] =	vst v9;
	v9 =	vmul.f32 v11, v8;
	v11 =	vbroadcast v2, $0x5;
	v16 =	vld [tilespmem:s14+$0x5D30]  }
0x1ae: {  	[tilespmem:s14+$0x5CD0] =	vst v10;
	v8 =	vmul.f32 v15, v8;
	v10 =	vld [tilespmem:s14+$0x5D40]  }
0x1af: {  	[tilespmem:s14+$0x5CE0] =	vst v9;
	v9 =	vmul.f32 v12, v11;
	v12 =	vld [tilespmem:s14+$0x5D50]  }
0x1b0: {  	[tilespmem:s14+$0x5CF0] =	vst v8;
	v8 =	vmul.f32 v13, v11;
	v13 =	vld [tilespmem:s14+$0x5D60]  }
0x1b1: {  	[tilespmem:s14+$0x5D00] =	vst v9;
	v9 =	vmul.f32 v14, v11;
	v14 =	vld [tilespmem:s14+$0x5D70]  }
0x1b2: {  	[tilespmem:s14+$0x5D10] =	vst v8;
	v8 =	vmul.f32 v16, v11;
	v15 =	vld [tilespmem:s14+$0x5D80]  }
0x1b3: {  	[tilespmem:s14+$0x5D20] =	vst v9;
	v9 =	vmul.f32 v10, v11;
	v10 =	vld [tilespmem:s14+$0x5D90]  }
0x1b4: {  	[tilespmem:s14+$0x5D30] =	vst v8;
	v8 =	vmul.f32 v12, v11;
	v12 =	vld [tilespmem:s14+$0x5DA0]  }
0x1b5: {  	[tilespmem:s14+$0x5D40] =	vst v9;
	v9 =	vmul.f32 v13, v11;
	v13 =	vbroadcast v2, $0x6;
	v16 =	vld [tilespmem:s14+$0x5DB0]  }
0x1b6: {  	[tilespmem:s14+$0x5D50] =	vst v8;
	v8 =	vmul.f32 v14, v11;
	v11 =	vld [tilespmem:s14+$0x5DC0]  }
0x1b7: {  	[tilespmem:s14+$0x5D60] =	vst v9;
	v9 =	vmul.f32 v15, v13;
	v14 =	vld [tilespmem:s14+$0x5DD0]  }
0x1b8: {  	[tilespmem:s14+$0x5D70] =	vst v8;
	v8 =	vmul.f32 v10, v13;
	v10 =	vld [tilespmem:s14+$0x5DE0]  }
0x1b9: {  	[tilespmem:s14+$0x5D80] =	vst v9;
	v9 =	vmul.f32 v12, v13;
	v12 =	vld [tilespmem:s14+$0x5DF0]  }
0x1ba: {  	[tilespmem:s14+$0x5D90] =	vst v8;
	v8 =	vmul.f32 v16, v13;
	v15 =	vld [tilespmem:s14+$0x5E00]  }
0x1bb: {  	[tilespmem:s14+$0x5DA0] =	vst v9;
	v9 =	vmul.f32 v11, v13;
	v11 =	vld [tilespmem:s14+$0x5E10]  }
0x1bc: {  	[tilespmem:s14+$0x5DB0] =	vst v8;
	v8 =	vmul.f32 v14, v13;
	v14 =	vld [tilespmem:s14+$0x5E20]  }
0x1bd: {  	[tilespmem:s14+$0x5DC0] =	vst v9;
	v9 =	vmul.f32 v10, v13;
	v10 =	vbroadcast v2, $0x7;
	v16 =	vld [tilespmem:s14+$0x5E30]  }
0x1be: {  	[tilespmem:s14+$0x5DD0] =	vst v8;
	v8 =	vmul.f32 v12, v13;
	v12 =	vld [tilespmem:s14+$0x5E40]  }
0x1bf: {  	[tilespmem:s14+$0x5DE0] =	vst v9;
	v9 =	vmul.f32 v15, v10;
	v13 =	vld [tilespmem:s14+$0x5E50]  }
0x1c0: {  	[tilespmem:s14+$0x5DF0] =	vst v8;
	v8 =	vmul.f32 v11, v10;
	v11 =	vld [tilespmem:s14+$0x5E60]  }
0x1c1: {  	[tilespmem:s14+$0x5E00] =	vst v9;
	v9 =	vmul.f32 v14, v10;
	v14 =	vld [tilespmem:s14+$0x5E70]  }
0x1c2: {  	[tilespmem:s14+$0x5E10] =	vst v8;
	v8 =	vmul.f32 v16, v10;
	v15 =	vld [tilespmem:s14+$0x5E80]  }
0x1c3: {  	[tilespmem:s14+$0x5E20] =	vst v9;
	v9 =	vmul.f32 v12, v10;
	v12 =	vld [tilespmem:s14+$0x5E90]  }
0x1c4: {  	[tilespmem:s14+$0x5E30] =	vst v8;
	v8 =	vmul.f32 v13, v10;
	v13 =	vld [tilespmem:s14+$0x5EA0]  }
0x1c5: {  	[tilespmem:s14+$0x5E40] =	vst v9;
	v9 =	vmul.f32 v11, v10;
	v11 =	vbroadcast v2, $0x8;
	v16 =	vld [tilespmem:s14+$0x5EB0]  }
0x1c6: {  	[tilespmem:s14+$0x5E50] =	vst v8;
	v8 =	vmul.f32 v14, v10;
	v10 =	vld [tilespmem:s14+$0x5EC0]  }
0x1c7: {  	[tilespmem:s14+$0x5E60] =	vst v9;
	v9 =	vmul.f32 v15, v11;
	v14 =	vld [tilespmem:s14+$0x5ED0]  }
0x1c8: {  	[tilespmem:s14+$0x5E70] =	vst v8;
	v8 =	vmul.f32 v12, v11;
	v12 =	vld [tilespmem:s14+$0x5EE0]  }
0x1c9: {  	[tilespmem:s14+$0x5E80] =	vst v9;
	v9 =	vmul.f32 v13, v11;
	v13 =	vld [tilespmem:s14+$0x5EF0]  }
0x1ca: {  	[tilespmem:s14+$0x5E90] =	vst v8;
	v8 =	vmul.f32 v16, v11;
	v15 =	vld [tilespmem:s14+$0x5F00]  }
0x1cb: {  	[tilespmem:s14+$0x5EA0] =	vst v9;
	v9 =	vmul.f32 v10, v11;
	v10 =	vld [tilespmem:s14+$0x5F10]  }
0x1cc: {  	[tilespmem:s14+$0x5EB0] =	vst v8;
	v8 =	vmul.f32 v14, v11;
	v14 =	vld [tilespmem:s14+$0x5F20]  }
0x1cd: {  	[tilespmem:s14+$0x5EC0] =	vst v9;
	v9 =	vmul.f32 v12, v11;
	v12 =	vbroadcast v2, $0x9;
	v16 =	vld [tilespmem:s14+$0x5F30]  }
0x1ce: {  	[tilespmem:s14+$0x5ED0] =	vst v8;
	v8 =	vmul.f32 v13, v11;
	v11 =	vld [tilespmem:s14+$0x5F40]  }
0x1cf: {  	[tilespmem:s14+$0x5EE0] =	vst v9;
	v9 =	vmul.f32 v15, v12;
	v13 =	vld [tilespmem:s14+$0x5F50]  }
0x1d0: {  	[tilespmem:s14+$0x5EF0] =	vst v8;
	v8 =	vmul.f32 v10, v12;
	v10 =	vld [tilespmem:s14+$0x5F60]  }
0x1d1: {  	[tilespmem:s14+$0x5F00] =	vst v9;
	v9 =	vmul.f32 v14, v12;
	v14 =	vld [tilespmem:s14+$0x5F70]  }
0x1d2: {  	[tilespmem:s14+$0x5F10] =	vst v8;
	v8 =	vmul.f32 v16, v12;
	v15 =	vld [tilespmem:s14+$0x5F80]  }
0x1d3: {  	[tilespmem:s14+$0x5F20] =	vst v9;
	v9 =	vmul.f32 v11, v12;
	v11 =	vld [tilespmem:s14+$0x5F90]  }
0x1d4: {  	[tilespmem:s14+$0x5F30] =	vst v8;
	v8 =	vmul.f32 v13, v12;
	v13 =	vld [tilespmem:s14+$0x5FA0]  }
0x1d5: {  	[tilespmem:s14+$0x5F40] =	vst v9;
	v9 =	vmul.f32 v10, v12;
	v10 =	vld [tilespmem:s14+$0x5FB0]  }
0x1d6: {  	[tilespmem:s14+$0x5F50] =	vst v8;
	v8 =	vmul.f32 v14, v12;
	v12 =	vld [tilespmem:s14+$0x5FC0]  }
0x1d7: {  	[tilespmem:s14+$0x5F60] =	vst v9;
	v9 =	vmul.f32 v15, v5;
	v14 =	vld [tilespmem:s14+$0x5FD0]  }
0x1d8: {  	[tilespmem:s14+$0x5F70] =	vst v8;
	v8 =	vmul.f32 v11, v5;
	v11 =	vld [tilespmem:s14+$0x5FE0]  }
0x1d9: {  	v15 =	vld [tilespmem:s14+$0x5A80];
	[tilespmem:s14+$0x5F80] =	vst v9;
	v9 =	vmul.f32 v13, v5  }
0x1da: {  	v13 =	vld [tilespmem:s14+$0x5A90];
	[tilespmem:s14+$0x5F90] =	vst v8;
	v8 =	vmul.f32 v10, v5  }
0x1db: {  	v10 =	vld [tilespmem:s14+$0x5AC0];
	[tilespmem:s14+$0x5FA0] =	vst v9;
	v9 =	vmul.f32 v12, v5  }
0x1dc: {  	v12 =	vld [tilespmem:s14+$0x5AD0];
	[tilespmem:s14+$0x5FB0] =	vst v8;
	v8 =	vmul.f32 v14, v5  }
0x1dd: {  	[tilespmem:s14+$0x5FC0] =	vst v9;
	v9 =	vmul.f32 v11, v5;
	v11 =	vbroadcast v2, $0xB;
	v14 =	vld [tilespmem:s14+$0x6020]  }
0x1de: {  	v5 =	vbroadcast v2, $0xF;
	v15 =	vmul.f32 v3, v15;
	[tilespmem:s14+$0x5FD0] =	vst v8;
	v8 =	vld [tilespmem:s14+$0x6030]  }
0x1df: {  	v13 =	vmul.f32 v13, v3;
	[tilespmem:s14+$0x5FE0] =	vst v9;
	v6 =	vmul.f32 v6, v11;
	v9 =	vld [tilespmem:s14+$0x6040]  }
0x1e0: {  	v7 =	vmul.f32 v7, v11;
	[tilespmem:s14+$0x5A80] =	vst v15;
	v10 =	vmul.f32 v10, v3;
	v15 =	vld [tilespmem:s14+$0x6050]  }
0x1e1: {  	v4 =	vmul.f32 v4, v5;
	v12 =	vmul.f32 v12, v3;
	[tilespmem:s14+$0x6000] =	vst v6;
	v3 =	vld [tilespmem:s14+$0x6060]  }
0x1e2: {  	[tilespmem:s14+$0x6010] =	vst v7;
	v6 =	vmul.f32 v14, v11;
	v7 =	vld [tilespmem:s14+$0x6070]  }
0x1e3: {  	v8 =	vmul.f32 v8, v11;
	v14 =	vld [tilespmem:s14+$0x6080];
	[tilespmem:s14+$0x6250] =	vst v4  }
0x1e4: {  	[tilespmem:s14+$0x5A90] =	vst v13;
	v4 =	vmul.f32 v9, v11;
	v9 =	vld [tilespmem:s14+$0x6090]  }
0x1e5: {  	[tilespmem:s14+$0x5AC0] =	vst v10;
	v10 =	vmul.f32 v15, v11;
	v13 =	vld [tilespmem:s14+$0x60A0]  }
0x1e6: {  	v15 =	vbroadcast v2, $0xC;
	[tilespmem:s14+$0x6020] =	vst v6;
	v6 =	vmul.f32 v3, v11;
	v16 =	vld [tilespmem:s14+$0x60B0]  }
0x1e7: {  	[tilespmem:s14+$0x6050] =	vst v10;
	v7 =	vmul.f32 v7, v11;
	v10 =	vld [tilespmem:s14+$0x60C0]  }
0x1e8: {  	[tilespmem:s14+$0x6030] =	vst v8;
	v3 =	vmul.f32 v14, v15;
	v8 =	vld [tilespmem:s14+$0x60D0]  }
0x1e9: {  	[tilespmem:s14+$0x6040] =	vst v4;
	v4 =	vmul.f32 v9, v15;
	v9 =	vld [tilespmem:s14+$0x60E0]  }
0x1ea: {  	[tilespmem:s14+$0x6080] =	vst v3;
	v3 =	vmul.f32 v13, v15;
	v11 =	vld [tilespmem:s14+$0x60F0]  }
0x1eb: {  	[tilespmem:s14+$0x6090] =	vst v4;
	v4 =	vld [tilespmem:s14+$0x6100]  }
0x1ec: {  	[tilespmem:s14+$0x5AD0] =	vst v12;
	v10 =	vmul.f32 v10, v15;
	v12 =	vld [tilespmem:s14+$0x6110]  }
0x1ed: {  	[tilespmem:s14+$0x6060] =	vst v6;
	v6 =	vmul.f32 v8, v15;
	v8 =	vld [tilespmem:s14+$0x6120]  }
0x1ee: {  	[tilespmem:s14+$0x60C0] =	vst v10;
	v9 =	vmul.f32 v9, v15;
	v10 =	vbroadcast v2, $0xD;
	v13 =	vld [tilespmem:s14+$0x6130]  }
0x1ef: {  	[tilespmem:s14+$0x60D0] =	vst v6;
	v6 =	vmul.f32 v11, v15;
	v11 =	vld [tilespmem:s14+$0x6140]  }
0x1f0: {  	[tilespmem:s14+$0x60E0] =	vst v9;
	v4 =	vmul.f32 v4, v10;
	v9 =	vld [tilespmem:s14+$0x6150]  }
0x1f1: {  	[tilespmem:s14+$0x60F0] =	vst v6;
	v6 =	vmul.f32 v12, v10;
	v12 =	vld [tilespmem:s14+$0x6160]  }
0x1f2: {  	[tilespmem:s14+$0x6100] =	vst v4;
	v4 =	vmul.f32 v8, v10;
	v8 =	vld [tilespmem:s14+$0x6170]  }
0x1f3: {  	[tilespmem:s14+$0x6110] =	vst v6;
	v6 =	vmul.f32 v13, v10;
	v13 =	vld [tilespmem:s14+$0x6180]  }
0x1f4: {  	[tilespmem:s14+$0x6120] =	vst v4;
	v4 =	vmul.f32 v11, v10;
	v11 =	vld [tilespmem:s14+$0x6190]  }
0x1f5: {  	[tilespmem:s14+$0x6130] =	vst v6;
	v6 =	vmul.f32 v9, v10;
	v9 =	vld [tilespmem:s14+$0x61A0]  }
0x1f6: {  	v2 =	vbroadcast v2, $0xE;
	[tilespmem:s14+$0x6070] =	vst v7;
	v7 =	vmul.f32 v12, v10;
	v12 =	vld [tilespmem:s14+$0x61B0]  }
0x1f7: {  	[tilespmem:s14+$0x6150] =	vst v6;
	v6 =	vmul.f32 v8, v10;
	v8 =	vld [tilespmem:s14+$0x61C0]  }
0x1f8: {  	[tilespmem:s14+$0x6160] =	vst v7;
	v7 =	vmul.f32 v13, v2;
	v10 =	vld [tilespmem:s14+$0x61D0]  }
0x1f9: {  	[tilespmem:s14+$0x6170] =	vst v6;
	v6 =	vmul.f32 v11, v2;
	v11 =	vld [tilespmem:s14+$0x61E0]  }
0x1fa: {  	[tilespmem:s14+$0x6180] =	vst v7;
	v7 =	vmul.f32 v9, v2;
	v9 =	vld [tilespmem:s14+$0x61F0]  }
0x1fb: {  	[tilespmem:s14+$0x6190] =	vst v6;
	v6 =	vmul.f32 v12, v2;
	v12 =	vld [tilespmem:s14+$0x6200]  }
0x1fc: {  	[tilespmem:s14+$0x61A0] =	vst v7;
	v7 =	vmul.f32 v8, v2;
	v8 =	vld [tilespmem:s14+$0x6210]  }
0x1fd: {  	[tilespmem:s14+$0x61B0] =	vst v6;
	v6 =	vmul.f32 v10, v2;
	v10 =	vld [tilespmem:s14+$0x6220]  }
0x1fe: {  	[tilespmem:s14+$0x61C0] =	vst v7;
	v7 =	vmul.f32 v11, v2;
	v11 =	vld [tilespmem:s14+$0x6230]  }
0x1ff: {  	[tilespmem:s14+$0x6140] =	vst v4;
	v2 =	vmul.f32 v9, v2;
	v4 =	vld [tilespmem:s14+$0x6240]  }
0x200: {  	[tilespmem:s14+$0x61E0] =	vst v7;
	v7 =	vmul.f32 v12, v5;
	v9 =	vld [tilespmem:s14+$0x6260]  }
0x201: {  	[tilespmem:s14+$0x61F0] =	vst v2;
	v2 =	vmul.f32 v8, v5;
	v8 =	vld [tilespmem:s14+$0x6270]  }
0x202: {  	[tilespmem:s14+$0x6200] =	vst v7;
	v7 =	vmul.f32 v10, v5  }
0x203: {  	[tilespmem:s14+$0x6210] =	vst v2;
	v2 =	vmul.f32 v11, v5  }
0x204: {  	v10 =	vmul.f32 v16, v15;
	[tilespmem:s14+$0x6220] =	vst v7  }
0x205: {  	[tilespmem:s14+$0x6230] =	vst v2;
	v2 =	vmul.f32 v4, v5  }
.Ltmp1:
0x206: {  	[tilespmem:s14+$0x60B0] =	vst v10;
	v4 =	vmul.f32 v8, v5;
	(pc) =	sbr.rel @p0 .LBB2_5-.Ltmp1, $4  }
0x207: {  	[tilespmem:s14+$0x6240] =	vst v2  }
0x208: {  	v2 =	vmul.f32 v9, v5;
	[tilespmem:s14+$0x6270] =	vst v4  }
0x209: {  	[tilespmem:s14+$0x61D0] =	vst v6  }
0x20a: {  	[tilespmem:s14+$0x6260] =	vst v2  }
0x20b: {  	s13 =	sadd.s32 $0x1, s13  }
0x20c: {  	p0 =	sne.s32 s13, s19  }
.Ltmp2:
0x20d: {  	[tilespmem:s14+$0x60A0] =	vst v3;
	(pc) =	sbr.rel @p0 .LBB2_4-.Ltmp2, $4  }
0x20e: {  	[spmem:s3] =	stream.indirect.scatter.add.f32 [tilespmem:s29], [sflag:$0x3], $0x80, s25, s30, $0xb8;
	[tilespmem:$0x1DD80] =	vst v63  }
0x20f: {  	_ =	swait.ge [sflag:s26], $0x4000  }
0x210: {  	[sflag:s26] =	ssyncset.done $0x0  }
0x211: {  	[sflag:s26] =	ssyncadd.s32 $0xFFFFC000  }
0x212: {  	s13 =	stileid.u32  }
0x213: {  	s13 =	sshll.u32 s13, $0x6  }
0x214: {  	[bflag:$0x0] =	sbarrier.arrive $0xFFFF;
	s14 =	sshrl.u32 s11, $0x3;
	s13 =	sor.u32 $0x1C03, s13  }
0x215: {  	[hbm:s22], [sflag:s13] =	dma.local [spmem:s14], $0x2800  }
0x216: {  	s15 =	simm.s32 $0x20;
	s10 =	sadd.s32 $0x1, s10;
	_ =	swait.ge [sflag:s26], $0x2800  }
0x217: {  	s16 =	simm.s32 $0x10;
	p0 =	sne.s32 s10, s24;
	[sflag:s26] =	ssyncset.done $0x0  }
.Ltmp3:
0x218: {  	s14 =	sshrl.u32 s12, $0x3;
	[sflag:s26] =	ssyncadd.s32 $0xFFFFD800;
	(pc) =	sbr.rel @p0 .LBB2_1-.Ltmp3, $4  }
0x219: {  	[hbm:s23@s15], [sflag:s13] =	dma.strided [spmem:s14@s16], $0x50, s0, $0x10   }
0x21a: {  	_ =	swait.ge [sflag:s26], $0x50  }
0x21b: {  	[sflag:s26] =	ssyncset.done $0x0  }
0x21c: {  	[sflag:s26] =	ssyncadd.s32 $0xFFFFFFB0  }
0x21d: {  	_ =	sfence.sel $0x180000  }
0x21e: {  	[bflag:$0x0] =	sbarrier.arrive $0xFFFF  }
0x21f: {  	_ =	strace $0x90000047  }
0x220: {  	s0 =	stileid.u32;
	[bflag:$0x2] =	sbarrier.arrive $0xFFFF  }
0x221: {  	p0 =	sne.s32 s0, $0x0;
	s0 =	rddreg [dreg:$0x4]  }
0x222: {  	s0 =	sadd.s32 @!p0 $0x100000, s0  }
0x223: {  	[sflag:s0] =	ssyncadd.tile.s32 @!p0 $0x1;
	_ =	shalt  }
.Lfunc_end2:
_tile_overlayer_lowered:
.L_overlay_start_2:
0x224: {  	(tag) =	ssettag $0x2  }
0x225: {  	s0 =	rddreg [dreg:$0x0];
	s2 =	stileid.u32  }
0x226: {  	s1 =	rddreg [dreg:$0x1];
	p0 =	sne.s32 s2, $0x0  }
0x227: {  	s3 =	rddreg [dreg:$0x2];
	[bflag:$0x3] =	sbarrier.arrive $0xFFFF;
	s2 =	simm.s32 @!p0 $0x1C03  }
0x228: {  	[timem:s3], [sflag:s2] =	dma.local @!p0 [hbm:s0], s1  }
0x229: {  	s0 =	simm.s32 @!p0 $0x3  }
0x22a: {  	_ =	swait.ge @!p0 [sflag:s0], s1  }
0x22b: {  	s1 =	ssub.s32 @!p0 $0x0, s1;
	[sflag:s0] =	ssyncset.done @!p0 $0x0  }
0x22c: {  	[sflag:s0] =	ssyncadd.s32 @!p0 s1  }
0x22d: {  	[bflag:$0x3] =	sbarrier.arrive $0xFFFF  }
0x22e: {  	_ =	shalt  }

</sc_bundles>
